<compile_context>
chip_gen: v7x
topology: tpu7x:2x2x1
jax: 0.10.2.dev20260603
libtpu: 0.0.44.dev20260713+nightly
codegen_flags: <defaults>
</compile_context>

<pallas_src>
import functools

import jax
import jax.numpy as jnp
from jax import lax
from jax.experimental import pallas as pl
from jax.experimental.pallas import tpu as pltpu
from jax.experimental.pallas import tpu_sc as plsc

EMB = 64
DIN = 2 * EMB
HID = 4 * EMB

O_N = 10000
T_E = 160000
O_PAD = 10240
NROWS_T = O_PAD // 16

BE = 1000
BN = 1000

C = 128
NCH_G = T_E // C
NCH_S = 2 * T_E // C
NCH_C = T_E // C

@functools.cache
def _mesh():
    return plsc.VectorSubcoreMesh(core_axis_name="c", subcore_axis_name="s",
                                  num_cores=2, num_subcores=16)



def _sc_gather2(tab, ia, ib):

    @functools.partial(
        pl.kernel,
        out_type=(jax.ShapeDtypeStruct((T_E, HID), jnp.float32),
                  jax.ShapeDtypeStruct((T_E, HID), jnp.float32)),
        mesh=_mesh(),
        scratch_types=[
            pltpu.VMEM((C,), jnp.int32),
            pltpu.VMEM((C,), jnp.int32),
            pltpu.VMEM((C, HID), jnp.float32),
            pltpu.VMEM((C, HID), jnp.float32),
            pltpu.SemaphoreType.DMA,
            pltpu.SemaphoreType.DMA,
        ],
    )
    def k(tab_h, ia_h, ib_h, g1_h, g2_h, ia_v, ib_v, buf1, buf2, sem1, sem2):
        wid = lax.axis_index("s") * 2 + lax.axis_index("c")

        def body(kk, carry):
            c = wid + kk * 32

            @pl.when(c < NCH_G)
            def _():
                base = c * C
                pltpu.sync_copy(ia_h.at[pl.ds(base, C)], ia_v)
                pltpu.sync_copy(ib_h.at[pl.ds(base, C)], ib_v)
                d1 = pltpu.async_copy(tab_h.at[ia_v], buf1, sem1)
                d2 = pltpu.async_copy(tab_h.at[ib_v], buf2, sem2)
                d1.wait()
                d2.wait()
                pltpu.sync_copy(buf1, g1_h.at[pl.ds(base, C)])
                pltpu.sync_copy(buf2, g2_h.at[pl.ds(base, C)])

            return carry

        lax.fori_loop(0, (NCH_G + 31) // 32, body, 0)

    return k(tab, ia, ib)


def _sc_scatter(scat4, node_il, src_both, zeros_init):

    @functools.partial(
        pl.kernel,
        out_type=jax.ShapeDtypeStruct((2, O_PAD, 128), jnp.float32),
        mesh=_mesh(),
        scratch_types=[
            pltpu.VMEM((C,), jnp.int32),
            pltpu.VMEM((C,), jnp.int32),
            pltpu.VMEM((C, 128), jnp.float32),
            pltpu.VMEM_SHARED((O_PAD, 128), jnp.float32),
            pltpu.SemaphoreType.DMA,
        ],
    )
    def k(scat_h, node_h, src_h, z_h, out_h, ni_v, si_v, buf, acc, sem):
        cid = lax.axis_index("c")
        sid = lax.axis_index("s")
        pltpu.sync_copy(z_h, acc.at[pl.ds(sid * NROWS_T, NROWS_T)])
        plsc.subcore_barrier()

        def body(kk, carry):
            c = sid + kk * 16

            @pl.when(c < NCH_S)
            def _():
                base = c * C
                pltpu.sync_copy(node_h.at[pl.ds(base, C)], ni_v)
                pltpu.sync_copy(src_h.at[cid, pl.ds(base, C)], si_v)
                pltpu.async_copy(scat_h.at[si_v], buf, sem).wait()
                pltpu.sync_copy(buf, acc.at[ni_v], add=True)

            return carry

        lax.fori_loop(0, (NCH_S + 15) // 16, body, 0)
        plsc.subcore_barrier()
        pltpu.sync_copy(acc.at[pl.ds(sid * NROWS_T, NROWS_T)],
                        out_h.at[cid, pl.ds(sid * NROWS_T, NROWS_T)])

    return k(scat4, node_il, src_both, zeros_init)


def _sc_counts(node_il, ones_blk, zeros_init):

    @functools.partial(
        pl.kernel,
        out_type=jax.ShapeDtypeStruct((2, O_PAD, 128), jnp.float32),
        mesh=_mesh(),
        scratch_types=[
            pltpu.VMEM((C,), jnp.int32),
            pltpu.VMEM((C, 128), jnp.float32),
            pltpu.VMEM_SHARED((O_PAD, 128), jnp.float32),
        ],
    )
    def k(node_h, ones_h, z_h, out_h, ni_v, ones_v, acc):
        cid = lax.axis_index("c")
        sid = lax.axis_index("s")
        pltpu.sync_copy(ones_h, ones_v)
        pltpu.sync_copy(z_h, acc.at[pl.ds(sid * NROWS_T, NROWS_T)])
        plsc.subcore_barrier()

        def body(kk, carry):
            c = sid + kk * 16

            @pl.when(c < NCH_C)
            def _():
                base = cid * T_E + c * C
                pltpu.sync_copy(node_h.at[pl.ds(base, C)], ni_v)
                pltpu.sync_copy(ones_v, acc.at[ni_v], add=True)

            return carry

        lax.fori_loop(0, (NCH_C + 15) // 16, body, 0)
        plsc.subcore_barrier()
        pltpu.sync_copy(acc.at[pl.ds(sid * NROWS_T, NROWS_T)],
                        out_h.at[cid, pl.ds(sid * NROWS_T, NROWS_T)])

    return k(node_il, ones_blk, zeros_init)



def _ab2_body(x1_ref, w1_ref, x2_ref, w2_ref, c_ref, out_ref):
    out_ref[...] = (x1_ref[...] @ w1_ref[...] + x2_ref[...] @ w2_ref[...]
                    + c_ref[...])


def _ab2(x1, w1, x2, w2, crow):
    n = x1.shape[0]
    d1 = x1.shape[1]
    d2 = x2.shape[1]
    dout = w1.shape[1]
    return pl.pallas_call(
        _ab2_body,
        grid=(n // BN,),
        in_specs=[
            pl.BlockSpec((BN, d1), lambda i: (i, 0)),
            pl.BlockSpec((d1, dout), lambda i: (0, 0)),
            pl.BlockSpec((BN, d2), lambda i: (i, 0)),
            pl.BlockSpec((d2, dout), lambda i: (0, 0)),
            pl.BlockSpec((1, dout), lambda i: (0, 0)),
        ],
        out_specs=pl.BlockSpec((BN, dout), lambda i: (i, 0)),
        out_shape=jax.ShapeDtypeStruct((n, dout), jnp.float32),
    )(x1, w1, x2, w2, crow)


def _dense_body(x_ref, w_ref, out_ref):
    out_ref[...] = x_ref[...] @ w_ref[...]


def _dense1(x, w, block=BN):
    n, din = x.shape
    dout = w.shape[1]
    return pl.pallas_call(
        _dense_body,
        grid=(n // block,),
        in_specs=[
            pl.BlockSpec((block, din), lambda i: (i, 0)),
            pl.BlockSpec((din, dout), lambda i: (0, 0)),
        ],
        out_specs=pl.BlockSpec((block, dout), lambda i: (i, 0)),
        out_shape=jax.ShapeDtypeStruct((n, dout), jnp.float32),
    )(x, w)


def _edge_body(*refs, n_pred):
    g1_ref, g2_ref = refs[0], refs[1]
    pred_refs = refs[2:2 + 2 * n_pred]
    b1_ref, w2_ref, b2_ref, scat_ref, newp_ref = refs[2 + 2 * n_pred:]
    h1 = g1_ref[...] + g2_ref[...] + b1_ref[...]
    for i in range(n_pred):
        h1 = h1 + pred_refs[2 * i][...] @ pred_refs[2 * i + 1][...]
    h1 = jnp.maximum(h1, 0.0)
    h2 = jnp.maximum(h1 @ w2_ref[...] + b2_ref[...], 0.0)
    scat_ref[...] = h2[:, :2 * HID]
    newp_ref[...] = h2[:, 2 * HID:]


def _edge_mlp(g1, g2, preds, b1, w2r, b2r):
    dout = w2r.shape[1]
    dp = dout - 2 * HID
    n_pred = len(preds)
    in_specs = [
        pl.BlockSpec((BE, HID), lambda i: (i, 0)),
        pl.BlockSpec((BE, HID), lambda i: (i, 0)),
    ]
    args = [g1, g2]
    for pred, w1p in preds:
        dpi = pred.shape[1]
        in_specs.append(pl.BlockSpec((BE, dpi), lambda i: (i, 0)))
        in_specs.append(pl.BlockSpec((dpi, HID), lambda i: (0, 0)))
        args += [pred, w1p]
    in_specs += [
        pl.BlockSpec((1, HID), lambda i: (0, 0)),
        pl.BlockSpec((HID, dout), lambda i: (0, 0)),
        pl.BlockSpec((1, dout), lambda i: (0, 0)),
    ]
    args += [b1, w2r, b2r]
    return pl.pallas_call(
        functools.partial(_edge_body, n_pred=n_pred),
        grid=(T_E // BE,),
        in_specs=in_specs,
        out_specs=[
            pl.BlockSpec((BE, 2 * HID), lambda i: (i, 0)),
            pl.BlockSpec((BE, dp), lambda i: (i, 0)),
        ],
        out_shape=[
            jax.ShapeDtypeStruct((T_E, 2 * HID), jnp.float32),
            jax.ShapeDtypeStruct((T_E, dp), jnp.float32),
        ],
    )(*args)


def _mlp2_body(x_ref, w1_ref, b1_ref, w2_ref, b2_ref, out_ref):
    h = jnp.maximum(x_ref[...] @ w1_ref[...] + b1_ref[...], 0.0)
    out_ref[...] = jnp.maximum(h @ w2_ref[...] + b2_ref[...], 0.0)


def _mlp2(x, w1, b1, w2, b2):
    n, din = x.shape
    dh = w1.shape[1]
    dout = w2.shape[1]
    return pl.pallas_call(
        _mlp2_body,
        grid=(n // BN,),
        in_specs=[
            pl.BlockSpec((BN, din), lambda i: (i, 0)),
            pl.BlockSpec((din, dh), lambda i: (0, 0)),
            pl.BlockSpec((1, dh), lambda i: (0, 0)),
            pl.BlockSpec((dh, dout), lambda i: (0, 0)),
            pl.BlockSpec((1, dout), lambda i: (0, 0)),
        ],
        out_specs=pl.BlockSpec((BN, dout), lambda i: (i, 0)),
        out_shape=jax.ShapeDtypeStruct((n, dout), jnp.float32),
    )(x, w1, b1, w2, b2)


def _head_body(x_ref, h1_ref, c1_ref, h2_ref, c2_ref, wm_ref, bm_ref,
               wv_ref, bv_ref, mu_ref, lv_ref):
    h = jnp.maximum(x_ref[...] @ h1_ref[...] + c1_ref[...], 0.0)
    be = jnp.maximum(h @ h2_ref[...] + c2_ref[...], 0.0)
    mu_ref[...] = be @ wm_ref[...] + bm_ref[...]
    lv_ref[...] = be @ wv_ref[...] + bv_ref[...]


def _head(x, mv_params, mean_p, var_p):
    (h1, c1), (h2, c2) = mv_params
    wm, bm = mean_p
    wv, bv = var_p
    c1 = c1.reshape(1, -1)
    c2 = c2.reshape(1, -1)
    bm = bm.reshape(1, -1)
    bv = bv.reshape(1, -1)
    n = x.shape[0]
    return pl.pallas_call(
        _head_body,
        grid=(n // BN,),
        in_specs=[
            pl.BlockSpec((BN, 2 * EMB), lambda i: (i, 0)),
            pl.BlockSpec((2 * EMB, HID), lambda i: (0, 0)),
            pl.BlockSpec((1, HID), lambda i: (0, 0)),
            pl.BlockSpec((HID, 2 * EMB), lambda i: (0, 0)),
            pl.BlockSpec((1, 2 * EMB), lambda i: (0, 0)),
            pl.BlockSpec((2 * EMB, EMB), lambda i: (0, 0)),
            pl.BlockSpec((1, EMB), lambda i: (0, 0)),
            pl.BlockSpec((2 * EMB, EMB), lambda i: (0, 0)),
            pl.BlockSpec((1, EMB), lambda i: (0, 0)),
        ],
        out_specs=[
            pl.BlockSpec((BN, EMB), lambda i: (i, 0)),
            pl.BlockSpec((BN, EMB), lambda i: (i, 0)),
        ],
        out_shape=[
            jax.ShapeDtypeStruct((n, EMB), jnp.float32),
            jax.ShapeDtypeStruct((n, EMB), jnp.float32),
        ],
    )(x, h1, c1, h2, c2, wm, bm, wv, bv)



def _reorder_w2(w2, b2, dp):
    w2r = jnp.concatenate([w2[:, :HID], w2[:, HID + dp:], w2[:, HID:HID + dp]],
                          axis=1)
    b2r = jnp.concatenate([b2[:HID], b2[HID + dp:], b2[HID:HID + dp]])
    return w2r, b2r.reshape(1, -1)


def _layer_core(ab, preds, b1, w2, b2, net2, dp, aux):
    ia, ib, node_il, src_both, zeros128, inv = aux
    tab = ab.reshape(2 * O_N, HID)
    g1, g2 = _sc_gather2(tab, ia, ib)
    w2r, b2r = _reorder_w2(w2, b2, dp)
    scat, new_p = _edge_mlp(g1, g2, preds, b1.reshape(1, -1), w2r, b2r)
    pooled2 = _sc_scatter(scat.reshape(4 * T_E, 128), node_il, src_both,
                          zeros128)
    pooled = jnp.concatenate([pooled2[0], pooled2[1]], axis=1)[:O_N]
    pooled = pooled * inv
    (v1, c1), (v2, c2) = net2
    new_obj = _mlp2(pooled, v1, c1.reshape(1, -1), v2, c2.reshape(1, -1))
    return new_obj, new_p


def kernel(objs, triples, boxes_gt, shapes_gt, attributes, params):
    s = triples[:, 0].astype(jnp.int32)
    p = triples[:, 1].astype(jnp.int32)
    o = triples[:, 2].astype(jnp.int32)

    ia = 2 * s
    ib = 2 * o + 1
    node_il = jnp.stack([s, o], axis=1).reshape(-1)
    base4 = 4 * jnp.arange(T_E, dtype=jnp.int32)
    il0 = jnp.stack([base4, base4 + 2], axis=1).reshape(-1)
    src_both = jnp.stack([il0, il0 + 1], axis=0)
    zeros128 = jnp.zeros((NROWS_T, 128), jnp.float32)
    ones128 = jnp.ones((C, 128), jnp.float32)

    cnt2 = _sc_counts(node_il, ones128, zeros128)
    counts = cnt2[0, :O_N, 0] + cnt2[1, :O_N, 0]
    inv = (1.0 / jnp.maximum(counts, 1.0))[:, None]

    onehot_obj = (objs[:, None] == jnp.arange(64, dtype=objs.dtype)
                  ).astype(jnp.float32)
    onehot_p = (p[:, None] == jnp.arange(16, dtype=jnp.int32)
                ).astype(jnp.float32)

    emb_ob = jnp.concatenate(
        [params['emb_obj_box'], jnp.zeros((64 - 37, EMB), jnp.float32)])
    emb_os = jnp.concatenate(
        [params['emb_obj_shape'], jnp.zeros((64 - 37, EMB), jnp.float32)])
    wbe, bbe = params['box_embeddings']
    wse, bse = params['shape_embeddings']
    boxes_p = jnp.pad(boxes_gt, ((0, 0), (0, 2)))
    wbe_p = jnp.pad(wbe, ((0, 2), (0, 0)))

    aux = (ia, ib, node_il, src_both, zeros128, inv)

    def run_stack(layers, emb_tab, x2, w2feat, b2feat, pred0_tab):
        ob_vecs = None
        pb = None
        for li, layer in enumerate(layers):
            net1, net2 = layer
            (w1, b1), (w2, b2) = net1
            din = DIN
            w1s, w1p, w1o = w1[:din], w1[din:2 * din], w1[2 * din:]
            w1so = jnp.concatenate([w1s, w1o], axis=1)
            if li == 0:
                t1 = emb_tab @ w1so[:EMB]
                t2 = w2feat @ w1so[EMB:]
                crow = (b2feat @ w1so[EMB:]).reshape(1, -1)
                ab = _ab2(onehot_obj, t1, x2, t2, crow)
                preds = [(onehot_p, pred0_tab @ w1p)]
            else:
                ab = _dense1(ob_vecs, w1so)
                preds = [(pb, w1p)]
            ob_vecs, pb = _layer_core(ab, preds, b1, w2, b2, net2, DIN, aux)
        return ob_vecs, pb

    ob, pb = run_stack(params['gconv_ec_box'], emb_ob, boxes_p, wbe_p, bbe,
                       params['emb_pred_box'])
    osh, ps = run_stack(params['gconv_ec_shape'], emb_os, shapes_gt, wse, bse,
                        params['emb_pred_shape'])

    for layer in params['gconv_shared']:
        net1, net2 = layer
        (w1, b1), (w2, b2) = net1
        din = 2 * DIN
        w1s, w1p, w1o = w1[:din], w1[din:2 * din], w1[2 * din:]
        w1so = jnp.concatenate([w1s, w1o], axis=1)
        ab = _ab2(ob, w1so[:DIN], osh, w1so[DIN:],
                  jnp.zeros((1, 2 * HID), jnp.float32))
        preds = [(pb, w1p[:DIN]), (ps, w1p[DIN:])]
        obj_sh, pred_sh = _layer_core(ab, preds, b1, w2, b2, net2, 2 * DIN,
                                      aux)
        ob, osh = obj_sh[:, :DIN], obj_sh[:, DIN:]
        pb, ps = pred_sh[:, :DIN], pred_sh[:, DIN:]

    mu_box, logvar_box = _head(ob, params['box_mean_var'],
                               params['box_mean'][0], params['box_var'][0])
    mu_shape, logvar_shape = _head(osh, params['shape_mean_var'],
                                   params['shape_mean'][0], params['shape_var'][0])
    return mu_box, logvar_box, mu_shape, logvar_shape

# --- scband reference (transcript-rebuilt; emitter-appended) ---
"""Pipeline reference for scband-sg2-sc-vaemodel-68985764708532 (READ-ONLY COPY).

The authoritative reference and input builder live on the scoring server;
editing this copy changes nothing except your own understanding.
"""

import jax, jax.numpy as jnp
import numpy as np

O = 10000
T = 160000
NUM_OBJS = 36
NUM_PREDS = 16
EMB = 64
DIN = 2 * EMB
HID = 4 * EMB
N_EC = 2
N_SHARED = 1
NUM_BOX_PARAMS = 6
SHAPE_IN = 128


def _init_linear(key, din, dout):
    w = jax.random.normal(key, (din, dout), jnp.float32) * (1.0 / np.sqrt(din))
    b = jnp.zeros((dout,), jnp.float32)
    return (w, b)


def _init_mlp(key, dims):
    params = []
    for i in range(len(dims) - 1):
        key, sub = jax.random.split(key)
        params.append(_init_linear(sub, dims[i], dims[i + 1]))
    return params


def _init_gconv_stack(key, n_layers, din, hid, dout):
    layers = []
    for _ in range(n_layers):
        key, k1, k2 = jax.random.split(key, 3)
        net1 = _init_mlp(k1, [3 * din, hid, 2 * hid + dout])
        net2 = _init_mlp(k2, [hid, hid, dout])
        layers.append((net1, net2))
        din = dout
    return layers


def _dense(p, x):
    w, b = p
    return x @ w + b


def _mlp(params, x, norelu=False):
    n = len(params)
    for i, p in enumerate(params):
        x = _dense(p, x)
        if not (norelu and i == n - 1):
            x = jax.nn.relu(x)
    return x


def _gconv(layer, obj_vecs, pred_vecs, edges, hid, dout_p):
    net1, net2 = layer
    s = edges[:, 0]
    o = edges[:, 1]
    cur = jnp.concatenate([jnp.take(obj_vecs, s, axis=0), pred_vecs, jnp.take(obj_vecs, o, axis=0)], axis=1)
    new = _mlp(net1, cur)
    new_s = new[:, :hid]
    new_p = new[:, hid:hid + dout_p]
    new_o = new[:, hid + dout_p:]
    n_obj = obj_vecs.shape[0]
    pooled = jnp.zeros((n_obj, hid), obj_vecs.dtype).at[s].add(new_s).at[o].add(new_o)
    counts = jnp.zeros((n_obj,), obj_vecs.dtype).at[s].add(1.0).at[o].add(1.0)
    pooled = pooled / jnp.maximum(counts, 1.0)[:, None]
    new_obj = _mlp(net2, pooled)
    return new_obj, new_p


def _forward(objs, triples, boxes_gt, shapes_gt, params):
    s = triples[:, 0]
    p = triples[:, 1]
    o = triples[:, 2]
    edges = jnp.stack([s, o], axis=1)
    obj_box = jnp.take(params['emb_obj_box'], objs, axis=0)
    obj_shape = jnp.take(params['emb_obj_shape'], objs, axis=0)
    pred_box = jnp.take(params['emb_pred_box'], p, axis=0)
    pred_shape = jnp.take(params['emb_pred_shape'], p, axis=0)
    box_vecs = _dense(params['box_embeddings'], boxes_gt)
    shape_vecs = _dense(params['shape_embeddings'], shapes_gt)
    ob = jnp.concatenate([obj_box, box_vecs], axis=1)
    osh = jnp.concatenate([obj_shape, shape_vecs], axis=1)
    pb = pred_box
    ps = pred_shape
    for layer in params['gconv_ec_box']:
        ob, pb = _gconv(layer, ob, pb, edges, HID, DIN)
    for layer in params['gconv_ec_shape']:
        osh, ps = _gconv(layer, osh, ps, edges, HID, DIN)
    obj_sh = jnp.concatenate([ob, osh], axis=1)
    pred_sh = jnp.concatenate([pb, ps], axis=1)
    for layer in params['gconv_shared']:
        obj_sh, pred_sh = _gconv(layer, obj_sh, pred_sh, edges, HID, 2 * DIN)
    ob2, osh2 = jnp.split(obj_sh, 2, axis=1)
    be = _mlp(params['box_mean_var'], ob2)
    mu_box = _dense(params['box_mean'][0], be)
    logvar_box = _dense(params['box_var'][0], be)
    se = _mlp(params['shape_mean_var'], osh2)
    mu_shape = _dense(params['shape_mean'][0], se)
    logvar_shape = _dense(params['shape_var'][0], se)
    return mu_box, logvar_box, mu_shape, logvar_shape


def setup_inputs(seed: int = 0):
    key = jax.random.key(seed)
    k = lambda i: jax.random.fold_in(key, i)
    objs = jax.random.randint(k(0), (O,), 0, NUM_OBJS)
    s = jax.random.randint(k(1), (T,), 0, O)
    p = jax.random.randint(k(2), (T,), 0, NUM_PREDS)
    o = jax.random.randint(k(3), (T,), 0, O)
    triples = jnp.stack([s, p, o], axis=1)
    boxes_gt = jax.random.normal(k(4), (O, NUM_BOX_PARAMS), jnp.float32)
    shapes_gt = jax.random.normal(k(5), (O, SHAPE_IN), jnp.float32)
    attributes = jnp.zeros((O, 1), jnp.float32)
    params = {
        'emb_obj_box': jax.random.normal(k(6), (NUM_OBJS + 1, EMB), jnp.float32) * 0.02,
        'emb_obj_shape': jax.random.normal(k(7), (NUM_OBJS + 1, EMB), jnp.float32) * 0.02,
        'emb_pred_box': jax.random.normal(k(8), (NUM_PREDS, 2 * EMB), jnp.float32) * 0.02,
        'emb_pred_shape': jax.random.normal(k(9), (NUM_PREDS, 2 * EMB), jnp.float32) * 0.02,
        'box_embeddings': _init_linear(k(10), NUM_BOX_PARAMS, EMB),
        'shape_embeddings': _init_linear(k(11), SHAPE_IN, EMB),
        'gconv_ec_box': _init_gconv_stack(k(12), N_EC, DIN, HID, DIN),
        'gconv_ec_shape': _init_gconv_stack(k(13), N_EC, DIN, HID, DIN),
        'gconv_shared': _init_gconv_stack(k(14), N_SHARED, 2 * DIN, HID, 2 * DIN),
        'box_mean_var': _init_mlp(k(15), [2 * EMB, HID, 2 * EMB]),
        'box_mean': _init_mlp(k(16), [2 * EMB, EMB]),
        'box_var': _init_mlp(k(17), [2 * EMB, EMB]),
        'shape_mean_var': _init_mlp(k(18), [2 * EMB, HID, 2 * EMB]),
        'shape_mean': _init_mlp(k(19), [2 * EMB, EMB]),
        'shape_var': _init_mlp(k(20), [2 * EMB, EMB]),
    }
    return {'objs': objs, 'triples': triples, 'boxes_gt': boxes_gt, 'shapes_gt': shapes_gt, 'attributes': attributes, 'params': params}


def reference(objs, triples, boxes_gt, shapes_gt, attributes, params):
    return _forward(objs, triples, boxes_gt, shapes_gt, params)

if __name__ == "__main__":
    import jax
    _d = setup_inputs()
    print(jax.jit(kernel)(*tuple(_d.values())))

</pallas_src>

<mosaic_0001>
#map = affine_map<(d0, d1) -> (0, 0)>
#map1 = affine_map<(d0, d1) -> (0)>
#map2 = affine_map<(d0, d1) -> (0, 0, 0)>
module attributes {stable_mosaic.version = 14 : i64} {
  func.func @k(%arg0: i32, %arg1: i32, %arg2: memref<640000x128xf32, #tpu.memory_space<hbm>>, %arg3: memref<320000xi32, #tpu.memory_space<hbm>>, %arg4: memref<2x320000xi32, #tpu.memory_space<hbm>>, %arg5: memref<640x128xf32, #tpu.memory_space<hbm>>, %arg6: memref<2x10240x128xf32, #tpu.memory_space<hbm>>, %arg7: memref<128xi32, #tpu.memory_space<vmem>>, %arg8: memref<128xi32, #tpu.memory_space<vmem>>, %arg9: memref<128x128xf32, #tpu.memory_space<vmem>>, %arg10: memref<10240x128xf32, #tpu.memory_space<vmem_shared>>, %arg11: memref<!tpu.dma_semaphore, #tpu.memory_space<semaphore_mem>>) attributes {dimension_semantics = [#tpu.dimension_semantics<core_parallel>, #tpu.dimension_semantics<subcore_parallel>], iteration_bounds = array<i64: 2, 16>, scalar_prefetch = 0 : i64, scratch_operands = 5 : i64, tpu.core_type = #tpu.core_type<sc_vector_subcore>, window_params = [{transform_indices = #map}, {transform_indices = #map1}, {transform_indices = #map}, {transform_indices = #map}, {transform_indices = #map2}]} {
    %mul3A = arith.constant 640 : i32
    %mul3A_0 = arith.muli %arg1, %mul3A : i32
    "tpu.region"() ({
      %run_scoped3A = tpu.sem_alloc : memref<!tpu.dma_semaphore, #tpu.memory_space<semaphore_mem>>
      %dma_start3A = arith.constant 0 : i32
      %dma_start3A_11 = tpu.memref_slice %arg10[%mul3A_0, %dma_start3A] : memref<10240x128xf32, #tpu.memory_space<vmem_shared>> -> memref<640x128xf32, #tpu.memory_space<vmem_shared>>
      tpu.enqueue_dma source(%arg5 : memref<640x128xf32, #tpu.memory_space<hbm>>) target(%dma_start3A_11 : memref<640x128xf32, #tpu.memory_space<vmem_shared>>) target_semaphore(%run_scoped3A : memref<!tpu.dma_semaphore, #tpu.memory_space<semaphore_mem>>)
      %dma_wait3A = arith.constant 0 : i32
      %dma_wait3A_12 = tpu.memref_slice %arg10[%mul3A_0, %dma_wait3A] : memref<10240x128xf32, #tpu.memory_space<vmem_shared>> -> memref<640x128xf32, #tpu.memory_space<vmem_shared>>
      tpu.wait_dma2 semaphore(%run_scoped3A : memref<!tpu.dma_semaphore, #tpu.memory_space<semaphore_mem>>) src(%arg5 : memref<640x128xf32, #tpu.memory_space<hbm>>) dst(%dma_wait3A_12 : memref<640x128xf32, #tpu.memory_space<vmem_shared>>)
      tpu.yield
    }) : () -> ()
    %barrier3A = arith.constant 0 : index
    tpu.barrier barrier_id(%barrier3A)
    %scan3A = arith.constant 0 : i32
    %scan3A_1 = arith.constant 0 : i32
    %scan3A_2 = arith.constant 157 : i32
    %scan3A_3 = arith.addi %scan3A_1, %scan3A_2 : i32
    %scan3A_4 = arith.constant 1 : i32
    scf.for %scan3A_11 = %scan3A_1 to %scan3A_3 step %scan3A_4  : i32 {
      %mul3A_12 = arith.constant 16 : i32
      %mul3A_13 = arith.muli %scan3A_11, %mul3A_12 : i32
      %add3A = arith.addi %arg1, %mul3A_13 : i32
      %lt3A = arith.constant 2500 : i32
      %lt3A_14 = arith.cmpi slt, %add3A, %lt3A : i32
      %convert_element_type3A = arith.extui %lt3A_14 : i1 to i32
      %cond3A = arith.constant 0 : i32
      %cond3A_15 = arith.cmpi ne, %convert_element_type3A, %cond3A : i32
      scf.if %cond3A_15 {
        %mul3A_16 = arith.constant 128 : i32
        %mul3A_17 = arith.muli %add3A, %mul3A_16 : i32
        "tpu.region"() ({
          %run_scoped3A = tpu.sem_alloc : memref<!tpu.dma_semaphore, #tpu.memory_space<semaphore_mem>>
          %dma_start3A_22 = tpu.memref_slice %arg3[%mul3A_17] : memref<320000xi32, #tpu.memory_space<hbm>> -> memref<128xi32, #tpu.memory_space<hbm>>
          %dma_start3A_23 = tpu.memref_slice %arg3[%mul3A_17] : memref<320000xi32, #tpu.memory_space<hbm>> -> memref<128xi32, #tpu.memory_space<hbm>>
          tpu.enqueue_dma source(%dma_start3A_23 : memref<128xi32, #tpu.memory_space<hbm>>) target(%arg7 : memref<128xi32, #tpu.memory_space<vmem>>) target_semaphore(%run_scoped3A : memref<!tpu.dma_semaphore, #tpu.memory_space<semaphore_mem>>)
          %dma_wait3A_24 = tpu.memref_slice %arg3[%mul3A_17] : memref<320000xi32, #tpu.memory_space<hbm>> -> memref<128xi32, #tpu.memory_space<hbm>>
          %dma_wait3A_25 = tpu.memref_slice %arg3[%mul3A_17] : memref<320000xi32, #tpu.memory_space<hbm>> -> memref<128xi32, #tpu.memory_space<hbm>>
          tpu.wait_dma2 semaphore(%run_scoped3A : memref<!tpu.dma_semaphore, #tpu.memory_space<semaphore_mem>>) src(%dma_wait3A_25 : memref<128xi32, #tpu.memory_space<hbm>>) dst(%arg7 : memref<128xi32, #tpu.memory_space<vmem>>)
          tpu.yield
        }) : () -> ()
        "tpu.region"() ({
          %run_scoped3A = tpu.sem_alloc : memref<!tpu.dma_semaphore, #tpu.memory_space<semaphore_mem>>
          %dma_start3A_22 = tpu.memref_slice %arg4[%arg0, %mul3A_17] : memref<2x320000xi32, #tpu.memory_space<hbm>> -> memref<1x128xi32, #tpu.memory_space<hbm>>
          %dma_start3A_23 = tpu.memref_squeeze %dma_start3A_22 : memref<1x128xi32, #tpu.memory_space<hbm>> -> memref<128xi32, #tpu.memory_space<hbm>>
          %dma_start3A_24 = tpu.memref_slice %arg4[%arg0, %mul3A_17] : memref<2x320000xi32, #tpu.memory_space<hbm>> -> memref<1x128xi32, #tpu.memory_space<hbm>>
          %dma_start3A_25 = tpu.memref_squeeze %dma_start3A_24 : memref<1x128xi32, #tpu.memory_space<hbm>> -> memref<128xi32, #tpu.memory_space<hbm>>
          tpu.enqueue_dma source(%dma_start3A_25 : memref<128xi32, #tpu.memory_space<hbm>>) target(%arg8 : memref<128xi32, #tpu.memory_space<vmem>>) target_semaphore(%run_scoped3A : memref<!tpu.dma_semaphore, #tpu.memory_space<semaphore_mem>>)
          %dma_wait3A_26 = tpu.memref_slice %arg4[%arg0, %mul3A_17] : memref<2x320000xi32, #tpu.memory_space<hbm>> -> memref<1x128xi32, #tpu.memory_space<hbm>>
          %dma_wait3A_27 = tpu.memref_squeeze %dma_wait3A_26 : memref<1x128xi32, #tpu.memory_space<hbm>> -> memref<128xi32, #tpu.memory_space<hbm>>
          %dma_wait3A_28 = tpu.memref_slice %arg4[%arg0, %mul3A_17] : memref<2x320000xi32, #tpu.memory_space<hbm>> -> memref<1x128xi32, #tpu.memory_space<hbm>>
          %dma_wait3A_29 = tpu.memref_squeeze %dma_wait3A_28 : memref<1x128xi32, #tpu.memory_space<hbm>> -> memref<128xi32, #tpu.memory_space<hbm>>
          tpu.wait_dma2 semaphore(%run_scoped3A : memref<!tpu.dma_semaphore, #tpu.memory_space<semaphore_mem>>) src(%dma_wait3A_29 : memref<128xi32, #tpu.memory_space<hbm>>) dst(%arg8 : memref<128xi32, #tpu.memory_space<vmem>>)
          tpu.yield
        }) : () -> ()
        %dma_start3A = arith.constant 0 : i32
        %dma_start3A_18 = arith.constant 0 : i32
        %dma_start3A_19 = tpu.memref_slice %arg2[%dma_start3A, %dma_start3A_18] : memref<640000x128xf32, #tpu.memory_space<hbm>> -> memref<640000x128xf32, #tpu.memory_space<hbm>>
        tpu.enqueue_indirect_dma source(%dma_start3A_19 : memref<640000x128xf32, #tpu.memory_space<hbm>>) target(%arg9 : memref<128x128xf32, #tpu.memory_space<vmem>>) offsets(%arg8 : memref<128xi32, #tpu.memory_space<vmem>>) semaphore(%arg11 : memref<!tpu.dma_semaphore, #tpu.memory_space<semaphore_mem>>)
        %dma_wait3A = arith.constant 0 : i32
        %dma_wait3A_20 = arith.constant 0 : i32
        %dma_wait3A_21 = tpu.memref_slice %arg2[%dma_wait3A, %dma_wait3A_20] : memref<640000x128xf32, #tpu.memory_space<hbm>> -> memref<640000x128xf32, #tpu.memory_space<hbm>>
        tpu.wait_indirect_dma semaphore(%arg11 : memref<!tpu.dma_semaphore, #tpu.memory_space<semaphore_mem>>) src(%dma_wait3A_21 : memref<640000x128xf32, #tpu.memory_space<hbm>>) dst(%arg9 : memref<128x128xf32, #tpu.memory_space<vmem>>)
        "tpu.region"() ({
          %run_scoped3A = tpu.sem_alloc : memref<!tpu.dma_semaphore, #tpu.memory_space<semaphore_mem>>
          %dma_start3A_22 = arith.constant 0 : i32
          %dma_start3A_23 = arith.constant 0 : i32
          %dma_start3A_24 = tpu.memref_slice %arg10[%dma_start3A_22, %dma_start3A_23] : memref<10240x128xf32, #tpu.memory_space<vmem_shared>> -> memref<10240x128xf32, #tpu.memory_space<vmem_shared>>
          tpu.enqueue_indirect_dma source(%arg9 : memref<128x128xf32, #tpu.memory_space<vmem>>) target(%dma_start3A_24 : memref<10240x128xf32, #tpu.memory_space<vmem_shared>>) offsets(%arg7 : memref<128xi32, #tpu.memory_space<vmem>>) semaphore(%run_scoped3A : memref<!tpu.dma_semaphore, #tpu.memory_space<semaphore_mem>>) {add = true}
          %dma_wait3A_25 = arith.constant 0 : i32
          %dma_wait3A_26 = arith.constant 0 : i32
          %dma_wait3A_27 = tpu.memref_slice %arg10[%dma_wait3A_25, %dma_wait3A_26] : memref<10240x128xf32, #tpu.memory_space<vmem_shared>> -> memref<10240x128xf32, #tpu.memory_space<vmem_shared>>
          tpu.wait_indirect_dma semaphore(%run_scoped3A : memref<!tpu.dma_semaphore, #tpu.memory_space<semaphore_mem>>) src(%arg9 : memref<128x128xf32, #tpu.memory_space<vmem>>) dst(%dma_wait3A_27 : memref<10240x128xf32, #tpu.memory_space<vmem_shared>>)
          tpu.yield
        }) : () -> ()
      } else {
      }
    }
    %scan3A_5 = arith.constant 157 : i32
    %barrier3A_6 = arith.constant 0 : index
    tpu.barrier barrier_id(%barrier3A_6)
    %mul3A_7 = arith.constant 640 : i32
    %mul3A_8 = arith.muli %arg1, %mul3A_7 : i32
    %mul3A_9 = arith.constant 640 : i32
    %mul3A_10 = arith.muli %arg1, %mul3A_9 : i32
    "tpu.region"() ({
      %run_scoped3A = tpu.sem_alloc : memref<!tpu.dma_semaphore, #tpu.memory_space<semaphore_mem>>
      %dma_start3A = arith.constant 0 : i32
      %dma_start3A_11 = tpu.memref_slice %arg6[%arg0, %mul3A_10, %dma_start3A] : memref<2x10240x128xf32, #tpu.memory_space<hbm>> -> memref<1x640x128xf32, #tpu.memory_space<hbm>>
      %dma_start3A_12 = tpu.memref_squeeze %dma_start3A_11 : memref<1x640x128xf32, #tpu.memory_space<hbm>> -> memref<640x128xf32, #tpu.memory_space<hbm>>
      %dma_start3A_13 = arith.constant 0 : i32
      %dma_start3A_14 = tpu.memref_slice %arg10[%mul3A_8, %dma_start3A_13] : memref<10240x128xf32, #tpu.memory_space<vmem_shared>> -> memref<640x128xf32, #tpu.memory_space<vmem_shared>>
      tpu.enqueue_dma source(%dma_start3A_14 : memref<640x128xf32, #tpu.memory_space<vmem_shared>>) target(%dma_start3A_12 : memref<640x128xf32, #tpu.memory_space<hbm>>) target_semaphore(%run_scoped3A : memref<!tpu.dma_semaphore, #tpu.memory_space<semaphore_mem>>)
      %dma_wait3A = arith.constant 0 : i32
      %dma_wait3A_15 = tpu.memref_slice %arg6[%arg0, %mul3A_10, %dma_wait3A] : memref<2x10240x128xf32, #tpu.memory_space<hbm>> -> memref<1x640x128xf32, #tpu.memory_space<hbm>>
      %dma_wait3A_16 = tpu.memref_squeeze %dma_wait3A_15 : memref<1x640x128xf32, #tpu.memory_space<hbm>> -> memref<640x128xf32, #tpu.memory_space<hbm>>
      %dma_wait3A_17 = arith.constant 0 : i32
      %dma_wait3A_18 = tpu.memref_slice %arg10[%mul3A_8, %dma_wait3A_17] : memref<10240x128xf32, #tpu.memory_space<vmem_shared>> -> memref<640x128xf32, #tpu.memory_space<vmem_shared>>
      tpu.wait_dma2 semaphore(%run_scoped3A : memref<!tpu.dma_semaphore, #tpu.memory_space<semaphore_mem>>) src(%dma_wait3A_18 : memref<640x128xf32, #tpu.memory_space<vmem_shared>>) dst(%dma_wait3A_16 : memref<640x128xf32, #tpu.memory_space<hbm>>)
      tpu.yield
    }) : () -> ()
    return
  }
}

#map = affine_map<(d0, d1) -> (0, 0)>
#map1 = affine_map<(d0, d1) -> (0)>
module attributes {stable_mosaic.version = 14 : i64} {
  func.func @k(%arg0: i32, %arg1: i32, %arg2: memref<20000x256xf32, #tpu.memory_space<hbm>>, %arg3: memref<160000xi32, #tpu.memory_space<hbm>>, %arg4: memref<160000xi32, #tpu.memory_space<hbm>>, %arg5: memref<160000x256xf32, #tpu.memory_space<hbm>>, %arg6: memref<160000x256xf32, #tpu.memory_space<hbm>>, %arg7: memref<128xi32, #tpu.memory_space<vmem>>, %arg8: memref<128xi32, #tpu.memory_space<vmem>>, %arg9: memref<128x256xf32, #tpu.memory_space<vmem>>, %arg10: memref<128x256xf32, #tpu.memory_space<vmem>>, %arg11: memref<!tpu.dma_semaphore, #tpu.memory_space<semaphore_mem>>, %arg12: memref<!tpu.dma_semaphore, #tpu.memory_space<semaphore_mem>>) attributes {dimension_semantics = [#tpu.dimension_semantics<core_parallel>, #tpu.dimension_semantics<subcore_parallel>], iteration_bounds = array<i64: 2, 16>, scalar_prefetch = 0 : i64, scratch_operands = 6 : i64, tpu.core_type = #tpu.core_type<sc_vector_subcore>, window_params = [{transform_indices = #map}, {transform_indices = #map1}, {transform_indices = #map1}, {transform_indices = #map}, {transform_indices = #map}]} {
    %mul3A = arith.constant 2 : i32
    %mul3A_0 = arith.muli %arg1, %mul3A : i32
    %add3A = arith.addi %mul3A_0, %arg0 : i32
    %scan3A = arith.constant 0 : i32
    %scan3A_1 = arith.constant 0 : i32
    %scan3A_2 = arith.constant 40 : i32
    %scan3A_3 = arith.addi %scan3A_1, %scan3A_2 : i32
    %scan3A_4 = arith.constant 1 : i32
    scf.for %scan3A_6 = %scan3A_1 to %scan3A_3 step %scan3A_4  : i32 {
      %mul3A_7 = arith.constant 32 : i32
      %mul3A_8 = arith.muli %scan3A_6, %mul3A_7 : i32
      %add3A_9 = arith.addi %add3A, %mul3A_8 : i32
      %lt3A = arith.constant 1250 : i32
      %lt3A_10 = arith.cmpi slt, %add3A_9, %lt3A : i32
      %convert_element_type3A = arith.extui %lt3A_10 : i1 to i32
      %cond3A = arith.constant 0 : i32
      %cond3A_11 = arith.cmpi ne, %convert_element_type3A, %cond3A : i32
      scf.if %cond3A_11 {
        %mul3A_12 = arith.constant 128 : i32
        %mul3A_13 = arith.muli %add3A_9, %mul3A_12 : i32
        "tpu.region"() ({
          %run_scoped3A = tpu.sem_alloc : memref<!tpu.dma_semaphore, #tpu.memory_space<semaphore_mem>>
          %dma_start3A_24 = tpu.memref_slice %arg3[%mul3A_13] : memref<160000xi32, #tpu.memory_space<hbm>> -> memref<128xi32, #tpu.memory_space<hbm>>
          %dma_start3A_25 = tpu.memref_slice %arg3[%mul3A_13] : memref<160000xi32, #tpu.memory_space<hbm>> -> memref<128xi32, #tpu.memory_space<hbm>>
          tpu.enqueue_dma source(%dma_start3A_25 : memref<128xi32, #tpu.memory_space<hbm>>) target(%arg7 : memref<128xi32, #tpu.memory_space<vmem>>) target_semaphore(%run_scoped3A : memref<!tpu.dma_semaphore, #tpu.memory_space<semaphore_mem>>)
          %dma_wait3A_26 = tpu.memref_slice %arg3[%mul3A_13] : memref<160000xi32, #tpu.memory_space<hbm>> -> memref<128xi32, #tpu.memory_space<hbm>>
          %dma_wait3A_27 = tpu.memref_slice %arg3[%mul3A_13] : memref<160000xi32, #tpu.memory_space<hbm>> -> memref<128xi32, #tpu.memory_space<hbm>>
          tpu.wait_dma2 semaphore(%run_scoped3A : memref<!tpu.dma_semaphore, #tpu.memory_space<semaphore_mem>>) src(%dma_wait3A_27 : memref<128xi32, #tpu.memory_space<hbm>>) dst(%arg7 : memref<128xi32, #tpu.memory_space<vmem>>)
          tpu.yield
        }) : () -> ()
        "tpu.region"() ({
          %run_scoped3A = tpu.sem_alloc : memref<!tpu.dma_semaphore, #tpu.memory_space<semaphore_mem>>
          %dma_start3A_24 = tpu.memref_slice %arg4[%mul3A_13] : memref<160000xi32, #tpu.memory_space<hbm>> -> memref<128xi32, #tpu.memory_space<hbm>>
          %dma_start3A_25 = tpu.memref_slice %arg4[%mul3A_13] : memref<160000xi32, #tpu.memory_space<hbm>> -> memref<128xi32, #tpu.memory_space<hbm>>
          tpu.enqueue_dma source(%dma_start3A_25 : memref<128xi32, #tpu.memory_space<hbm>>) target(%arg8 : memref<128xi32, #tpu.memory_space<vmem>>) target_semaphore(%run_scoped3A : memref<!tpu.dma_semaphore, #tpu.memory_space<semaphore_mem>>)
          %dma_wait3A_26 = tpu.memref_slice %arg4[%mul3A_13] : memref<160000xi32, #tpu.memory_space<hbm>> -> memref<128xi32, #tpu.memory_space<hbm>>
          %dma_wait3A_27 = tpu.memref_slice %arg4[%mul3A_13] : memref<160000xi32, #tpu.memory_space<hbm>> -> memref<128xi32, #tpu.memory_space<hbm>>
          tpu.wait_dma2 semaphore(%run_scoped3A : memref<!tpu.dma_semaphore, #tpu.memory_space<semaphore_mem>>) src(%dma_wait3A_27 : memref<128xi32, #tpu.memory_space<hbm>>) dst(%arg8 : memref<128xi32, #tpu.memory_space<vmem>>)
          tpu.yield
        }) : () -> ()
        %dma_start3A = arith.constant 0 : i32
        %dma_start3A_14 = arith.constant 0 : i32
        %dma_start3A_15 = tpu.memref_slice %arg2[%dma_start3A, %dma_start3A_14] : memref<20000x256xf32, #tpu.memory_space<hbm>> -> memref<20000x256xf32, #tpu.memory_space<hbm>>
        tpu.enqueue_indirect_dma source(%dma_start3A_15 : memref<20000x256xf32, #tpu.memory_space<hbm>>) target(%arg9 : memref<128x256xf32, #tpu.memory_space<vmem>>) offsets(%arg7 : memref<128xi32, #tpu.memory_space<vmem>>) semaphore(%arg11 : memref<!tpu.dma_semaphore, #tpu.memory_space<semaphore_mem>>)
        %dma_start3A_16 = arith.constant 0 : i32
        %dma_start3A_17 = arith.constant 0 : i32
        %dma_start3A_18 = tpu.memref_slice %arg2[%dma_start3A_16, %dma_start3A_17] : memref<20000x256xf32, #tpu.memory_space<hbm>> -> memref<20000x256xf32, #tpu.memory_space<hbm>>
        tpu.enqueue_indirect_dma source(%dma_start3A_18 : memref<20000x256xf32, #tpu.memory_space<hbm>>) target(%arg10 : memref<128x256xf32, #tpu.memory_space<vmem>>) offsets(%arg8 : memref<128xi32, #tpu.memory_space<vmem>>) semaphore(%arg12 : memref<!tpu.dma_semaphore, #tpu.memory_space<semaphore_mem>>)
        %dma_wait3A = arith.constant 0 : i32
        %dma_wait3A_19 = arith.constant 0 : i32
        %dma_wait3A_20 = tpu.memref_slice %arg2[%dma_wait3A, %dma_wait3A_19] : memref<20000x256xf32, #tpu.memory_space<hbm>> -> memref<20000x256xf32, #tpu.memory_space<hbm>>
        tpu.wait_indirect_dma semaphore(%arg11 : memref<!tpu.dma_semaphore, #tpu.memory_space<semaphore_mem>>) src(%dma_wait3A_20 : memref<20000x256xf32, #tpu.memory_space<hbm>>) dst(%arg9 : memref<128x256xf32, #tpu.memory_space<vmem>>)
        %dma_wait3A_21 = arith.constant 0 : i32
        %dma_wait3A_22 = arith.constant 0 : i32
        %dma_wait3A_23 = tpu.memref_slice %arg2[%dma_wait3A_21, %dma_wait3A_22] : memref<20000x256xf32, #tpu.memory_space<hbm>> -> memref<20000x256xf32, #tpu.memory_space<hbm>>
        tpu.wait_indirect_dma semaphore(%arg12 : memref<!tpu.dma_semaphore, #tpu.memory_space<semaphore_mem>>) src(%dma_wait3A_23 : memref<20000x256xf32, #tpu.memory_space<hbm>>) dst(%arg10 : memref<128x256xf32, #tpu.memory_space<vmem>>)
        "tpu.region"() ({
          %run_scoped3A = tpu.sem_alloc : memref<!tpu.dma_semaphore, #tpu.memory_space<semaphore_mem>>
          %dma_start3A_24 = arith.constant 0 : i32
          %dma_start3A_25 = tpu.memref_slice %arg5[%mul3A_13, %dma_start3A_24] : memref<160000x256xf32, #tpu.memory_space<hbm>> -> memref<128x256xf32, #tpu.memory_space<hbm>>
          %dma_start3A_26 = arith.constant 0 : i32
          %dma_start3A_27 = tpu.memref_slice %arg5[%mul3A_13, %dma_start3A_26] : memref<160000x256xf32, #tpu.memory_space<hbm>> -> memref<128x256xf32, #tpu.memory_space<hbm>>
          tpu.enqueue_dma source(%arg9 : memref<128x256xf32, #tpu.memory_space<vmem>>) target(%dma_start3A_27 : memref<128x256xf32, #tpu.memory_space<hbm>>) target_semaphore(%run_scoped3A : memref<!tpu.dma_semaphore, #tpu.memory_space<semaphore_mem>>)
          %dma_wait3A_28 = arith.constant 0 : i32
          %dma_wait3A_29 = tpu.memref_slice %arg5[%mul3A_13, %dma_wait3A_28] : memref<160000x256xf32, #tpu.memory_space<hbm>> -> memref<128x256xf32, #tpu.memory_space<hbm>>
          %dma_wait3A_30 = arith.constant 0 : i32
          %dma_wait3A_31 = tpu.memref_slice %arg5[%mul3A_13, %dma_wait3A_30] : memref<160000x256xf32, #tpu.memory_space<hbm>> -> memref<128x256xf32, #tpu.memory_space<hbm>>
          tpu.wait_dma2 semaphore(%run_scoped3A : memref<!tpu.dma_semaphore, #tpu.memory_space<semaphore_mem>>) src(%arg9 : memref<128x256xf32, #tpu.memory_space<vmem>>) dst(%dma_wait3A_31 : memref<128x256xf32, #tpu.memory_space<hbm>>)
          tpu.yield
        }) : () -> ()
        "tpu.region"() ({
          %run_scoped3A = tpu.sem_alloc : memref<!tpu.dma_semaphore, #tpu.memory_space<semaphore_mem>>
          %dma_start3A_24 = arith.constant 0 : i32
          %dma_start3A_25 = tpu.memref_slice %arg6[%mul3A_13, %dma_start3A_24] : memref<160000x256xf32, #tpu.memory_space<hbm>> -> memref<128x256xf32, #tpu.memory_space<hbm>>
          %dma_start3A_26 = arith.constant 0 : i32
          %dma_start3A_27 = tpu.memref_slice %arg6[%mul3A_13, %dma_start3A_26] : memref<160000x256xf32, #tpu.memory_space<hbm>> -> memref<128x256xf32, #tpu.memory_space<hbm>>
          tpu.enqueue_dma source(%arg10 : memref<128x256xf32, #tpu.memory_space<vmem>>) target(%dma_start3A_27 : memref<128x256xf32, #tpu.memory_space<hbm>>) target_semaphore(%run_scoped3A : memref<!tpu.dma_semaphore, #tpu.memory_space<semaphore_mem>>)
          %dma_wait3A_28 = arith.constant 0 : i32
          %dma_wait3A_29 = tpu.memref_slice %arg6[%mul3A_13, %dma_wait3A_28] : memref<160000x256xf32, #tpu.memory_space<hbm>> -> memref<128x256xf32, #tpu.memory_space<hbm>>
          %dma_wait3A_30 = arith.constant 0 : i32
          %dma_wait3A_31 = tpu.memref_slice %arg6[%mul3A_13, %dma_wait3A_30] : memref<160000x256xf32, #tpu.memory_space<hbm>> -> memref<128x256xf32, #tpu.memory_space<hbm>>
          tpu.wait_dma2 semaphore(%run_scoped3A : memref<!tpu.dma_semaphore, #tpu.memory_space<semaphore_mem>>) src(%arg10 : memref<128x256xf32, #tpu.memory_space<vmem>>) dst(%dma_wait3A_31 : memref<128x256xf32, #tpu.memory_space<hbm>>)
          tpu.yield
        }) : () -> ()
      } else {
      }
    }
    %scan3A_5 = arith.constant 40 : i32
    return
  }
}

#map = affine_map<(d0, d1) -> (0)>
#map1 = affine_map<(d0, d1) -> (0, 0)>
#map2 = affine_map<(d0, d1) -> (0, 0, 0)>
module attributes {stable_mosaic.version = 14 : i64} {
  func.func @k(%arg0: i32, %arg1: i32, %arg2: memref<320000xi32, #tpu.memory_space<hbm>>, %arg3: memref<128x128xf32, #tpu.memory_space<hbm>>, %arg4: memref<640x128xf32, #tpu.memory_space<hbm>>, %arg5: memref<2x10240x128xf32, #tpu.memory_space<hbm>>, %arg6: memref<128xi32, #tpu.memory_space<vmem>>, %arg7: memref<128x128xf32, #tpu.memory_space<vmem>>, %arg8: memref<10240x128xf32, #tpu.memory_space<vmem_shared>>) attributes {dimension_semantics = [#tpu.dimension_semantics<core_parallel>, #tpu.dimension_semantics<subcore_parallel>], iteration_bounds = array<i64: 2, 16>, scalar_prefetch = 0 : i64, scratch_operands = 3 : i64, tpu.core_type = #tpu.core_type<sc_vector_subcore>, window_params = [{transform_indices = #map}, {transform_indices = #map1}, {transform_indices = #map1}, {transform_indices = #map2}]} {
    "tpu.region"() ({
      %run_scoped3A = tpu.sem_alloc : memref<!tpu.dma_semaphore, #tpu.memory_space<semaphore_mem>>
      tpu.enqueue_dma source(%arg3 : memref<128x128xf32, #tpu.memory_space<hbm>>) target(%arg7 : memref<128x128xf32, #tpu.memory_space<vmem>>) target_semaphore(%run_scoped3A : memref<!tpu.dma_semaphore, #tpu.memory_space<semaphore_mem>>)
      tpu.wait_dma2 semaphore(%run_scoped3A : memref<!tpu.dma_semaphore, #tpu.memory_space<semaphore_mem>>) src(%arg3 : memref<128x128xf32, #tpu.memory_space<hbm>>) dst(%arg7 : memref<128x128xf32, #tpu.memory_space<vmem>>)
      tpu.yield
    }) : () -> ()
    %mul3A = arith.constant 640 : i32
    %mul3A_0 = arith.muli %arg1, %mul3A : i32
    "tpu.region"() ({
      %run_scoped3A = tpu.sem_alloc : memref<!tpu.dma_semaphore, #tpu.memory_space<semaphore_mem>>
      %dma_start3A = arith.constant 0 : i32
      %dma_start3A_11 = tpu.memref_slice %arg8[%mul3A_0, %dma_start3A] : memref<10240x128xf32, #tpu.memory_space<vmem_shared>> -> memref<640x128xf32, #tpu.memory_space<vmem_shared>>
      tpu.enqueue_dma source(%arg4 : memref<640x128xf32, #tpu.memory_space<hbm>>) target(%dma_start3A_11 : memref<640x128xf32, #tpu.memory_space<vmem_shared>>) target_semaphore(%run_scoped3A : memref<!tpu.dma_semaphore, #tpu.memory_space<semaphore_mem>>)
      %dma_wait3A = arith.constant 0 : i32
      %dma_wait3A_12 = tpu.memref_slice %arg8[%mul3A_0, %dma_wait3A] : memref<10240x128xf32, #tpu.memory_space<vmem_shared>> -> memref<640x128xf32, #tpu.memory_space<vmem_shared>>
      tpu.wait_dma2 semaphore(%run_scoped3A : memref<!tpu.dma_semaphore, #tpu.memory_space<semaphore_mem>>) src(%arg4 : memref<640x128xf32, #tpu.memory_space<hbm>>) dst(%dma_wait3A_12 : memref<640x128xf32, #tpu.memory_space<vmem_shared>>)
      tpu.yield
    }) : () -> ()
    %barrier3A = arith.constant 0 : index
    tpu.barrier barrier_id(%barrier3A)
    %scan3A = arith.constant 0 : i32
    %scan3A_1 = arith.constant 0 : i32
    %scan3A_2 = arith.constant 79 : i32
    %scan3A_3 = arith.addi %scan3A_1, %scan3A_2 : i32
    %scan3A_4 = arith.constant 1 : i32
    scf.for %scan3A_11 = %scan3A_1 to %scan3A_3 step %scan3A_4  : i32 {
      %mul3A_12 = arith.constant 16 : i32
      %mul3A_13 = arith.muli %scan3A_11, %mul3A_12 : i32
      %add3A = arith.addi %arg1, %mul3A_13 : i32
      %lt3A = arith.constant 1250 : i32
      %lt3A_14 = arith.cmpi slt, %add3A, %lt3A : i32
      %convert_element_type3A = arith.extui %lt3A_14 : i1 to i32
      %cond3A = arith.constant 0 : i32
      %cond3A_15 = arith.cmpi ne, %convert_element_type3A, %cond3A : i32
      scf.if %cond3A_15 {
        %mul3A_16 = arith.constant 160000 : i32
        %mul3A_17 = arith.muli %arg0, %mul3A_16 : i32
        %mul3A_18 = arith.constant 128 : i32
        %mul3A_19 = arith.muli %add3A, %mul3A_18 : i32
        %add3A_20 = arith.addi %mul3A_17, %mul3A_19 : i32
        "tpu.region"() ({
          %run_scoped3A = tpu.sem_alloc : memref<!tpu.dma_semaphore, #tpu.memory_space<semaphore_mem>>
          %dma_start3A = tpu.memref_slice %arg2[%add3A_20] : memref<320000xi32, #tpu.memory_space<hbm>> -> memref<128xi32, #tpu.memory_space<hbm>>
          %dma_start3A_21 = tpu.memref_slice %arg2[%add3A_20] : memref<320000xi32, #tpu.memory_space<hbm>> -> memref<128xi32, #tpu.memory_space<hbm>>
          tpu.enqueue_dma source(%dma_start3A_21 : memref<128xi32, #tpu.memory_space<hbm>>) target(%arg6 : memref<128xi32, #tpu.memory_space<vmem>>) target_semaphore(%run_scoped3A : memref<!tpu.dma_semaphore, #tpu.memory_space<semaphore_mem>>)
          %dma_wait3A = tpu.memref_slice %arg2[%add3A_20] : memref<320000xi32, #tpu.memory_space<hbm>> -> memref<128xi32, #tpu.memory_space<hbm>>
          %dma_wait3A_22 = tpu.memref_slice %arg2[%add3A_20] : memref<320000xi32, #tpu.memory_space<hbm>> -> memref<128xi32, #tpu.memory_space<hbm>>
          tpu.wait_dma2 semaphore(%run_scoped3A : memref<!tpu.dma_semaphore, #tpu.memory_space<semaphore_mem>>) src(%dma_wait3A_22 : memref<128xi32, #tpu.memory_space<hbm>>) dst(%arg6 : memref<128xi32, #tpu.memory_space<vmem>>)
          tpu.yield
        }) : () -> ()
        "tpu.region"() ({
          %run_scoped3A = tpu.sem_alloc : memref<!tpu.dma_semaphore, #tpu.memory_space<semaphore_mem>>
          %dma_start3A = arith.constant 0 : i32
          %dma_start3A_21 = arith.constant 0 : i32
          %dma_start3A_22 = tpu.memref_slice %arg8[%dma_start3A, %dma_start3A_21] : memref<10240x128xf32, #tpu.memory_space<vmem_shared>> -> memref<10240x128xf32, #tpu.memory_space<vmem_shared>>
          tpu.enqueue_indirect_dma source(%arg7 : memref<128x128xf32, #tpu.memory_space<vmem>>) target(%dma_start3A_22 : memref<10240x128xf32, #tpu.memory_space<vmem_shared>>) offsets(%arg6 : memref<128xi32, #tpu.memory_space<vmem>>) semaphore(%run_scoped3A : memref<!tpu.dma_semaphore, #tpu.memory_space<semaphore_mem>>) {add = true}
          %dma_wait3A = arith.constant 0 : i32
          %dma_wait3A_23 = arith.constant 0 : i32
          %dma_wait3A_24 = tpu.memref_slice %arg8[%dma_wait3A, %dma_wait3A_23] : memref<10240x128xf32, #tpu.memory_space<vmem_shared>> -> memref<10240x128xf32, #tpu.memory_space<vmem_shared>>
          tpu.wait_indirect_dma semaphore(%run_scoped3A : memref<!tpu.dma_semaphore, #tpu.memory_space<semaphore_mem>>) src(%arg7 : memref<128x128xf32, #tpu.memory_space<vmem>>) dst(%dma_wait3A_24 : memref<10240x128xf32, #tpu.memory_space<vmem_shared>>)
          tpu.yield
        }) : () -> ()
      } else {
      }
    }
    %scan3A_5 = arith.constant 79 : i32
    %barrier3A_6 = arith.constant 0 : index
    tpu.barrier barrier_id(%barrier3A_6)
    %mul3A_7 = arith.constant 640 : i32
    %mul3A_8 = arith.muli %arg1, %mul3A_7 : i32
    %mul3A_9 = arith.constant 640 : i32
    %mul3A_10 = arith.muli %arg1, %mul3A_9 : i32
    "tpu.region"() ({
      %run_scoped3A = tpu.sem_alloc : memref<!tpu.dma_semaphore, #tpu.memory_space<semaphore_mem>>
      %dma_start3A = arith.constant 0 : i32
      %dma_start3A_11 = tpu.memref_slice %arg5[%arg0, %mul3A_10, %dma_start3A] : memref<2x10240x128xf32, #tpu.memory_space<hbm>> -> memref<1x640x128xf32, #tpu.memory_space<hbm>>
      %dma_start3A_12 = tpu.memref_squeeze %dma_start3A_11 : memref<1x640x128xf32, #tpu.memory_space<hbm>> -> memref<640x128xf32, #tpu.memory_space<hbm>>
      %dma_start3A_13 = arith.constant 0 : i32
      %dma_start3A_14 = tpu.memref_slice %arg8[%mul3A_8, %dma_start3A_13] : memref<10240x128xf32, #tpu.memory_space<vmem_shared>> -> memref<640x128xf32, #tpu.memory_space<vmem_shared>>
      tpu.enqueue_dma source(%dma_start3A_14 : memref<640x128xf32, #tpu.memory_space<vmem_shared>>) target(%dma_start3A_12 : memref<640x128xf32, #tpu.memory_space<hbm>>) target_semaphore(%run_scoped3A : memref<!tpu.dma_semaphore, #tpu.memory_space<semaphore_mem>>)
      %dma_wait3A = arith.constant 0 : i32
      %dma_wait3A_15 = tpu.memref_slice %arg5[%arg0, %mul3A_10, %dma_wait3A] : memref<2x10240x128xf32, #tpu.memory_space<hbm>> -> memref<1x640x128xf32, #tpu.memory_space<hbm>>
      %dma_wait3A_16 = tpu.memref_squeeze %dma_wait3A_15 : memref<1x640x128xf32, #tpu.memory_space<hbm>> -> memref<640x128xf32, #tpu.memory_space<hbm>>
      %dma_wait3A_17 = arith.constant 0 : i32
      %dma_wait3A_18 = tpu.memref_slice %arg8[%mul3A_8, %dma_wait3A_17] : memref<10240x128xf32, #tpu.memory_space<vmem_shared>> -> memref<640x128xf32, #tpu.memory_space<vmem_shared>>
      tpu.wait_dma2 semaphore(%run_scoped3A : memref<!tpu.dma_semaphore, #tpu.memory_space<semaphore_mem>>) src(%dma_wait3A_18 : memref<640x128xf32, #tpu.memory_space<vmem_shared>>) dst(%dma_wait3A_16 : memref<640x128xf32, #tpu.memory_space<hbm>>)
      tpu.yield
    }) : () -> ()
    return
  }
}

#map = affine_map<(d0, d1) -> (0, 0)>
#map1 = affine_map<(d0, d1) -> (0)>
module attributes {stable_mosaic.version = 14 : i64} {
  func.func @k(%arg0: i32, %arg1: i32, %arg2: memref<20000x256xf32, #tpu.memory_space<hbm>>, %arg3: memref<160000xi32, #tpu.memory_space<hbm>>, %arg4: memref<160000xi32, #tpu.memory_space<hbm>>, %arg5: memref<160000x256xf32, #tpu.memory_space<hbm>>, %arg6: memref<160000x256xf32, #tpu.memory_space<hbm>>, %arg7: memref<128xi32, #tpu.memory_space<vmem>>, %arg8: memref<128xi32, #tpu.memory_space<vmem>>, %arg9: memref<128x256xf32, #tpu.memory_space<vmem>>, %arg10: memref<128x256xf32, #tpu.memory_space<vmem>>, %arg11: memref<!tpu.dma_semaphore, #tpu.memory_space<semaphore_mem>>, %arg12: memref<!tpu.dma_semaphore, #tpu.memory_space<semaphore_mem>>) attributes {dimension_semantics = [#tpu.dimension_semantics<core_parallel>, #tpu.dimension_semantics<subcore_parallel>], iteration_bounds = array<i64: 2, 16>, scalar_prefetch = 0 : i64, scratch_operands = 6 : i64, tpu.core_type = #tpu.core_type<sc_vector_subcore>, window_params = [{transform_indices = #map}, {transform_indices = #map1}, {transform_indices = #map1}, {transform_indices = #map}, {transform_indices = #map}]} {
    %mul3A = arith.constant 2 : i32
    %mul3A_0 = arith.muli %arg1, %mul3A : i32
    %add3A = arith.addi %mul3A_0, %arg0 : i32
    %scan3A = arith.constant 0 : i32
    %scan3A_1 = arith.constant 0 : i32
    %scan3A_2 = arith.constant 40 : i32
    %scan3A_3 = arith.addi %scan3A_1, %scan3A_2 : i32
    %scan3A_4 = arith.constant 1 : i32
    scf.for %scan3A_6 = %scan3A_1 to %scan3A_3 step %scan3A_4  : i32 {
      %mul3A_7 = arith.constant 32 : i32
      %mul3A_8 = arith.muli %scan3A_6, %mul3A_7 : i32
      %add3A_9 = arith.addi %add3A, %mul3A_8 : i32
      %lt3A = arith.constant 1250 : i32
      %lt3A_10 = arith.cmpi slt, %add3A_9, %lt3A : i32
      %convert_element_type3A = arith.extui %lt3A_10 : i1 to i32
      %cond3A = arith.constant 0 : i32
      %cond3A_11 = arith.cmpi ne, %convert_element_type3A, %cond3A : i32
      scf.if %cond3A_11 {
        %mul3A_12 = arith.constant 128 : i32
        %mul3A_13 = arith.muli %add3A_9, %mul3A_12 : i32
        "tpu.region"() ({
          %run_scoped3A = tpu.sem_alloc : memref<!tpu.dma_semaphore, #tpu.memory_space<semaphore_mem>>
          %dma_start3A_24 = tpu.memref_slice %arg3[%mul3A_13] : memref<160000xi32, #tpu.memory_space<hbm>> -> memref<128xi32, #tpu.memory_space<hbm>>
          %dma_start3A_25 = tpu.memref_slice %arg3[%mul3A_13] : memref<160000xi32, #tpu.memory_space<hbm>> -> memref<128xi32, #tpu.memory_space<hbm>>
          tpu.enqueue_dma source(%dma_start3A_25 : memref<128xi32, #tpu.memory_space<hbm>>) target(%arg7 : memref<128xi32, #tpu.memory_space<vmem>>) target_semaphore(%run_scoped3A : memref<!tpu.dma_semaphore, #tpu.memory_space<semaphore_mem>>)
          %dma_wait3A_26 = tpu.memref_slice %arg3[%mul3A_13] : memref<160000xi32, #tpu.memory_space<hbm>> -> memref<128xi32, #tpu.memory_space<hbm>>
          %dma_wait3A_27 = tpu.memref_slice %arg3[%mul3A_13] : memref<160000xi32, #tpu.memory_space<hbm>> -> memref<128xi32, #tpu.memory_space<hbm>>
          tpu.wait_dma2 semaphore(%run_scoped3A : memref<!tpu.dma_semaphore, #tpu.memory_space<semaphore_mem>>) src(%dma_wait3A_27 : memref<128xi32, #tpu.memory_space<hbm>>) dst(%arg7 : memref<128xi32, #tpu.memory_space<vmem>>)
          tpu.yield
        }) : () -> ()
        "tpu.region"() ({
          %run_scoped3A = tpu.sem_alloc : memref<!tpu.dma_semaphore, #tpu.memory_space<semaphore_mem>>
          %dma_start3A_24 = tpu.memref_slice %arg4[%mul3A_13] : memref<160000xi32, #tpu.memory_space<hbm>> -> memref<128xi32, #tpu.memory_space<hbm>>
          %dma_start3A_25 = tpu.memref_slice %arg4[%mul3A_13] : memref<160000xi32, #tpu.memory_space<hbm>> -> memref<128xi32, #tpu.memory_space<hbm>>
          tpu.enqueue_dma source(%dma_start3A_25 : memref<128xi32, #tpu.memory_space<hbm>>) target(%arg8 : memref<128xi32, #tpu.memory_space<vmem>>) target_semaphore(%run_scoped3A : memref<!tpu.dma_semaphore, #tpu.memory_space<semaphore_mem>>)
          %dma_wait3A_26 = tpu.memref_slice %arg4[%mul3A_13] : memref<160000xi32, #tpu.memory_space<hbm>> -> memref<128xi32, #tpu.memory_space<hbm>>
          %dma_wait3A_27 = tpu.memref_slice %arg4[%mul3A_13] : memref<160000xi32, #tpu.memory_space<hbm>> -> memref<128xi32, #tpu.memory_space<hbm>>
          tpu.wait_dma2 semaphore(%run_scoped3A : memref<!tpu.dma_semaphore, #tpu.memory_space<semaphore_mem>>) src(%dma_wait3A_27 : memref<128xi32, #tpu.memory_space<hbm>>) dst(%arg8 : memref<128xi32, #tpu.memory_space<vmem>>)
          tpu.yield
        }) : () -> ()
        %dma_start3A = arith.constant 0 : i32
        %dma_start3A_14 = arith.constant 0 : i32
        %dma_start3A_15 = tpu.memref_slice %arg2[%dma_start3A, %dma_start3A_14] : memref<20000x256xf32, #tpu.memory_space<hbm>> -> memref<20000x256xf32, #tpu.memory_space<hbm>>
        tpu.enqueue_indirect_dma source(%dma_start3A_15 : memref<20000x256xf32, #tpu.memory_space<hbm>>) target(%arg9 : memref<128x256xf32, #tpu.memory_space<vmem>>) offsets(%arg7 : memref<128xi32, #tpu.memory_space<vmem>>) semaphore(%arg11 : memref<!tpu.dma_semaphore, #tpu.memory_space<semaphore_mem>>)
        %dma_start3A_16 = arith.constant 0 : i32
        %dma_start3A_17 = arith.constant 0 : i32
        %dma_start3A_18 = tpu.memref_slice %arg2[%dma_start3A_16, %dma_start3A_17] : memref<20000x256xf32, #tpu.memory_space<hbm>> -> memref<20000x256xf32, #tpu.memory_space<hbm>>
        tpu.enqueue_indirect_dma source(%dma_start3A_18 : memref<20000x256xf32, #tpu.memory_space<hbm>>) target(%arg10 : memref<128x256xf32, #tpu.memory_space<vmem>>) offsets(%arg8 : memref<128xi32, #tpu.memory_space<vmem>>) semaphore(%arg12 : memref<!tpu.dma_semaphore, #tpu.memory_space<semaphore_mem>>)
        %dma_wait3A = arith.constant 0 : i32
        %dma_wait3A_19 = arith.constant 0 : i32
        %dma_wait3A_20 = tpu.memref_slice %arg2[%dma_wait3A, %dma_wait3A_19] : memref<20000x256xf32, #tpu.memory_space<hbm>> -> memref<20000x256xf32, #tpu.memory_space<hbm>>
        tpu.wait_indirect_dma semaphore(%arg11 : memref<!tpu.dma_semaphore, #tpu.memory_space<semaphore_mem>>) src(%dma_wait3A_20 : memref<20000x256xf32, #tpu.memory_space<hbm>>) dst(%arg9 : memref<128x256xf32, #tpu.memory_space<vmem>>)
        %dma_wait3A_21 = arith.constant 0 : i32
        %dma_wait3A_22 = arith.constant 0 : i32
        %dma_wait3A_23 = tpu.memref_slice %arg2[%dma_wait3A_21, %dma_wait3A_22] : memref<20000x256xf32, #tpu.memory_space<hbm>> -> memref<20000x256xf32, #tpu.memory_space<hbm>>
        tpu.wait_indirect_dma semaphore(%arg12 : memref<!tpu.dma_semaphore, #tpu.memory_space<semaphore_mem>>) src(%dma_wait3A_23 : memref<20000x256xf32, #tpu.memory_space<hbm>>) dst(%arg10 : memref<128x256xf32, #tpu.memory_space<vmem>>)
        "tpu.region"() ({
          %run_scoped3A = tpu.sem_alloc : memref<!tpu.dma_semaphore, #tpu.memory_space<semaphore_mem>>
          %dma_start3A_24 = arith.constant 0 : i32
          %dma_start3A_25 = tpu.memref_slice %arg5[%mul3A_13, %dma_start3A_24] : memref<160000x256xf32, #tpu.memory_space<hbm>> -> memref<128x256xf32, #tpu.memory_space<hbm>>
          %dma_start3A_26 = arith.constant 0 : i32
          %dma_start3A_27 = tpu.memref_slice %arg5[%mul3A_13, %dma_start3A_26] : memref<160000x256xf32, #tpu.memory_space<hbm>> -> memref<128x256xf32, #tpu.memory_space<hbm>>
          tpu.enqueue_dma source(%arg9 : memref<128x256xf32, #tpu.memory_space<vmem>>) target(%dma_start3A_27 : memref<128x256xf32, #tpu.memory_space<hbm>>) target_semaphore(%run_scoped3A : memref<!tpu.dma_semaphore, #tpu.memory_space<semaphore_mem>>)
          %dma_wait3A_28 = arith.constant 0 : i32
          %dma_wait3A_29 = tpu.memref_slice %arg5[%mul3A_13, %dma_wait3A_28] : memref<160000x256xf32, #tpu.memory_space<hbm>> -> memref<128x256xf32, #tpu.memory_space<hbm>>
          %dma_wait3A_30 = arith.constant 0 : i32
          %dma_wait3A_31 = tpu.memref_slice %arg5[%mul3A_13, %dma_wait3A_30] : memref<160000x256xf32, #tpu.memory_space<hbm>> -> memref<128x256xf32, #tpu.memory_space<hbm>>
          tpu.wait_dma2 semaphore(%run_scoped3A : memref<!tpu.dma_semaphore, #tpu.memory_space<semaphore_mem>>) src(%arg9 : memref<128x256xf32, #tpu.memory_space<vmem>>) dst(%dma_wait3A_31 : memref<128x256xf32, #tpu.memory_space<hbm>>)
          tpu.yield
        }) : () -> ()
        "tpu.region"() ({
          %run_scoped3A = tpu.sem_alloc : memref<!tpu.dma_semaphore, #tpu.memory_space<semaphore_mem>>
          %dma_start3A_24 = arith.constant 0 : i32
          %dma_start3A_25 = tpu.memref_slice %arg6[%mul3A_13, %dma_start3A_24] : memref<160000x256xf32, #tpu.memory_space<hbm>> -> memref<128x256xf32, #tpu.memory_space<hbm>>
          %dma_start3A_26 = arith.constant 0 : i32
          %dma_start3A_27 = tpu.memref_slice %arg6[%mul3A_13, %dma_start3A_26] : memref<160000x256xf32, #tpu.memory_space<hbm>> -> memref<128x256xf32, #tpu.memory_space<hbm>>
          tpu.enqueue_dma source(%arg10 : memref<128x256xf32, #tpu.memory_space<vmem>>) target(%dma_start3A_27 : memref<128x256xf32, #tpu.memory_space<hbm>>) target_semaphore(%run_scoped3A : memref<!tpu.dma_semaphore, #tpu.memory_space<semaphore_mem>>)
          %dma_wait3A_28 = arith.constant 0 : i32
          %dma_wait3A_29 = tpu.memref_slice %arg6[%mul3A_13, %dma_wait3A_28] : memref<160000x256xf32, #tpu.memory_space<hbm>> -> memref<128x256xf32, #tpu.memory_space<hbm>>
          %dma_wait3A_30 = arith.constant 0 : i32
          %dma_wait3A_31 = tpu.memref_slice %arg6[%mul3A_13, %dma_wait3A_30] : memref<160000x256xf32, #tpu.memory_space<hbm>> -> memref<128x256xf32, #tpu.memory_space<hbm>>
          tpu.wait_dma2 semaphore(%run_scoped3A : memref<!tpu.dma_semaphore, #tpu.memory_space<semaphore_mem>>) src(%arg10 : memref<128x256xf32, #tpu.memory_space<vmem>>) dst(%dma_wait3A_31 : memref<128x256xf32, #tpu.memory_space<hbm>>)
          tpu.yield
        }) : () -> ()
      } else {
      }
    }
    %scan3A_5 = arith.constant 40 : i32
    return
  }
}

#map = affine_map<(d0, d1) -> (0, 0)>
#map1 = affine_map<(d0, d1) -> (0)>
#map2 = affine_map<(d0, d1) -> (0, 0, 0)>
module attributes {stable_mosaic.version = 14 : i64} {
  func.func @k(%arg0: i32, %arg1: i32, %arg2: memref<640000x128xf32, #tpu.memory_space<hbm>>, %arg3: memref<320000xi32, #tpu.memory_space<hbm>>, %arg4: memref<2x320000xi32, #tpu.memory_space<hbm>>, %arg5: memref<640x128xf32, #tpu.memory_space<hbm>>, %arg6: memref<2x10240x128xf32, #tpu.memory_space<hbm>>, %arg7: memref<128xi32, #tpu.memory_space<vmem>>, %arg8: memref<128xi32, #tpu.memory_space<vmem>>, %arg9: memref<128x128xf32, #tpu.memory_space<vmem>>, %arg10: memref<10240x128xf32, #tpu.memory_space<vmem_shared>>, %arg11: memref<!tpu.dma_semaphore, #tpu.memory_space<semaphore_mem>>) attributes {dimension_semantics = [#tpu.dimension_semantics<core_parallel>, #tpu.dimension_semantics<subcore_parallel>], iteration_bounds = array<i64: 2, 16>, scalar_prefetch = 0 : i64, scratch_operands = 5 : i64, tpu.core_type = #tpu.core_type<sc_vector_subcore>, window_params = [{transform_indices = #map}, {transform_indices = #map1}, {transform_indices = #map}, {transform_indices = #map}, {transform_indices = #map2}]} {
    %mul3A = arith.constant 640 : i32
    %mul3A_0 = arith.muli %arg1, %mul3A : i32
    "tpu.region"() ({
      %run_scoped3A = tpu.sem_alloc : memref<!tpu.dma_semaphore, #tpu.memory_space<semaphore_mem>>
      %dma_start3A = arith.constant 0 : i32
      %dma_start3A_11 = tpu.memref_slice %arg10[%mul3A_0, %dma_start3A] : memref<10240x128xf32, #tpu.memory_space<vmem_shared>> -> memref<640x128xf32, #tpu.memory_space<vmem_shared>>
      tpu.enqueue_dma source(%arg5 : memref<640x128xf32, #tpu.memory_space<hbm>>) target(%dma_start3A_11 : memref<640x128xf32, #tpu.memory_space<vmem_shared>>) target_semaphore(%run_scoped3A : memref<!tpu.dma_semaphore, #tpu.memory_space<semaphore_mem>>)
      %dma_wait3A = arith.constant 0 : i32
      %dma_wait3A_12 = tpu.memref_slice %arg10[%mul3A_0, %dma_wait3A] : memref<10240x128xf32, #tpu.memory_space<vmem_shared>> -> memref<640x128xf32, #tpu.memory_space<vmem_shared>>
      tpu.wait_dma2 semaphore(%run_scoped3A : memref<!tpu.dma_semaphore, #tpu.memory_space<semaphore_mem>>) src(%arg5 : memref<640x128xf32, #tpu.memory_space<hbm>>) dst(%dma_wait3A_12 : memref<640x128xf32, #tpu.memory_space<vmem_shared>>)
      tpu.yield
    }) : () -> ()
    %barrier3A = arith.constant 0 : index
    tpu.barrier barrier_id(%barrier3A)
    %scan3A = arith.constant 0 : i32
    %scan3A_1 = arith.constant 0 : i32
    %scan3A_2 = arith.constant 157 : i32
    %scan3A_3 = arith.addi %scan3A_1, %scan3A_2 : i32
    %scan3A_4 = arith.constant 1 : i32
    scf.for %scan3A_11 = %scan3A_1 to %scan3A_3 step %scan3A_4  : i32 {
      %mul3A_12 = arith.constant 16 : i32
      %mul3A_13 = arith.muli %scan3A_11, %mul3A_12 : i32
      %add3A = arith.addi %arg1, %mul3A_13 : i32
      %lt3A = arith.constant 2500 : i32
      %lt3A_14 = arith.cmpi slt, %add3A, %lt3A : i32
      %convert_element_type3A = arith.extui %lt3A_14 : i1 to i32
      %cond3A = arith.constant 0 : i32
      %cond3A_15 = arith.cmpi ne, %convert_element_type3A, %cond3A : i32
      scf.if %cond3A_15 {
        %mul3A_16 = arith.constant 128 : i32
        %mul3A_17 = arith.muli %add3A, %mul3A_16 : i32
        "tpu.region"() ({
          %run_scoped3A = tpu.sem_alloc : memref<!tpu.dma_semaphore, #tpu.memory_space<semaphore_mem>>
          %dma_start3A_22 = tpu.memref_slice %arg3[%mul3A_17] : memref<320000xi32, #tpu.memory_space<hbm>> -> memref<128xi32, #tpu.memory_space<hbm>>
          %dma_start3A_23 = tpu.memref_slice %arg3[%mul3A_17] : memref<320000xi32, #tpu.memory_space<hbm>> -> memref<128xi32, #tpu.memory_space<hbm>>
          tpu.enqueue_dma source(%dma_start3A_23 : memref<128xi32, #tpu.memory_space<hbm>>) target(%arg7 : memref<128xi32, #tpu.memory_space<vmem>>) target_semaphore(%run_scoped3A : memref<!tpu.dma_semaphore, #tpu.memory_space<semaphore_mem>>)
          %dma_wait3A_24 = tpu.memref_slice %arg3[%mul3A_17] : memref<320000xi32, #tpu.memory_space<hbm>> -> memref<128xi32, #tpu.memory_space<hbm>>
          %dma_wait3A_25 = tpu.memref_slice %arg3[%mul3A_17] : memref<320000xi32, #tpu.memory_space<hbm>> -> memref<128xi32, #tpu.memory_space<hbm>>
          tpu.wait_dma2 semaphore(%run_scoped3A : memref<!tpu.dma_semaphore, #tpu.memory_space<semaphore_mem>>) src(%dma_wait3A_25 : memref<128xi32, #tpu.memory_space<hbm>>) dst(%arg7 : memref<128xi32, #tpu.memory_space<vmem>>)
          tpu.yield
        }) : () -> ()
        "tpu.region"() ({
          %run_scoped3A = tpu.sem_alloc : memref<!tpu.dma_semaphore, #tpu.memory_space<semaphore_mem>>
          %dma_start3A_22 = tpu.memref_slice %arg4[%arg0, %mul3A_17] : memref<2x320000xi32, #tpu.memory_space<hbm>> -> memref<1x128xi32, #tpu.memory_space<hbm>>
          %dma_start3A_23 = tpu.memref_squeeze %dma_start3A_22 : memref<1x128xi32, #tpu.memory_space<hbm>> -> memref<128xi32, #tpu.memory_space<hbm>>
          %dma_start3A_24 = tpu.memref_slice %arg4[%arg0, %mul3A_17] : memref<2x320000xi32, #tpu.memory_space<hbm>> -> memref<1x128xi32, #tpu.memory_space<hbm>>
          %dma_start3A_25 = tpu.memref_squeeze %dma_start3A_24 : memref<1x128xi32, #tpu.memory_space<hbm>> -> memref<128xi32, #tpu.memory_space<hbm>>
          tpu.enqueue_dma source(%dma_start3A_25 : memref<128xi32, #tpu.memory_space<hbm>>) target(%arg8 : memref<128xi32, #tpu.memory_space<vmem>>) target_semaphore(%run_scoped3A : memref<!tpu.dma_semaphore, #tpu.memory_space<semaphore_mem>>)
          %dma_wait3A_26 = tpu.memref_slice %arg4[%arg0, %mul3A_17] : memref<2x320000xi32, #tpu.memory_space<hbm>> -> memref<1x128xi32, #tpu.memory_space<hbm>>
          %dma_wait3A_27 = tpu.memref_squeeze %dma_wait3A_26 : memref<1x128xi32, #tpu.memory_space<hbm>> -> memref<128xi32, #tpu.memory_space<hbm>>
          %dma_wait3A_28 = tpu.memref_slice %arg4[%arg0, %mul3A_17] : memref<2x320000xi32, #tpu.memory_space<hbm>> -> memref<1x128xi32, #tpu.memory_space<hbm>>
          %dma_wait3A_29 = tpu.memref_squeeze %dma_wait3A_28 : memref<1x128xi32, #tpu.memory_space<hbm>> -> memref<128xi32, #tpu.memory_space<hbm>>
          tpu.wait_dma2 semaphore(%run_scoped3A : memref<!tpu.dma_semaphore, #tpu.memory_space<semaphore_mem>>) src(%dma_wait3A_29 : memref<128xi32, #tpu.memory_space<hbm>>) dst(%arg8 : memref<128xi32, #tpu.memory_space<vmem>>)
          tpu.yield
        }) : () -> ()
        %dma_start3A = arith.constant 0 : i32
        %dma_start3A_18 = arith.constant 0 : i32
        %dma_start3A_19 = tpu.memref_slice %arg2[%dma_start3A, %dma_start3A_18] : memref<640000x128xf32, #tpu.memory_space<hbm>> -> memref<640000x128xf32, #tpu.memory_space<hbm>>
        tpu.enqueue_indirect_dma source(%dma_start3A_19 : memref<640000x128xf32, #tpu.memory_space<hbm>>) target(%arg9 : memref<128x128xf32, #tpu.memory_space<vmem>>) offsets(%arg8 : memref<128xi32, #tpu.memory_space<vmem>>) semaphore(%arg11 : memref<!tpu.dma_semaphore, #tpu.memory_space<semaphore_mem>>)
        %dma_wait3A = arith.constant 0 : i32
        %dma_wait3A_20 = arith.constant 0 : i32
        %dma_wait3A_21 = tpu.memref_slice %arg2[%dma_wait3A, %dma_wait3A_20] : memref<640000x128xf32, #tpu.memory_space<hbm>> -> memref<640000x128xf32, #tpu.memory_space<hbm>>
        tpu.wait_indirect_dma semaphore(%arg11 : memref<!tpu.dma_semaphore, #tpu.memory_space<semaphore_mem>>) src(%dma_wait3A_21 : memref<640000x128xf32, #tpu.memory_space<hbm>>) dst(%arg9 : memref<128x128xf32, #tpu.memory_space<vmem>>)
        "tpu.region"() ({
          %run_scoped3A = tpu.sem_alloc : memref<!tpu.dma_semaphore, #tpu.memory_space<semaphore_mem>>
          %dma_start3A_22 = arith.constant 0 : i32
          %dma_start3A_23 = arith.constant 0 : i32
          %dma_start3A_24 = tpu.memref_slice %arg10[%dma_start3A_22, %dma_start3A_23] : memref<10240x128xf32, #tpu.memory_space<vmem_shared>> -> memref<10240x128xf32, #tpu.memory_space<vmem_shared>>
          tpu.enqueue_indirect_dma source(%arg9 : memref<128x128xf32, #tpu.memory_space<vmem>>) target(%dma_start3A_24 : memref<10240x128xf32, #tpu.memory_space<vmem_shared>>) offsets(%arg7 : memref<128xi32, #tpu.memory_space<vmem>>) semaphore(%run_scoped3A : memref<!tpu.dma_semaphore, #tpu.memory_space<semaphore_mem>>) {add = true}
          %dma_wait3A_25 = arith.constant 0 : i32
          %dma_wait3A_26 = arith.constant 0 : i32
          %dma_wait3A_27 = tpu.memref_slice %arg10[%dma_wait3A_25, %dma_wait3A_26] : memref<10240x128xf32, #tpu.memory_space<vmem_shared>> -> memref<10240x128xf32, #tpu.memory_space<vmem_shared>>
          tpu.wait_indirect_dma semaphore(%run_scoped3A : memref<!tpu.dma_semaphore, #tpu.memory_space<semaphore_mem>>) src(%arg9 : memref<128x128xf32, #tpu.memory_space<vmem>>) dst(%dma_wait3A_27 : memref<10240x128xf32, #tpu.memory_space<vmem_shared>>)
          tpu.yield
        }) : () -> ()
      } else {
      }
    }
    %scan3A_5 = arith.constant 157 : i32
    %barrier3A_6 = arith.constant 0 : index
    tpu.barrier barrier_id(%barrier3A_6)
    %mul3A_7 = arith.constant 640 : i32
    %mul3A_8 = arith.muli %arg1, %mul3A_7 : i32
    %mul3A_9 = arith.constant 640 : i32
    %mul3A_10 = arith.muli %arg1, %mul3A_9 : i32
    "tpu.region"() ({
      %run_scoped3A = tpu.sem_alloc : memref<!tpu.dma_semaphore, #tpu.memory_space<semaphore_mem>>
      %dma_start3A = arith.constant 0 : i32
      %dma_start3A_11 = tpu.memref_slice %arg6[%arg0, %mul3A_10, %dma_start3A] : memref<2x10240x128xf32, #tpu.memory_space<hbm>> -> memref<1x640x128xf32, #tpu.memory_space<hbm>>
      %dma_start3A_12 = tpu.memref_squeeze %dma_start3A_11 : memref<1x640x128xf32, #tpu.memory_space<hbm>> -> memref<640x128xf32, #tpu.memory_space<hbm>>
      %dma_start3A_13 = arith.constant 0 : i32
      %dma_start3A_14 = tpu.memref_slice %arg10[%mul3A_8, %dma_start3A_13] : memref<10240x128xf32, #tpu.memory_space<vmem_shared>> -> memref<640x128xf32, #tpu.memory_space<vmem_shared>>
      tpu.enqueue_dma source(%dma_start3A_14 : memref<640x128xf32, #tpu.memory_space<vmem_shared>>) target(%dma_start3A_12 : memref<640x128xf32, #tpu.memory_space<hbm>>) target_semaphore(%run_scoped3A : memref<!tpu.dma_semaphore, #tpu.memory_space<semaphore_mem>>)
      %dma_wait3A = arith.constant 0 : i32
      %dma_wait3A_15 = tpu.memref_slice %arg6[%arg0, %mul3A_10, %dma_wait3A] : memref<2x10240x128xf32, #tpu.memory_space<hbm>> -> memref<1x640x128xf32, #tpu.memory_space<hbm>>
      %dma_wait3A_16 = tpu.memref_squeeze %dma_wait3A_15 : memref<1x640x128xf32, #tpu.memory_space<hbm>> -> memref<640x128xf32, #tpu.memory_space<hbm>>
      %dma_wait3A_17 = arith.constant 0 : i32
      %dma_wait3A_18 = tpu.memref_slice %arg10[%mul3A_8, %dma_wait3A_17] : memref<10240x128xf32, #tpu.memory_space<vmem_shared>> -> memref<640x128xf32, #tpu.memory_space<vmem_shared>>
      tpu.wait_dma2 semaphore(%run_scoped3A : memref<!tpu.dma_semaphore, #tpu.memory_space<semaphore_mem>>) src(%dma_wait3A_18 : memref<640x128xf32, #tpu.memory_space<vmem_shared>>) dst(%dma_wait3A_16 : memref<640x128xf32, #tpu.memory_space<hbm>>)
      tpu.yield
    }) : () -> ()
    return
  }
}

#map = affine_map<(d0, d1) -> (0, 0)>
#map1 = affine_map<(d0, d1) -> (0)>
module attributes {stable_mosaic.version = 14 : i64} {
  func.func @k(%arg0: i32, %arg1: i32, %arg2: memref<20000x256xf32, #tpu.memory_space<hbm>>, %arg3: memref<160000xi32, #tpu.memory_space<hbm>>, %arg4: memref<160000xi32, #tpu.memory_space<hbm>>, %arg5: memref<160000x256xf32, #tpu.memory_space<hbm>>, %arg6: memref<160000x256xf32, #tpu.memory_space<hbm>>, %arg7: memref<128xi32, #tpu.memory_space<vmem>>, %arg8: memref<128xi32, #tpu.memory_space<vmem>>, %arg9: memref<128x256xf32, #tpu.memory_space<vmem>>, %arg10: memref<128x256xf32, #tpu.memory_space<vmem>>, %arg11: memref<!tpu.dma_semaphore, #tpu.memory_space<semaphore_mem>>, %arg12: memref<!tpu.dma_semaphore, #tpu.memory_space<semaphore_mem>>) attributes {dimension_semantics = [#tpu.dimension_semantics<core_parallel>, #tpu.dimension_semantics<subcore_parallel>], iteration_bounds = array<i64: 2, 16>, scalar_prefetch = 0 : i64, scratch_operands = 6 : i64, tpu.core_type = #tpu.core_type<sc_vector_subcore>, window_params = [{transform_indices = #map}, {transform_indices = #map1}, {transform_indices = #map1}, {transform_indices = #map}, {transform_indices = #map}]} {
    %mul3A = arith.constant 2 : i32
    %mul3A_0 = arith.muli %arg1, %mul3A : i32
    %add3A = arith.addi %mul3A_0, %arg0 : i32
    %scan3A = arith.constant 0 : i32
    %scan3A_1 = arith.constant 0 : i32
    %scan3A_2 = arith.constant 40 : i32
    %scan3A_3 = arith.addi %scan3A_1, %scan3A_2 : i32
    %scan3A_4 = arith.constant 1 : i32
    scf.for %scan3A_6 = %scan3A_1 to %scan3A_3 step %scan3A_4  : i32 {
      %mul3A_7 = arith.constant 32 : i32
      %mul3A_8 = arith.muli %scan3A_6, %mul3A_7 : i32
      %add3A_9 = arith.addi %add3A, %mul3A_8 : i32
      %lt3A = arith.constant 1250 : i32
      %lt3A_10 = arith.cmpi slt, %add3A_9, %lt3A : i32
      %convert_element_type3A = arith.extui %lt3A_10 : i1 to i32
      %cond3A = arith.constant 0 : i32
      %cond3A_11 = arith.cmpi ne, %convert_element_type3A, %cond3A : i32
      scf.if %cond3A_11 {
        %mul3A_12 = arith.constant 128 : i32
        %mul3A_13 = arith.muli %add3A_9, %mul3A_12 : i32
        "tpu.region"() ({
          %run_scoped3A = tpu.sem_alloc : memref<!tpu.dma_semaphore, #tpu.memory_space<semaphore_mem>>
          %dma_start3A_24 = tpu.memref_slice %arg3[%mul3A_13] : memref<160000xi32, #tpu.memory_space<hbm>> -> memref<128xi32, #tpu.memory_space<hbm>>
          %dma_start3A_25 = tpu.memref_slice %arg3[%mul3A_13] : memref<160000xi32, #tpu.memory_space<hbm>> -> memref<128xi32, #tpu.memory_space<hbm>>
          tpu.enqueue_dma source(%dma_start3A_25 : memref<128xi32, #tpu.memory_space<hbm>>) target(%arg7 : memref<128xi32, #tpu.memory_space<vmem>>) target_semaphore(%run_scoped3A : memref<!tpu.dma_semaphore, #tpu.memory_space<semaphore_mem>>)
          %dma_wait3A_26 = tpu.memref_slice %arg3[%mul3A_13] : memref<160000xi32, #tpu.memory_space<hbm>> -> memref<128xi32, #tpu.memory_space<hbm>>
          %dma_wait3A_27 = tpu.memref_slice %arg3[%mul3A_13] : memref<160000xi32, #tpu.memory_space<hbm>> -> memref<128xi32, #tpu.memory_space<hbm>>
          tpu.wait_dma2 semaphore(%run_scoped3A : memref<!tpu.dma_semaphore, #tpu.memory_space<semaphore_mem>>) src(%dma_wait3A_27 : memref<128xi32, #tpu.memory_space<hbm>>) dst(%arg7 : memref<128xi32, #tpu.memory_space<vmem>>)
          tpu.yield
        }) : () -> ()
        "tpu.region"() ({
          %run_scoped3A = tpu.sem_alloc : memref<!tpu.dma_semaphore, #tpu.memory_space<semaphore_mem>>
          %dma_start3A_24 = tpu.memref_slice %arg4[%mul3A_13] : memref<160000xi32, #tpu.memory_space<hbm>> -> memref<128xi32, #tpu.memory_space<hbm>>
          %dma_start3A_25 = tpu.memref_slice %arg4[%mul3A_13] : memref<160000xi32, #tpu.memory_space<hbm>> -> memref<128xi32, #tpu.memory_space<hbm>>
          tpu.enqueue_dma source(%dma_start3A_25 : memref<128xi32, #tpu.memory_space<hbm>>) target(%arg8 : memref<128xi32, #tpu.memory_space<vmem>>) target_semaphore(%run_scoped3A : memref<!tpu.dma_semaphore, #tpu.memory_space<semaphore_mem>>)
          %dma_wait3A_26 = tpu.memref_slice %arg4[%mul3A_13] : memref<160000xi32, #tpu.memory_space<hbm>> -> memref<128xi32, #tpu.memory_space<hbm>>
          %dma_wait3A_27 = tpu.memref_slice %arg4[%mul3A_13] : memref<160000xi32, #tpu.memory_space<hbm>> -> memref<128xi32, #tpu.memory_space<hbm>>
          tpu.wait_dma2 semaphore(%run_scoped3A : memref<!tpu.dma_semaphore, #tpu.memory_space<semaphore_mem>>) src(%dma_wait3A_27 : memref<128xi32, #tpu.memory_space<hbm>>) dst(%arg8 : memref<128xi32, #tpu.memory_space<vmem>>)
          tpu.yield
        }) : () -> ()
        %dma_start3A = arith.constant 0 : i32
        %dma_start3A_14 = arith.constant 0 : i32
        %dma_start3A_15 = tpu.memref_slice %arg2[%dma_start3A, %dma_start3A_14] : memref<20000x256xf32, #tpu.memory_space<hbm>> -> memref<20000x256xf32, #tpu.memory_space<hbm>>
        tpu.enqueue_indirect_dma source(%dma_start3A_15 : memref<20000x256xf32, #tpu.memory_space<hbm>>) target(%arg9 : memref<128x256xf32, #tpu.memory_space<vmem>>) offsets(%arg7 : memref<128xi32, #tpu.memory_space<vmem>>) semaphore(%arg11 : memref<!tpu.dma_semaphore, #tpu.memory_space<semaphore_mem>>)
        %dma_start3A_16 = arith.constant 0 : i32
        %dma_start3A_17 = arith.constant 0 : i32
        %dma_start3A_18 = tpu.memref_slice %arg2[%dma_start3A_16, %dma_start3A_17] : memref<20000x256xf32, #tpu.memory_space<hbm>> -> memref<20000x256xf32, #tpu.memory_space<hbm>>
        tpu.enqueue_indirect_dma source(%dma_start3A_18 : memref<20000x256xf32, #tpu.memory_space<hbm>>) target(%arg10 : memref<128x256xf32, #tpu.memory_space<vmem>>) offsets(%arg8 : memref<128xi32, #tpu.memory_space<vmem>>) semaphore(%arg12 : memref<!tpu.dma_semaphore, #tpu.memory_space<semaphore_mem>>)
        %dma_wait3A = arith.constant 0 : i32
        %dma_wait3A_19 = arith.constant 0 : i32
        %dma_wait3A_20 = tpu.memref_slice %arg2[%dma_wait3A, %dma_wait3A_19] : memref<20000x256xf32, #tpu.memory_space<hbm>> -> memref<20000x256xf32, #tpu.memory_space<hbm>>
        tpu.wait_indirect_dma semaphore(%arg11 : memref<!tpu.dma_semaphore, #tpu.memory_space<semaphore_mem>>) src(%dma_wait3A_20 : memref<20000x256xf32, #tpu.memory_space<hbm>>) dst(%arg9 : memref<128x256xf32, #tpu.memory_space<vmem>>)
        %dma_wait3A_21 = arith.constant 0 : i32
        %dma_wait3A_22 = arith.constant 0 : i32
        %dma_wait3A_23 = tpu.memref_slice %arg2[%dma_wait3A_21, %dma_wait3A_22] : memref<20000x256xf32, #tpu.memory_space<hbm>> -> memref<20000x256xf32, #tpu.memory_space<hbm>>
        tpu.wait_indirect_dma semaphore(%arg12 : memref<!tpu.dma_semaphore, #tpu.memory_space<semaphore_mem>>) src(%dma_wait3A_23 : memref<20000x256xf32, #tpu.memory_space<hbm>>) dst(%arg10 : memref<128x256xf32, #tpu.memory_space<vmem>>)
        "tpu.region"() ({
          %run_scoped3A = tpu.sem_alloc : memref<!tpu.dma_semaphore, #tpu.memory_space<semaphore_mem>>
          %dma_start3A_24 = arith.constant 0 : i32
          %dma_start3A_25 = tpu.memref_slice %arg5[%mul3A_13, %dma_start3A_24] : memref<160000x256xf32, #tpu.memory_space<hbm>> -> memref<128x256xf32, #tpu.memory_space<hbm>>
          %dma_start3A_26 = arith.constant 0 : i32
          %dma_start3A_27 = tpu.memref_slice %arg5[%mul3A_13, %dma_start3A_26] : memref<160000x256xf32, #tpu.memory_space<hbm>> -> memref<128x256xf32, #tpu.memory_space<hbm>>
          tpu.enqueue_dma source(%arg9 : memref<128x256xf32, #tpu.memory_space<vmem>>) target(%dma_start3A_27 : memref<128x256xf32, #tpu.memory_space<hbm>>) target_semaphore(%run_scoped3A : memref<!tpu.dma_semaphore, #tpu.memory_space<semaphore_mem>>)
          %dma_wait3A_28 = arith.constant 0 : i32
          %dma_wait3A_29 = tpu.memref_slice %arg5[%mul3A_13, %dma_wait3A_28] : memref<160000x256xf32, #tpu.memory_space<hbm>> -> memref<128x256xf32, #tpu.memory_space<hbm>>
          %dma_wait3A_30 = arith.constant 0 : i32
          %dma_wait3A_31 = tpu.memref_slice %arg5[%mul3A_13, %dma_wait3A_30] : memref<160000x256xf32, #tpu.memory_space<hbm>> -> memref<128x256xf32, #tpu.memory_space<hbm>>
          tpu.wait_dma2 semaphore(%run_scoped3A : memref<!tpu.dma_semaphore, #tpu.memory_space<semaphore_mem>>) src(%arg9 : memref<128x256xf32, #tpu.memory_space<vmem>>) dst(%dma_wait3A_31 : memref<128x256xf32, #tpu.memory_space<hbm>>)
          tpu.yield
        }) : () -> ()
        "tpu.region"() ({
          %run_scoped3A = tpu.sem_alloc : memref<!tpu.dma_semaphore, #tpu.memory_space<semaphore_mem>>
          %dma_start3A_24 = arith.constant 0 : i32
          %dma_start3A_25 = tpu.memref_slice %arg6[%mul3A_13, %dma_start3A_24] : memref<160000x256xf32, #tpu.memory_space<hbm>> -> memref<128x256xf32, #tpu.memory_space<hbm>>
          %dma_start3A_26 = arith.constant 0 : i32
          %dma_start3A_27 = tpu.memref_slice %arg6[%mul3A_13, %dma_start3A_26] : memref<160000x256xf32, #tpu.memory_space<hbm>> -> memref<128x256xf32, #tpu.memory_space<hbm>>
          tpu.enqueue_dma source(%arg10 : memref<128x256xf32, #tpu.memory_space<vmem>>) target(%dma_start3A_27 : memref<128x256xf32, #tpu.memory_space<hbm>>) target_semaphore(%run_scoped3A : memref<!tpu.dma_semaphore, #tpu.memory_space<semaphore_mem>>)
          %dma_wait3A_28 = arith.constant 0 : i32
          %dma_wait3A_29 = tpu.memref_slice %arg6[%mul3A_13, %dma_wait3A_28] : memref<160000x256xf32, #tpu.memory_space<hbm>> -> memref<128x256xf32, #tpu.memory_space<hbm>>
          %dma_wait3A_30 = arith.constant 0 : i32
          %dma_wait3A_31 = tpu.memref_slice %arg6[%mul3A_13, %dma_wait3A_30] : memref<160000x256xf32, #tpu.memory_space<hbm>> -> memref<128x256xf32, #tpu.memory_space<hbm>>
          tpu.wait_dma2 semaphore(%run_scoped3A : memref<!tpu.dma_semaphore, #tpu.memory_space<semaphore_mem>>) src(%arg10 : memref<128x256xf32, #tpu.memory_space<vmem>>) dst(%dma_wait3A_31 : memref<128x256xf32, #tpu.memory_space<hbm>>)
          tpu.yield
        }) : () -> ()
      } else {
      }
    }
    %scan3A_5 = arith.constant 40 : i32
    return
  }
}

#map = affine_map<(d0, d1) -> (0, 0)>
#map1 = affine_map<(d0, d1) -> (0)>
module attributes {stable_mosaic.version = 14 : i64} {
  func.func @k(%arg0: i32, %arg1: i32, %arg2: memref<20000x256xf32, #tpu.memory_space<hbm>>, %arg3: memref<160000xi32, #tpu.memory_space<hbm>>, %arg4: memref<160000xi32, #tpu.memory_space<hbm>>, %arg5: memref<160000x256xf32, #tpu.memory_space<hbm>>, %arg6: memref<160000x256xf32, #tpu.memory_space<hbm>>, %arg7: memref<128xi32, #tpu.memory_space<vmem>>, %arg8: memref<128xi32, #tpu.memory_space<vmem>>, %arg9: memref<128x256xf32, #tpu.memory_space<vmem>>, %arg10: memref<128x256xf32, #tpu.memory_space<vmem>>, %arg11: memref<!tpu.dma_semaphore, #tpu.memory_space<semaphore_mem>>, %arg12: memref<!tpu.dma_semaphore, #tpu.memory_space<semaphore_mem>>) attributes {dimension_semantics = [#tpu.dimension_semantics<core_parallel>, #tpu.dimension_semantics<subcore_parallel>], iteration_bounds = array<i64: 2, 16>, scalar_prefetch = 0 : i64, scratch_operands = 6 : i64, tpu.core_type = #tpu.core_type<sc_vector_subcore>, window_params = [{transform_indices = #map}, {transform_indices = #map1}, {transform_indices = #map1}, {transform_indices = #map}, {transform_indices = #map}]} {
    %mul3A = arith.constant 2 : i32
    %mul3A_0 = arith.muli %arg1, %mul3A : i32
    %add3A = arith.addi %mul3A_0, %arg0 : i32
    %scan3A = arith.constant 0 : i32
    %scan3A_1 = arith.constant 0 : i32
    %scan3A_2 = arith.constant 40 : i32
    %scan3A_3 = arith.addi %scan3A_1, %scan3A_2 : i32
    %scan3A_4 = arith.constant 1 : i32
    scf.for %scan3A_6 = %scan3A_1 to %scan3A_3 step %scan3A_4  : i32 {
      %mul3A_7 = arith.constant 32 : i32
      %mul3A_8 = arith.muli %scan3A_6, %mul3A_7 : i32
      %add3A_9 = arith.addi %add3A, %mul3A_8 : i32
      %lt3A = arith.constant 1250 : i32
      %lt3A_10 = arith.cmpi slt, %add3A_9, %lt3A : i32
      %convert_element_type3A = arith.extui %lt3A_10 : i1 to i32
      %cond3A = arith.constant 0 : i32
      %cond3A_11 = arith.cmpi ne, %convert_element_type3A, %cond3A : i32
      scf.if %cond3A_11 {
        %mul3A_12 = arith.constant 128 : i32
        %mul3A_13 = arith.muli %add3A_9, %mul3A_12 : i32
        "tpu.region"() ({
          %run_scoped3A = tpu.sem_alloc : memref<!tpu.dma_semaphore, #tpu.memory_space<semaphore_mem>>
          %dma_start3A_24 = tpu.memref_slice %arg3[%mul3A_13] : memref<160000xi32, #tpu.memory_space<hbm>> -> memref<128xi32, #tpu.memory_space<hbm>>
          %dma_start3A_25 = tpu.memref_slice %arg3[%mul3A_13] : memref<160000xi32, #tpu.memory_space<hbm>> -> memref<128xi32, #tpu.memory_space<hbm>>
          tpu.enqueue_dma source(%dma_start3A_25 : memref<128xi32, #tpu.memory_space<hbm>>) target(%arg7 : memref<128xi32, #tpu.memory_space<vmem>>) target_semaphore(%run_scoped3A : memref<!tpu.dma_semaphore, #tpu.memory_space<semaphore_mem>>)
          %dma_wait3A_26 = tpu.memref_slice %arg3[%mul3A_13] : memref<160000xi32, #tpu.memory_space<hbm>> -> memref<128xi32, #tpu.memory_space<hbm>>
          %dma_wait3A_27 = tpu.memref_slice %arg3[%mul3A_13] : memref<160000xi32, #tpu.memory_space<hbm>> -> memref<128xi32, #tpu.memory_space<hbm>>
          tpu.wait_dma2 semaphore(%run_scoped3A : memref<!tpu.dma_semaphore, #tpu.memory_space<semaphore_mem>>) src(%dma_wait3A_27 : memref<128xi32, #tpu.memory_space<hbm>>) dst(%arg7 : memref<128xi32, #tpu.memory_space<vmem>>)
          tpu.yield
        }) : () -> ()
        "tpu.region"() ({
          %run_scoped3A = tpu.sem_alloc : memref<!tpu.dma_semaphore, #tpu.memory_space<semaphore_mem>>
          %dma_start3A_24 = tpu.memref_slice %arg4[%mul3A_13] : memref<160000xi32, #tpu.memory_space<hbm>> -> memref<128xi32, #tpu.memory_space<hbm>>
          %dma_start3A_25 = tpu.memref_slice %arg4[%mul3A_13] : memref<160000xi32, #tpu.memory_space<hbm>> -> memref<128xi32, #tpu.memory_space<hbm>>
          tpu.enqueue_dma source(%dma_start3A_25 : memref<128xi32, #tpu.memory_space<hbm>>) target(%arg8 : memref<128xi32, #tpu.memory_space<vmem>>) target_semaphore(%run_scoped3A : memref<!tpu.dma_semaphore, #tpu.memory_space<semaphore_mem>>)
          %dma_wait3A_26 = tpu.memref_slice %arg4[%mul3A_13] : memref<160000xi32, #tpu.memory_space<hbm>> -> memref<128xi32, #tpu.memory_space<hbm>>
          %dma_wait3A_27 = tpu.memref_slice %arg4[%mul3A_13] : memref<160000xi32, #tpu.memory_space<hbm>> -> memref<128xi32, #tpu.memory_space<hbm>>
          tpu.wait_dma2 semaphore(%run_scoped3A : memref<!tpu.dma_semaphore, #tpu.memory_space<semaphore_mem>>) src(%dma_wait3A_27 : memref<128xi32, #tpu.memory_space<hbm>>) dst(%arg8 : memref<128xi32, #tpu.memory_space<vmem>>)
          tpu.yield
        }) : () -> ()
        %dma_start3A = arith.constant 0 : i32
        %dma_start3A_14 = arith.constant 0 : i32
        %dma_start3A_15 = tpu.memref_slice %arg2[%dma_start3A, %dma_start3A_14] : memref<20000x256xf32, #tpu.memory_space<hbm>> -> memref<20000x256xf32, #tpu.memory_space<hbm>>
        tpu.enqueue_indirect_dma source(%dma_start3A_15 : memref<20000x256xf32, #tpu.memory_space<hbm>>) target(%arg9 : memref<128x256xf32, #tpu.memory_space<vmem>>) offsets(%arg7 : memref<128xi32, #tpu.memory_space<vmem>>) semaphore(%arg11 : memref<!tpu.dma_semaphore, #tpu.memory_space<semaphore_mem>>)
        %dma_start3A_16 = arith.constant 0 : i32
        %dma_start3A_17 = arith.constant 0 : i32
        %dma_start3A_18 = tpu.memref_slice %arg2[%dma_start3A_16, %dma_start3A_17] : memref<20000x256xf32, #tpu.memory_space<hbm>> -> memref<20000x256xf32, #tpu.memory_space<hbm>>
        tpu.enqueue_indirect_dma source(%dma_start3A_18 : memref<20000x256xf32, #tpu.memory_space<hbm>>) target(%arg10 : memref<128x256xf32, #tpu.memory_space<vmem>>) offsets(%arg8 : memref<128xi32, #tpu.memory_space<vmem>>) semaphore(%arg12 : memref<!tpu.dma_semaphore, #tpu.memory_space<semaphore_mem>>)
        %dma_wait3A = arith.constant 0 : i32
        %dma_wait3A_19 = arith.constant 0 : i32
        %dma_wait3A_20 = tpu.memref_slice %arg2[%dma_wait3A, %dma_wait3A_19] : memref<20000x256xf32, #tpu.memory_space<hbm>> -> memref<20000x256xf32, #tpu.memory_space<hbm>>
        tpu.wait_indirect_dma semaphore(%arg11 : memref<!tpu.dma_semaphore, #tpu.memory_space<semaphore_mem>>) src(%dma_wait3A_20 : memref<20000x256xf32, #tpu.memory_space<hbm>>) dst(%arg9 : memref<128x256xf32, #tpu.memory_space<vmem>>)
        %dma_wait3A_21 = arith.constant 0 : i32
        %dma_wait3A_22 = arith.constant 0 : i32
        %dma_wait3A_23 = tpu.memref_slice %arg2[%dma_wait3A_21, %dma_wait3A_22] : memref<20000x256xf32, #tpu.memory_space<hbm>> -> memref<20000x256xf32, #tpu.memory_space<hbm>>
        tpu.wait_indirect_dma semaphore(%arg12 : memref<!tpu.dma_semaphore, #tpu.memory_space<semaphore_mem>>) src(%dma_wait3A_23 : memref<20000x256xf32, #tpu.memory_space<hbm>>) dst(%arg10 : memref<128x256xf32, #tpu.memory_space<vmem>>)
        "tpu.region"() ({
          %run_scoped3A = tpu.sem_alloc : memref<!tpu.dma_semaphore, #tpu.memory_space<semaphore_mem>>
          %dma_start3A_24 = arith.constant 0 : i32
          %dma_start3A_25 = tpu.memref_slice %arg5[%mul3A_13, %dma_start3A_24] : memref<160000x256xf32, #tpu.memory_space<hbm>> -> memref<128x256xf32, #tpu.memory_space<hbm>>
          %dma_start3A_26 = arith.constant 0 : i32
          %dma_start3A_27 = tpu.memref_slice %arg5[%mul3A_13, %dma_start3A_26] : memref<160000x256xf32, #tpu.memory_space<hbm>> -> memref<128x256xf32, #tpu.memory_space<hbm>>
          tpu.enqueue_dma source(%arg9 : memref<128x256xf32, #tpu.memory_space<vmem>>) target(%dma_start3A_27 : memref<128x256xf32, #tpu.memory_space<hbm>>) target_semaphore(%run_scoped3A : memref<!tpu.dma_semaphore, #tpu.memory_space<semaphore_mem>>)
          %dma_wait3A_28 = arith.constant 0 : i32
          %dma_wait3A_29 = tpu.memref_slice %arg5[%mul3A_13, %dma_wait3A_28] : memref<160000x256xf32, #tpu.memory_space<hbm>> -> memref<128x256xf32, #tpu.memory_space<hbm>>
          %dma_wait3A_30 = arith.constant 0 : i32
          %dma_wait3A_31 = tpu.memref_slice %arg5[%mul3A_13, %dma_wait3A_30] : memref<160000x256xf32, #tpu.memory_space<hbm>> -> memref<128x256xf32, #tpu.memory_space<hbm>>
          tpu.wait_dma2 semaphore(%run_scoped3A : memref<!tpu.dma_semaphore, #tpu.memory_space<semaphore_mem>>) src(%arg9 : memref<128x256xf32, #tpu.memory_space<vmem>>) dst(%dma_wait3A_31 : memref<128x256xf32, #tpu.memory_space<hbm>>)
          tpu.yield
        }) : () -> ()
        "tpu.region"() ({
          %run_scoped3A = tpu.sem_alloc : memref<!tpu.dma_semaphore, #tpu.memory_space<semaphore_mem>>
          %dma_start3A_24 = arith.constant 0 : i32
          %dma_start3A_25 = tpu.memref_slice %arg6[%mul3A_13, %dma_start3A_24] : memref<160000x256xf32, #tpu.memory_space<hbm>> -> memref<128x256xf32, #tpu.memory_space<hbm>>
          %dma_start3A_26 = arith.constant 0 : i32
          %dma_start3A_27 = tpu.memref_slice %arg6[%mul3A_13, %dma_start3A_26] : memref<160000x256xf32, #tpu.memory_space<hbm>> -> memref<128x256xf32, #tpu.memory_space<hbm>>
          tpu.enqueue_dma source(%arg10 : memref<128x256xf32, #tpu.memory_space<vmem>>) target(%dma_start3A_27 : memref<128x256xf32, #tpu.memory_space<hbm>>) target_semaphore(%run_scoped3A : memref<!tpu.dma_semaphore, #tpu.memory_space<semaphore_mem>>)
          %dma_wait3A_28 = arith.constant 0 : i32
          %dma_wait3A_29 = tpu.memref_slice %arg6[%mul3A_13, %dma_wait3A_28] : memref<160000x256xf32, #tpu.memory_space<hbm>> -> memref<128x256xf32, #tpu.memory_space<hbm>>
          %dma_wait3A_30 = arith.constant 0 : i32
          %dma_wait3A_31 = tpu.memref_slice %arg6[%mul3A_13, %dma_wait3A_30] : memref<160000x256xf32, #tpu.memory_space<hbm>> -> memref<128x256xf32, #tpu.memory_space<hbm>>
          tpu.wait_dma2 semaphore(%run_scoped3A : memref<!tpu.dma_semaphore, #tpu.memory_space<semaphore_mem>>) src(%arg10 : memref<128x256xf32, #tpu.memory_space<vmem>>) dst(%dma_wait3A_31 : memref<128x256xf32, #tpu.memory_space<hbm>>)
          tpu.yield
        }) : () -> ()
      } else {
      }
    }
    %scan3A_5 = arith.constant 40 : i32
    return
  }
}

#map = affine_map<(d0, d1) -> (0, 0)>
#map1 = affine_map<(d0, d1) -> (0)>
#map2 = affine_map<(d0, d1) -> (0, 0, 0)>
module attributes {stable_mosaic.version = 14 : i64} {
  func.func @k(%arg0: i32, %arg1: i32, %arg2: memref<640000x128xf32, #tpu.memory_space<hbm>>, %arg3: memref<320000xi32, #tpu.memory_space<hbm>>, %arg4: memref<2x320000xi32, #tpu.memory_space<hbm>>, %arg5: memref<640x128xf32, #tpu.memory_space<hbm>>, %arg6: memref<2x10240x128xf32, #tpu.memory_space<hbm>>, %arg7: memref<128xi32, #tpu.memory_space<vmem>>, %arg8: memref<128xi32, #tpu.memory_space<vmem>>, %arg9: memref<128x128xf32, #tpu.memory_space<vmem>>, %arg10: memref<10240x128xf32, #tpu.memory_space<vmem_shared>>, %arg11: memref<!tpu.dma_semaphore, #tpu.memory_space<semaphore_mem>>) attributes {dimension_semantics = [#tpu.dimension_semantics<core_parallel>, #tpu.dimension_semantics<subcore_parallel>], iteration_bounds = array<i64: 2, 16>, scalar_prefetch = 0 : i64, scratch_operands = 5 : i64, tpu.core_type = #tpu.core_type<sc_vector_subcore>, window_params = [{transform_indices = #map}, {transform_indices = #map1}, {transform_indices = #map}, {transform_indices = #map}, {transform_indices = #map2}]} {
    %mul3A = arith.constant 640 : i32
    %mul3A_0 = arith.muli %arg1, %mul3A : i32
    "tpu.region"() ({
      %run_scoped3A = tpu.sem_alloc : memref<!tpu.dma_semaphore, #tpu.memory_space<semaphore_mem>>
      %dma_start3A = arith.constant 0 : i32
      %dma_start3A_11 = tpu.memref_slice %arg10[%mul3A_0, %dma_start3A] : memref<10240x128xf32, #tpu.memory_space<vmem_shared>> -> memref<640x128xf32, #tpu.memory_space<vmem_shared>>
      tpu.enqueue_dma source(%arg5 : memref<640x128xf32, #tpu.memory_space<hbm>>) target(%dma_start3A_11 : memref<640x128xf32, #tpu.memory_space<vmem_shared>>) target_semaphore(%run_scoped3A : memref<!tpu.dma_semaphore, #tpu.memory_space<semaphore_mem>>)
      %dma_wait3A = arith.constant 0 : i32
      %dma_wait3A_12 = tpu.memref_slice %arg10[%mul3A_0, %dma_wait3A] : memref<10240x128xf32, #tpu.memory_space<vmem_shared>> -> memref<640x128xf32, #tpu.memory_space<vmem_shared>>
      tpu.wait_dma2 semaphore(%run_scoped3A : memref<!tpu.dma_semaphore, #tpu.memory_space<semaphore_mem>>) src(%arg5 : memref<640x128xf32, #tpu.memory_space<hbm>>) dst(%dma_wait3A_12 : memref<640x128xf32, #tpu.memory_space<vmem_shared>>)
      tpu.yield
    }) : () -> ()
    %barrier3A = arith.constant 0 : index
    tpu.barrier barrier_id(%barrier3A)
    %scan3A = arith.constant 0 : i32
    %scan3A_1 = arith.constant 0 : i32
    %scan3A_2 = arith.constant 157 : i32
    %scan3A_3 = arith.addi %scan3A_1, %scan3A_2 : i32
    %scan3A_4 = arith.constant 1 : i32
    scf.for %scan3A_11 = %scan3A_1 to %scan3A_3 step %scan3A_4  : i32 {
      %mul3A_12 = arith.constant 16 : i32
      %mul3A_13 = arith.muli %scan3A_11, %mul3A_12 : i32
      %add3A = arith.addi %arg1, %mul3A_13 : i32
      %lt3A = arith.constant 2500 : i32
      %lt3A_14 = arith.cmpi slt, %add3A, %lt3A : i32
      %convert_element_type3A = arith.extui %lt3A_14 : i1 to i32
      %cond3A = arith.constant 0 : i32
      %cond3A_15 = arith.cmpi ne, %convert_element_type3A, %cond3A : i32
      scf.if %cond3A_15 {
        %mul3A_16 = arith.constant 128 : i32
        %mul3A_17 = arith.muli %add3A, %mul3A_16 : i32
        "tpu.region"() ({
          %run_scoped3A = tpu.sem_alloc : memref<!tpu.dma_semaphore, #tpu.memory_space<semaphore_mem>>
          %dma_start3A_22 = tpu.memref_slice %arg3[%mul3A_17] : memref<320000xi32, #tpu.memory_space<hbm>> -> memref<128xi32, #tpu.memory_space<hbm>>
          %dma_start3A_23 = tpu.memref_slice %arg3[%mul3A_17] : memref<320000xi32, #tpu.memory_space<hbm>> -> memref<128xi32, #tpu.memory_space<hbm>>
          tpu.enqueue_dma source(%dma_start3A_23 : memref<128xi32, #tpu.memory_space<hbm>>) target(%arg7 : memref<128xi32, #tpu.memory_space<vmem>>) target_semaphore(%run_scoped3A : memref<!tpu.dma_semaphore, #tpu.memory_space<semaphore_mem>>)
          %dma_wait3A_24 = tpu.memref_slice %arg3[%mul3A_17] : memref<320000xi32, #tpu.memory_space<hbm>> -> memref<128xi32, #tpu.memory_space<hbm>>
          %dma_wait3A_25 = tpu.memref_slice %arg3[%mul3A_17] : memref<320000xi32, #tpu.memory_space<hbm>> -> memref<128xi32, #tpu.memory_space<hbm>>
          tpu.wait_dma2 semaphore(%run_scoped3A : memref<!tpu.dma_semaphore, #tpu.memory_space<semaphore_mem>>) src(%dma_wait3A_25 : memref<128xi32, #tpu.memory_space<hbm>>) dst(%arg7 : memref<128xi32, #tpu.memory_space<vmem>>)
          tpu.yield
        }) : () -> ()
        "tpu.region"() ({
          %run_scoped3A = tpu.sem_alloc : memref<!tpu.dma_semaphore, #tpu.memory_space<semaphore_mem>>
          %dma_start3A_22 = tpu.memref_slice %arg4[%arg0, %mul3A_17] : memref<2x320000xi32, #tpu.memory_space<hbm>> -> memref<1x128xi32, #tpu.memory_space<hbm>>
          %dma_start3A_23 = tpu.memref_squeeze %dma_start3A_22 : memref<1x128xi32, #tpu.memory_space<hbm>> -> memref<128xi32, #tpu.memory_space<hbm>>
          %dma_start3A_24 = tpu.memref_slice %arg4[%arg0, %mul3A_17] : memref<2x320000xi32, #tpu.memory_space<hbm>> -> memref<1x128xi32, #tpu.memory_space<hbm>>
          %dma_start3A_25 = tpu.memref_squeeze %dma_start3A_24 : memref<1x128xi32, #tpu.memory_space<hbm>> -> memref<128xi32, #tpu.memory_space<hbm>>
          tpu.enqueue_dma source(%dma_start3A_25 : memref<128xi32, #tpu.memory_space<hbm>>) target(%arg8 : memref<128xi32, #tpu.memory_space<vmem>>) target_semaphore(%run_scoped3A : memref<!tpu.dma_semaphore, #tpu.memory_space<semaphore_mem>>)
          %dma_wait3A_26 = tpu.memref_slice %arg4[%arg0, %mul3A_17] : memref<2x320000xi32, #tpu.memory_space<hbm>> -> memref<1x128xi32, #tpu.memory_space<hbm>>
          %dma_wait3A_27 = tpu.memref_squeeze %dma_wait3A_26 : memref<1x128xi32, #tpu.memory_space<hbm>> -> memref<128xi32, #tpu.memory_space<hbm>>
          %dma_wait3A_28 = tpu.memref_slice %arg4[%arg0, %mul3A_17] : memref<2x320000xi32, #tpu.memory_space<hbm>> -> memref<1x128xi32, #tpu.memory_space<hbm>>
          %dma_wait3A_29 = tpu.memref_squeeze %dma_wait3A_28 : memref<1x128xi32, #tpu.memory_space<hbm>> -> memref<128xi32, #tpu.memory_space<hbm>>
          tpu.wait_dma2 semaphore(%run_scoped3A : memref<!tpu.dma_semaphore, #tpu.memory_space<semaphore_mem>>) src(%dma_wait3A_29 : memref<128xi32, #tpu.memory_space<hbm>>) dst(%arg8 : memref<128xi32, #tpu.memory_space<vmem>>)
          tpu.yield
        }) : () -> ()
        %dma_start3A = arith.constant 0 : i32
        %dma_start3A_18 = arith.constant 0 : i32
        %dma_start3A_19 = tpu.memref_slice %arg2[%dma_start3A, %dma_start3A_18] : memref<640000x128xf32, #tpu.memory_space<hbm>> -> memref<640000x128xf32, #tpu.memory_space<hbm>>
        tpu.enqueue_indirect_dma source(%dma_start3A_19 : memref<640000x128xf32, #tpu.memory_space<hbm>>) target(%arg9 : memref<128x128xf32, #tpu.memory_space<vmem>>) offsets(%arg8 : memref<128xi32, #tpu.memory_space<vmem>>) semaphore(%arg11 : memref<!tpu.dma_semaphore, #tpu.memory_space<semaphore_mem>>)
        %dma_wait3A = arith.constant 0 : i32
        %dma_wait3A_20 = arith.constant 0 : i32
        %dma_wait3A_21 = tpu.memref_slice %arg2[%dma_wait3A, %dma_wait3A_20] : memref<640000x128xf32, #tpu.memory_space<hbm>> -> memref<640000x128xf32, #tpu.memory_space<hbm>>
        tpu.wait_indirect_dma semaphore(%arg11 : memref<!tpu.dma_semaphore, #tpu.memory_space<semaphore_mem>>) src(%dma_wait3A_21 : memref<640000x128xf32, #tpu.memory_space<hbm>>) dst(%arg9 : memref<128x128xf32, #tpu.memory_space<vmem>>)
        "tpu.region"() ({
          %run_scoped3A = tpu.sem_alloc : memref<!tpu.dma_semaphore, #tpu.memory_space<semaphore_mem>>
          %dma_start3A_22 = arith.constant 0 : i32
          %dma_start3A_23 = arith.constant 0 : i32
          %dma_start3A_24 = tpu.memref_slice %arg10[%dma_start3A_22, %dma_start3A_23] : memref<10240x128xf32, #tpu.memory_space<vmem_shared>> -> memref<10240x128xf32, #tpu.memory_space<vmem_shared>>
          tpu.enqueue_indirect_dma source(%arg9 : memref<128x128xf32, #tpu.memory_space<vmem>>) target(%dma_start3A_24 : memref<10240x128xf32, #tpu.memory_space<vmem_shared>>) offsets(%arg7 : memref<128xi32, #tpu.memory_space<vmem>>) semaphore(%run_scoped3A : memref<!tpu.dma_semaphore, #tpu.memory_space<semaphore_mem>>) {add = true}
          %dma_wait3A_25 = arith.constant 0 : i32
          %dma_wait3A_26 = arith.constant 0 : i32
          %dma_wait3A_27 = tpu.memref_slice %arg10[%dma_wait3A_25, %dma_wait3A_26] : memref<10240x128xf32, #tpu.memory_space<vmem_shared>> -> memref<10240x128xf32, #tpu.memory_space<vmem_shared>>
          tpu.wait_indirect_dma semaphore(%run_scoped3A : memref<!tpu.dma_semaphore, #tpu.memory_space<semaphore_mem>>) src(%arg9 : memref<128x128xf32, #tpu.memory_space<vmem>>) dst(%dma_wait3A_27 : memref<10240x128xf32, #tpu.memory_space<vmem_shared>>)
          tpu.yield
        }) : () -> ()
      } else {
      }
    }
    %scan3A_5 = arith.constant 157 : i32
    %barrier3A_6 = arith.constant 0 : index
    tpu.barrier barrier_id(%barrier3A_6)
    %mul3A_7 = arith.constant 640 : i32
    %mul3A_8 = arith.muli %arg1, %mul3A_7 : i32
    %mul3A_9 = arith.constant 640 : i32
    %mul3A_10 = arith.muli %arg1, %mul3A_9 : i32
    "tpu.region"() ({
      %run_scoped3A = tpu.sem_alloc : memref<!tpu.dma_semaphore, #tpu.memory_space<semaphore_mem>>
      %dma_start3A = arith.constant 0 : i32
      %dma_start3A_11 = tpu.memref_slice %arg6[%arg0, %mul3A_10, %dma_start3A] : memref<2x10240x128xf32, #tpu.memory_space<hbm>> -> memref<1x640x128xf32, #tpu.memory_space<hbm>>
      %dma_start3A_12 = tpu.memref_squeeze %dma_start3A_11 : memref<1x640x128xf32, #tpu.memory_space<hbm>> -> memref<640x128xf32, #tpu.memory_space<hbm>>
      %dma_start3A_13 = arith.constant 0 : i32
      %dma_start3A_14 = tpu.memref_slice %arg10[%mul3A_8, %dma_start3A_13] : memref<10240x128xf32, #tpu.memory_space<vmem_shared>> -> memref<640x128xf32, #tpu.memory_space<vmem_shared>>
      tpu.enqueue_dma source(%dma_start3A_14 : memref<640x128xf32, #tpu.memory_space<vmem_shared>>) target(%dma_start3A_12 : memref<640x128xf32, #tpu.memory_space<hbm>>) target_semaphore(%run_scoped3A : memref<!tpu.dma_semaphore, #tpu.memory_space<semaphore_mem>>)
      %dma_wait3A = arith.constant 0 : i32
      %dma_wait3A_15 = tpu.memref_slice %arg6[%arg0, %mul3A_10, %dma_wait3A] : memref<2x10240x128xf32, #tpu.memory_space<hbm>> -> memref<1x640x128xf32, #tpu.memory_space<hbm>>
      %dma_wait3A_16 = tpu.memref_squeeze %dma_wait3A_15 : memref<1x640x128xf32, #tpu.memory_space<hbm>> -> memref<640x128xf32, #tpu.memory_space<hbm>>
      %dma_wait3A_17 = arith.constant 0 : i32
      %dma_wait3A_18 = tpu.memref_slice %arg10[%mul3A_8, %dma_wait3A_17] : memref<10240x128xf32, #tpu.memory_space<vmem_shared>> -> memref<640x128xf32, #tpu.memory_space<vmem_shared>>
      tpu.wait_dma2 semaphore(%run_scoped3A : memref<!tpu.dma_semaphore, #tpu.memory_space<semaphore_mem>>) src(%dma_wait3A_18 : memref<640x128xf32, #tpu.memory_space<vmem_shared>>) dst(%dma_wait3A_16 : memref<640x128xf32, #tpu.memory_space<hbm>>)
      tpu.yield
    }) : () -> ()
    return
  }
}

#map = affine_map<(d0, d1) -> (0, 0)>
#map1 = affine_map<(d0, d1) -> (0)>
#map2 = affine_map<(d0, d1) -> (0, 0, 0)>
module attributes {stable_mosaic.version = 14 : i64} {
  func.func @k(%arg0: i32, %arg1: i32, %arg2: memref<640000x128xf32, #tpu.memory_space<hbm>>, %arg3: memref<320000xi32, #tpu.memory_space<hbm>>, %arg4: memref<2x320000xi32, #tpu.memory_space<hbm>>, %arg5: memref<640x128xf32, #tpu.memory_space<hbm>>, %arg6: memref<2x10240x128xf32, #tpu.memory_space<hbm>>, %arg7: memref<128xi32, #tpu.memory_space<vmem>>, %arg8: memref<128xi32, #tpu.memory_space<vmem>>, %arg9: memref<128x128xf32, #tpu.memory_space<vmem>>, %arg10: memref<10240x128xf32, #tpu.memory_space<vmem_shared>>, %arg11: memref<!tpu.dma_semaphore, #tpu.memory_space<semaphore_mem>>) attributes {dimension_semantics = [#tpu.dimension_semantics<core_parallel>, #tpu.dimension_semantics<subcore_parallel>], iteration_bounds = array<i64: 2, 16>, scalar_prefetch = 0 : i64, scratch_operands = 5 : i64, tpu.core_type = #tpu.core_type<sc_vector_subcore>, window_params = [{transform_indices = #map}, {transform_indices = #map1}, {transform_indices = #map}, {transform_indices = #map}, {transform_indices = #map2}]} {
    %mul3A = arith.constant 640 : i32
    %mul3A_0 = arith.muli %arg1, %mul3A : i32
    "tpu.region"() ({
      %run_scoped3A = tpu.sem_alloc : memref<!tpu.dma_semaphore, #tpu.memory_space<semaphore_mem>>
      %dma_start3A = arith.constant 0 : i32
      %dma_start3A_11 = tpu.memref_slice %arg10[%mul3A_0, %dma_start3A] : memref<10240x128xf32, #tpu.memory_space<vmem_shared>> -> memref<640x128xf32, #tpu.memory_space<vmem_shared>>
      tpu.enqueue_dma source(%arg5 : memref<640x128xf32, #tpu.memory_space<hbm>>) target(%dma_start3A_11 : memref<640x128xf32, #tpu.memory_space<vmem_shared>>) target_semaphore(%run_scoped3A : memref<!tpu.dma_semaphore, #tpu.memory_space<semaphore_mem>>)
      %dma_wait3A = arith.constant 0 : i32
      %dma_wait3A_12 = tpu.memref_slice %arg10[%mul3A_0, %dma_wait3A] : memref<10240x128xf32, #tpu.memory_space<vmem_shared>> -> memref<640x128xf32, #tpu.memory_space<vmem_shared>>
      tpu.wait_dma2 semaphore(%run_scoped3A : memref<!tpu.dma_semaphore, #tpu.memory_space<semaphore_mem>>) src(%arg5 : memref<640x128xf32, #tpu.memory_space<hbm>>) dst(%dma_wait3A_12 : memref<640x128xf32, #tpu.memory_space<vmem_shared>>)
      tpu.yield
    }) : () -> ()
    %barrier3A = arith.constant 0 : index
    tpu.barrier barrier_id(%barrier3A)
    %scan3A = arith.constant 0 : i32
    %scan3A_1 = arith.constant 0 : i32
    %scan3A_2 = arith.constant 157 : i32
    %scan3A_3 = arith.addi %scan3A_1, %scan3A_2 : i32
    %scan3A_4 = arith.constant 1 : i32
    scf.for %scan3A_11 = %scan3A_1 to %scan3A_3 step %scan3A_4  : i32 {
      %mul3A_12 = arith.constant 16 : i32
      %mul3A_13 = arith.muli %scan3A_11, %mul3A_12 : i32
      %add3A = arith.addi %arg1, %mul3A_13 : i32
      %lt3A = arith.constant 2500 : i32
      %lt3A_14 = arith.cmpi slt, %add3A, %lt3A : i32
      %convert_element_type3A = arith.extui %lt3A_14 : i1 to i32
      %cond3A = arith.constant 0 : i32
      %cond3A_15 = arith.cmpi ne, %convert_element_type3A, %cond3A : i32
      scf.if %cond3A_15 {
        %mul3A_16 = arith.constant 128 : i32
        %mul3A_17 = arith.muli %add3A, %mul3A_16 : i32
        "tpu.region"() ({
          %run_scoped3A = tpu.sem_alloc : memref<!tpu.dma_semaphore, #tpu.memory_space<semaphore_mem>>
          %dma_start3A_22 = tpu.memref_slice %arg3[%mul3A_17] : memref<320000xi32, #tpu.memory_space<hbm>> -> memref<128xi32, #tpu.memory_space<hbm>>
          %dma_start3A_23 = tpu.memref_slice %arg3[%mul3A_17] : memref<320000xi32, #tpu.memory_space<hbm>> -> memref<128xi32, #tpu.memory_space<hbm>>
          tpu.enqueue_dma source(%dma_start3A_23 : memref<128xi32, #tpu.memory_space<hbm>>) target(%arg7 : memref<128xi32, #tpu.memory_space<vmem>>) target_semaphore(%run_scoped3A : memref<!tpu.dma_semaphore, #tpu.memory_space<semaphore_mem>>)
          %dma_wait3A_24 = tpu.memref_slice %arg3[%mul3A_17] : memref<320000xi32, #tpu.memory_space<hbm>> -> memref<128xi32, #tpu.memory_space<hbm>>
          %dma_wait3A_25 = tpu.memref_slice %arg3[%mul3A_17] : memref<320000xi32, #tpu.memory_space<hbm>> -> memref<128xi32, #tpu.memory_space<hbm>>
          tpu.wait_dma2 semaphore(%run_scoped3A : memref<!tpu.dma_semaphore, #tpu.memory_space<semaphore_mem>>) src(%dma_wait3A_25 : memref<128xi32, #tpu.memory_space<hbm>>) dst(%arg7 : memref<128xi32, #tpu.memory_space<vmem>>)
          tpu.yield
        }) : () -> ()
        "tpu.region"() ({
          %run_scoped3A = tpu.sem_alloc : memref<!tpu.dma_semaphore, #tpu.memory_space<semaphore_mem>>
          %dma_start3A_22 = tpu.memref_slice %arg4[%arg0, %mul3A_17] : memref<2x320000xi32, #tpu.memory_space<hbm>> -> memref<1x128xi32, #tpu.memory_space<hbm>>
          %dma_start3A_23 = tpu.memref_squeeze %dma_start3A_22 : memref<1x128xi32, #tpu.memory_space<hbm>> -> memref<128xi32, #tpu.memory_space<hbm>>
          %dma_start3A_24 = tpu.memref_slice %arg4[%arg0, %mul3A_17] : memref<2x320000xi32, #tpu.memory_space<hbm>> -> memref<1x128xi32, #tpu.memory_space<hbm>>
          %dma_start3A_25 = tpu.memref_squeeze %dma_start3A_24 : memref<1x128xi32, #tpu.memory_space<hbm>> -> memref<128xi32, #tpu.memory_space<hbm>>
          tpu.enqueue_dma source(%dma_start3A_25 : memref<128xi32, #tpu.memory_space<hbm>>) target(%arg8 : memref<128xi32, #tpu.memory_space<vmem>>) target_semaphore(%run_scoped3A : memref<!tpu.dma_semaphore, #tpu.memory_space<semaphore_mem>>)
          %dma_wait3A_26 = tpu.memref_slice %arg4[%arg0, %mul3A_17] : memref<2x320000xi32, #tpu.memory_space<hbm>> -> memref<1x128xi32, #tpu.memory_space<hbm>>
          %dma_wait3A_27 = tpu.memref_squeeze %dma_wait3A_26 : memref<1x128xi32, #tpu.memory_space<hbm>> -> memref<128xi32, #tpu.memory_space<hbm>>
          %dma_wait3A_28 = tpu.memref_slice %arg4[%arg0, %mul3A_17] : memref<2x320000xi32, #tpu.memory_space<hbm>> -> memref<1x128xi32, #tpu.memory_space<hbm>>
          %dma_wait3A_29 = tpu.memref_squeeze %dma_wait3A_28 : memref<1x128xi32, #tpu.memory_space<hbm>> -> memref<128xi32, #tpu.memory_space<hbm>>
          tpu.wait_dma2 semaphore(%run_scoped3A : memref<!tpu.dma_semaphore, #tpu.memory_space<semaphore_mem>>) src(%dma_wait3A_29 : memref<128xi32, #tpu.memory_space<hbm>>) dst(%arg8 : memref<128xi32, #tpu.memory_space<vmem>>)
          tpu.yield
        }) : () -> ()
        %dma_start3A = arith.constant 0 : i32
        %dma_start3A_18 = arith.constant 0 : i32
        %dma_start3A_19 = tpu.memref_slice %arg2[%dma_start3A, %dma_start3A_18] : memref<640000x128xf32, #tpu.memory_space<hbm>> -> memref<640000x128xf32, #tpu.memory_space<hbm>>
        tpu.enqueue_indirect_dma source(%dma_start3A_19 : memref<640000x128xf32, #tpu.memory_space<hbm>>) target(%arg9 : memref<128x128xf32, #tpu.memory_space<vmem>>) offsets(%arg8 : memref<128xi32, #tpu.memory_space<vmem>>) semaphore(%arg11 : memref<!tpu.dma_semaphore, #tpu.memory_space<semaphore_mem>>)
        %dma_wait3A = arith.constant 0 : i32
        %dma_wait3A_20 = arith.constant 0 : i32
        %dma_wait3A_21 = tpu.memref_slice %arg2[%dma_wait3A, %dma_wait3A_20] : memref<640000x128xf32, #tpu.memory_space<hbm>> -> memref<640000x128xf32, #tpu.memory_space<hbm>>
        tpu.wait_indirect_dma semaphore(%arg11 : memref<!tpu.dma_semaphore, #tpu.memory_space<semaphore_mem>>) src(%dma_wait3A_21 : memref<640000x128xf32, #tpu.memory_space<hbm>>) dst(%arg9 : memref<128x128xf32, #tpu.memory_space<vmem>>)
        "tpu.region"() ({
          %run_scoped3A = tpu.sem_alloc : memref<!tpu.dma_semaphore, #tpu.memory_space<semaphore_mem>>
          %dma_start3A_22 = arith.constant 0 : i32
          %dma_start3A_23 = arith.constant 0 : i32
          %dma_start3A_24 = tpu.memref_slice %arg10[%dma_start3A_22, %dma_start3A_23] : memref<10240x128xf32, #tpu.memory_space<vmem_shared>> -> memref<10240x128xf32, #tpu.memory_space<vmem_shared>>
          tpu.enqueue_indirect_dma source(%arg9 : memref<128x128xf32, #tpu.memory_space<vmem>>) target(%dma_start3A_24 : memref<10240x128xf32, #tpu.memory_space<vmem_shared>>) offsets(%arg7 : memref<128xi32, #tpu.memory_space<vmem>>) semaphore(%run_scoped3A : memref<!tpu.dma_semaphore, #tpu.memory_space<semaphore_mem>>) {add = true}
          %dma_wait3A_25 = arith.constant 0 : i32
          %dma_wait3A_26 = arith.constant 0 : i32
          %dma_wait3A_27 = tpu.memref_slice %arg10[%dma_wait3A_25, %dma_wait3A_26] : memref<10240x128xf32, #tpu.memory_space<vmem_shared>> -> memref<10240x128xf32, #tpu.memory_space<vmem_shared>>
          tpu.wait_indirect_dma semaphore(%run_scoped3A : memref<!tpu.dma_semaphore, #tpu.memory_space<semaphore_mem>>) src(%arg9 : memref<128x128xf32, #tpu.memory_space<vmem>>) dst(%dma_wait3A_27 : memref<10240x128xf32, #tpu.memory_space<vmem_shared>>)
          tpu.yield
        }) : () -> ()
      } else {
      }
    }
    %scan3A_5 = arith.constant 157 : i32
    %barrier3A_6 = arith.constant 0 : index
    tpu.barrier barrier_id(%barrier3A_6)
    %mul3A_7 = arith.constant 640 : i32
    %mul3A_8 = arith.muli %arg1, %mul3A_7 : i32
    %mul3A_9 = arith.constant 640 : i32
    %mul3A_10 = arith.muli %arg1, %mul3A_9 : i32
    "tpu.region"() ({
      %run_scoped3A = tpu.sem_alloc : memref<!tpu.dma_semaphore, #tpu.memory_space<semaphore_mem>>
      %dma_start3A = arith.constant 0 : i32
      %dma_start3A_11 = tpu.memref_slice %arg6[%arg0, %mul3A_10, %dma_start3A] : memref<2x10240x128xf32, #tpu.memory_space<hbm>> -> memref<1x640x128xf32, #tpu.memory_space<hbm>>
      %dma_start3A_12 = tpu.memref_squeeze %dma_start3A_11 : memref<1x640x128xf32, #tpu.memory_space<hbm>> -> memref<640x128xf32, #tpu.memory_space<hbm>>
      %dma_start3A_13 = arith.constant 0 : i32
      %dma_start3A_14 = tpu.memref_slice %arg10[%mul3A_8, %dma_start3A_13] : memref<10240x128xf32, #tpu.memory_space<vmem_shared>> -> memref<640x128xf32, #tpu.memory_space<vmem_shared>>
      tpu.enqueue_dma source(%dma_start3A_14 : memref<640x128xf32, #tpu.memory_space<vmem_shared>>) target(%dma_start3A_12 : memref<640x128xf32, #tpu.memory_space<hbm>>) target_semaphore(%run_scoped3A : memref<!tpu.dma_semaphore, #tpu.memory_space<semaphore_mem>>)
      %dma_wait3A = arith.constant 0 : i32
      %dma_wait3A_15 = tpu.memref_slice %arg6[%arg0, %mul3A_10, %dma_wait3A] : memref<2x10240x128xf32, #tpu.memory_space<hbm>> -> memref<1x640x128xf32, #tpu.memory_space<hbm>>
      %dma_wait3A_16 = tpu.memref_squeeze %dma_wait3A_15 : memref<1x640x128xf32, #tpu.memory_space<hbm>> -> memref<640x128xf32, #tpu.memory_space<hbm>>
      %dma_wait3A_17 = arith.constant 0 : i32
      %dma_wait3A_18 = tpu.memref_slice %arg10[%mul3A_8, %dma_wait3A_17] : memref<10240x128xf32, #tpu.memory_space<vmem_shared>> -> memref<640x128xf32, #tpu.memory_space<vmem_shared>>
      tpu.wait_dma2 semaphore(%run_scoped3A : memref<!tpu.dma_semaphore, #tpu.memory_space<semaphore_mem>>) src(%dma_wait3A_18 : memref<640x128xf32, #tpu.memory_space<vmem_shared>>) dst(%dma_wait3A_16 : memref<640x128xf32, #tpu.memory_space<hbm>>)
      tpu.yield
    }) : () -> ()
    return
  }
}

#map = affine_map<(d0, d1) -> (0, 0)>
#map1 = affine_map<(d0, d1) -> (0)>
module attributes {stable_mosaic.version = 14 : i64} {
  func.func @k(%arg0: i32, %arg1: i32, %arg2: memref<20000x256xf32, #tpu.memory_space<hbm>>, %arg3: memref<160000xi32, #tpu.memory_space<hbm>>, %arg4: memref<160000xi32, #tpu.memory_space<hbm>>, %arg5: memref<160000x256xf32, #tpu.memory_space<hbm>>, %arg6: memref<160000x256xf32, #tpu.memory_space<hbm>>, %arg7: memref<128xi32, #tpu.memory_space<vmem>>, %arg8: memref<128xi32, #tpu.memory_space<vmem>>, %arg9: memref<128x256xf32, #tpu.memory_space<vmem>>, %arg10: memref<128x256xf32, #tpu.memory_space<vmem>>, %arg11: memref<!tpu.dma_semaphore, #tpu.memory_space<semaphore_mem>>, %arg12: memref<!tpu.dma_semaphore, #tpu.memory_space<semaphore_mem>>) attributes {dimension_semantics = [#tpu.dimension_semantics<core_parallel>, #tpu.dimension_semantics<subcore_parallel>], iteration_bounds = array<i64: 2, 16>, scalar_prefetch = 0 : i64, scratch_operands = 6 : i64, tpu.core_type = #tpu.core_type<sc_vector_subcore>, window_params = [{transform_indices = #map}, {transform_indices = #map1}, {transform_indices = #map1}, {transform_indices = #map}, {transform_indices = #map}]} {
    %mul3A = arith.constant 2 : i32
    %mul3A_0 = arith.muli %arg1, %mul3A : i32
    %add3A = arith.addi %mul3A_0, %arg0 : i32
    %scan3A = arith.constant 0 : i32
    %scan3A_1 = arith.constant 0 : i32
    %scan3A_2 = arith.constant 40 : i32
    %scan3A_3 = arith.addi %scan3A_1, %scan3A_2 : i32
    %scan3A_4 = arith.constant 1 : i32
    scf.for %scan3A_6 = %scan3A_1 to %scan3A_3 step %scan3A_4  : i32 {
      %mul3A_7 = arith.constant 32 : i32
      %mul3A_8 = arith.muli %scan3A_6, %mul3A_7 : i32
      %add3A_9 = arith.addi %add3A, %mul3A_8 : i32
      %lt3A = arith.constant 1250 : i32
      %lt3A_10 = arith.cmpi slt, %add3A_9, %lt3A : i32
      %convert_element_type3A = arith.extui %lt3A_10 : i1 to i32
      %cond3A = arith.constant 0 : i32
      %cond3A_11 = arith.cmpi ne, %convert_element_type3A, %cond3A : i32
      scf.if %cond3A_11 {
        %mul3A_12 = arith.constant 128 : i32
        %mul3A_13 = arith.muli %add3A_9, %mul3A_12 : i32
        "tpu.region"() ({
          %run_scoped3A = tpu.sem_alloc : memref<!tpu.dma_semaphore, #tpu.memory_space<semaphore_mem>>
          %dma_start3A_24 = tpu.memref_slice %arg3[%mul3A_13] : memref<160000xi32, #tpu.memory_space<hbm>> -> memref<128xi32, #tpu.memory_space<hbm>>
          %dma_start3A_25 = tpu.memref_slice %arg3[%mul3A_13] : memref<160000xi32, #tpu.memory_space<hbm>> -> memref<128xi32, #tpu.memory_space<hbm>>
          tpu.enqueue_dma source(%dma_start3A_25 : memref<128xi32, #tpu.memory_space<hbm>>) target(%arg7 : memref<128xi32, #tpu.memory_space<vmem>>) target_semaphore(%run_scoped3A : memref<!tpu.dma_semaphore, #tpu.memory_space<semaphore_mem>>)
          %dma_wait3A_26 = tpu.memref_slice %arg3[%mul3A_13] : memref<160000xi32, #tpu.memory_space<hbm>> -> memref<128xi32, #tpu.memory_space<hbm>>
          %dma_wait3A_27 = tpu.memref_slice %arg3[%mul3A_13] : memref<160000xi32, #tpu.memory_space<hbm>> -> memref<128xi32, #tpu.memory_space<hbm>>
          tpu.wait_dma2 semaphore(%run_scoped3A : memref<!tpu.dma_semaphore, #tpu.memory_space<semaphore_mem>>) src(%dma_wait3A_27 : memref<128xi32, #tpu.memory_space<hbm>>) dst(%arg7 : memref<128xi32, #tpu.memory_space<vmem>>)
          tpu.yield
        }) : () -> ()
        "tpu.region"() ({
          %run_scoped3A = tpu.sem_alloc : memref<!tpu.dma_semaphore, #tpu.memory_space<semaphore_mem>>
          %dma_start3A_24 = tpu.memref_slice %arg4[%mul3A_13] : memref<160000xi32, #tpu.memory_space<hbm>> -> memref<128xi32, #tpu.memory_space<hbm>>
          %dma_start3A_25 = tpu.memref_slice %arg4[%mul3A_13] : memref<160000xi32, #tpu.memory_space<hbm>> -> memref<128xi32, #tpu.memory_space<hbm>>
          tpu.enqueue_dma source(%dma_start3A_25 : memref<128xi32, #tpu.memory_space<hbm>>) target(%arg8 : memref<128xi32, #tpu.memory_space<vmem>>) target_semaphore(%run_scoped3A : memref<!tpu.dma_semaphore, #tpu.memory_space<semaphore_mem>>)
          %dma_wait3A_26 = tpu.memref_slice %arg4[%mul3A_13] : memref<160000xi32, #tpu.memory_space<hbm>> -> memref<128xi32, #tpu.memory_space<hbm>>
          %dma_wait3A_27 = tpu.memref_slice %arg4[%mul3A_13] : memref<160000xi32, #tpu.memory_space<hbm>> -> memref<128xi32, #tpu.memory_space<hbm>>
          tpu.wait_dma2 semaphore(%run_scoped3A : memref<!tpu.dma_semaphore, #tpu.memory_space<semaphore_mem>>) src(%dma_wait3A_27 : memref<128xi32, #tpu.memory_space<hbm>>) dst(%arg8 : memref<128xi32, #tpu.memory_space<vmem>>)
          tpu.yield
        }) : () -> ()
        %dma_start3A = arith.constant 0 : i32
        %dma_start3A_14 = arith.constant 0 : i32
        %dma_start3A_15 = tpu.memref_slice %arg2[%dma_start3A, %dma_start3A_14] : memref<20000x256xf32, #tpu.memory_space<hbm>> -> memref<20000x256xf32, #tpu.memory_space<hbm>>
        tpu.enqueue_indirect_dma source(%dma_start3A_15 : memref<20000x256xf32, #tpu.memory_space<hbm>>) target(%arg9 : memref<128x256xf32, #tpu.memory_space<vmem>>) offsets(%arg7 : memref<128xi32, #tpu.memory_space<vmem>>) semaphore(%arg11 : memref<!tpu.dma_semaphore, #tpu.memory_space<semaphore_mem>>)
        %dma_start3A_16 = arith.constant 0 : i32
        %dma_start3A_17 = arith.constant 0 : i32
        %dma_start3A_18 = tpu.memref_slice %arg2[%dma_start3A_16, %dma_start3A_17] : memref<20000x256xf32, #tpu.memory_space<hbm>> -> memref<20000x256xf32, #tpu.memory_space<hbm>>
        tpu.enqueue_indirect_dma source(%dma_start3A_18 : memref<20000x256xf32, #tpu.memory_space<hbm>>) target(%arg10 : memref<128x256xf32, #tpu.memory_space<vmem>>) offsets(%arg8 : memref<128xi32, #tpu.memory_space<vmem>>) semaphore(%arg12 : memref<!tpu.dma_semaphore, #tpu.memory_space<semaphore_mem>>)
        %dma_wait3A = arith.constant 0 : i32
        %dma_wait3A_19 = arith.constant 0 : i32
        %dma_wait3A_20 = tpu.memref_slice %arg2[%dma_wait3A, %dma_wait3A_19] : memref<20000x256xf32, #tpu.memory_space<hbm>> -> memref<20000x256xf32, #tpu.memory_space<hbm>>
        tpu.wait_indirect_dma semaphore(%arg11 : memref<!tpu.dma_semaphore, #tpu.memory_space<semaphore_mem>>) src(%dma_wait3A_20 : memref<20000x256xf32, #tpu.memory_space<hbm>>) dst(%arg9 : memref<128x256xf32, #tpu.memory_space<vmem>>)
        %dma_wait3A_21 = arith.constant 0 : i32
        %dma_wait3A_22 = arith.constant 0 : i32
        %dma_wait3A_23 = tpu.memref_slice %arg2[%dma_wait3A_21, %dma_wait3A_22] : memref<20000x256xf32, #tpu.memory_space<hbm>> -> memref<20000x256xf32, #tpu.memory_space<hbm>>
        tpu.wait_indirect_dma semaphore(%arg12 : memref<!tpu.dma_semaphore, #tpu.memory_space<semaphore_mem>>) src(%dma_wait3A_23 : memref<20000x256xf32, #tpu.memory_space<hbm>>) dst(%arg10 : memref<128x256xf32, #tpu.memory_space<vmem>>)
        "tpu.region"() ({
          %run_scoped3A = tpu.sem_alloc : memref<!tpu.dma_semaphore, #tpu.memory_space<semaphore_mem>>
          %dma_start3A_24 = arith.constant 0 : i32
          %dma_start3A_25 = tpu.memref_slice %arg5[%mul3A_13, %dma_start3A_24] : memref<160000x256xf32, #tpu.memory_space<hbm>> -> memref<128x256xf32, #tpu.memory_space<hbm>>
          %dma_start3A_26 = arith.constant 0 : i32
          %dma_start3A_27 = tpu.memref_slice %arg5[%mul3A_13, %dma_start3A_26] : memref<160000x256xf32, #tpu.memory_space<hbm>> -> memref<128x256xf32, #tpu.memory_space<hbm>>
          tpu.enqueue_dma source(%arg9 : memref<128x256xf32, #tpu.memory_space<vmem>>) target(%dma_start3A_27 : memref<128x256xf32, #tpu.memory_space<hbm>>) target_semaphore(%run_scoped3A : memref<!tpu.dma_semaphore, #tpu.memory_space<semaphore_mem>>)
          %dma_wait3A_28 = arith.constant 0 : i32
          %dma_wait3A_29 = tpu.memref_slice %arg5[%mul3A_13, %dma_wait3A_28] : memref<160000x256xf32, #tpu.memory_space<hbm>> -> memref<128x256xf32, #tpu.memory_space<hbm>>
          %dma_wait3A_30 = arith.constant 0 : i32
          %dma_wait3A_31 = tpu.memref_slice %arg5[%mul3A_13, %dma_wait3A_30] : memref<160000x256xf32, #tpu.memory_space<hbm>> -> memref<128x256xf32, #tpu.memory_space<hbm>>
          tpu.wait_dma2 semaphore(%run_scoped3A : memref<!tpu.dma_semaphore, #tpu.memory_space<semaphore_mem>>) src(%arg9 : memref<128x256xf32, #tpu.memory_space<vmem>>) dst(%dma_wait3A_31 : memref<128x256xf32, #tpu.memory_space<hbm>>)
          tpu.yield
        }) : () -> ()
        "tpu.region"() ({
          %run_scoped3A = tpu.sem_alloc : memref<!tpu.dma_semaphore, #tpu.memory_space<semaphore_mem>>
          %dma_start3A_24 = arith.constant 0 : i32
          %dma_start3A_25 = tpu.memref_slice %arg6[%mul3A_13, %dma_start3A_24] : memref<160000x256xf32, #tpu.memory_space<hbm>> -> memref<128x256xf32, #tpu.memory_space<hbm>>
          %dma_start3A_26 = arith.constant 0 : i32
          %dma_start3A_27 = tpu.memref_slice %arg6[%mul3A_13, %dma_start3A_26] : memref<160000x256xf32, #tpu.memory_space<hbm>> -> memref<128x256xf32, #tpu.memory_space<hbm>>
          tpu.enqueue_dma source(%arg10 : memref<128x256xf32, #tpu.memory_space<vmem>>) target(%dma_start3A_27 : memref<128x256xf32, #tpu.memory_space<hbm>>) target_semaphore(%run_scoped3A : memref<!tpu.dma_semaphore, #tpu.memory_space<semaphore_mem>>)
          %dma_wait3A_28 = arith.constant 0 : i32
          %dma_wait3A_29 = tpu.memref_slice %arg6[%mul3A_13, %dma_wait3A_28] : memref<160000x256xf32, #tpu.memory_space<hbm>> -> memref<128x256xf32, #tpu.memory_space<hbm>>
          %dma_wait3A_30 = arith.constant 0 : i32
          %dma_wait3A_31 = tpu.memref_slice %arg6[%mul3A_13, %dma_wait3A_30] : memref<160000x256xf32, #tpu.memory_space<hbm>> -> memref<128x256xf32, #tpu.memory_space<hbm>>
          tpu.wait_dma2 semaphore(%run_scoped3A : memref<!tpu.dma_semaphore, #tpu.memory_space<semaphore_mem>>) src(%arg10 : memref<128x256xf32, #tpu.memory_space<vmem>>) dst(%dma_wait3A_31 : memref<128x256xf32, #tpu.memory_space<hbm>>)
          tpu.yield
        }) : () -> ()
      } else {
      }
    }
    %scan3A_5 = arith.constant 40 : i32
    return
  }
}

#map = affine_map<(d0, d1) -> (0, 0)>
#map1 = affine_map<(d0, d1) -> (0)>
#map2 = affine_map<(d0, d1) -> (0, 0, 0)>
module attributes {stable_mosaic.version = 14 : i64} {
  func.func @k(%arg0: i32, %arg1: i32, %arg2: memref<640000x128xf32, #tpu.memory_space<hbm>>, %arg3: memref<320000xi32, #tpu.memory_space<hbm>>, %arg4: memref<2x320000xi32, #tpu.memory_space<hbm>>, %arg5: memref<640x128xf32, #tpu.memory_space<hbm>>, %arg6: memref<2x10240x128xf32, #tpu.memory_space<hbm>>, %arg7: memref<128xi32, #tpu.memory_space<vmem>>, %arg8: memref<128xi32, #tpu.memory_space<vmem>>, %arg9: memref<128x128xf32, #tpu.memory_space<vmem>>, %arg10: memref<10240x128xf32, #tpu.memory_space<vmem_shared>>, %arg11: memref<!tpu.dma_semaphore, #tpu.memory_space<semaphore_mem>>) attributes {dimension_semantics = [#tpu.dimension_semantics<core_parallel>, #tpu.dimension_semantics<subcore_parallel>], iteration_bounds = array<i64: 2, 16>, scalar_prefetch = 0 : i64, scratch_operands = 5 : i64, tpu.core_type = #tpu.core_type<sc_vector_subcore>, window_params = [{transform_indices = #map}, {transform_indices = #map1}, {transform_indices = #map}, {transform_indices = #map}, {transform_indices = #map2}]} {
    %mul3A = arith.constant 640 : i32
    %mul3A_0 = arith.muli %arg1, %mul3A : i32
    "tpu.region"() ({
      %run_scoped3A = tpu.sem_alloc : memref<!tpu.dma_semaphore, #tpu.memory_space<semaphore_mem>>
      %dma_start3A = arith.constant 0 : i32
      %dma_start3A_11 = tpu.memref_slice %arg10[%mul3A_0, %dma_start3A] : memref<10240x128xf32, #tpu.memory_space<vmem_shared>> -> memref<640x128xf32, #tpu.memory_space<vmem_shared>>
      tpu.enqueue_dma source(%arg5 : memref<640x128xf32, #tpu.memory_space<hbm>>) target(%dma_start3A_11 : memref<640x128xf32, #tpu.memory_space<vmem_shared>>) target_semaphore(%run_scoped3A : memref<!tpu.dma_semaphore, #tpu.memory_space<semaphore_mem>>)
      %dma_wait3A = arith.constant 0 : i32
      %dma_wait3A_12 = tpu.memref_slice %arg10[%mul3A_0, %dma_wait3A] : memref<10240x128xf32, #tpu.memory_space<vmem_shared>> -> memref<640x128xf32, #tpu.memory_space<vmem_shared>>
      tpu.wait_dma2 semaphore(%run_scoped3A : memref<!tpu.dma_semaphore, #tpu.memory_space<semaphore_mem>>) src(%arg5 : memref<640x128xf32, #tpu.memory_space<hbm>>) dst(%dma_wait3A_12 : memref<640x128xf32, #tpu.memory_space<vmem_shared>>)
      tpu.yield
    }) : () -> ()
    %barrier3A = arith.constant 0 : index
    tpu.barrier barrier_id(%barrier3A)
    %scan3A = arith.constant 0 : i32
    %scan3A_1 = arith.constant 0 : i32
    %scan3A_2 = arith.constant 157 : i32
    %scan3A_3 = arith.addi %scan3A_1, %scan3A_2 : i32
    %scan3A_4 = arith.constant 1 : i32
    scf.for %scan3A_11 = %scan3A_1 to %scan3A_3 step %scan3A_4  : i32 {
      %mul3A_12 = arith.constant 16 : i32
      %mul3A_13 = arith.muli %scan3A_11, %mul3A_12 : i32
      %add3A = arith.addi %arg1, %mul3A_13 : i32
      %lt3A = arith.constant 2500 : i32
      %lt3A_14 = arith.cmpi slt, %add3A, %lt3A : i32
      %convert_element_type3A = arith.extui %lt3A_14 : i1 to i32
      %cond3A = arith.constant 0 : i32
      %cond3A_15 = arith.cmpi ne, %convert_element_type3A, %cond3A : i32
      scf.if %cond3A_15 {
        %mul3A_16 = arith.constant 128 : i32
        %mul3A_17 = arith.muli %add3A, %mul3A_16 : i32
        "tpu.region"() ({
          %run_scoped3A = tpu.sem_alloc : memref<!tpu.dma_semaphore, #tpu.memory_space<semaphore_mem>>
          %dma_start3A_22 = tpu.memref_slice %arg3[%mul3A_17] : memref<320000xi32, #tpu.memory_space<hbm>> -> memref<128xi32, #tpu.memory_space<hbm>>
          %dma_start3A_23 = tpu.memref_slice %arg3[%mul3A_17] : memref<320000xi32, #tpu.memory_space<hbm>> -> memref<128xi32, #tpu.memory_space<hbm>>
          tpu.enqueue_dma source(%dma_start3A_23 : memref<128xi32, #tpu.memory_space<hbm>>) target(%arg7 : memref<128xi32, #tpu.memory_space<vmem>>) target_semaphore(%run_scoped3A : memref<!tpu.dma_semaphore, #tpu.memory_space<semaphore_mem>>)
          %dma_wait3A_24 = tpu.memref_slice %arg3[%mul3A_17] : memref<320000xi32, #tpu.memory_space<hbm>> -> memref<128xi32, #tpu.memory_space<hbm>>
          %dma_wait3A_25 = tpu.memref_slice %arg3[%mul3A_17] : memref<320000xi32, #tpu.memory_space<hbm>> -> memref<128xi32, #tpu.memory_space<hbm>>
          tpu.wait_dma2 semaphore(%run_scoped3A : memref<!tpu.dma_semaphore, #tpu.memory_space<semaphore_mem>>) src(%dma_wait3A_25 : memref<128xi32, #tpu.memory_space<hbm>>) dst(%arg7 : memref<128xi32, #tpu.memory_space<vmem>>)
          tpu.yield
        }) : () -> ()
        "tpu.region"() ({
          %run_scoped3A = tpu.sem_alloc : memref<!tpu.dma_semaphore, #tpu.memory_space<semaphore_mem>>
          %dma_start3A_22 = tpu.memref_slice %arg4[%arg0, %mul3A_17] : memref<2x320000xi32, #tpu.memory_space<hbm>> -> memref<1x128xi32, #tpu.memory_space<hbm>>
          %dma_start3A_23 = tpu.memref_squeeze %dma_start3A_22 : memref<1x128xi32, #tpu.memory_space<hbm>> -> memref<128xi32, #tpu.memory_space<hbm>>
          %dma_start3A_24 = tpu.memref_slice %arg4[%arg0, %mul3A_17] : memref<2x320000xi32, #tpu.memory_space<hbm>> -> memref<1x128xi32, #tpu.memory_space<hbm>>
          %dma_start3A_25 = tpu.memref_squeeze %dma_start3A_24 : memref<1x128xi32, #tpu.memory_space<hbm>> -> memref<128xi32, #tpu.memory_space<hbm>>
          tpu.enqueue_dma source(%dma_start3A_25 : memref<128xi32, #tpu.memory_space<hbm>>) target(%arg8 : memref<128xi32, #tpu.memory_space<vmem>>) target_semaphore(%run_scoped3A : memref<!tpu.dma_semaphore, #tpu.memory_space<semaphore_mem>>)
          %dma_wait3A_26 = tpu.memref_slice %arg4[%arg0, %mul3A_17] : memref<2x320000xi32, #tpu.memory_space<hbm>> -> memref<1x128xi32, #tpu.memory_space<hbm>>
          %dma_wait3A_27 = tpu.memref_squeeze %dma_wait3A_26 : memref<1x128xi32, #tpu.memory_space<hbm>> -> memref<128xi32, #tpu.memory_space<hbm>>
          %dma_wait3A_28 = tpu.memref_slice %arg4[%arg0, %mul3A_17] : memref<2x320000xi32, #tpu.memory_space<hbm>> -> memref<1x128xi32, #tpu.memory_space<hbm>>
          %dma_wait3A_29 = tpu.memref_squeeze %dma_wait3A_28 : memref<1x128xi32, #tpu.memory_space<hbm>> -> memref<128xi32, #tpu.memory_space<hbm>>
          tpu.wait_dma2 semaphore(%run_scoped3A : memref<!tpu.dma_semaphore, #tpu.memory_space<semaphore_mem>>) src(%dma_wait3A_29 : memref<128xi32, #tpu.memory_space<hbm>>) dst(%arg8 : memref<128xi32, #tpu.memory_space<vmem>>)
          tpu.yield
        }) : () -> ()
        %dma_start3A = arith.constant 0 : i32
        %dma_start3A_18 = arith.constant 0 : i32
        %dma_start3A_19 = tpu.memref_slice %arg2[%dma_start3A, %dma_start3A_18] : memref<640000x128xf32, #tpu.memory_space<hbm>> -> memref<640000x128xf32, #tpu.memory_space<hbm>>
        tpu.enqueue_indirect_dma source(%dma_start3A_19 : memref<640000x128xf32, #tpu.memory_space<hbm>>) target(%arg9 : memref<128x128xf32, #tpu.memory_space<vmem>>) offsets(%arg8 : memref<128xi32, #tpu.memory_space<vmem>>) semaphore(%arg11 : memref<!tpu.dma_semaphore, #tpu.memory_space<semaphore_mem>>)
        %dma_wait3A = arith.constant 0 : i32
        %dma_wait3A_20 = arith.constant 0 : i32
        %dma_wait3A_21 = tpu.memref_slice %arg2[%dma_wait3A, %dma_wait3A_20] : memref<640000x128xf32, #tpu.memory_space<hbm>> -> memref<640000x128xf32, #tpu.memory_space<hbm>>
        tpu.wait_indirect_dma semaphore(%arg11 : memref<!tpu.dma_semaphore, #tpu.memory_space<semaphore_mem>>) src(%dma_wait3A_21 : memref<640000x128xf32, #tpu.memory_space<hbm>>) dst(%arg9 : memref<128x128xf32, #tpu.memory_space<vmem>>)
        "tpu.region"() ({
          %run_scoped3A = tpu.sem_alloc : memref<!tpu.dma_semaphore, #tpu.memory_space<semaphore_mem>>
          %dma_start3A_22 = arith.constant 0 : i32
          %dma_start3A_23 = arith.constant 0 : i32
          %dma_start3A_24 = tpu.memref_slice %arg10[%dma_start3A_22, %dma_start3A_23] : memref<10240x128xf32, #tpu.memory_space<vmem_shared>> -> memref<10240x128xf32, #tpu.memory_space<vmem_shared>>
          tpu.enqueue_indirect_dma source(%arg9 : memref<128x128xf32, #tpu.memory_space<vmem>>) target(%dma_start3A_24 : memref<10240x128xf32, #tpu.memory_space<vmem_shared>>) offsets(%arg7 : memref<128xi32, #tpu.memory_space<vmem>>) semaphore(%run_scoped3A : memref<!tpu.dma_semaphore, #tpu.memory_space<semaphore_mem>>) {add = true}
          %dma_wait3A_25 = arith.constant 0 : i32
          %dma_wait3A_26 = arith.constant 0 : i32
          %dma_wait3A_27 = tpu.memref_slice %arg10[%dma_wait3A_25, %dma_wait3A_26] : memref<10240x128xf32, #tpu.memory_space<vmem_shared>> -> memref<10240x128xf32, #tpu.memory_space<vmem_shared>>
          tpu.wait_indirect_dma semaphore(%run_scoped3A : memref<!tpu.dma_semaphore, #tpu.memory_space<semaphore_mem>>) src(%arg9 : memref<128x128xf32, #tpu.memory_space<vmem>>) dst(%dma_wait3A_27 : memref<10240x128xf32, #tpu.memory_space<vmem_shared>>)
          tpu.yield
        }) : () -> ()
      } else {
      }
    }
    %scan3A_5 = arith.constant 157 : i32
    %barrier3A_6 = arith.constant 0 : index
    tpu.barrier barrier_id(%barrier3A_6)
    %mul3A_7 = arith.constant 640 : i32
    %mul3A_8 = arith.muli %arg1, %mul3A_7 : i32
    %mul3A_9 = arith.constant 640 : i32
    %mul3A_10 = arith.muli %arg1, %mul3A_9 : i32
    "tpu.region"() ({
      %run_scoped3A = tpu.sem_alloc : memref<!tpu.dma_semaphore, #tpu.memory_space<semaphore_mem>>
      %dma_start3A = arith.constant 0 : i32
      %dma_start3A_11 = tpu.memref_slice %arg6[%arg0, %mul3A_10, %dma_start3A] : memref<2x10240x128xf32, #tpu.memory_space<hbm>> -> memref<1x640x128xf32, #tpu.memory_space<hbm>>
      %dma_start3A_12 = tpu.memref_squeeze %dma_start3A_11 : memref<1x640x128xf32, #tpu.memory_space<hbm>> -> memref<640x128xf32, #tpu.memory_space<hbm>>
      %dma_start3A_13 = arith.constant 0 : i32
      %dma_start3A_14 = tpu.memref_slice %arg10[%mul3A_8, %dma_start3A_13] : memref<10240x128xf32, #tpu.memory_space<vmem_shared>> -> memref<640x128xf32, #tpu.memory_space<vmem_shared>>
      tpu.enqueue_dma source(%dma_start3A_14 : memref<640x128xf32, #tpu.memory_space<vmem_shared>>) target(%dma_start3A_12 : memref<640x128xf32, #tpu.memory_space<hbm>>) target_semaphore(%run_scoped3A : memref<!tpu.dma_semaphore, #tpu.memory_space<semaphore_mem>>)
      %dma_wait3A = arith.constant 0 : i32
      %dma_wait3A_15 = tpu.memref_slice %arg6[%arg0, %mul3A_10, %dma_wait3A] : memref<2x10240x128xf32, #tpu.memory_space<hbm>> -> memref<1x640x128xf32, #tpu.memory_space<hbm>>
      %dma_wait3A_16 = tpu.memref_squeeze %dma_wait3A_15 : memref<1x640x128xf32, #tpu.memory_space<hbm>> -> memref<640x128xf32, #tpu.memory_space<hbm>>
      %dma_wait3A_17 = arith.constant 0 : i32
      %dma_wait3A_18 = tpu.memref_slice %arg10[%mul3A_8, %dma_wait3A_17] : memref<10240x128xf32, #tpu.memory_space<vmem_shared>> -> memref<640x128xf32, #tpu.memory_space<vmem_shared>>
      tpu.wait_dma2 semaphore(%run_scoped3A : memref<!tpu.dma_semaphore, #tpu.memory_space<semaphore_mem>>) src(%dma_wait3A_18 : memref<640x128xf32, #tpu.memory_space<vmem_shared>>) dst(%dma_wait3A_16 : memref<640x128xf32, #tpu.memory_space<hbm>>)
      tpu.yield
    }) : () -> ()
    return
  }
}

module attributes {stable_mosaic.version = 14 : i64} {
  func.func @_ab2_body(%arg0: i32, %arg1: memref<1000x64xf32, #tpu.memory_space<vmem>>, %arg2: memref<64x512xf32, #tpu.memory_space<vmem>>, %arg3: memref<1000x8xf32, #tpu.memory_space<vmem>>, %arg4: memref<8x512xf32, #tpu.memory_space<vmem>>, %arg5: memref<1x512xf32, #tpu.memory_space<vmem>>, %arg6: memref<1000x512xf32, #tpu.memory_space<vmem>>) attributes {dimension_semantics = [#tpu.dimension_semantics<arbitrary>], iteration_bounds = array<i64: 10>, scalar_prefetch = 0 : i64, scratch_operands = 0 : i64, tpu.core_type = #tpu.core_type<tc>, window_params = [{transform_indices = @transform_0, window_bounds = array<i64: 1000, 64>}, {pipeline_mode = #tpu.pipeline_mode<synchronous>, transform_indices = @transform_1, window_bounds = array<i64: 64, 512>}, {transform_indices = @transform_2, window_bounds = array<i64: 1000, 8>}, {pipeline_mode = #tpu.pipeline_mode<synchronous>, transform_indices = @transform_3, window_bounds = array<i64: 8, 512>}, {pipeline_mode = #tpu.pipeline_mode<synchronous>, transform_indices = @transform_4, window_bounds = array<i64: 1, 512>}, {transform_indices = @transform_5, window_bounds = array<i64: 1000, 512>}]} {
    %get3A = arith.constant 0 : index
    %get3A_0 = arith.constant 0 : index
    %get3A_1 = vector.load %arg1[%get3A, %get3A_0] : memref<1000x64xf32, #tpu.memory_space<vmem>>, vector<1000x64xf32>
    %get3A_2 = arith.constant 0 : index
    %get3A_3 = arith.constant 0 : index
    %get3A_4 = vector.load %arg2[%get3A_2, %get3A_3] : memref<64x512xf32, #tpu.memory_space<vmem>>, vector<64x512xf32>
    %dot_general3A = arith.constant dense<0.000000e+00> : vector<1000x512xf32>
    %dot_general3A_5 = tpu.matmul %get3A_1, %get3A_4, %dot_general3A {dimension_numbers = #tpu.dot_dimension_numbers<[1], [0], [0], [1], [0, 0, 1, 1], [], []>, transpose_lhs_hint = false} : vector<1000x64xf32>, vector<64x512xf32>, vector<1000x512xf32> -> vector<1000x512xf32>
    %get3A_6 = arith.constant 0 : index
    %get3A_7 = arith.constant 0 : index
    %get3A_8 = vector.load %arg3[%get3A_6, %get3A_7] : memref<1000x8xf32, #tpu.memory_space<vmem>>, vector<1000x8xf32>
    %get3A_9 = arith.constant 0 : index
    %get3A_10 = arith.constant 0 : index
    %get3A_11 = vector.load %arg4[%get3A_9, %get3A_10] : memref<8x512xf32, #tpu.memory_space<vmem>>, vector<8x512xf32>
    %dot_general3A_12 = arith.constant dense<0.000000e+00> : vector<1000x512xf32>
    %dot_general3A_13 = tpu.matmul %get3A_8, %get3A_11, %dot_general3A_12 {dimension_numbers = #tpu.dot_dimension_numbers<[1], [0], [0], [1], [0, 0, 1, 1], [], []>, transpose_lhs_hint = false} : vector<1000x8xf32>, vector<8x512xf32>, vector<1000x512xf32> -> vector<1000x512xf32>
    %add3A = arith.addf %dot_general3A_5, %dot_general3A_13 : vector<1000x512xf32>
    %get3A_14 = arith.constant 0 : index
    %get3A_15 = arith.constant 0 : index
    %get3A_16 = vector.load %arg5[%get3A_14, %get3A_15] : memref<1x512xf32, #tpu.memory_space<vmem>>, vector<1x512xf32>
    %add3A_17 = vector.broadcast %get3A_16 : vector<1x512xf32> to vector<1000x512xf32>
    %add3A_18 = arith.addf %add3A, %add3A_17 : vector<1000x512xf32>
    %swap3A = arith.constant 0 : index
    %swap3A_19 = arith.constant 0 : index
    %swap3A_20 = vector.load %arg6[%swap3A, %swap3A_19] : memref<1000x512xf32, #tpu.memory_space<vmem>>, vector<1000x512xf32>
    tpu.vector_store %arg6[%swap3A, %swap3A_19], %add3A_18 {strides = array<i32>} : memref<1000x512xf32, #tpu.memory_space<vmem>>, vector<1000x512xf32>,
    return
  }
  func.func @transform_0(%arg0: i32) -> (i32, i32) {
    %c0_i32 = arith.constant 0 : i32
    %c0_i32_0 = arith.constant 0 : i32
    return %arg0, %c0_i32 : i32, i32
  }
  func.func @transform_1(%arg0: i32) -> (i32, i32) {
    %c0_i32 = arith.constant 0 : i32
    %c0_i32_0 = arith.constant 0 : i32
    %c0_i32_1 = arith.constant 0 : i32
    return %c0_i32, %c0_i32_0 : i32, i32
  }
  func.func @transform_2(%arg0: i32) -> (i32, i32) {
    %c0_i32 = arith.constant 0 : i32
    %c0_i32_0 = arith.constant 0 : i32
    return %arg0, %c0_i32 : i32, i32
  }
  func.func @transform_3(%arg0: i32) -> (i32, i32) {
    %c0_i32 = arith.constant 0 : i32
    %c0_i32_0 = arith.constant 0 : i32
    %c0_i32_1 = arith.constant 0 : i32
    return %c0_i32, %c0_i32_0 : i32, i32
  }
  func.func @transform_4(%arg0: i32) -> (i32, i32) {
    %c0_i32 = arith.constant 0 : i32
    %c0_i32_0 = arith.constant 0 : i32
    %c0_i32_1 = arith.constant 0 : i32
    return %c0_i32, %c0_i32_0 : i32, i32
  }
  func.func @transform_5(%arg0: i32) -> (i32, i32) {
    %c0_i32 = arith.constant 0 : i32
    %c0_i32_0 = arith.constant 0 : i32
    return %arg0, %c0_i32 : i32, i32
  }
}

module attributes {stable_mosaic.version = 14 : i64} {
  func.func @_ab2_body(%arg0: i32, %arg1: memref<1000x64xf32, #tpu.memory_space<vmem>>, %arg2: memref<64x512xf32, #tpu.memory_space<vmem>>, %arg3: memref<1000x128xf32, #tpu.memory_space<vmem>>, %arg4: memref<128x512xf32, #tpu.memory_space<vmem>>, %arg5: memref<1x512xf32, #tpu.memory_space<vmem>>, %arg6: memref<1000x512xf32, #tpu.memory_space<vmem>>) attributes {dimension_semantics = [#tpu.dimension_semantics<arbitrary>], iteration_bounds = array<i64: 10>, scalar_prefetch = 0 : i64, scratch_operands = 0 : i64, tpu.core_type = #tpu.core_type<tc>, window_params = [{transform_indices = @transform_0, window_bounds = array<i64: 1000, 64>}, {pipeline_mode = #tpu.pipeline_mode<synchronous>, transform_indices = @transform_1, window_bounds = array<i64: 64, 512>}, {transform_indices = @transform_2, window_bounds = array<i64: 1000, 128>}, {pipeline_mode = #tpu.pipeline_mode<synchronous>, transform_indices = @transform_3, window_bounds = array<i64: 128, 512>}, {pipeline_mode = #tpu.pipeline_mode<synchronous>, transform_indices = @transform_4, window_bounds = array<i64: 1, 512>}, {transform_indices = @transform_5, window_bounds = array<i64: 1000, 512>}]} {
    %get3A = arith.constant 0 : index
    %get3A_0 = arith.constant 0 : index
    %get3A_1 = vector.load %arg1[%get3A, %get3A_0] : memref<1000x64xf32, #tpu.memory_space<vmem>>, vector<1000x64xf32>
    %get3A_2 = arith.constant 0 : index
    %get3A_3 = arith.constant 0 : index
    %get3A_4 = vector.load %arg2[%get3A_2, %get3A_3] : memref<64x512xf32, #tpu.memory_space<vmem>>, vector<64x512xf32>
    %dot_general3A = arith.constant dense<0.000000e+00> : vector<1000x512xf32>
    %dot_general3A_5 = tpu.matmul %get3A_1, %get3A_4, %dot_general3A {dimension_numbers = #tpu.dot_dimension_numbers<[1], [0], [0], [1], [0, 0, 1, 1], [], []>, transpose_lhs_hint = false} : vector<1000x64xf32>, vector<64x512xf32>, vector<1000x512xf32> -> vector<1000x512xf32>
    %get3A_6 = arith.constant 0 : index
    %get3A_7 = arith.constant 0 : index
    %get3A_8 = vector.load %arg3[%get3A_6, %get3A_7] : memref<1000x128xf32, #tpu.memory_space<vmem>>, vector<1000x128xf32>
    %get3A_9 = arith.constant 0 : index
    %get3A_10 = arith.constant 0 : index
    %get3A_11 = vector.load %arg4[%get3A_9, %get3A_10] : memref<128x512xf32, #tpu.memory_space<vmem>>, vector<128x512xf32>
    %dot_general3A_12 = arith.constant dense<0.000000e+00> : vector<1000x512xf32>
    %dot_general3A_13 = tpu.matmul %get3A_8, %get3A_11, %dot_general3A_12 {dimension_numbers = #tpu.dot_dimension_numbers<[1], [0], [0], [1], [0, 0, 1, 1], [], []>, transpose_lhs_hint = false} : vector<1000x128xf32>, vector<128x512xf32>, vector<1000x512xf32> -> vector<1000x512xf32>
    %add3A = arith.addf %dot_general3A_5, %dot_general3A_13 : vector<1000x512xf32>
    %get3A_14 = arith.constant 0 : index
    %get3A_15 = arith.constant 0 : index
    %get3A_16 = vector.load %arg5[%get3A_14, %get3A_15] : memref<1x512xf32, #tpu.memory_space<vmem>>, vector<1x512xf32>
    %add3A_17 = vector.broadcast %get3A_16 : vector<1x512xf32> to vector<1000x512xf32>
    %add3A_18 = arith.addf %add3A, %add3A_17 : vector<1000x512xf32>
    %swap3A = arith.constant 0 : index
    %swap3A_19 = arith.constant 0 : index
    %swap3A_20 = vector.load %arg6[%swap3A, %swap3A_19] : memref<1000x512xf32, #tpu.memory_space<vmem>>, vector<1000x512xf32>
    tpu.vector_store %arg6[%swap3A, %swap3A_19], %add3A_18 {strides = array<i32>} : memref<1000x512xf32, #tpu.memory_space<vmem>>, vector<1000x512xf32>,
    return
  }
  func.func @transform_0(%arg0: i32) -> (i32, i32) {
    %c0_i32 = arith.constant 0 : i32
    %c0_i32_0 = arith.constant 0 : i32
    return %arg0, %c0_i32 : i32, i32
  }
  func.func @transform_1(%arg0: i32) -> (i32, i32) {
    %c0_i32 = arith.constant 0 : i32
    %c0_i32_0 = arith.constant 0 : i32
    %c0_i32_1 = arith.constant 0 : i32
    return %c0_i32, %c0_i32_0 : i32, i32
  }
  func.func @transform_2(%arg0: i32) -> (i32, i32) {
    %c0_i32 = arith.constant 0 : i32
    %c0_i32_0 = arith.constant 0 : i32
    return %arg0, %c0_i32 : i32, i32
  }
  func.func @transform_3(%arg0: i32) -> (i32, i32) {
    %c0_i32 = arith.constant 0 : i32
    %c0_i32_0 = arith.constant 0 : i32
    %c0_i32_1 = arith.constant 0 : i32
    return %c0_i32, %c0_i32_0 : i32, i32
  }
  func.func @transform_4(%arg0: i32) -> (i32, i32) {
    %c0_i32 = arith.constant 0 : i32
    %c0_i32_0 = arith.constant 0 : i32
    %c0_i32_1 = arith.constant 0 : i32
    return %c0_i32, %c0_i32_0 : i32, i32
  }
  func.func @transform_5(%arg0: i32) -> (i32, i32) {
    %c0_i32 = arith.constant 0 : i32
    %c0_i32_0 = arith.constant 0 : i32
    return %arg0, %c0_i32 : i32, i32
  }
}

module attributes {stable_mosaic.version = 14 : i64} {
  func.func @_edge_body(%arg0: i32, %arg1: memref<1000x256xf32, #tpu.memory_space<vmem>>, %arg2: memref<1000x256xf32, #tpu.memory_space<vmem>>, %arg3: memref<1000x16xf32, #tpu.memory_space<vmem>>, %arg4: memref<16x256xf32, #tpu.memory_space<vmem>>, %arg5: memref<1x256xf32, #tpu.memory_space<vmem>>, %arg6: memref<256x640xf32, #tpu.memory_space<vmem>>, %arg7: memref<1x640xf32, #tpu.memory_space<vmem>>, %arg8: memref<1000x512xf32, #tpu.memory_space<vmem>>, %arg9: memref<1000x128xf32, #tpu.memory_space<vmem>>) attributes {dimension_semantics = [#tpu.dimension_semantics<arbitrary>], iteration_bounds = array<i64: 160>, scalar_prefetch = 0 : i64, scratch_operands = 0 : i64, tpu.core_type = #tpu.core_type<tc>, window_params = [{transform_indices = @transform_0, window_bounds = array<i64: 1000, 256>}, {transform_indices = @transform_1, window_bounds = array<i64: 1000, 256>}, {transform_indices = @transform_2, window_bounds = array<i64: 1000, 16>}, {pipeline_mode = #tpu.pipeline_mode<synchronous>, transform_indices = @transform_3, window_bounds = array<i64: 16, 256>}, {pipeline_mode = #tpu.pipeline_mode<synchronous>, transform_indices = @transform_4, window_bounds = array<i64: 1, 256>}, {pipeline_mode = #tpu.pipeline_mode<synchronous>, transform_indices = @transform_5, window_bounds = array<i64: 256, 640>}, {pipeline_mode = #tpu.pipeline_mode<synchronous>, transform_indices = @transform_6, window_bounds = array<i64: 1, 640>}, {transform_indices = @transform_7, window_bounds = array<i64: 1000, 512>}, {transform_indices = @transform_8, window_bounds = array<i64: 1000, 128>}]} {
    %get3A = arith.constant 0 : index
    %get3A_0 = arith.constant 0 : index
    %get3A_1 = vector.load %arg1[%get3A, %get3A_0] : memref<1000x256xf32, #tpu.memory_space<vmem>>, vector<1000x256xf32>
    %get3A_2 = arith.constant 0 : index
    %get3A_3 = arith.constant 0 : index
    %get3A_4 = vector.load %arg2[%get3A_2, %get3A_3] : memref<1000x256xf32, #tpu.memory_space<vmem>>, vector<1000x256xf32>
    %add3A = arith.addf %get3A_1, %get3A_4 : vector<1000x256xf32>
    %get3A_5 = arith.constant 0 : index
    %get3A_6 = arith.constant 0 : index
    %get3A_7 = vector.load %arg5[%get3A_5, %get3A_6] : memref<1x256xf32, #tpu.memory_space<vmem>>, vector<1x256xf32>
    %add3A_8 = vector.broadcast %get3A_7 : vector<1x256xf32> to vector<1000x256xf32>
    %add3A_9 = arith.addf %add3A, %add3A_8 : vector<1000x256xf32>
    %get3A_10 = arith.constant 0 : index
    %get3A_11 = arith.constant 0 : index
    %get3A_12 = vector.load %arg3[%get3A_10, %get3A_11] : memref<1000x16xf32, #tpu.memory_space<vmem>>, vector<1000x16xf32>
    %get3A_13 = arith.constant 0 : index
    %get3A_14 = arith.constant 0 : index
    %get3A_15 = vector.load %arg4[%get3A_13, %get3A_14] : memref<16x256xf32, #tpu.memory_space<vmem>>, vector<16x256xf32>
    %dot_general3A = arith.constant dense<0.000000e+00> : vector<1000x256xf32>
    %dot_general3A_16 = tpu.matmul %get3A_12, %get3A_15, %dot_general3A {dimension_numbers = #tpu.dot_dimension_numbers<[1], [0], [0], [1], [0, 0, 1, 1], [], []>, transpose_lhs_hint = false} : vector<1000x16xf32>, vector<16x256xf32>, vector<1000x256xf32> -> vector<1000x256xf32>
    %add3A_17 = arith.addf %add3A_9, %dot_general3A_16 : vector<1000x256xf32>
    %max3A = arith.constant 0.000000e+00 : f32
    %max3A_18 = vector.broadcast %max3A : f32 to vector<1000x256xf32>
    %max3A_19 = arith.maximumf %add3A_17, %max3A_18 : vector<1000x256xf32>
    %get3A_20 = arith.constant 0 : index
    %get3A_21 = arith.constant 0 : index
    %get3A_22 = vector.load %arg6[%get3A_20, %get3A_21] : memref<256x640xf32, #tpu.memory_space<vmem>>, vector<256x640xf32>
    %dot_general3A_23 = arith.constant dense<0.000000e+00> : vector<1000x640xf32>
    %dot_general3A_24 = tpu.matmul %max3A_19, %get3A_22, %dot_general3A_23 {dimension_numbers = #tpu.dot_dimension_numbers<[1], [0], [0], [1], [0, 0, 1, 1], [], []>, transpose_lhs_hint = false} : vector<1000x256xf32>, vector<256x640xf32>, vector<1000x640xf32> -> vector<1000x640xf32>
    %get3A_25 = arith.constant 0 : index
    %get3A_26 = arith.constant 0 : index
    %get3A_27 = vector.load %arg7[%get3A_25, %get3A_26] : memref<1x640xf32, #tpu.memory_space<vmem>>, vector<1x640xf32>
    %add3A_28 = vector.broadcast %get3A_27 : vector<1x640xf32> to vector<1000x640xf32>
    %add3A_29 = arith.addf %dot_general3A_24, %add3A_28 : vector<1000x640xf32>
    %max3A_30 = arith.constant 0.000000e+00 : f32
    %max3A_31 = vector.broadcast %max3A_30 : f32 to vector<1000x640xf32>
    %max3A_32 = arith.maximumf %add3A_29, %max3A_31 : vector<1000x640xf32>
    %slice3A = vector.extract_strided_slice %max3A_32 {offsets = [0, 0], sizes = [1000, 512], strides = [1, 1]} : vector<1000x640xf32> to vector<1000x512xf32>
    %swap3A = arith.constant 0 : index
    %swap3A_33 = arith.constant 0 : index
    %swap3A_34 = vector.load %arg8[%swap3A, %swap3A_33] : memref<1000x512xf32, #tpu.memory_space<vmem>>, vector<1000x512xf32>
    tpu.vector_store %arg8[%swap3A, %swap3A_33], %slice3A {strides = array<i32>} : memref<1000x512xf32, #tpu.memory_space<vmem>>, vector<1000x512xf32>,
    %slice3A_35 = vector.extract_strided_slice %max3A_32 {offsets = [0, 512], sizes = [1000, 128], strides = [1, 1]} : vector<1000x640xf32> to vector<1000x128xf32>
    %swap3A_36 = arith.constant 0 : index
    %swap3A_37 = arith.constant 0 : index
    %swap3A_38 = vector.load %arg9[%swap3A_36, %swap3A_37] : memref<1000x128xf32, #tpu.memory_space<vmem>>, vector<1000x128xf32>
    tpu.vector_store %arg9[%swap3A_36, %swap3A_37], %slice3A_35 {strides = array<i32>} : memref<1000x128xf32, #tpu.memory_space<vmem>>, vector<1000x128xf32>,
    return
  }
  func.func @transform_0(%arg0: i32) -> (i32, i32) {
    %c0_i32 = arith.constant 0 : i32
    %c0_i32_0 = arith.constant 0 : i32
    return %arg0, %c0_i32 : i32, i32
  }
  func.func @transform_1(%arg0: i32) -> (i32, i32) {
    %c0_i32 = arith.constant 0 : i32
    %c0_i32_0 = arith.constant 0 : i32
    return %arg0, %c0_i32 : i32, i32
  }
  func.func @transform_2(%arg0: i32) -> (i32, i32) {
    %c0_i32 = arith.constant 0 : i32
    %c0_i32_0 = arith.constant 0 : i32
    return %arg0, %c0_i32 : i32, i32
  }
  func.func @transform_3(%arg0: i32) -> (i32, i32) {
    %c0_i32 = arith.constant 0 : i32
    %c0_i32_0 = arith.constant 0 : i32
    %c0_i32_1 = arith.constant 0 : i32
    return %c0_i32, %c0_i32_0 : i32, i32
  }
  func.func @transform_4(%arg0: i32) -> (i32, i32) {
    %c0_i32 = arith.constant 0 : i32
    %c0_i32_0 = arith.constant 0 : i32
    %c0_i32_1 = arith.constant 0 : i32
    return %c0_i32, %c0_i32_0 : i32, i32
  }
  func.func @transform_5(%arg0: i32) -> (i32, i32) {
    %c0_i32 = arith.constant 0 : i32
    %c0_i32_0 = arith.constant 0 : i32
    %c0_i32_1 = arith.constant 0 : i32
    return %c0_i32, %c0_i32_0 : i32, i32
  }
  func.func @transform_6(%arg0: i32) -> (i32, i32) {
    %c0_i32 = arith.constant 0 : i32
    %c0_i32_0 = arith.constant 0 : i32
    %c0_i32_1 = arith.constant 0 : i32
    return %c0_i32, %c0_i32_0 : i32, i32
  }
  func.func @transform_7(%arg0: i32) -> (i32, i32) {
    %c0_i32 = arith.constant 0 : i32
    %c0_i32_0 = arith.constant 0 : i32
    return %arg0, %c0_i32 : i32, i32
  }
  func.func @transform_8(%arg0: i32) -> (i32, i32) {
    %c0_i32 = arith.constant 0 : i32
    %c0_i32_0 = arith.constant 0 : i32
    return %arg0, %c0_i32 : i32, i32
  }
}

module attributes {stable_mosaic.version = 14 : i64} {
  func.func @_mlp2_body(%arg0: i32, %arg1: memref<1000x256xf32, #tpu.memory_space<vmem>>, %arg2: memref<256x256xf32, #tpu.memory_space<vmem>>, %arg3: memref<1x256xf32, #tpu.memory_space<vmem>>, %arg4: memref<256x128xf32, #tpu.memory_space<vmem>>, %arg5: memref<1x128xf32, #tpu.memory_space<vmem>>, %arg6: memref<1000x128xf32, #tpu.memory_space<vmem>>) attributes {dimension_semantics = [#tpu.dimension_semantics<arbitrary>], iteration_bounds = array<i64: 10>, scalar_prefetch = 0 : i64, scratch_operands = 0 : i64, tpu.core_type = #tpu.core_type<tc>, window_params = [{transform_indices = @transform_0, window_bounds = array<i64: 1000, 256>}, {pipeline_mode = #tpu.pipeline_mode<synchronous>, transform_indices = @transform_1, window_bounds = array<i64: 256, 256>}, {pipeline_mode = #tpu.pipeline_mode<synchronous>, transform_indices = @transform_2, window_bounds = array<i64: 1, 256>}, {pipeline_mode = #tpu.pipeline_mode<synchronous>, transform_indices = @transform_3, window_bounds = array<i64: 256, 128>}, {pipeline_mode = #tpu.pipeline_mode<synchronous>, transform_indices = @transform_4, window_bounds = array<i64: 1, 128>}, {transform_indices = @transform_5, window_bounds = array<i64: 1000, 128>}]} {
    %get3A = arith.constant 0 : index
    %get3A_0 = arith.constant 0 : index
    %get3A_1 = vector.load %arg1[%get3A, %get3A_0] : memref<1000x256xf32, #tpu.memory_space<vmem>>, vector<1000x256xf32>
    %get3A_2 = arith.constant 0 : index
    %get3A_3 = arith.constant 0 : index
    %get3A_4 = vector.load %arg2[%get3A_2, %get3A_3] : memref<256x256xf32, #tpu.memory_space<vmem>>, vector<256x256xf32>
    %dot_general3A = arith.constant dense<0.000000e+00> : vector<1000x256xf32>
    %dot_general3A_5 = tpu.matmul %get3A_1, %get3A_4, %dot_general3A {dimension_numbers = #tpu.dot_dimension_numbers<[1], [0], [0], [1], [0, 0, 1, 1], [], []>, transpose_lhs_hint = false} : vector<1000x256xf32>, vector<256x256xf32>, vector<1000x256xf32> -> vector<1000x256xf32>
    %get3A_6 = arith.constant 0 : index
    %get3A_7 = arith.constant 0 : index
    %get3A_8 = vector.load %arg3[%get3A_6, %get3A_7] : memref<1x256xf32, #tpu.memory_space<vmem>>, vector<1x256xf32>
    %add3A = vector.broadcast %get3A_8 : vector<1x256xf32> to vector<1000x256xf32>
    %add3A_9 = arith.addf %dot_general3A_5, %add3A : vector<1000x256xf32>
    %max3A = arith.constant 0.000000e+00 : f32
    %max3A_10 = vector.broadcast %max3A : f32 to vector<1000x256xf32>
    %max3A_11 = arith.maximumf %add3A_9, %max3A_10 : vector<1000x256xf32>
    %get3A_12 = arith.constant 0 : index
    %get3A_13 = arith.constant 0 : index
    %get3A_14 = vector.load %arg4[%get3A_12, %get3A_13] : memref<256x128xf32, #tpu.memory_space<vmem>>, vector<256x128xf32>
    %dot_general3A_15 = arith.constant dense<0.000000e+00> : vector<1000x128xf32>
    %dot_general3A_16 = tpu.matmul %max3A_11, %get3A_14, %dot_general3A_15 {dimension_numbers = #tpu.dot_dimension_numbers<[1], [0], [0], [1], [0, 0, 1, 1], [], []>, transpose_lhs_hint = false} : vector<1000x256xf32>, vector<256x128xf32>, vector<1000x128xf32> -> vector<1000x128xf32>
    %get3A_17 = arith.constant 0 : index
    %get3A_18 = arith.constant 0 : index
    %get3A_19 = vector.load %arg5[%get3A_17, %get3A_18] : memref<1x128xf32, #tpu.memory_space<vmem>>, vector<1x128xf32>
    %add3A_20 = vector.broadcast %get3A_19 : vector<1x128xf32> to vector<1000x128xf32>
    %add3A_21 = arith.addf %dot_general3A_16, %add3A_20 : vector<1000x128xf32>
    %max3A_22 = arith.constant 0.000000e+00 : f32
    %max3A_23 = vector.broadcast %max3A_22 : f32 to vector<1000x128xf32>
    %max3A_24 = arith.maximumf %add3A_21, %max3A_23 : vector<1000x128xf32>
    %swap3A = arith.constant 0 : index
    %swap3A_25 = arith.constant 0 : index
    %swap3A_26 = vector.load %arg6[%swap3A, %swap3A_25] : memref<1000x128xf32, #tpu.memory_space<vmem>>, vector<1000x128xf32>
    tpu.vector_store %arg6[%swap3A, %swap3A_25], %max3A_24 {strides = array<i32>} : memref<1000x128xf32, #tpu.memory_space<vmem>>, vector<1000x128xf32>,
    return
  }
  func.func @transform_0(%arg0: i32) -> (i32, i32) {
    %c0_i32 = arith.constant 0 : i32
    %c0_i32_0 = arith.constant 0 : i32
    return %arg0, %c0_i32 : i32, i32
  }
  func.func @transform_1(%arg0: i32) -> (i32, i32) {
    %c0_i32 = arith.constant 0 : i32
    %c0_i32_0 = arith.constant 0 : i32
    %c0_i32_1 = arith.constant 0 : i32
    return %c0_i32, %c0_i32_0 : i32, i32
  }
  func.func @transform_2(%arg0: i32) -> (i32, i32) {
    %c0_i32 = arith.constant 0 : i32
    %c0_i32_0 = arith.constant 0 : i32
    %c0_i32_1 = arith.constant 0 : i32
    return %c0_i32, %c0_i32_0 : i32, i32
  }
  func.func @transform_3(%arg0: i32) -> (i32, i32) {
    %c0_i32 = arith.constant 0 : i32
    %c0_i32_0 = arith.constant 0 : i32
    %c0_i32_1 = arith.constant 0 : i32
    return %c0_i32, %c0_i32_0 : i32, i32
  }
  func.func @transform_4(%arg0: i32) -> (i32, i32) {
    %c0_i32 = arith.constant 0 : i32
    %c0_i32_0 = arith.constant 0 : i32
    %c0_i32_1 = arith.constant 0 : i32
    return %c0_i32, %c0_i32_0 : i32, i32
  }
  func.func @transform_5(%arg0: i32) -> (i32, i32) {
    %c0_i32 = arith.constant 0 : i32
    %c0_i32_0 = arith.constant 0 : i32
    return %arg0, %c0_i32 : i32, i32
  }
}

module attributes {stable_mosaic.version = 14 : i64} {
  func.func @_dense_body(%arg0: i32, %arg1: memref<1000x128xf32, #tpu.memory_space<vmem>>, %arg2: memref<128x512xf32, #tpu.memory_space<vmem>>, %arg3: memref<1000x512xf32, #tpu.memory_space<vmem>>) attributes {dimension_semantics = [#tpu.dimension_semantics<arbitrary>], iteration_bounds = array<i64: 10>, scalar_prefetch = 0 : i64, scratch_operands = 0 : i64, tpu.core_type = #tpu.core_type<tc>, window_params = [{transform_indices = @transform_0, window_bounds = array<i64: 1000, 128>}, {pipeline_mode = #tpu.pipeline_mode<synchronous>, transform_indices = @transform_1, window_bounds = array<i64: 128, 512>}, {transform_indices = @transform_2, window_bounds = array<i64: 1000, 512>}]} {
    %get3A = arith.constant 0 : index
    %get3A_0 = arith.constant 0 : index
    %get3A_1 = vector.load %arg1[%get3A, %get3A_0] : memref<1000x128xf32, #tpu.memory_space<vmem>>, vector<1000x128xf32>
    %get3A_2 = arith.constant 0 : index
    %get3A_3 = arith.constant 0 : index
    %get3A_4 = vector.load %arg2[%get3A_2, %get3A_3] : memref<128x512xf32, #tpu.memory_space<vmem>>, vector<128x512xf32>
    %dot_general3A = arith.constant dense<0.000000e+00> : vector<1000x512xf32>
    %dot_general3A_5 = tpu.matmul %get3A_1, %get3A_4, %dot_general3A {dimension_numbers = #tpu.dot_dimension_numbers<[1], [0], [0], [1], [0, 0, 1, 1], [], []>, transpose_lhs_hint = false} : vector<1000x128xf32>, vector<128x512xf32>, vector<1000x512xf32> -> vector<1000x512xf32>
    %swap3A = arith.constant 0 : index
    %swap3A_6 = arith.constant 0 : index
    %swap3A_7 = vector.load %arg3[%swap3A, %swap3A_6] : memref<1000x512xf32, #tpu.memory_space<vmem>>, vector<1000x512xf32>
    tpu.vector_store %arg3[%swap3A, %swap3A_6], %dot_general3A_5 {strides = array<i32>} : memref<1000x512xf32, #tpu.memory_space<vmem>>, vector<1000x512xf32>,
    return
  }
  func.func @transform_0(%arg0: i32) -> (i32, i32) {
    %c0_i32 = arith.constant 0 : i32
    %c0_i32_0 = arith.constant 0 : i32
    return %arg0, %c0_i32 : i32, i32
  }
  func.func @transform_1(%arg0: i32) -> (i32, i32) {
    %c0_i32 = arith.constant 0 : i32
    %c0_i32_0 = arith.constant 0 : i32
    %c0_i32_1 = arith.constant 0 : i32
    return %c0_i32, %c0_i32_0 : i32, i32
  }
  func.func @transform_2(%arg0: i32) -> (i32, i32) {
    %c0_i32 = arith.constant 0 : i32
    %c0_i32_0 = arith.constant 0 : i32
    return %arg0, %c0_i32 : i32, i32
  }
}

module attributes {stable_mosaic.version = 14 : i64} {
  func.func @_edge_body(%arg0: i32, %arg1: memref<1000x256xf32, #tpu.memory_space<vmem>>, %arg2: memref<1000x256xf32, #tpu.memory_space<vmem>>, %arg3: memref<1000x128xf32, #tpu.memory_space<vmem>>, %arg4: memref<128x256xf32, #tpu.memory_space<vmem>>, %arg5: memref<1x256xf32, #tpu.memory_space<vmem>>, %arg6: memref<256x640xf32, #tpu.memory_space<vmem>>, %arg7: memref<1x640xf32, #tpu.memory_space<vmem>>, %arg8: memref<1000x512xf32, #tpu.memory_space<vmem>>, %arg9: memref<1000x128xf32, #tpu.memory_space<vmem>>) attributes {dimension_semantics = [#tpu.dimension_semantics<arbitrary>], iteration_bounds = array<i64: 160>, scalar_prefetch = 0 : i64, scratch_operands = 0 : i64, tpu.core_type = #tpu.core_type<tc>, window_params = [{transform_indices = @transform_0, window_bounds = array<i64: 1000, 256>}, {transform_indices = @transform_1, window_bounds = array<i64: 1000, 256>}, {transform_indices = @transform_2, window_bounds = array<i64: 1000, 128>}, {pipeline_mode = #tpu.pipeline_mode<synchronous>, transform_indices = @transform_3, window_bounds = array<i64: 128, 256>}, {pipeline_mode = #tpu.pipeline_mode<synchronous>, transform_indices = @transform_4, window_bounds = array<i64: 1, 256>}, {pipeline_mode = #tpu.pipeline_mode<synchronous>, transform_indices = @transform_5, window_bounds = array<i64: 256, 640>}, {pipeline_mode = #tpu.pipeline_mode<synchronous>, transform_indices = @transform_6, window_bounds = array<i64: 1, 640>}, {transform_indices = @transform_7, window_bounds = array<i64: 1000, 512>}, {transform_indices = @transform_8, window_bounds = array<i64: 1000, 128>}]} {
    %get3A = arith.constant 0 : index
    %get3A_0 = arith.constant 0 : index
    %get3A_1 = vector.load %arg1[%get3A, %get3A_0] : memref<1000x256xf32, #tpu.memory_space<vmem>>, vector<1000x256xf32>
    %get3A_2 = arith.constant 0 : index
    %get3A_3 = arith.constant 0 : index
    %get3A_4 = vector.load %arg2[%get3A_2, %get3A_3] : memref<1000x256xf32, #tpu.memory_space<vmem>>, vector<1000x256xf32>
    %add3A = arith.addf %get3A_1, %get3A_4 : vector<1000x256xf32>
    %get3A_5 = arith.constant 0 : index
    %get3A_6 = arith.constant 0 : index
    %get3A_7 = vector.load %arg5[%get3A_5, %get3A_6] : memref<1x256xf32, #tpu.memory_space<vmem>>, vector<1x256xf32>
    %add3A_8 = vector.broadcast %get3A_7 : vector<1x256xf32> to vector<1000x256xf32>
    %add3A_9 = arith.addf %add3A, %add3A_8 : vector<1000x256xf32>
    %get3A_10 = arith.constant 0 : index
    %get3A_11 = arith.constant 0 : index
    %get3A_12 = vector.load %arg3[%get3A_10, %get3A_11] : memref<1000x128xf32, #tpu.memory_space<vmem>>, vector<1000x128xf32>
    %get3A_13 = arith.constant 0 : index
    %get3A_14 = arith.constant 0 : index
    %get3A_15 = vector.load %arg4[%get3A_13, %get3A_14] : memref<128x256xf32, #tpu.memory_space<vmem>>, vector<128x256xf32>
    %dot_general3A = arith.constant dense<0.000000e+00> : vector<1000x256xf32>
    %dot_general3A_16 = tpu.matmul %get3A_12, %get3A_15, %dot_general3A {dimension_numbers = #tpu.dot_dimension_numbers<[1], [0], [0], [1], [0, 0, 1, 1], [], []>, transpose_lhs_hint = false} : vector<1000x128xf32>, vector<128x256xf32>, vector<1000x256xf32> -> vector<1000x256xf32>
    %add3A_17 = arith.addf %add3A_9, %dot_general3A_16 : vector<1000x256xf32>
    %max3A = arith.constant 0.000000e+00 : f32
    %max3A_18 = vector.broadcast %max3A : f32 to vector<1000x256xf32>
    %max3A_19 = arith.maximumf %add3A_17, %max3A_18 : vector<1000x256xf32>
    %get3A_20 = arith.constant 0 : index
    %get3A_21 = arith.constant 0 : index
    %get3A_22 = vector.load %arg6[%get3A_20, %get3A_21] : memref<256x640xf32, #tpu.memory_space<vmem>>, vector<256x640xf32>
    %dot_general3A_23 = arith.constant dense<0.000000e+00> : vector<1000x640xf32>
    %dot_general3A_24 = tpu.matmul %max3A_19, %get3A_22, %dot_general3A_23 {dimension_numbers = #tpu.dot_dimension_numbers<[1], [0], [0], [1], [0, 0, 1, 1], [], []>, transpose_lhs_hint = false} : vector<1000x256xf32>, vector<256x640xf32>, vector<1000x640xf32> -> vector<1000x640xf32>
    %get3A_25 = arith.constant 0 : index
    %get3A_26 = arith.constant 0 : index
    %get3A_27 = vector.load %arg7[%get3A_25, %get3A_26] : memref<1x640xf32, #tpu.memory_space<vmem>>, vector<1x640xf32>
    %add3A_28 = vector.broadcast %get3A_27 : vector<1x640xf32> to vector<1000x640xf32>
    %add3A_29 = arith.addf %dot_general3A_24, %add3A_28 : vector<1000x640xf32>
    %max3A_30 = arith.constant 0.000000e+00 : f32
    %max3A_31 = vector.broadcast %max3A_30 : f32 to vector<1000x640xf32>
    %max3A_32 = arith.maximumf %add3A_29, %max3A_31 : vector<1000x640xf32>
    %slice3A = vector.extract_strided_slice %max3A_32 {offsets = [0, 0], sizes = [1000, 512], strides = [1, 1]} : vector<1000x640xf32> to vector<1000x512xf32>
    %swap3A = arith.constant 0 : index
    %swap3A_33 = arith.constant 0 : index
    %swap3A_34 = vector.load %arg8[%swap3A, %swap3A_33] : memref<1000x512xf32, #tpu.memory_space<vmem>>, vector<1000x512xf32>
    tpu.vector_store %arg8[%swap3A, %swap3A_33], %slice3A {strides = array<i32>} : memref<1000x512xf32, #tpu.memory_space<vmem>>, vector<1000x512xf32>,
    %slice3A_35 = vector.extract_strided_slice %max3A_32 {offsets = [0, 512], sizes = [1000, 128], strides = [1, 1]} : vector<1000x640xf32> to vector<1000x128xf32>
    %swap3A_36 = arith.constant 0 : index
    %swap3A_37 = arith.constant 0 : index
    %swap3A_38 = vector.load %arg9[%swap3A_36, %swap3A_37] : memref<1000x128xf32, #tpu.memory_space<vmem>>, vector<1000x128xf32>
    tpu.vector_store %arg9[%swap3A_36, %swap3A_37], %slice3A_35 {strides = array<i32>} : memref<1000x128xf32, #tpu.memory_space<vmem>>, vector<1000x128xf32>,
    return
  }
  func.func @transform_0(%arg0: i32) -> (i32, i32) {
    %c0_i32 = arith.constant 0 : i32
    %c0_i32_0 = arith.constant 0 : i32
    return %arg0, %c0_i32 : i32, i32
  }
  func.func @transform_1(%arg0: i32) -> (i32, i32) {
    %c0_i32 = arith.constant 0 : i32
    %c0_i32_0 = arith.constant 0 : i32
    return %arg0, %c0_i32 : i32, i32
  }
  func.func @transform_2(%arg0: i32) -> (i32, i32) {
    %c0_i32 = arith.constant 0 : i32
    %c0_i32_0 = arith.constant 0 : i32
    return %arg0, %c0_i32 : i32, i32
  }
  func.func @transform_3(%arg0: i32) -> (i32, i32) {
    %c0_i32 = arith.constant 0 : i32
    %c0_i32_0 = arith.constant 0 : i32
    %c0_i32_1 = arith.constant 0 : i32
    return %c0_i32, %c0_i32_0 : i32, i32
  }
  func.func @transform_4(%arg0: i32) -> (i32, i32) {
    %c0_i32 = arith.constant 0 : i32
    %c0_i32_0 = arith.constant 0 : i32
    %c0_i32_1 = arith.constant 0 : i32
    return %c0_i32, %c0_i32_0 : i32, i32
  }
  func.func @transform_5(%arg0: i32) -> (i32, i32) {
    %c0_i32 = arith.constant 0 : i32
    %c0_i32_0 = arith.constant 0 : i32
    %c0_i32_1 = arith.constant 0 : i32
    return %c0_i32, %c0_i32_0 : i32, i32
  }
  func.func @transform_6(%arg0: i32) -> (i32, i32) {
    %c0_i32 = arith.constant 0 : i32
    %c0_i32_0 = arith.constant 0 : i32
    %c0_i32_1 = arith.constant 0 : i32
    return %c0_i32, %c0_i32_0 : i32, i32
  }
  func.func @transform_7(%arg0: i32) -> (i32, i32) {
    %c0_i32 = arith.constant 0 : i32
    %c0_i32_0 = arith.constant 0 : i32
    return %arg0, %c0_i32 : i32, i32
  }
  func.func @transform_8(%arg0: i32) -> (i32, i32) {
    %c0_i32 = arith.constant 0 : i32
    %c0_i32_0 = arith.constant 0 : i32
    return %arg0, %c0_i32 : i32, i32
  }
}

module attributes {stable_mosaic.version = 14 : i64} {
  func.func @_ab2_body(%arg0: i32, %arg1: memref<1000x128xf32, #tpu.memory_space<vmem>>, %arg2: memref<128x512xf32, #tpu.memory_space<vmem>>, %arg3: memref<1000x128xf32, #tpu.memory_space<vmem>>, %arg4: memref<128x512xf32, #tpu.memory_space<vmem>>, %arg5: memref<1x512xf32, #tpu.memory_space<vmem>>, %arg6: memref<1000x512xf32, #tpu.memory_space<vmem>>) attributes {dimension_semantics = [#tpu.dimension_semantics<arbitrary>], iteration_bounds = array<i64: 10>, scalar_prefetch = 0 : i64, scratch_operands = 0 : i64, tpu.core_type = #tpu.core_type<tc>, window_params = [{transform_indices = @transform_0, window_bounds = array<i64: 1000, 128>}, {pipeline_mode = #tpu.pipeline_mode<synchronous>, transform_indices = @transform_1, window_bounds = array<i64: 128, 512>}, {transform_indices = @transform_2, window_bounds = array<i64: 1000, 128>}, {pipeline_mode = #tpu.pipeline_mode<synchronous>, transform_indices = @transform_3, window_bounds = array<i64: 128, 512>}, {pipeline_mode = #tpu.pipeline_mode<synchronous>, transform_indices = @transform_4, window_bounds = array<i64: 1, 512>}, {transform_indices = @transform_5, window_bounds = array<i64: 1000, 512>}]} {
    %get3A = arith.constant 0 : index
    %get3A_0 = arith.constant 0 : index
    %get3A_1 = vector.load %arg1[%get3A, %get3A_0] : memref<1000x128xf32, #tpu.memory_space<vmem>>, vector<1000x128xf32>
    %get3A_2 = arith.constant 0 : index
    %get3A_3 = arith.constant 0 : index
    %get3A_4 = vector.load %arg2[%get3A_2, %get3A_3] : memref<128x512xf32, #tpu.memory_space<vmem>>, vector<128x512xf32>
    %dot_general3A = arith.constant dense<0.000000e+00> : vector<1000x512xf32>
    %dot_general3A_5 = tpu.matmul %get3A_1, %get3A_4, %dot_general3A {dimension_numbers = #tpu.dot_dimension_numbers<[1], [0], [0], [1], [0, 0, 1, 1], [], []>, transpose_lhs_hint = false} : vector<1000x128xf32>, vector<128x512xf32>, vector<1000x512xf32> -> vector<1000x512xf32>
    %get3A_6 = arith.constant 0 : index
    %get3A_7 = arith.constant 0 : index
    %get3A_8 = vector.load %arg3[%get3A_6, %get3A_7] : memref<1000x128xf32, #tpu.memory_space<vmem>>, vector<1000x128xf32>
    %get3A_9 = arith.constant 0 : index
    %get3A_10 = arith.constant 0 : index
    %get3A_11 = vector.load %arg4[%get3A_9, %get3A_10] : memref<128x512xf32, #tpu.memory_space<vmem>>, vector<128x512xf32>
    %dot_general3A_12 = arith.constant dense<0.000000e+00> : vector<1000x512xf32>
    %dot_general3A_13 = tpu.matmul %get3A_8, %get3A_11, %dot_general3A_12 {dimension_numbers = #tpu.dot_dimension_numbers<[1], [0], [0], [1], [0, 0, 1, 1], [], []>, transpose_lhs_hint = false} : vector<1000x128xf32>, vector<128x512xf32>, vector<1000x512xf32> -> vector<1000x512xf32>
    %add3A = arith.addf %dot_general3A_5, %dot_general3A_13 : vector<1000x512xf32>
    %get3A_14 = arith.constant 0 : index
    %get3A_15 = arith.constant 0 : index
    %get3A_16 = vector.load %arg5[%get3A_14, %get3A_15] : memref<1x512xf32, #tpu.memory_space<vmem>>, vector<1x512xf32>
    %add3A_17 = vector.broadcast %get3A_16 : vector<1x512xf32> to vector<1000x512xf32>
    %add3A_18 = arith.addf %add3A, %add3A_17 : vector<1000x512xf32>
    %swap3A = arith.constant 0 : index
    %swap3A_19 = arith.constant 0 : index
    %swap3A_20 = vector.load %arg6[%swap3A, %swap3A_19] : memref<1000x512xf32, #tpu.memory_space<vmem>>, vector<1000x512xf32>
    tpu.vector_store %arg6[%swap3A, %swap3A_19], %add3A_18 {strides = array<i32>} : memref<1000x512xf32, #tpu.memory_space<vmem>>, vector<1000x512xf32>,
    return
  }
  func.func @transform_0(%arg0: i32) -> (i32, i32) {
    %c0_i32 = arith.constant 0 : i32
    %c0_i32_0 = arith.constant 0 : i32
    return %arg0, %c0_i32 : i32, i32
  }
  func.func @transform_1(%arg0: i32) -> (i32, i32) {
    %c0_i32 = arith.constant 0 : i32
    %c0_i32_0 = arith.constant 0 : i32
    %c0_i32_1 = arith.constant 0 : i32
    return %c0_i32, %c0_i32_0 : i32, i32
  }
  func.func @transform_2(%arg0: i32) -> (i32, i32) {
    %c0_i32 = arith.constant 0 : i32
    %c0_i32_0 = arith.constant 0 : i32
    return %arg0, %c0_i32 : i32, i32
  }
  func.func @transform_3(%arg0: i32) -> (i32, i32) {
    %c0_i32 = arith.constant 0 : i32
    %c0_i32_0 = arith.constant 0 : i32
    %c0_i32_1 = arith.constant 0 : i32
    return %c0_i32, %c0_i32_0 : i32, i32
  }
  func.func @transform_4(%arg0: i32) -> (i32, i32) {
    %c0_i32 = arith.constant 0 : i32
    %c0_i32_0 = arith.constant 0 : i32
    %c0_i32_1 = arith.constant 0 : i32
    return %c0_i32, %c0_i32_0 : i32, i32
  }
  func.func @transform_5(%arg0: i32) -> (i32, i32) {
    %c0_i32 = arith.constant 0 : i32
    %c0_i32_0 = arith.constant 0 : i32
    return %arg0, %c0_i32 : i32, i32
  }
}

module attributes {stable_mosaic.version = 14 : i64} {
  func.func @_edge_body(%arg0: i32, %arg1: memref<1000x256xf32, #tpu.memory_space<vmem>>, %arg2: memref<1000x256xf32, #tpu.memory_space<vmem>>, %arg3: memref<1000x128xf32, #tpu.memory_space<vmem>>, %arg4: memref<128x256xf32, #tpu.memory_space<vmem>>, %arg5: memref<1000x128xf32, #tpu.memory_space<vmem>>, %arg6: memref<128x256xf32, #tpu.memory_space<vmem>>, %arg7: memref<1x256xf32, #tpu.memory_space<vmem>>, %arg8: memref<256x768xf32, #tpu.memory_space<vmem>>, %arg9: memref<1x768xf32, #tpu.memory_space<vmem>>, %arg10: memref<1000x512xf32, #tpu.memory_space<vmem>>, %arg11: memref<1000x256xf32, #tpu.memory_space<vmem>>) attributes {dimension_semantics = [#tpu.dimension_semantics<arbitrary>], iteration_bounds = array<i64: 160>, scalar_prefetch = 0 : i64, scratch_operands = 0 : i64, tpu.core_type = #tpu.core_type<tc>, window_params = [{transform_indices = @transform_0, window_bounds = array<i64: 1000, 256>}, {transform_indices = @transform_1, window_bounds = array<i64: 1000, 256>}, {transform_indices = @transform_2, window_bounds = array<i64: 1000, 128>}, {pipeline_mode = #tpu.pipeline_mode<synchronous>, transform_indices = @transform_3, window_bounds = array<i64: 128, 256>}, {transform_indices = @transform_4, window_bounds = array<i64: 1000, 128>}, {pipeline_mode = #tpu.pipeline_mode<synchronous>, transform_indices = @transform_5, window_bounds = array<i64: 128, 256>}, {pipeline_mode = #tpu.pipeline_mode<synchronous>, transform_indices = @transform_6, window_bounds = array<i64: 1, 256>}, {pipeline_mode = #tpu.pipeline_mode<synchronous>, transform_indices = @transform_7, window_bounds = array<i64: 256, 768>}, {pipeline_mode = #tpu.pipeline_mode<synchronous>, transform_indices = @transform_8, window_bounds = array<i64: 1, 768>}, {transform_indices = @transform_9, window_bounds = array<i64: 1000, 512>}, {transform_indices = @transform_10, window_bounds = array<i64: 1000, 256>}]} {
    %get3A = arith.constant 0 : index
    %get3A_0 = arith.constant 0 : index
    %get3A_1 = vector.load %arg1[%get3A, %get3A_0] : memref<1000x256xf32, #tpu.memory_space<vmem>>, vector<1000x256xf32>
    %get3A_2 = arith.constant 0 : index
    %get3A_3 = arith.constant 0 : index
    %get3A_4 = vector.load %arg2[%get3A_2, %get3A_3] : memref<1000x256xf32, #tpu.memory_space<vmem>>, vector<1000x256xf32>
    %add3A = arith.addf %get3A_1, %get3A_4 : vector<1000x256xf32>
    %get3A_5 = arith.constant 0 : index
    %get3A_6 = arith.constant 0 : index
    %get3A_7 = vector.load %arg7[%get3A_5, %get3A_6] : memref<1x256xf32, #tpu.memory_space<vmem>>, vector<1x256xf32>
    %add3A_8 = vector.broadcast %get3A_7 : vector<1x256xf32> to vector<1000x256xf32>
    %add3A_9 = arith.addf %add3A, %add3A_8 : vector<1000x256xf32>
    %get3A_10 = arith.constant 0 : index
    %get3A_11 = arith.constant 0 : index
    %get3A_12 = vector.load %arg3[%get3A_10, %get3A_11] : memref<1000x128xf32, #tpu.memory_space<vmem>>, vector<1000x128xf32>
    %get3A_13 = arith.constant 0 : index
    %get3A_14 = arith.constant 0 : index
    %get3A_15 = vector.load %arg4[%get3A_13, %get3A_14] : memref<128x256xf32, #tpu.memory_space<vmem>>, vector<128x256xf32>
    %dot_general3A = arith.constant dense<0.000000e+00> : vector<1000x256xf32>
    %dot_general3A_16 = tpu.matmul %get3A_12, %get3A_15, %dot_general3A {dimension_numbers = #tpu.dot_dimension_numbers<[1], [0], [0], [1], [0, 0, 1, 1], [], []>, transpose_lhs_hint = false} : vector<1000x128xf32>, vector<128x256xf32>, vector<1000x256xf32> -> vector<1000x256xf32>
    %add3A_17 = arith.addf %add3A_9, %dot_general3A_16 : vector<1000x256xf32>
    %get3A_18 = arith.constant 0 : index
    %get3A_19 = arith.constant 0 : index
    %get3A_20 = vector.load %arg5[%get3A_18, %get3A_19] : memref<1000x128xf32, #tpu.memory_space<vmem>>, vector<1000x128xf32>
    %get3A_21 = arith.constant 0 : index
    %get3A_22 = arith.constant 0 : index
    %get3A_23 = vector.load %arg6[%get3A_21, %get3A_22] : memref<128x256xf32, #tpu.memory_space<vmem>>, vector<128x256xf32>
    %dot_general3A_24 = arith.constant dense<0.000000e+00> : vector<1000x256xf32>
    %dot_general3A_25 = tpu.matmul %get3A_20, %get3A_23, %dot_general3A_24 {dimension_numbers = #tpu.dot_dimension_numbers<[1], [0], [0], [1], [0, 0, 1, 1], [], []>, transpose_lhs_hint = false} : vector<1000x128xf32>, vector<128x256xf32>, vector<1000x256xf32> -> vector<1000x256xf32>
    %add3A_26 = arith.addf %add3A_17, %dot_general3A_25 : vector<1000x256xf32>
    %max3A = arith.constant 0.000000e+00 : f32
    %max3A_27 = vector.broadcast %max3A : f32 to vector<1000x256xf32>
    %max3A_28 = arith.maximumf %add3A_26, %max3A_27 : vector<1000x256xf32>
    %get3A_29 = arith.constant 0 : index
    %get3A_30 = arith.constant 0 : index
    %get3A_31 = vector.load %arg8[%get3A_29, %get3A_30] : memref<256x768xf32, #tpu.memory_space<vmem>>, vector<256x768xf32>
    %dot_general3A_32 = arith.constant dense<0.000000e+00> : vector<1000x768xf32>
    %dot_general3A_33 = tpu.matmul %max3A_28, %get3A_31, %dot_general3A_32 {dimension_numbers = #tpu.dot_dimension_numbers<[1], [0], [0], [1], [0, 0, 1, 1], [], []>, transpose_lhs_hint = false} : vector<1000x256xf32>, vector<256x768xf32>, vector<1000x768xf32> -> vector<1000x768xf32>
    %get3A_34 = arith.constant 0 : index
    %get3A_35 = arith.constant 0 : index
    %get3A_36 = vector.load %arg9[%get3A_34, %get3A_35] : memref<1x768xf32, #tpu.memory_space<vmem>>, vector<1x768xf32>
    %add3A_37 = vector.broadcast %get3A_36 : vector<1x768xf32> to vector<1000x768xf32>
    %add3A_38 = arith.addf %dot_general3A_33, %add3A_37 : vector<1000x768xf32>
    %max3A_39 = arith.constant 0.000000e+00 : f32
    %max3A_40 = vector.broadcast %max3A_39 : f32 to vector<1000x768xf32>
    %max3A_41 = arith.maximumf %add3A_38, %max3A_40 : vector<1000x768xf32>
    %slice3A = vector.extract_strided_slice %max3A_41 {offsets = [0, 0], sizes = [1000, 512], strides = [1, 1]} : vector<1000x768xf32> to vector<1000x512xf32>
    %swap3A = arith.constant 0 : index
    %swap3A_42 = arith.constant 0 : index
    %swap3A_43 = vector.load %arg10[%swap3A, %swap3A_42] : memref<1000x512xf32, #tpu.memory_space<vmem>>, vector<1000x512xf32>
    tpu.vector_store %arg10[%swap3A, %swap3A_42], %slice3A {strides = array<i32>} : memref<1000x512xf32, #tpu.memory_space<vmem>>, vector<1000x512xf32>,
    %slice3A_44 = vector.extract_strided_slice %max3A_41 {offsets = [0, 512], sizes = [1000, 256], strides = [1, 1]} : vector<1000x768xf32> to vector<1000x256xf32>
    %swap3A_45 = arith.constant 0 : index
    %swap3A_46 = arith.constant 0 : index
    %swap3A_47 = vector.load %arg11[%swap3A_45, %swap3A_46] : memref<1000x256xf32, #tpu.memory_space<vmem>>, vector<1000x256xf32>
    tpu.vector_store %arg11[%swap3A_45, %swap3A_46], %slice3A_44 {strides = array<i32>} : memref<1000x256xf32, #tpu.memory_space<vmem>>, vector<1000x256xf32>,
    return
  }
  func.func @transform_0(%arg0: i32) -> (i32, i32) {
    %c0_i32 = arith.constant 0 : i32
    %c0_i32_0 = arith.constant 0 : i32
    return %arg0, %c0_i32 : i32, i32
  }
  func.func @transform_1(%arg0: i32) -> (i32, i32) {
    %c0_i32 = arith.constant 0 : i32
    %c0_i32_0 = arith.constant 0 : i32
    return %arg0, %c0_i32 : i32, i32
  }
  func.func @transform_2(%arg0: i32) -> (i32, i32) {
    %c0_i32 = arith.constant 0 : i32
    %c0_i32_0 = arith.constant 0 : i32
    return %arg0, %c0_i32 : i32, i32
  }
  func.func @transform_3(%arg0: i32) -> (i32, i32) {
    %c0_i32 = arith.constant 0 : i32
    %c0_i32_0 = arith.constant 0 : i32
    %c0_i32_1 = arith.constant 0 : i32
    return %c0_i32, %c0_i32_0 : i32, i32
  }
  func.func @transform_4(%arg0: i32) -> (i32, i32) {
    %c0_i32 = arith.constant 0 : i32
    %c0_i32_0 = arith.constant 0 : i32
    return %arg0, %c0_i32 : i32, i32
  }
  func.func @transform_5(%arg0: i32) -> (i32, i32) {
    %c0_i32 = arith.constant 0 : i32
    %c0_i32_0 = arith.constant 0 : i32
    %c0_i32_1 = arith.constant 0 : i32
    return %c0_i32, %c0_i32_0 : i32, i32
  }
  func.func @transform_6(%arg0: i32) -> (i32, i32) {
    %c0_i32 = arith.constant 0 : i32
    %c0_i32_0 = arith.constant 0 : i32
    %c0_i32_1 = arith.constant 0 : i32
    return %c0_i32, %c0_i32_0 : i32, i32
  }
  func.func @transform_7(%arg0: i32) -> (i32, i32) {
    %c0_i32 = arith.constant 0 : i32
    %c0_i32_0 = arith.constant 0 : i32
    %c0_i32_1 = arith.constant 0 : i32
    return %c0_i32, %c0_i32_0 : i32, i32
  }
  func.func @transform_8(%arg0: i32) -> (i32, i32) {
    %c0_i32 = arith.constant 0 : i32
    %c0_i32_0 = arith.constant 0 : i32
    %c0_i32_1 = arith.constant 0 : i32
    return %c0_i32, %c0_i32_0 : i32, i32
  }
  func.func @transform_9(%arg0: i32) -> (i32, i32) {
    %c0_i32 = arith.constant 0 : i32
    %c0_i32_0 = arith.constant 0 : i32
    return %arg0, %c0_i32 : i32, i32
  }
  func.func @transform_10(%arg0: i32) -> (i32, i32) {
    %c0_i32 = arith.constant 0 : i32
    %c0_i32_0 = arith.constant 0 : i32
    return %arg0, %c0_i32 : i32, i32
  }
}

module attributes {stable_mosaic.version = 14 : i64} {
  func.func @_mlp2_body(%arg0: i32, %arg1: memref<1000x256xf32, #tpu.memory_space<vmem>>, %arg2: memref<256x256xf32, #tpu.memory_space<vmem>>, %arg3: memref<1x256xf32, #tpu.memory_space<vmem>>, %arg4: memref<256x256xf32, #tpu.memory_space<vmem>>, %arg5: memref<1x256xf32, #tpu.memory_space<vmem>>, %arg6: memref<1000x256xf32, #tpu.memory_space<vmem>>) attributes {dimension_semantics = [#tpu.dimension_semantics<arbitrary>], iteration_bounds = array<i64: 10>, scalar_prefetch = 0 : i64, scratch_operands = 0 : i64, tpu.core_type = #tpu.core_type<tc>, window_params = [{transform_indices = @transform_0, window_bounds = array<i64: 1000, 256>}, {pipeline_mode = #tpu.pipeline_mode<synchronous>, transform_indices = @transform_1, window_bounds = array<i64: 256, 256>}, {pipeline_mode = #tpu.pipeline_mode<synchronous>, transform_indices = @transform_2, window_bounds = array<i64: 1, 256>}, {pipeline_mode = #tpu.pipeline_mode<synchronous>, transform_indices = @transform_3, window_bounds = array<i64: 256, 256>}, {pipeline_mode = #tpu.pipeline_mode<synchronous>, transform_indices = @transform_4, window_bounds = array<i64: 1, 256>}, {transform_indices = @transform_5, window_bounds = array<i64: 1000, 256>}]} {
    %get3A = arith.constant 0 : index
    %get3A_0 = arith.constant 0 : index
    %get3A_1 = vector.load %arg1[%get3A, %get3A_0] : memref<1000x256xf32, #tpu.memory_space<vmem>>, vector<1000x256xf32>
    %get3A_2 = arith.constant 0 : index
    %get3A_3 = arith.constant 0 : index
    %get3A_4 = vector.load %arg2[%get3A_2, %get3A_3] : memref<256x256xf32, #tpu.memory_space<vmem>>, vector<256x256xf32>
    %dot_general3A = arith.constant dense<0.000000e+00> : vector<1000x256xf32>
    %dot_general3A_5 = tpu.matmul %get3A_1, %get3A_4, %dot_general3A {dimension_numbers = #tpu.dot_dimension_numbers<[1], [0], [0], [1], [0, 0, 1, 1], [], []>, transpose_lhs_hint = false} : vector<1000x256xf32>, vector<256x256xf32>, vector<1000x256xf32> -> vector<1000x256xf32>
    %get3A_6 = arith.constant 0 : index
    %get3A_7 = arith.constant 0 : index
    %get3A_8 = vector.load %arg3[%get3A_6, %get3A_7] : memref<1x256xf32, #tpu.memory_space<vmem>>, vector<1x256xf32>
    %add3A = vector.broadcast %get3A_8 : vector<1x256xf32> to vector<1000x256xf32>
    %add3A_9 = arith.addf %dot_general3A_5, %add3A : vector<1000x256xf32>
    %max3A = arith.constant 0.000000e+00 : f32
    %max3A_10 = vector.broadcast %max3A : f32 to vector<1000x256xf32>
    %max3A_11 = arith.maximumf %add3A_9, %max3A_10 : vector<1000x256xf32>
    %get3A_12 = arith.constant 0 : index
    %get3A_13 = arith.constant 0 : index
    %get3A_14 = vector.load %arg4[%get3A_12, %get3A_13] : memref<256x256xf32, #tpu.memory_space<vmem>>, vector<256x256xf32>
    %dot_general3A_15 = arith.constant dense<0.000000e+00> : vector<1000x256xf32>
    %dot_general3A_16 = tpu.matmul %max3A_11, %get3A_14, %dot_general3A_15 {dimension_numbers = #tpu.dot_dimension_numbers<[1], [0], [0], [1], [0, 0, 1, 1], [], []>, transpose_lhs_hint = false} : vector<1000x256xf32>, vector<256x256xf32>, vector<1000x256xf32> -> vector<1000x256xf32>
    %get3A_17 = arith.constant 0 : index
    %get3A_18 = arith.constant 0 : index
    %get3A_19 = vector.load %arg5[%get3A_17, %get3A_18] : memref<1x256xf32, #tpu.memory_space<vmem>>, vector<1x256xf32>
    %add3A_20 = vector.broadcast %get3A_19 : vector<1x256xf32> to vector<1000x256xf32>
    %add3A_21 = arith.addf %dot_general3A_16, %add3A_20 : vector<1000x256xf32>
    %max3A_22 = arith.constant 0.000000e+00 : f32
    %max3A_23 = vector.broadcast %max3A_22 : f32 to vector<1000x256xf32>
    %max3A_24 = arith.maximumf %add3A_21, %max3A_23 : vector<1000x256xf32>
    %swap3A = arith.constant 0 : index
    %swap3A_25 = arith.constant 0 : index
    %swap3A_26 = vector.load %arg6[%swap3A, %swap3A_25] : memref<1000x256xf32, #tpu.memory_space<vmem>>, vector<1000x256xf32>
    tpu.vector_store %arg6[%swap3A, %swap3A_25], %max3A_24 {strides = array<i32>} : memref<1000x256xf32, #tpu.memory_space<vmem>>, vector<1000x256xf32>,
    return
  }
  func.func @transform_0(%arg0: i32) -> (i32, i32) {
    %c0_i32 = arith.constant 0 : i32
    %c0_i32_0 = arith.constant 0 : i32
    return %arg0, %c0_i32 : i32, i32
  }
  func.func @transform_1(%arg0: i32) -> (i32, i32) {
    %c0_i32 = arith.constant 0 : i32
    %c0_i32_0 = arith.constant 0 : i32
    %c0_i32_1 = arith.constant 0 : i32
    return %c0_i32, %c0_i32_0 : i32, i32
  }
  func.func @transform_2(%arg0: i32) -> (i32, i32) {
    %c0_i32 = arith.constant 0 : i32
    %c0_i32_0 = arith.constant 0 : i32
    %c0_i32_1 = arith.constant 0 : i32
    return %c0_i32, %c0_i32_0 : i32, i32
  }
  func.func @transform_3(%arg0: i32) -> (i32, i32) {
    %c0_i32 = arith.constant 0 : i32
    %c0_i32_0 = arith.constant 0 : i32
    %c0_i32_1 = arith.constant 0 : i32
    return %c0_i32, %c0_i32_0 : i32, i32
  }
  func.func @transform_4(%arg0: i32) -> (i32, i32) {
    %c0_i32 = arith.constant 0 : i32
    %c0_i32_0 = arith.constant 0 : i32
    %c0_i32_1 = arith.constant 0 : i32
    return %c0_i32, %c0_i32_0 : i32, i32
  }
  func.func @transform_5(%arg0: i32) -> (i32, i32) {
    %c0_i32 = arith.constant 0 : i32
    %c0_i32_0 = arith.constant 0 : i32
    return %arg0, %c0_i32 : i32, i32
  }
}

module attributes {stable_mosaic.version = 14 : i64} {
  func.func @_head_body(%arg0: i32, %arg1: memref<1000x128xf32, #tpu.memory_space<vmem>>, %arg2: memref<128x256xf32, #tpu.memory_space<vmem>>, %arg3: memref<1x256xf32, #tpu.memory_space<vmem>>, %arg4: memref<256x128xf32, #tpu.memory_space<vmem>>, %arg5: memref<1x128xf32, #tpu.memory_space<vmem>>, %arg6: memref<128x64xf32, #tpu.memory_space<vmem>>, %arg7: memref<1x64xf32, #tpu.memory_space<vmem>>, %arg8: memref<128x64xf32, #tpu.memory_space<vmem>>, %arg9: memref<1x64xf32, #tpu.memory_space<vmem>>, %arg10: memref<1000x64xf32, #tpu.memory_space<vmem>>, %arg11: memref<1000x64xf32, #tpu.memory_space<vmem>>) attributes {dimension_semantics = [#tpu.dimension_semantics<arbitrary>], iteration_bounds = array<i64: 10>, scalar_prefetch = 0 : i64, scratch_operands = 0 : i64, tpu.core_type = #tpu.core_type<tc>, window_params = [{transform_indices = @transform_0, window_bounds = array<i64: 1000, 128>}, {pipeline_mode = #tpu.pipeline_mode<synchronous>, transform_indices = @transform_1, window_bounds = array<i64: 128, 256>}, {pipeline_mode = #tpu.pipeline_mode<synchronous>, transform_indices = @transform_2, window_bounds = array<i64: 1, 256>}, {pipeline_mode = #tpu.pipeline_mode<synchronous>, transform_indices = @transform_3, window_bounds = array<i64: 256, 128>}, {pipeline_mode = #tpu.pipeline_mode<synchronous>, transform_indices = @transform_4, window_bounds = array<i64: 1, 128>}, {pipeline_mode = #tpu.pipeline_mode<synchronous>, transform_indices = @transform_5, window_bounds = array<i64: 128, 64>}, {pipeline_mode = #tpu.pipeline_mode<synchronous>, transform_indices = @transform_6, window_bounds = array<i64: 1, 64>}, {pipeline_mode = #tpu.pipeline_mode<synchronous>, transform_indices = @transform_7, window_bounds = array<i64: 128, 64>}, {pipeline_mode = #tpu.pipeline_mode<synchronous>, transform_indices = @transform_8, window_bounds = array<i64: 1, 64>}, {transform_indices = @transform_9, window_bounds = array<i64: 1000, 64>}, {transform_indices = @transform_10, window_bounds = array<i64: 1000, 64>}]} {
    %get3A = arith.constant 0 : index
    %get3A_0 = arith.constant 0 : index
    %get3A_1 = vector.load %arg1[%get3A, %get3A_0] : memref<1000x128xf32, #tpu.memory_space<vmem>>, vector<1000x128xf32>
    %get3A_2 = arith.constant 0 : index
    %get3A_3 = arith.constant 0 : index
    %get3A_4 = vector.load %arg2[%get3A_2, %get3A_3] : memref<128x256xf32, #tpu.memory_space<vmem>>, vector<128x256xf32>
    %dot_general3A = arith.constant dense<0.000000e+00> : vector<1000x256xf32>
    %dot_general3A_5 = tpu.matmul %get3A_1, %get3A_4, %dot_general3A {dimension_numbers = #tpu.dot_dimension_numbers<[1], [0], [0], [1], [0, 0, 1, 1], [], []>, transpose_lhs_hint = false} : vector<1000x128xf32>, vector<128x256xf32>, vector<1000x256xf32> -> vector<1000x256xf32>
    %get3A_6 = arith.constant 0 : index
    %get3A_7 = arith.constant 0 : index
    %get3A_8 = vector.load %arg3[%get3A_6, %get3A_7] : memref<1x256xf32, #tpu.memory_space<vmem>>, vector<1x256xf32>
    %add3A = vector.broadcast %get3A_8 : vector<1x256xf32> to vector<1000x256xf32>
    %add3A_9 = arith.addf %dot_general3A_5, %add3A : vector<1000x256xf32>
    %max3A = arith.constant 0.000000e+00 : f32
    %max3A_10 = vector.broadcast %max3A : f32 to vector<1000x256xf32>
    %max3A_11 = arith.maximumf %add3A_9, %max3A_10 : vector<1000x256xf32>
    %get3A_12 = arith.constant 0 : index
    %get3A_13 = arith.constant 0 : index
    %get3A_14 = vector.load %arg4[%get3A_12, %get3A_13] : memref<256x128xf32, #tpu.memory_space<vmem>>, vector<256x128xf32>
    %dot_general3A_15 = arith.constant dense<0.000000e+00> : vector<1000x128xf32>
    %dot_general3A_16 = tpu.matmul %max3A_11, %get3A_14, %dot_general3A_15 {dimension_numbers = #tpu.dot_dimension_numbers<[1], [0], [0], [1], [0, 0, 1, 1], [], []>, transpose_lhs_hint = false} : vector<1000x256xf32>, vector<256x128xf32>, vector<1000x128xf32> -> vector<1000x128xf32>
    %get3A_17 = arith.constant 0 : index
    %get3A_18 = arith.constant 0 : index
    %get3A_19 = vector.load %arg5[%get3A_17, %get3A_18] : memref<1x128xf32, #tpu.memory_space<vmem>>, vector<1x128xf32>
    %add3A_20 = vector.broadcast %get3A_19 : vector<1x128xf32> to vector<1000x128xf32>
    %add3A_21 = arith.addf %dot_general3A_16, %add3A_20 : vector<1000x128xf32>
    %max3A_22 = arith.constant 0.000000e+00 : f32
    %max3A_23 = vector.broadcast %max3A_22 : f32 to vector<1000x128xf32>
    %max3A_24 = arith.maximumf %add3A_21, %max3A_23 : vector<1000x128xf32>
    %get3A_25 = arith.constant 0 : index
    %get3A_26 = arith.constant 0 : index
    %get3A_27 = vector.load %arg6[%get3A_25, %get3A_26] : memref<128x64xf32, #tpu.memory_space<vmem>>, vector<128x64xf32>
    %dot_general3A_28 = arith.constant dense<0.000000e+00> : vector<1000x64xf32>
    %dot_general3A_29 = tpu.matmul %max3A_24, %get3A_27, %dot_general3A_28 {dimension_numbers = #tpu.dot_dimension_numbers<[1], [0], [0], [1], [0, 0, 1, 1], [], []>, transpose_lhs_hint = false} : vector<1000x128xf32>, vector<128x64xf32>, vector<1000x64xf32> -> vector<1000x64xf32>
    %get3A_30 = arith.constant 0 : index
    %get3A_31 = arith.constant 0 : index
    %get3A_32 = vector.load %arg7[%get3A_30, %get3A_31] : memref<1x64xf32, #tpu.memory_space<vmem>>, vector<1x64xf32>
    %add3A_33 = vector.broadcast %get3A_32 : vector<1x64xf32> to vector<1000x64xf32>
    %add3A_34 = arith.addf %dot_general3A_29, %add3A_33 : vector<1000x64xf32>
    %swap3A = arith.constant 0 : index
    %swap3A_35 = arith.constant 0 : index
    %swap3A_36 = vector.load %arg10[%swap3A, %swap3A_35] : memref<1000x64xf32, #tpu.memory_space<vmem>>, vector<1000x64xf32>
    tpu.vector_store %arg10[%swap3A, %swap3A_35], %add3A_34 {strides = array<i32>} : memref<1000x64xf32, #tpu.memory_space<vmem>>, vector<1000x64xf32>,
    %get3A_37 = arith.constant 0 : index
    %get3A_38 = arith.constant 0 : index
    %get3A_39 = vector.load %arg8[%get3A_37, %get3A_38] : memref<128x64xf32, #tpu.memory_space<vmem>>, vector<128x64xf32>
    %dot_general3A_40 = arith.constant dense<0.000000e+00> : vector<1000x64xf32>
    %dot_general3A_41 = tpu.matmul %max3A_24, %get3A_39, %dot_general3A_40 {dimension_numbers = #tpu.dot_dimension_numbers<[1], [0], [0], [1], [0, 0, 1, 1], [], []>, transpose_lhs_hint = false} : vector<1000x128xf32>, vector<128x64xf32>, vector<1000x64xf32> -> vector<1000x64xf32>
    %get3A_42 = arith.constant 0 : index
    %get3A_43 = arith.constant 0 : index
    %get3A_44 = vector.load %arg9[%get3A_42, %get3A_43] : memref<1x64xf32, #tpu.memory_space<vmem>>, vector<1x64xf32>
    %add3A_45 = vector.broadcast %get3A_44 : vector<1x64xf32> to vector<1000x64xf32>
    %add3A_46 = arith.addf %dot_general3A_41, %add3A_45 : vector<1000x64xf32>
    %swap3A_47 = arith.constant 0 : index
    %swap3A_48 = arith.constant 0 : index
    %swap3A_49 = vector.load %arg11[%swap3A_47, %swap3A_48] : memref<1000x64xf32, #tpu.memory_space<vmem>>, vector<1000x64xf32>
    tpu.vector_store %arg11[%swap3A_47, %swap3A_48], %add3A_46 {strides = array<i32>} : memref<1000x64xf32, #tpu.memory_space<vmem>>, vector<1000x64xf32>,
    return
  }
  func.func @transform_0(%arg0: i32) -> (i32, i32) {
    %c0_i32 = arith.constant 0 : i32
    %c0_i32_0 = arith.constant 0 : i32
    return %arg0, %c0_i32 : i32, i32
  }
  func.func @transform_1(%arg0: i32) -> (i32, i32) {
    %c0_i32 = arith.constant 0 : i32
    %c0_i32_0 = arith.constant 0 : i32
    %c0_i32_1 = arith.constant 0 : i32
    return %c0_i32, %c0_i32_0 : i32, i32
  }
  func.func @transform_2(%arg0: i32) -> (i32, i32) {
    %c0_i32 = arith.constant 0 : i32
    %c0_i32_0 = arith.constant 0 : i32
    %c0_i32_1 = arith.constant 0 : i32
    return %c0_i32, %c0_i32_0 : i32, i32
  }
  func.func @transform_3(%arg0: i32) -> (i32, i32) {
    %c0_i32 = arith.constant 0 : i32
    %c0_i32_0 = arith.constant 0 : i32
    %c0_i32_1 = arith.constant 0 : i32
    return %c0_i32, %c0_i32_0 : i32, i32
  }
  func.func @transform_4(%arg0: i32) -> (i32, i32) {
    %c0_i32 = arith.constant 0 : i32
    %c0_i32_0 = arith.constant 0 : i32
    %c0_i32_1 = arith.constant 0 : i32
    return %c0_i32, %c0_i32_0 : i32, i32
  }
  func.func @transform_5(%arg0: i32) -> (i32, i32) {
    %c0_i32 = arith.constant 0 : i32
    %c0_i32_0 = arith.constant 0 : i32
    %c0_i32_1 = arith.constant 0 : i32
    return %c0_i32, %c0_i32_0 : i32, i32
  }
  func.func @transform_6(%arg0: i32) -> (i32, i32) {
    %c0_i32 = arith.constant 0 : i32
    %c0_i32_0 = arith.constant 0 : i32
    %c0_i32_1 = arith.constant 0 : i32
    return %c0_i32, %c0_i32_0 : i32, i32
  }
  func.func @transform_7(%arg0: i32) -> (i32, i32) {
    %c0_i32 = arith.constant 0 : i32
    %c0_i32_0 = arith.constant 0 : i32
    %c0_i32_1 = arith.constant 0 : i32
    return %c0_i32, %c0_i32_0 : i32, i32
  }
  func.func @transform_8(%arg0: i32) -> (i32, i32) {
    %c0_i32 = arith.constant 0 : i32
    %c0_i32_0 = arith.constant 0 : i32
    %c0_i32_1 = arith.constant 0 : i32
    return %c0_i32, %c0_i32_0 : i32, i32
  }
  func.func @transform_9(%arg0: i32) -> (i32, i32) {
    %c0_i32 = arith.constant 0 : i32
    %c0_i32_0 = arith.constant 0 : i32
    return %arg0, %c0_i32 : i32, i32
  }
  func.func @transform_10(%arg0: i32) -> (i32, i32) {
    %c0_i32 = arith.constant 0 : i32
    %c0_i32_0 = arith.constant 0 : i32
    return %arg0, %c0_i32 : i32, i32
  }
}

</mosaic_0001>

<sc_bundles>
// kernel: kernel.30.cloned.1.call-start
scs
__scs_entry_jumppad:
0x0: {  	(pc) =	sbr.rel $0x88, $3  }
0x1: {  	(tag) =	ssettag $0x0;
	lr =	simm.s32 $0x1  }
0x2: {  	[smem:$0x3F5D] =	sst lr;
	_ =	strace $0xD0000000  }
0x3: {  	_ = 	snop  }
0x4: {  	_ = 	snop  }
0x5: {  	_ = 	snop  }
0x6: {  	_ = 	snop  }
0x7: {  	_ = 	snop  }
__scs_overlays_trampoline_lowered:
0x8: {  	[smem:$0x3F6C] =	sst s0  }
0x9: {  	[smem:$0x3F6D] =	sst s1  }
0xa: {  	[smem:$0x3F6E] =	sst s2  }
0xb: {  	[smem:$0x3F6F] =	sst s3  }
0xc: {  	[smem:$0x3F70] =	sst s4  }
0xd: {  	[smem:$0x3F71] =	sst s5  }
0xe: {  	[smem:$0x3F72] =	sst s6  }
0xf: {  	[smem:$0x3F73] =	sst s7  }
0x10: {  	[smem:$0x3F74] =	sst s8  }
0x11: {  	[smem:$0x3F75] =	sst s9;
	s0 =	simm.s32 @!p0 $0x0  }
0x12: {  	s1 =	sld [smem:$0x3F5B];
	s0 =	simm.s32 @p0 $0x1  }
0x13: {  	[smem:$0x3F76] =	sst s0;
	s0 =	simm.s32 @!p1 $0x0  }
0x14: {  	s2 =	sld [smem:$0x3F5A];
	s0 =	simm.s32 @p1 $0x1  }
0x15: {  	[smem:$0x3F77] =	sst s0;
	s0 =	simm.s32 @!p2 $0x0  }
0x16: {  	s3 =	sld [smem:$0x3FDB];
	s0 =	simm.s32 @p2 $0x1  }
0x17: {  	s4 =	simm.s32 $0x1BF5;
	[smem:$0x3F79] =	sst s0  }
0x18: {  	s0 =	sld [smem:$0x3F5C];
	_ =	swait.ge [sflag:s4], $0x0  }
0x19: {  	s7 =	sld [smem:$0x3F5D]  }
0x1a: {  	s8 =	sadd.s32 $0xFFFFE003, lr  }
0x1b: {  	s9 =	sadd.s32 $0xFFFFFEF7, lr;
	s5 =	simm.s32 $0xFFFFFFFF;
	p2 =	slt.u32 s8, $0xFFFFF086  }
0x1c: {  	p1 =	slt.u32 s9, $0xF7A;
	s5 =	simm.s32 @!p2 $0x0  }
0x1d: {  	s5 =	simm.s32 @p1 $0x1;
	p0 =	seq.s32 s7, s2  }
0x1e: {  	s7 =	smul.u32 @!p0 $0xF7A, s2;
	p2 =	seq.s32 @!p0 s5, $0x0  }
0x1f: {  	s9 =	smul.u32 $0xF7A, s1;
	s8 =	simm.s32 @!p0 $0x1BF5;
	p2 =	por !p2, p0  }
0x20: {  	[sflag:s8] =	ssyncset.s32 @!p0 $0xFFFFF086;
	s6 =	sadd.s32 @!p0 s3, s7;
	s7 =	simm.s32 @!p0 $0x108  }
0x21: {  	s3 =	sadd.s32 s3, s9;
	s6 =	sadd.s32 @!p0 $0x88, s6;
	s7 =	simm.s32 @p2 $0x1082  }
0x22: {  	[simem:s7], [sflag:s8] =	dma.local @!p0 [hbm:s6], $0xF7A  }
0x23: {  	s9 =	sor.u32 $0xD0000000, s2;
	s6 =	simm.s32 $0x108;
	_ =	swait.ge @!p0 [sflag:s8], $0x0  }
0x24: {  	s3 =	sadd.s32 $0x88, s3;
	s6 =	simm.s32 @!p1 $0x1082;
	[sflag:s4] =	ssyncset.s32 $0xFFFFF086  }
0x25: {  	[simem:s6], [sflag:s4] =	dma.local [hbm:s3], $0xF7A  }
0x26: {  	[smem:$0x3F5D] =	sst s1;
	(tag) =	ssettag s2;
	_ =	strace s9  }
0x27: {  	s1 =	sld [smem:$0x3F6D]  }
0x28: {  	s2 =	sld [smem:$0x3F6E]  }
0x29: {  	s4 =	sld [smem:$0x3F70]  }
0x2a: {  	p0 =	seq.s32 s5, $0x0;
	s5 =	sld [smem:$0x3F71]  }
0x2b: {  	s6 =	sld [smem:$0x3F72]  }
0x2c: {  	s7 =	sld [smem:$0x3F73]  }
0x2d: {  	s3 =	simm.s32 $0x108;
	s8 =	sld [smem:$0x3F74]  }
0x2e: {  	s3 =	simm.s32 @!p0 $0x1082;
	s9 =	sld [smem:$0x3F75]  }
0x2f: {  	lr =	sadd.s32 s0, s3;
	s0 =	sld [smem:$0x3F6C]  }
0x30: {  	s3 =	sld [smem:$0x3F6F]  }
0x31: {  	[smem:$0x3F78] =	sst s10  }
0x32: {  	s10 =	sld [smem:$0x3F76];
	_ =	sdelay $0x3  }
0x33: {  	p0 =	seq.s32 s10, $0x1;
	s10 =	sld [smem:$0x3F78];
	_ =	sdelay $0x3  }
0x34: {  	[smem:$0x3F78] =	sst s10  }
0x35: {  	s10 =	sld [smem:$0x3F77];
	_ =	sdelay $0x3  }
0x36: {  	p1 =	seq.s32 s10, $0x1;
	s10 =	sld [smem:$0x3F78];
	_ =	sdelay $0x3  }
0x37: {  	[smem:$0x3F78] =	sst s10  }
0x38: {  	s10 =	sld [smem:$0x3F79]  }
0x39: {  	_ = 	snop;
	(pc) =	sbr.ind lr, $3  }
0x3a: {  	_ = 	snop  }
0x3b: {  	_ = 	snop  }
0x3c: {  	p2 =	seq.s32 s10, $0x1;
	s10 =	sld [smem:$0x3F78]  }
0x3d: {  	_ =	shalt  }
0x3e: {  	_ =	shalt  }
0x3f: {  	_ =	shalt  }
0x40: {  	_ =	shalt  }
0x41: {  	_ =	shalt  }
0x42: {  	_ =	shalt  }
0x43: {  	_ =	shalt  }
0x44: {  	_ =	shalt  }
0x45: {  	_ =	shalt  }
0x46: {  	_ =	shalt  }
0x47: {  	_ =	shalt  }
0x48: {  	_ =	shalt  }
0x49: {  	_ =	shalt  }
0x4a: {  	_ =	shalt  }
0x4b: {  	_ =	shalt  }
0x4c: {  	_ =	shalt  }
0x4d: {  	_ =	shalt  }
0x4e: {  	_ =	shalt  }
0x4f: {  	_ =	shalt  }
0x50: {  	_ =	shalt  }
0x51: {  	_ =	shalt  }
0x52: {  	_ =	shalt  }
0x53: {  	_ =	shalt  }
0x54: {  	_ =	shalt  }
0x55: {  	_ =	shalt  }
0x56: {  	_ =	shalt  }
0x57: {  	_ =	shalt  }
0x58: {  	_ =	shalt  }
0x59: {  	_ =	shalt  }
0x5a: {  	_ =	shalt  }
0x5b: {  	_ =	shalt  }
0x5c: {  	_ =	shalt  }
0x5d: {  	_ =	shalt  }
0x5e: {  	_ =	shalt  }
0x5f: {  	_ =	shalt  }
0x60: {  	_ =	shalt  }
0x61: {  	_ =	shalt  }
0x62: {  	_ =	shalt  }
0x63: {  	_ =	shalt  }
0x64: {  	_ =	shalt  }
0x65: {  	_ =	shalt  }
0x66: {  	_ =	shalt  }
0x67: {  	_ =	shalt  }
0x68: {  	_ =	shalt  }
0x69: {  	_ =	shalt  }
0x6a: {  	_ =	shalt  }
0x6b: {  	_ =	shalt  }
0x6c: {  	_ =	shalt  }
0x6d: {  	_ =	shalt  }
0x6e: {  	_ =	shalt  }
0x6f: {  	_ =	shalt  }
0x70: {  	_ =	shalt  }
0x71: {  	_ =	shalt  }
0x72: {  	_ =	shalt  }
0x73: {  	_ =	shalt  }
0x74: {  	_ =	shalt  }
0x75: {  	_ =	shalt  }
0x76: {  	_ =	shalt  }
0x77: {  	_ =	shalt  }
0x78: {  	_ =	shalt  }
0x79: {  	_ =	shalt  }
0x7a: {  	_ =	shalt  }
0x7b: {  	_ =	shalt  }
0x7c: {  	_ =	shalt  }
0x7d: {  	_ =	shalt  }
0x7e: {  	_ =	shalt  }
0x7f: {  	_ =	shalt  }
0x80: {  	_ =	shalt  }
0x81: {  	_ =	shalt  }
0x82: {  	_ =	shalt  }
0x83: {  	_ =	shalt  }
0x84: {  	_ =	shalt  }
0x85: {  	_ =	shalt  }
0x86: {  	_ =	shalt  }
0x87: {  	_ =	shalt  }
.Lfunc_end0:
.L_simem_size_0:
called_computation_lowered:
.L_overlay_start_0:
0x88: {  	s2 =	sld [smem:$0x3FD9]  }
0x89: {  	s3 =	sld [smem:$0x3FFE];
	_ =	sdelay $0x1  }
0x8a: {  	s1 =	srdreg.scid  }
0x8b: {  	s0 =	sand.u32 $0x1, s1  }
0x8c: {  	s15 =	sshll.u32 s0, $0xA;
	s2 =	sadd.s32 s3, s2  }
0x8d: {  	s2 =	sadd.s32 s2, s15  }
0x8e: {  	[smem:$0x3F84] =	sst s2  }
0x8f: {  	_ = 	snop  }
0x90: {  	s2 =	sld [smem:$0x3FD0];
	_ =	sdelay $0x2  }
0x91: {  	s16 =	simm.s32 $0xC;
	s4 =	simm.s32 $0x10  }
0x92: {  	[smem:s4], [sflag:s16] =	dma.local [hbm:s2], $0x1  }
0x93: {  	_ =	swait.eq [sflag:s16], $0x1  }
0x94: {  	[sflag:s16] =	ssyncset.done $0x0  }
0x95: {  	[sflag:s16] =	ssyncadd.s32 $0xFFFFFFFF  }
0x96: {  	s17 =	sld [smem:$0x12];
	(tm) =	ssettm $0x1  }
0x97: {  	s18 =	sld [smem:$0x3FFB];
	_ =	sdelay $0x3  }
0x98: {  	_ =	strace s18  }
0x99: {  	s2 =	sld [smem:$0x3FFC];
	_ =	sdelay $0x3  }
0x9a: {  	_ =	strace s2  }
0x9b: {  	s2 =	sld [smem:$0x3FFD];
	_ =	sdelay $0x3  }
0x9c: {  	_ =	strace s2  }
0x9d: {  	_ =	strace $0x8FFFFFFF  }
0x9e: {  	s19 =	sld [smem:$0x3FDB];
	_ =	sdelay $0x1  }
0x9f: {  	s20 =	simm.s32 $_scs_section_size  }
0xa0: {  	s5 =	simm.s32 $_size__tile_overlayer_lowered;
	s6 =	simm.s32 $_tile_overlayer_lowered  }
0xa1: {  	s7 =	simm.s32 $0x1BFF;
	s21 =	sshll.u32 s6, $0x1;
	s4 =	sadd.s32 s20, s19  }
0xa2: {  	s22 =	simm.s32 $0x0;
	s5 =	sshll.u32 s5, $0x1;
	s6 =	sadd.s32 s21, s4  }
0xa3: {  	[timem:s22], [sflag:s7] =	dma.local [hbm:s6], s5  }
0xa4: {  	_ =	swait.ge [sflag:s7], s5  }
0xa5: {  	s5 =	ssub.s32 $0x0, s5;
	[sflag:s7] =	ssyncset.done $0x0  }
0xa6: {  	[sflag:s7] =	ssyncadd.s32 s5;
	_ =	sdelay $0x1  }
0xa7: {  	s23 =	simm.s32 $0x1B8B  }
0xa8: {  	_ =	swait.ge [sflag:s23], $0x1  }
0xa9: {  	[sflag:s23] =	ssyncset.done $0x0  }
0xaa: {  	[sflag:s23] =	ssyncadd.s32 $0xFFFFFFFF  }
0xab: {  	s5 =	sld [smem:$0x0]  }
0xac: {  	s6 =	sand.u32 $0xFFFFFFFE, s1  }
0xad: {  	p0 =	sne.s32 s1, s6  }
0xae: {  	s6 =	sshll.u32 @p0 s6, $0xE  }
0xaf: {  	s6 =	sadd.s32 @p0 $0x11B8D, s6;
	s7 =	sshll.u32 @p0 s5, $0x11  }
0xb0: {  	s6 =	sor.u32 @p0 s7, s6  }
0xb1: {  	[sflag:s6] =	ssyncadd.remote.s32 @p0 $0x1;
	_ =	sdelay $0x1  }
0xb2: {  	s6 =	simm.s32 @p0 $0x1B8D  }
0xb3: {  	_ =	swait.eq @p0 [sflag:s6], $0x1  }
0xb4: {  	[sflag:s6] =	ssyncadd.s32 @p0 $0xFFFFFFFF  }
0xb5: {  	s7 =	sshll.u32 @!p0 s1, $0xE  }
0xb6: {  	s7 =	sor.u32 @!p0 $0x4000, s7;
	s6 =	simm.s32 @!p0 $0x1B8D  }
0xb7: {  	s5 =	sshll.u32 @!p0 s5, $0x11;
	s7 =	sadd.s32 @!p0 $0x11B8D, s7;
	_ =	swait.eq @!p0 [sflag:s6], $0x1  }
0xb8: {  	s5 =	sor.u32 @!p0 s5, s7;
	[sflag:s6] =	ssyncadd.s32 @!p0 $0xFFFFFFFF  }
0xb9: {  	s25 =	simm.s32 $0x1B8E;
	s24 =	sld [smem:$0x3FFE];
	[sflag:s5] =	ssyncadd.remote.s32 @!p0 $0x1  }
0xba: {  	s26 =	simm.s32 $execute0_lowered;
	[smem:$0x3FD2] =	sst s25  }
0xbb: {  	s6 =	sshll.u32 s26, $0x1;
	_ =	strace $0x8000004C;
	[dreg:$0x1] =	wrdreg $0xFFFFFFFF  }
0xbc: {  	s28 =	simm.s32 $_size_execute0_lowered;
	s4 =	sadd.s32 s4, s6;
	[dreg:$0x0] =	wrdreg $0x0  }
0xbd: {  	s6 =	sshll.u32 s28, $0x1;
	[dreg:$0x2] =	wrdreg s4  }
0xbe: {  	[dreg:$0x3] =	wrdreg s6  }
0xbf: {  	[dreg:$0x4] =	wrdreg $0xC0  }
0xc0: {  	_ =	task [dreg:s22], $0x5FFFF  }
0xc1: {  	[dreg:$0x1] =	wrdreg $0xFFFFFFFF  }
0xc2: {  	[dreg:$0x0] =	wrdreg $0x60  }
0xc3: {  	[dreg:$0x2] =	wrdreg s17  }
0xc4: {  	[dreg:$0x3] =	wrdreg s24  }
0xc5: {  	[dreg:$0x4] =	wrdreg $0x40800  }
0xc6: {  	[dreg:$0x5] =	wrdreg $0x9  }
0xc7: {  	_ =	task.clear_ibuf [dreg:s22], $0x6FFFF;
	_ =	strace $0x9000004C  }
0xc8: {  	s29 =	simm.s32 $0x9;
	_ =	strace $0x8000004E  }
0xc9: {  	_ =	swait.ge [sflag:s29], $0x1  }
0xca: {  	[sflag:s29] =	ssyncadd.s32 $0xFFFFFFFF  }
0xcb: {  	_ =	strace $0x9000004E  }
0xcc: {  	_ =	sfence  }
0xcd: {  	s30 =	sld [smem:$0x0];
	_ =	sdelay $0x2  }
0xce: {  	s31 =	sshll.u32 s1, $0xD;
	s1 =	sshrl.u32 s1, $0x2  }
0xcf: {  	s4 =	sand.u32 $0x4000, s31;
	s1 =	sadd.s32 s1, s30  }
0xd0: {  	s0 =	sor.u32 s4, s0;
	s1 =	sshll.u32 s1, $0x11  }
0xd1: {  	s0 =	sor.u32 s1, s0  }
0xd2: {  	s0 =	sadd.s32 $0x8F2B, s0  }
0xd3: {  	[sflag:s0] =	ssyncadd.remote.s32 $0x1  }
0xd4: {  	_ =	sfence.sel $0xFFFF  }
0xd5: {  	[dreg:$0x0] =	wrdreg $0xFFFFFFFF;
	(pc) =	sbr.abs _section_cstart, $3  }
0xd6: {  	[dreg:$0x1] =	wrdreg $0xFFFFFFFF  }
0xd7: {  	_ =	task.clear_ibuf [dreg:s22], $0x2FFFF;
	_ =	strace $0x9FFFFFFF  }
0xd8: {  	(tm) =	ssettm $0x7FFFFFFF  }
0xd9: {  	_ =	shalt  }
tec
execute0_lowered:
.L_overlay_start_1:
0x0: {  	(tag) =	ssettag $0x1  }
0x1: {  	s6 =	rddreg [dreg:$0x0]  }
0x2: {  	s7 =	rddreg [dreg:$0x1]  }
0x3: {  	s1 =	rddreg [dreg:$0x2]  }
0x4: {  	s2 =	srdreg.scid;
	s0 =	rddreg [dreg:$0x3]  }
0x5: {  	s3 =	simm.s32 $0x0;
	s8 =	sand.u32 $0x1, s2;
	s2 =	stileid.u32  }
0x6: {  	s13 =	simm.s32 $0x0;
	[smem:$0x7FF] =	sst s3;
	s9 =	smul.u32 $0x140000, s8  }
0x7: {  	s4 =	sadd.s32 $0x18200, s7;
	s5 =	sadd.s32 $0x15A00, s7;
	s10 =	smul.u32 $0x14000, s2  }
0x8: {  	_ =	strace $0x8000004D;
	s25 =	ssub.s32 $0x2, s8;
	s11 =	smul.u32 $0x50000, s2  }
0x9: {  	s8 =	smul.u32 $0x4E20, s8;
	s30 =	sshll.u32 s2, $0x4;
	s12 =	sshrl.u32 s25, $0x1  }
0xa: {  	s31 =	sshll.u32 s2, $0x6;
	s9 =	sadd.s32 s10, s9;
	s26 =	ssub.s32 s25, s12  }
0xb: {  	s28 =	sshrl.u32 s11, $0x2;
	s8 =	sadd.s32 s8, s6;
	s10 =	simm.s32 $0x1  }
0xc: {  	s11 =	sor.u32 $0x1C01, s31;
	s9 =	sshrl.u32 s9, $0x3;
	s29 =	sadd.s32 s28, s1  }
0xd: {  	s8 =	sadd.s32 s30, s8;
	s7 =	sadd.s32 s9, s7;
	s9 =	simm.s32 $0x80  }
0xe: {  	s12 =	sshrl.u32 s29, $0x3;
	s6 =	sadd.s32 $0x18A00, s7;
	s7 =	smax.u32 s26, $0x1  }
.LBB2_1:
0xf: {  	[tilespmem:s9], [sflag:$0x1] =	stream.linear.gather [hbm4b:s4+s3], $0x4000, $0x38;
	[tilespmem:$0x18080] =	vst v63  }
0x10: {  	_ =	swait.ge [sflag:s10], $0x4000  }
0x11: {  	[sflag:s10] =	ssyncset.done $0x0  }
0x12: {  	[sflag:s10] =	ssyncadd.s32 $0xFFFFC000  }
0x13: {  	[spmem:s12], [sflag:s11] =	dma.local [hbm:s5], $0x2800  }
0x14: {  	_ =	swait.ge [sflag:s10], $0x2800  }
0x15: {  	s14 =	sadd.s32 $0x0, s2;
	[sflag:s10] =	ssyncset.done $0x0  }
0x16: {  	p0 =	sgt.u32 s14, $0x4E1;
	[sflag:s10] =	ssyncadd.s32 $0xFFFFD800  }
0x17: {  	s15 =	simm.s32 @!p0 $0x0;
	s16 =	simm.s32 @!p0 $0x2;
	[bflag:$0x0] =	sbarrier.arrive $0xFFFF  }
0x18: {  	[tilespmem:s15], [sflag:$0x2] =	stream.linear.gather @!p0 [hbm4b:s8+s15], $0x80, $0x38;
	[tilespmem:$0x18080] =	vst v63  }
0x19: {  	_ =	swait.ge @!p0 [sflag:s16], $0x80  }
0x1a: {  	s31 =	sadd.s32 $0x10, s2;
	[sflag:s16] =	ssyncset.done @!p0 $0x0  }
0x1b: {  	s17 =	simm.s32 @!p0 $0x80;
	[sflag:s16] =	ssyncadd.s32 @!p0 $0xFFFFFF80;
	s16 =	simm.s32 @!p0 $0x1  }
0x1c: {  	[spmem:s1] =	stream.indirect.scatter.add.f32 @!p0 [tilespmem:s17], [sflag:$0x1], $0x80, s15, s17, $0xb8;
	[tilespmem:$0x18080] =	vst v63  }
0x1d: {  	s14 =	simm.s32 $0x20;
	p1 =	por p0, p0;
	_ =	swait.ge @!p0 [sflag:s16], $0x4000  }
0x1e: {  	s15 =	sadd.s32 $0x100, s8;
	p0 =	sgt.u32 s31, $0x4E1;
	[sflag:s16] =	ssyncset.done @!p1 $0x0  }
.LBB2_2:
0x1f: {  	s17 =	simm.s32 @!p0 $0x0;
	s18 =	simm.s32 @!p0 $0x2  }
0x20: {  	[sflag:s16] =	ssyncadd.s32 @!p1 $0xFFFFC000;
	s19 =	smov.u32 s14;
	s14 =	sadd.s32 $0x10, s14  }
0x21: {  	[tilespmem:s17], [sflag:$0x2] =	stream.linear.gather @!p0 [hbm4b:s15+s17], $0x80, $0x38;
	[tilespmem:$0x18080] =	vst v63  }
0x22: {  	p2 =	sne.s32 s14, $0x4F0;
	_ =	swait.ge @!p0 [sflag:s18], $0x80  }
.Ltmp0:
0x23: {  	[sflag:s18] =	ssyncset.done @!p0 $0x0;
	(pc) =	sbr.rel @p2 .LBB2_2-.Ltmp0, $4  }
0x24: {  	s16 =	simm.s32 @!p0 $0x1;
	[sflag:s18] =	ssyncadd.s32 @!p0 $0xFFFFFF80;
	s18 =	simm.s32 @!p0 $0x80  }
0x25: {  	[spmem:s1] =	stream.indirect.scatter.add.f32 @!p0 [tilespmem:s18], [sflag:$0x1], $0x80, s17, s18, $0xb8;
	[tilespmem:$0x18080] =	vst v63  }
0x26: {  	p1 =	por p0, p0;
	s17 =	sadd.s32 s19, s2;
	_ =	swait.ge @!p0 [sflag:s16], $0x4000  }
0x27: {  	s15 =	sadd.s32 $0x100, s15;
	p0 =	sgt.u32 s17, $0x4E1;
	[sflag:s16] =	ssyncset.done @!p1 $0x0  }
0x28: {  	s14 =	simm.s32 @!p0 $0x0;
	s17 =	simm.s32 @!p0 $0x2;
	[sflag:s16] =	ssyncadd.s32 @!p1 $0xFFFFC000  }
0x29: {  	[tilespmem:s14], [sflag:$0x2] =	stream.linear.gather @!p0 [hbm4b:s15+s14], $0x80, $0x38;
	[tilespmem:$0x18080] =	vst v63  }
0x2a: {  	_ =	swait.ge @!p0 [sflag:s17], $0x80  }
0x2b: {  	[sflag:s17] =	ssyncset.done @!p0 $0x0  }
0x2c: {  	s16 =	simm.s32 @!p0 $0x1;
	s15 =	simm.s32 @!p0 $0x80;
	[sflag:s17] =	ssyncadd.s32 @!p0 $0xFFFFFF80  }
0x2d: {  	[spmem:s1] =	stream.indirect.scatter.add.f32 @!p0 [tilespmem:s15], [sflag:$0x1], $0x80, s14, s15, $0xb8;
	[tilespmem:$0x18080] =	vst v63  }
0x2e: {  	_ =	swait.ge @!p0 [sflag:s16], $0x4000;
	p0 =	por p0, p0  }
0x2f: {  	s13 =	sadd.s32 $0x1, s13;
	[sflag:s16] =	ssyncset.done @!p0 $0x0  }
0x30: {  	[sflag:s16] =	ssyncadd.s32 @!p0 $0xFFFFC000;
	p0 =	sne.s32 s13, s7  }
.Ltmp1:
0x31: {  	[bflag:$0x0] =	sbarrier.arrive $0xFFFF;
	(pc) =	sbr.rel @p0 .LBB2_1-.Ltmp1, $4  }
0x32: {  	[hbm:s6], [sflag:s11] =	dma.local [spmem:s12], $0x2800  }
0x33: {  	_ =	swait.ge [sflag:s10], $0x2800  }
0x34: {  	[sflag:s10] =	ssyncset.done $0x0  }
0x35: {  	[sflag:s10] =	ssyncadd.s32 $0xFFFFD800  }
0x36: {  	_ =	sfence.sel $0x180000  }
0x37: {  	[bflag:$0x0] =	sbarrier.arrive $0xFFFF  }
0x38: {  	p0 =	sne.s32 s2, $0x0;
	_ =	strace $0x9000004D  }
0x39: {  	s0 =	sadd.s32 @!p0 $0x100000, s0;
	[bflag:$0x2] =	sbarrier.arrive $0xFFFF  }
0x3a: {  	[sflag:s0] =	ssyncadd.tile.s32 @!p0 $0x1;
	_ =	shalt  }
.Lfunc_end2:
_tile_overlayer_lowered:
.L_overlay_start_2:
0x3b: {  	(tag) =	ssettag $0x2  }
0x3c: {  	s0 =	rddreg [dreg:$0x0];
	s2 =	stileid.u32  }
0x3d: {  	s1 =	rddreg [dreg:$0x1];
	p0 =	sne.s32 s2, $0x0  }
0x3e: {  	s3 =	rddreg [dreg:$0x2];
	[bflag:$0x3] =	sbarrier.arrive $0xFFFF;
	s2 =	simm.s32 @!p0 $0x1C01  }
0x3f: {  	[timem:s3], [sflag:s2] =	dma.local @!p0 [hbm:s0], s1  }
0x40: {  	s0 =	simm.s32 @!p0 $0x1  }
0x41: {  	_ =	swait.ge @!p0 [sflag:s0], s1  }
0x42: {  	s1 =	ssub.s32 @!p0 $0x0, s1;
	[sflag:s0] =	ssyncset.done @!p0 $0x0  }
0x43: {  	[sflag:s0] =	ssyncadd.s32 @!p0 s1  }
0x44: {  	[bflag:$0x3] =	sbarrier.arrive $0xFFFF  }
0x45: {  	_ =	shalt  }

// kernel: kernel.33.cloned.1.call-start
scs
__scs_entry_jumppad:
0x0: {  	(pc) =	sbr.rel $0x88, $3  }
0x1: {  	(tag) =	ssettag $0x0;
	lr =	simm.s32 $0x1  }
0x2: {  	[smem:$0x3F5D] =	sst lr;
	_ =	strace $0xD0000000  }
0x3: {  	_ = 	snop  }
0x4: {  	_ = 	snop  }
0x5: {  	_ = 	snop  }
0x6: {  	_ = 	snop  }
0x7: {  	_ = 	snop  }
__scs_overlays_trampoline_lowered:
0x8: {  	[smem:$0x3F6C] =	sst s0  }
0x9: {  	[smem:$0x3F6D] =	sst s1  }
0xa: {  	[smem:$0x3F6E] =	sst s2  }
0xb: {  	[smem:$0x3F6F] =	sst s3  }
0xc: {  	[smem:$0x3F70] =	sst s4  }
0xd: {  	[smem:$0x3F71] =	sst s5  }
0xe: {  	[smem:$0x3F72] =	sst s6  }
0xf: {  	[smem:$0x3F73] =	sst s7  }
0x10: {  	[smem:$0x3F74] =	sst s8  }
0x11: {  	[smem:$0x3F75] =	sst s9;
	s0 =	simm.s32 @!p0 $0x0  }
0x12: {  	s1 =	sld [smem:$0x3F5B];
	s0 =	simm.s32 @p0 $0x1  }
0x13: {  	[smem:$0x3F76] =	sst s0;
	s0 =	simm.s32 @!p1 $0x0  }
0x14: {  	s2 =	sld [smem:$0x3F5A];
	s0 =	simm.s32 @p1 $0x1  }
0x15: {  	[smem:$0x3F77] =	sst s0;
	s0 =	simm.s32 @!p2 $0x0  }
0x16: {  	s3 =	sld [smem:$0x3FDB];
	s0 =	simm.s32 @p2 $0x1  }
0x17: {  	s4 =	simm.s32 $0x1BF5;
	[smem:$0x3F79] =	sst s0  }
0x18: {  	s0 =	sld [smem:$0x3F5C];
	_ =	swait.ge [sflag:s4], $0x0  }
0x19: {  	s7 =	sld [smem:$0x3F5D]  }
0x1a: {  	s8 =	sadd.s32 $0xFFFFE003, lr  }
0x1b: {  	s9 =	sadd.s32 $0xFFFFFEF7, lr;
	s5 =	simm.s32 $0xFFFFFFFF;
	p2 =	slt.u32 s8, $0xFFFFF086  }
0x1c: {  	p1 =	slt.u32 s9, $0xF7A;
	s5 =	simm.s32 @!p2 $0x0  }
0x1d: {  	s5 =	simm.s32 @p1 $0x1;
	p0 =	seq.s32 s7, s2  }
0x1e: {  	s7 =	smul.u32 @!p0 $0xF7A, s2;
	p2 =	seq.s32 @!p0 s5, $0x0  }
0x1f: {  	s9 =	smul.u32 $0xF7A, s1;
	s8 =	simm.s32 @!p0 $0x1BF5;
	p2 =	por !p2, p0  }
0x20: {  	[sflag:s8] =	ssyncset.s32 @!p0 $0xFFFFF086;
	s6 =	sadd.s32 @!p0 s3, s7;
	s7 =	simm.s32 @!p0 $0x108  }
0x21: {  	s3 =	sadd.s32 s3, s9;
	s6 =	sadd.s32 @!p0 $0x88, s6;
	s7 =	simm.s32 @p2 $0x1082  }
0x22: {  	[simem:s7], [sflag:s8] =	dma.local @!p0 [hbm:s6], $0xF7A  }
0x23: {  	s9 =	sor.u32 $0xD0000000, s2;
	s6 =	simm.s32 $0x108;
	_ =	swait.ge @!p0 [sflag:s8], $0x0  }
0x24: {  	s3 =	sadd.s32 $0x88, s3;
	s6 =	simm.s32 @!p1 $0x1082;
	[sflag:s4] =	ssyncset.s32 $0xFFFFF086  }
0x25: {  	[simem:s6], [sflag:s4] =	dma.local [hbm:s3], $0xF7A  }
0x26: {  	[smem:$0x3F5D] =	sst s1;
	(tag) =	ssettag s2;
	_ =	strace s9  }
0x27: {  	s1 =	sld [smem:$0x3F6D]  }
0x28: {  	s2 =	sld [smem:$0x3F6E]  }
0x29: {  	s4 =	sld [smem:$0x3F70]  }
0x2a: {  	p0 =	seq.s32 s5, $0x0;
	s5 =	sld [smem:$0x3F71]  }
0x2b: {  	s6 =	sld [smem:$0x3F72]  }
0x2c: {  	s7 =	sld [smem:$0x3F73]  }
0x2d: {  	s3 =	simm.s32 $0x108;
	s8 =	sld [smem:$0x3F74]  }
0x2e: {  	s3 =	simm.s32 @!p0 $0x1082;
	s9 =	sld [smem:$0x3F75]  }
0x2f: {  	lr =	sadd.s32 s0, s3;
	s0 =	sld [smem:$0x3F6C]  }
0x30: {  	s3 =	sld [smem:$0x3F6F]  }
0x31: {  	[smem:$0x3F78] =	sst s10  }
0x32: {  	s10 =	sld [smem:$0x3F76];
	_ =	sdelay $0x3  }
0x33: {  	p0 =	seq.s32 s10, $0x1;
	s10 =	sld [smem:$0x3F78];
	_ =	sdelay $0x3  }
0x34: {  	[smem:$0x3F78] =	sst s10  }
0x35: {  	s10 =	sld [smem:$0x3F77];
	_ =	sdelay $0x3  }
0x36: {  	p1 =	seq.s32 s10, $0x1;
	s10 =	sld [smem:$0x3F78];
	_ =	sdelay $0x3  }
0x37: {  	[smem:$0x3F78] =	sst s10  }
0x38: {  	s10 =	sld [smem:$0x3F79]  }
0x39: {  	_ = 	snop;
	(pc) =	sbr.ind lr, $3  }
0x3a: {  	_ = 	snop  }
0x3b: {  	_ = 	snop  }
0x3c: {  	p2 =	seq.s32 s10, $0x1;
	s10 =	sld [smem:$0x3F78]  }
0x3d: {  	_ =	shalt  }
0x3e: {  	_ =	shalt  }
0x3f: {  	_ =	shalt  }
0x40: {  	_ =	shalt  }
0x41: {  	_ =	shalt  }
0x42: {  	_ =	shalt  }
0x43: {  	_ =	shalt  }
0x44: {  	_ =	shalt  }
0x45: {  	_ =	shalt  }
0x46: {  	_ =	shalt  }
0x47: {  	_ =	shalt  }
0x48: {  	_ =	shalt  }
0x49: {  	_ =	shalt  }
0x4a: {  	_ =	shalt  }
0x4b: {  	_ =	shalt  }
0x4c: {  	_ =	shalt  }
0x4d: {  	_ =	shalt  }
0x4e: {  	_ =	shalt  }
0x4f: {  	_ =	shalt  }
0x50: {  	_ =	shalt  }
0x51: {  	_ =	shalt  }
0x52: {  	_ =	shalt  }
0x53: {  	_ =	shalt  }
0x54: {  	_ =	shalt  }
0x55: {  	_ =	shalt  }
0x56: {  	_ =	shalt  }
0x57: {  	_ =	shalt  }
0x58: {  	_ =	shalt  }
0x59: {  	_ =	shalt  }
0x5a: {  	_ =	shalt  }
0x5b: {  	_ =	shalt  }
0x5c: {  	_ =	shalt  }
0x5d: {  	_ =	shalt  }
0x5e: {  	_ =	shalt  }
0x5f: {  	_ =	shalt  }
0x60: {  	_ =	shalt  }
0x61: {  	_ =	shalt  }
0x62: {  	_ =	shalt  }
0x63: {  	_ =	shalt  }
0x64: {  	_ =	shalt  }
0x65: {  	_ =	shalt  }
0x66: {  	_ =	shalt  }
0x67: {  	_ =	shalt  }
0x68: {  	_ =	shalt  }
0x69: {  	_ =	shalt  }
0x6a: {  	_ =	shalt  }
0x6b: {  	_ =	shalt  }
0x6c: {  	_ =	shalt  }
0x6d: {  	_ =	shalt  }
0x6e: {  	_ =	shalt  }
0x6f: {  	_ =	shalt  }
0x70: {  	_ =	shalt  }
0x71: {  	_ =	shalt  }
0x72: {  	_ =	shalt  }
0x73: {  	_ =	shalt  }
0x74: {  	_ =	shalt  }
0x75: {  	_ =	shalt  }
0x76: {  	_ =	shalt  }
0x77: {  	_ =	shalt  }
0x78: {  	_ =	shalt  }
0x79: {  	_ =	shalt  }
0x7a: {  	_ =	shalt  }
0x7b: {  	_ =	shalt  }
0x7c: {  	_ =	shalt  }
0x7d: {  	_ =	shalt  }
0x7e: {  	_ =	shalt  }
0x7f: {  	_ =	shalt  }
0x80: {  	_ =	shalt  }
0x81: {  	_ =	shalt  }
0x82: {  	_ =	shalt  }
0x83: {  	_ =	shalt  }
0x84: {  	_ =	shalt  }
0x85: {  	_ =	shalt  }
0x86: {  	_ =	shalt  }
0x87: {  	_ =	shalt  }
.Lfunc_end0:
.L_simem_size_0:
called_computation.1_lowered:
.L_overlay_start_0:
0x88: {  	s2 =	sld [smem:$0x3FD9]  }
0x89: {  	s3 =	sld [smem:$0x3FFE];
	_ =	sdelay $0x1  }
0x8a: {  	s1 =	srdreg.scid  }
0x8b: {  	s0 =	sand.u32 $0x1, s1  }
0x8c: {  	s14 =	sshll.u32 s0, $0xA;
	s2 =	sadd.s32 s3, s2  }
0x8d: {  	s2 =	sadd.s32 s2, s14  }
0x8e: {  	[smem:$0x3F84] =	sst s2  }
0x8f: {  	_ = 	snop  }
0x90: {  	s2 =	sld [smem:$0x3FD0];
	_ =	sdelay $0x2  }
0x91: {  	s15 =	simm.s32 $0xC;
	s4 =	simm.s32 $0x10  }
0x92: {  	[smem:s4], [sflag:s15] =	dma.local [hbm:s2], $0x1  }
0x93: {  	_ =	swait.eq [sflag:s15], $0x1  }
0x94: {  	[sflag:s15] =	ssyncset.done $0x0  }
0x95: {  	[sflag:s15] =	ssyncadd.s32 $0xFFFFFFFF  }
0x96: {  	s16 =	sld [smem:$0x10];
	(tm) =	ssettm $0x1  }
0x97: {  	s17 =	sld [smem:$0x3FFB];
	_ =	sdelay $0x3  }
0x98: {  	_ =	strace s17  }
0x99: {  	s3 =	sld [smem:$0x3FFC];
	_ =	sdelay $0x3  }
0x9a: {  	_ =	strace s3  }
0x9b: {  	s3 =	sld [smem:$0x3FFD];
	_ =	sdelay $0x3  }
0x9c: {  	_ =	strace s3  }
0x9d: {  	_ =	strace $0x8FFFFFFF  }
0x9e: {  	s18 =	sld [smem:$0x3FDB];
	_ =	sdelay $0x1  }
0x9f: {  	s19 =	simm.s32 $_scs_section_size  }
0xa0: {  	s5 =	simm.s32 $_size__tile_overlayer_lowered;
	s6 =	simm.s32 $_tile_overlayer_lowered  }
0xa1: {  	s22 =	simm.s32 $0x1BFF;
	s21 =	sshll.u32 s6, $0x1;
	s3 =	sadd.s32 s19, s18  }
0xa2: {  	s7 =	simm.s32 $0x0;
	s20 =	sshll.u32 s5, $0x1;
	s5 =	sadd.s32 s21, s3  }
0xa3: {  	[timem:s7], [sflag:s22] =	dma.local [hbm:s5], s20  }
0xa4: {  	_ =	swait.ge [sflag:s22], s20  }
0xa5: {  	s4 =	ssub.s32 $0x0, s20;
	[sflag:s22] =	ssyncset.done $0x0  }
0xa6: {  	[sflag:s22] =	ssyncadd.s32 s4;
	_ =	sdelay $0x1  }
0xa7: {  	s23 =	simm.s32 $0x1B8B  }
0xa8: {  	_ =	swait.ge [sflag:s23], $0x1  }
0xa9: {  	[sflag:s23] =	ssyncset.done $0x0  }
0xaa: {  	s25 =	simm.s32 $0x1B8E;
	s24 =	sld [smem:$0x3FFE];
	[sflag:s23] =	ssyncadd.s32 $0xFFFFFFFF  }
0xab: {  	s26 =	simm.s32 $execute0_lowered;
	[smem:$0x3FD2] =	sst s25  }
0xac: {  	s5 =	sshll.u32 s26, $0x1;
	_ =	strace $0x80000046;
	[dreg:$0x1] =	wrdreg $0xFFFFFFFF  }
0xad: {  	s28 =	simm.s32 $_size_execute0_lowered;
	s3 =	sadd.s32 s3, s5;
	[dreg:$0x0] =	wrdreg $0x0  }
0xae: {  	s5 =	sshll.u32 s28, $0x1;
	[dreg:$0x2] =	wrdreg s3  }
0xaf: {  	[dreg:$0x3] =	wrdreg s5  }
0xb0: {  	[dreg:$0x4] =	wrdreg $0xC0  }
0xb1: {  	_ =	task [dreg:s7], $0x5FFFF  }
0xb2: {  	[dreg:$0x1] =	wrdreg $0xFFFFFFFF  }
0xb3: {  	[dreg:$0x0] =	wrdreg $0x60  }
0xb4: {  	[dreg:$0x2] =	wrdreg s24  }
0xb5: {  	[dreg:$0x3] =	wrdreg s16  }
0xb6: {  	[dreg:$0x4] =	wrdreg $0xA  }
0xb7: {  	_ =	task.clear_ibuf [dreg:s7], $0x5FFFF;
	_ =	strace $0x90000046  }
0xb8: {  	s29 =	simm.s32 $0xA;
	_ =	strace $0x80000048  }
0xb9: {  	_ =	swait.ge [sflag:s29], $0x1  }
0xba: {  	[sflag:s29] =	ssyncadd.s32 $0xFFFFFFFF  }
0xbb: {  	_ =	strace $0x90000048  }
0xbc: {  	_ =	sfence  }
0xbd: {  	s30 =	sld [smem:$0x0];
	_ =	sdelay $0x2  }
0xbe: {  	s31 =	sshll.u32 s1, $0xD;
	s1 =	sshrl.u32 s1, $0x2  }
0xbf: {  	s3 =	sand.u32 $0x4000, s31;
	s1 =	sadd.s32 s1, s30  }
0xc0: {  	s0 =	sor.u32 s3, s0;
	s1 =	sshll.u32 s1, $0x11  }
0xc1: {  	s0 =	sor.u32 s1, s0  }
0xc2: {  	s0 =	sadd.s32 $0x8F2B, s0  }
0xc3: {  	[sflag:s0] =	ssyncadd.remote.s32 $0x1  }
0xc4: {  	_ =	sfence.sel $0xFFFF  }
0xc5: {  	[dreg:$0x0] =	wrdreg $0xFFFFFFFF;
	(pc) =	sbr.abs _section_cstart, $3  }
0xc6: {  	[dreg:$0x1] =	wrdreg $0xFFFFFFFF  }
0xc7: {  	_ =	task.clear_ibuf [dreg:s7], $0x2FFFF;
	_ =	strace $0x9FFFFFFF  }
0xc8: {  	(tm) =	ssettm $0x7FFFFFFF  }
0xc9: {  	_ =	shalt  }
tec
execute0_lowered:
.L_overlay_start_1:
0x0: {  	(tag) =	ssettag $0x1  }
0x1: {  	s0 =	rddreg [dreg:$0x0]  }
0x2: {  	s1 =	rddreg [dreg:$0x1];
	s2 =	simm.s32 $0x0;
	s3 =	srdreg.scid  }
0x3: {  	s10 =	stileid.u32;
	s12 =	simm.s32 $0x100;
	s29 =	simm.s32 $0x8100  }
0x4: {  	s30 =	simm.s32 $0x8900;
	s31 =	simm.s32 $0x9100;
	s11 =	simm.s32 $0xC900  }
0x5: {  	s13 =	simm.s32 $0xD100;
	s14 =	simm.s32 $0xD900;
	s15 =	simm.s32 $0xE100  }
0x6: {  	s16 =	simm.s32 $0xE900;
	s17 =	simm.s32 $0xF100;
	s18 =	simm.s32 $0xF900  }
0x7: {  	s19 =	simm.s32 $0x1;
	s20 =	simm.s32 $0x2;
	s21 =	simm.s32 $0x3  }
0x8: {  	s28 =	simm.s32 $0x80;
	[smem:$0x7FF] =	sst s2;
	s4 =	sand.u32 $0x1, s3  }
0x9: {  	s3 =	sadd.s32 $0xACE00, s0;
	s5 =	sshll.u32 s10, $0x5;
	s8 =	sshll.u32 s10, $0xD  }
0xa: {  	s23 =	sshll.u32 s10, $0x1;
	s10 =	simm.s32 $0x4;
	_ =	strace $0x80000047  }
0xb: {  	s6 =	ssub.s32 $0x2, s4;
	s7 =	sadd.s32 s5, s0;
	s0 =	sadd.s32 s8, s0  }
0xc: {  	[dreg:$0x3] =	wrdreg s23;
	s24 =	sshll.u32 s4, $0x4;
	s4 =	sshll.u32 s4, $0xC  }
0xd: {  	s1 =	sadd.s32 s5, s1;
	s5 =	simm.s32 $0xA900;
	s8 =	simm.s32 $0xB900  }
0xe: {  	s23 =	simm.s32 $0x0;
	s9 =	sshrl.u32 s6, $0x1;
	s25 =	sadd.s32 s24, s7  }
.Ltmp0:
0xf: {  	s0 =	sadd.s32 s4, s0;
	s7 =	sadd.s32 s24, s1;
	(pc) =	sbr.rel .LBB2_1-.Ltmp0, $4  }
0x10: {  	s1 =	simm.s32 $0xA100;
	s4 =	simm.s32 $0xB100;
	s26 =	sadd.s32 $0x62B200, s0  }
0x11: {  	v2 =	vlaneseq.u32;
	s6 =	ssub.s32 s6, s9;
	s0 =	sadd.s32 $0x149200, s0;
	[dreg:$0x5] =	wrdreg s26  }
0x12: {  	vm0 =	vmmov $0xffff;
	v1 =	vshrl.u32 v2, $0x3;
	s9 =	simm.s32 $0xC100;
	s6 =	smax.u32 s6, $0x1;
	[dreg:$0x6] =	wrdreg s0  }
0x13: {  	v0 =	vand.u32 $0x7, v2;
	v2 =	vor.u32 $0x8, v2;
	v1 =	vmul.u32 $0x8, v1;
	s0 =	simm.s32 $0x9900;
	[dreg:$0x4] =	wrdreg s6;
	s6 =	sadd.s32 $0x10A00, s25  }
.LBB2_5:
0x14: {  	s23 =	rddreg [dreg:$0x7]  }
0x15: {  	s22 =	rddreg [dreg:$0x4];
	s23 =	sadd.s32 $0x1, s23  }
0x16: {  	p0 =	sne.s32 s23, s22  }
.Ltmp1:
0x17: {  	_ = 	snop;
	(pc) =	sbr.rel @!p0 .LBB2_6-.Ltmp1, $1  }
0x18: {  	_ =	sdelay $0x3  }
.LBB2_1:
.Ltmp2:
0x19: {  	(pc) =	sbr.rel .LBB2_2-.Ltmp2, $4  }
0x1a: {  	[dreg:$0x7] =	wrdreg s23  }
0x1b: {  	s22 =	rddreg [dreg:$0x3]  }
0x1c: {  	s23 =	rddreg [dreg:$0x6]  }
0x1d: {  	s24 =	rddreg [dreg:$0x5];
	s25 =	simm.s32 $0x0  }
.LBB2_4:
0x1e: {  	s25 =	sadd.s32 $0x200, s25  }
0x1f: {  	p0 =	sne.s32 s25, $0x5000  }
.Ltmp3:
0x20: {  	_ = 	snop;
	(pc) =	sbr.rel @!p0 .LBB2_5-.Ltmp3, $2  }
0x21: {  	_ =	sdelay $0x2  }
0x22: {  	s24 =	sadd.s32 $0x20000, s24;
	s23 =	sadd.s32 $0x20000, s23;
	s22 =	sadd.s32 $0x20, s22  }
.LBB2_2:
0x23: {  	p0 =	sgt.u32 s22, $0x4E1  }
.Ltmp4:
0x24: {  	_ = 	snop;
	(pc) =	sbr.rel @p0 .LBB2_4-.Ltmp4, $1  }
0x25: {  	_ =	sdelay $0x3  }
0x26: {  	s26 =	sadd.s32 s25, s7  }
0x27: {  	[tilespmem:s2], [sflag:$0x4] =	stream.linear.gather [hbm4b:s26+s2], $0x80, $0x38;
	[tilespmem:$0x10100] =	vst v63  }
0x28: {  	_ =	swait.ge [sflag:s10], $0x80  }
0x29: {  	[sflag:s10] =	ssyncset.done $0x0  }
0x2a: {  	s26 =	sadd.s32 s25, s6;
	[sflag:s10] =	ssyncadd.s32 $0xFFFFFF80  }
0x2b: {  	[tilespmem:s28], [sflag:$0x4] =	stream.linear.gather [hbm4b:s26+s2], $0x80, $0x38;
	[tilespmem:$0x10100] =	vst v63  }
0x2c: {  	_ =	swait.ge [sflag:s10], $0x80  }
0x2d: {  	[sflag:s10] =	ssyncset.done $0x0  }
0x2e: {  	[sflag:s10] =	ssyncadd.s32 $0xFFFFFF80  }
0x2f: {  	v3 =	vld [tilespmem:$0x0];
	_ =	sdelay $0x4  }
0x30: {  	v4 =	vshll.u32 v3, $0x1  }
0x31: {  	v3 =	vand.u32 $0x7, v3;
	v4 =	vand.u32 $0xFFFFFFF0, v4  }
0x32: {  	v3 =	vor.u32 v3, v4  }
0x33: {  	v4 =	vperm.xlane v3, v0;
	_ =	sdelay $0x1  }
0x34: {  	v3 =	vperm.xlane v3, v2;
	v4 =	vadd.s32 v1, v4;
	_ =	sdelay $0x1  }
0x35: {  	v3 =	vadd.s32 v1, v3;
	_ =	sdelay $0x2  }
0x36: {  	[tilespmem:s12], [sflag:$0x1] =	stream.indirect_vreg.gather [hbm4b:s3+s2], $0x80, v4, vm0, $0xb8;
	[tilespmem:$0x10100] =	vst v63  }
0x37: {  	s26 =	simm.s32 $0x900  }
0x38: {  	[tilespmem:s26], [sflag:$0x1] =	stream.indirect_vreg.gather [hbm4b:s3+s2], $0x80, v3, vm0, $0xb8;
	[tilespmem:$0x10100] =	vst v63  }
0x39: {  	v3 =	vld [tilespmem:$0x10];
	_ =	sdelay $0x4  }
0x3a: {  	v49 =	vshll.u32 v3, $0x1  }
0x3b: {  	v3 =	vand.u32 $0x7, v3;
	v4 =	vand.u32 $0xFFFFFFF0, v49  }
0x3c: {  	v3 =	vor.u32 v3, v4  }
0x3d: {  	v4 =	vperm.xlane v3, v0;
	_ =	sdelay $0x1  }
0x3e: {  	v3 =	vperm.xlane v3, v2;
	v4 =	vadd.s32 v1, v4;
	_ =	sdelay $0x1  }
0x3f: {  	v3 =	vadd.s32 v1, v3;
	_ =	sdelay $0x1  }
0x40: {  	s26 =	simm.s32 $0x1100  }
0x41: {  	[tilespmem:s26], [sflag:$0x1] =	stream.indirect_vreg.gather [hbm4b:s3+s2], $0x80, v4, vm0, $0xb8;
	[tilespmem:$0x10100] =	vst v63  }
0x42: {  	s26 =	simm.s32 $0x1900  }
0x43: {  	[tilespmem:s26], [sflag:$0x1] =	stream.indirect_vreg.gather [hbm4b:s3+s2], $0x80, v3, vm0, $0xb8;
	[tilespmem:$0x10100] =	vst v63  }
0x44: {  	v3 =	vld [tilespmem:$0x20];
	_ =	sdelay $0x4  }
0x45: {  	v50 =	vshll.u32 v3, $0x1  }
0x46: {  	v3 =	vand.u32 $0x7, v3;
	v4 =	vand.u32 $0xFFFFFFF0, v50  }
0x47: {  	v3 =	vor.u32 v3, v4  }
0x48: {  	v4 =	vperm.xlane v3, v0;
	_ =	sdelay $0x1  }
0x49: {  	v3 =	vperm.xlane v3, v2;
	v4 =	vadd.s32 v1, v4;
	_ =	sdelay $0x1  }
0x4a: {  	v3 =	vadd.s32 v1, v3;
	_ =	sdelay $0x1  }
0x4b: {  	s26 =	simm.s32 $0x2100  }
0x4c: {  	[tilespmem:s26], [sflag:$0x1] =	stream.indirect_vreg.gather [hbm4b:s3+s2], $0x80, v4, vm0, $0xb8;
	[tilespmem:$0x10100] =	vst v63  }
0x4d: {  	s26 =	simm.s32 $0x2900  }
0x4e: {  	[tilespmem:s26], [sflag:$0x1] =	stream.indirect_vreg.gather [hbm4b:s3+s2], $0x80, v3, vm0, $0xb8;
	[tilespmem:$0x10100] =	vst v63  }
0x4f: {  	v3 =	vld [tilespmem:$0x30];
	_ =	sdelay $0x4  }
0x50: {  	v51 =	vshll.u32 v3, $0x1  }
0x51: {  	v3 =	vand.u32 $0x7, v3;
	v4 =	vand.u32 $0xFFFFFFF0, v51  }
0x52: {  	v3 =	vor.u32 v3, v4  }
0x53: {  	v4 =	vperm.xlane v3, v0;
	_ =	sdelay $0x1  }
0x54: {  	v3 =	vperm.xlane v3, v2;
	v4 =	vadd.s32 v1, v4;
	_ =	sdelay $0x1  }
0x55: {  	v3 =	vadd.s32 v1, v3;
	_ =	sdelay $0x1  }
0x56: {  	s26 =	simm.s32 $0x3100  }
0x57: {  	[tilespmem:s26], [sflag:$0x1] =	stream.indirect_vreg.gather [hbm4b:s3+s2], $0x80, v4, vm0, $0xb8;
	[tilespmem:$0x10100] =	vst v63  }
0x58: {  	s26 =	simm.s32 $0x3900  }
0x59: {  	[tilespmem:s26], [sflag:$0x1] =	stream.indirect_vreg.gather [hbm4b:s3+s2], $0x80, v3, vm0, $0xb8;
	[tilespmem:$0x10100] =	vst v63  }
0x5a: {  	v3 =	vld [tilespmem:$0x40];
	_ =	sdelay $0x4  }
0x5b: {  	v52 =	vshll.u32 v3, $0x1  }
0x5c: {  	v3 =	vand.u32 $0x7, v3;
	v4 =	vand.u32 $0xFFFFFFF0, v52  }
0x5d: {  	v3 =	vor.u32 v3, v4  }
0x5e: {  	v4 =	vperm.xlane v3, v0;
	_ =	sdelay $0x1  }
0x5f: {  	v3 =	vperm.xlane v3, v2;
	v4 =	vadd.s32 v1, v4;
	_ =	sdelay $0x1  }
0x60: {  	v3 =	vadd.s32 v1, v3;
	_ =	sdelay $0x1  }
0x61: {  	s26 =	simm.s32 $0x4100  }
0x62: {  	[tilespmem:s26], [sflag:$0x1] =	stream.indirect_vreg.gather [hbm4b:s3+s2], $0x80, v4, vm0, $0xb8;
	[tilespmem:$0x10100] =	vst v63  }
0x63: {  	s26 =	simm.s32 $0x4900  }
0x64: {  	[tilespmem:s26], [sflag:$0x1] =	stream.indirect_vreg.gather [hbm4b:s3+s2], $0x80, v3, vm0, $0xb8;
	[tilespmem:$0x10100] =	vst v63  }
0x65: {  	v3 =	vld [tilespmem:$0x50];
	_ =	sdelay $0x4  }
0x66: {  	v53 =	vshll.u32 v3, $0x1  }
0x67: {  	v3 =	vand.u32 $0x7, v3;
	v4 =	vand.u32 $0xFFFFFFF0, v53  }
0x68: {  	v3 =	vor.u32 v3, v4  }
0x69: {  	v4 =	vperm.xlane v3, v0;
	_ =	sdelay $0x1  }
0x6a: {  	v3 =	vperm.xlane v3, v2;
	v4 =	vadd.s32 v1, v4;
	_ =	sdelay $0x1  }
0x6b: {  	v3 =	vadd.s32 v1, v3;
	_ =	sdelay $0x1  }
0x6c: {  	s26 =	simm.s32 $0x5100  }
0x6d: {  	[tilespmem:s26], [sflag:$0x1] =	stream.indirect_vreg.gather [hbm4b:s3+s2], $0x80, v4, vm0, $0xb8;
	[tilespmem:$0x10100] =	vst v63  }
0x6e: {  	s26 =	simm.s32 $0x5900  }
0x6f: {  	[tilespmem:s26], [sflag:$0x1] =	stream.indirect_vreg.gather [hbm4b:s3+s2], $0x80, v3, vm0, $0xb8;
	[tilespmem:$0x10100] =	vst v63  }
0x70: {  	v3 =	vld [tilespmem:$0x60];
	_ =	sdelay $0x4  }
0x71: {  	v54 =	vshll.u32 v3, $0x1  }
0x72: {  	v3 =	vand.u32 $0x7, v3;
	v4 =	vand.u32 $0xFFFFFFF0, v54  }
0x73: {  	v3 =	vor.u32 v3, v4  }
0x74: {  	v4 =	vperm.xlane v3, v0;
	_ =	sdelay $0x1  }
0x75: {  	v3 =	vperm.xlane v3, v2;
	v4 =	vadd.s32 v1, v4;
	_ =	sdelay $0x1  }
0x76: {  	v3 =	vadd.s32 v1, v3;
	_ =	sdelay $0x1  }
0x77: {  	s26 =	simm.s32 $0x6100  }
0x78: {  	[tilespmem:s26], [sflag:$0x1] =	stream.indirect_vreg.gather [hbm4b:s3+s2], $0x80, v4, vm0, $0xb8;
	[tilespmem:$0x10100] =	vst v63  }
0x79: {  	s26 =	simm.s32 $0x6900  }
0x7a: {  	[tilespmem:s26], [sflag:$0x1] =	stream.indirect_vreg.gather [hbm4b:s3+s2], $0x80, v3, vm0, $0xb8;
	[tilespmem:$0x10100] =	vst v63  }
0x7b: {  	v3 =	vld [tilespmem:$0x70];
	_ =	sdelay $0x4  }
0x7c: {  	v55 =	vshll.u32 v3, $0x1  }
0x7d: {  	v3 =	vand.u32 $0x7, v3;
	v4 =	vand.u32 $0xFFFFFFF0, v55  }
0x7e: {  	v3 =	vor.u32 v3, v4  }
0x7f: {  	v4 =	vperm.xlane v3, v0;
	_ =	sdelay $0x1  }
0x80: {  	v3 =	vperm.xlane v3, v2;
	v4 =	vadd.s32 v1, v4;
	_ =	sdelay $0x1  }
0x81: {  	v3 =	vadd.s32 v1, v3;
	_ =	sdelay $0x1  }
0x82: {  	s26 =	simm.s32 $0x7100  }
0x83: {  	[tilespmem:s26], [sflag:$0x1] =	stream.indirect_vreg.gather [hbm4b:s3+s2], $0x80, v4, vm0, $0xb8;
	[tilespmem:$0x10100] =	vst v63  }
0x84: {  	s26 =	simm.s32 $0x7900  }
0x85: {  	[tilespmem:s26], [sflag:$0x1] =	stream.indirect_vreg.gather [hbm4b:s3+s2], $0x80, v3, vm0, $0xb8;
	[tilespmem:$0x10100] =	vst v63  }
0x86: {  	v3 =	vld [tilespmem:$0x80];
	_ =	sdelay $0x4  }
0x87: {  	v56 =	vshll.u32 v3, $0x1  }
0x88: {  	v3 =	vand.u32 $0x7, v3;
	v4 =	vand.u32 $0xFFFFFFF0, v56  }
0x89: {  	v3 =	vor.u32 v3, v4  }
0x8a: {  	v4 =	vperm.xlane v3, v0;
	_ =	sdelay $0x1  }
0x8b: {  	v3 =	vperm.xlane v3, v2;
	v4 =	vadd.s32 v1, v4;
	_ =	sdelay $0x1  }
0x8c: {  	v3 =	vadd.s32 v1, v3;
	_ =	sdelay $0x2  }
0x8d: {  	[tilespmem:s29], [sflag:$0x2] =	stream.indirect_vreg.gather [hbm4b:s3+s2], $0x80, v4, vm0, $0xb8;
	[tilespmem:$0x10100] =	vst v63  }
0x8e: {  	_ = 	snop  }
0x8f: {  	[tilespmem:s30], [sflag:$0x2] =	stream.indirect_vreg.gather [hbm4b:s3+s2], $0x80, v3, vm0, $0xb8;
	[tilespmem:$0x10100] =	vst v63  }
0x90: {  	v3 =	vld [tilespmem:$0x90];
	_ =	sdelay $0x4  }
0x91: {  	v57 =	vshll.u32 v3, $0x1  }
0x92: {  	v3 =	vand.u32 $0x7, v3;
	v4 =	vand.u32 $0xFFFFFFF0, v57  }
0x93: {  	v3 =	vor.u32 v3, v4  }
0x94: {  	v4 =	vperm.xlane v3, v0;
	_ =	sdelay $0x1  }
0x95: {  	v3 =	vperm.xlane v3, v2;
	v4 =	vadd.s32 v1, v4;
	_ =	sdelay $0x1  }
0x96: {  	v3 =	vadd.s32 v1, v3;
	_ =	sdelay $0x2  }
0x97: {  	[tilespmem:s31], [sflag:$0x2] =	stream.indirect_vreg.gather [hbm4b:s3+s2], $0x80, v4, vm0, $0xb8;
	[tilespmem:$0x10100] =	vst v63  }
0x98: {  	_ = 	snop  }
0x99: {  	[tilespmem:s0], [sflag:$0x2] =	stream.indirect_vreg.gather [hbm4b:s3+s2], $0x80, v3, vm0, $0xb8;
	[tilespmem:$0x10100] =	vst v63  }
0x9a: {  	v3 =	vld [tilespmem:$0xA0];
	_ =	sdelay $0x4  }
0x9b: {  	v58 =	vshll.u32 v3, $0x1  }
0x9c: {  	v3 =	vand.u32 $0x7, v3;
	v4 =	vand.u32 $0xFFFFFFF0, v58  }
0x9d: {  	v3 =	vor.u32 v3, v4  }
0x9e: {  	v4 =	vperm.xlane v3, v0;
	_ =	sdelay $0x1  }
0x9f: {  	v3 =	vperm.xlane v3, v2;
	v4 =	vadd.s32 v1, v4;
	_ =	sdelay $0x1  }
0xa0: {  	v3 =	vadd.s32 v1, v3;
	_ =	sdelay $0x2  }
0xa1: {  	[tilespmem:s1], [sflag:$0x2] =	stream.indirect_vreg.gather [hbm4b:s3+s2], $0x80, v4, vm0, $0xb8;
	[tilespmem:$0x10100] =	vst v63  }
0xa2: {  	_ = 	snop  }
0xa3: {  	[tilespmem:s5], [sflag:$0x2] =	stream.indirect_vreg.gather [hbm4b:s3+s2], $0x80, v3, vm0, $0xb8;
	[tilespmem:$0x10100] =	vst v63  }
0xa4: {  	v3 =	vld [tilespmem:$0xB0];
	_ =	sdelay $0x4  }
0xa5: {  	v59 =	vshll.u32 v3, $0x1  }
0xa6: {  	v3 =	vand.u32 $0x7, v3;
	v4 =	vand.u32 $0xFFFFFFF0, v59  }
0xa7: {  	v3 =	vor.u32 v3, v4  }
0xa8: {  	v4 =	vperm.xlane v3, v0;
	_ =	sdelay $0x1  }
0xa9: {  	v3 =	vperm.xlane v3, v2;
	v4 =	vadd.s32 v1, v4;
	_ =	sdelay $0x1  }
0xaa: {  	v3 =	vadd.s32 v1, v3;
	_ =	sdelay $0x2  }
0xab: {  	[tilespmem:s4], [sflag:$0x2] =	stream.indirect_vreg.gather [hbm4b:s3+s2], $0x80, v4, vm0, $0xb8;
	[tilespmem:$0x10100] =	vst v63  }
0xac: {  	_ = 	snop  }
0xad: {  	[tilespmem:s8], [sflag:$0x2] =	stream.indirect_vreg.gather [hbm4b:s3+s2], $0x80, v3, vm0, $0xb8;
	[tilespmem:$0x10100] =	vst v63  }
0xae: {  	v3 =	vld [tilespmem:$0xC0];
	_ =	sdelay $0x4  }
0xaf: {  	v60 =	vshll.u32 v3, $0x1  }
0xb0: {  	v3 =	vand.u32 $0x7, v3;
	v4 =	vand.u32 $0xFFFFFFF0, v60  }
0xb1: {  	v3 =	vor.u32 v3, v4  }
0xb2: {  	v4 =	vperm.xlane v3, v0;
	_ =	sdelay $0x1  }
0xb3: {  	v3 =	vperm.xlane v3, v2;
	v4 =	vadd.s32 v1, v4;
	_ =	sdelay $0x1  }
0xb4: {  	v3 =	vadd.s32 v1, v3;
	_ =	sdelay $0x2  }
0xb5: {  	[tilespmem:s9], [sflag:$0x2] =	stream.indirect_vreg.gather [hbm4b:s3+s2], $0x80, v4, vm0, $0xb8;
	[tilespmem:$0x10100] =	vst v63  }
0xb6: {  	_ = 	snop  }
0xb7: {  	[tilespmem:s11], [sflag:$0x2] =	stream.indirect_vreg.gather [hbm4b:s3+s2], $0x80, v3, vm0, $0xb8;
	[tilespmem:$0x10100] =	vst v63  }
0xb8: {  	v3 =	vld [tilespmem:$0xD0];
	_ =	sdelay $0x4  }
0xb9: {  	v61 =	vshll.u32 v3, $0x1  }
0xba: {  	v3 =	vand.u32 $0x7, v3;
	v4 =	vand.u32 $0xFFFFFFF0, v61  }
0xbb: {  	v3 =	vor.u32 v3, v4  }
0xbc: {  	v4 =	vperm.xlane v3, v0;
	_ =	sdelay $0x1  }
0xbd: {  	v3 =	vperm.xlane v3, v2;
	v4 =	vadd.s32 v1, v4;
	_ =	sdelay $0x1  }
0xbe: {  	v3 =	vadd.s32 v1, v3;
	_ =	sdelay $0x2  }
0xbf: {  	[tilespmem:s13], [sflag:$0x2] =	stream.indirect_vreg.gather [hbm4b:s3+s2], $0x80, v4, vm0, $0xb8;
	[tilespmem:$0x10100] =	vst v63  }
0xc0: {  	_ = 	snop  }
0xc1: {  	[tilespmem:s14], [sflag:$0x2] =	stream.indirect_vreg.gather [hbm4b:s3+s2], $0x80, v3, vm0, $0xb8;
	[tilespmem:$0x10100] =	vst v63  }
0xc2: {  	v3 =	vld [tilespmem:$0xE0];
	_ =	sdelay $0x4  }
0xc3: {  	v62 =	vshll.u32 v3, $0x1  }
0xc4: {  	v3 =	vand.u32 $0x7, v3;
	v4 =	vand.u32 $0xFFFFFFF0, v62  }
0xc5: {  	v3 =	vor.u32 v3, v4  }
0xc6: {  	v4 =	vperm.xlane v3, v0;
	_ =	sdelay $0x1  }
0xc7: {  	v3 =	vperm.xlane v3, v2;
	v4 =	vadd.s32 v1, v4;
	_ =	sdelay $0x1  }
0xc8: {  	v3 =	vadd.s32 v1, v3;
	_ =	sdelay $0x2  }
0xc9: {  	[tilespmem:s15], [sflag:$0x2] =	stream.indirect_vreg.gather [hbm4b:s3+s2], $0x80, v4, vm0, $0xb8;
	[tilespmem:$0x10100] =	vst v63  }
0xca: {  	_ = 	snop  }
0xcb: {  	[tilespmem:s16], [sflag:$0x2] =	stream.indirect_vreg.gather [hbm4b:s3+s2], $0x80, v3, vm0, $0xb8;
	[tilespmem:$0x10100] =	vst v63  }
0xcc: {  	v3 =	vld [tilespmem:$0xF0];
	_ =	sdelay $0x4  }
0xcd: {  	v63 =	vshll.u32 v3, $0x1  }
0xce: {  	v3 =	vand.u32 $0x7, v3;
	v4 =	vand.u32 $0xFFFFFFF0, v63  }
0xcf: {  	v3 =	vor.u32 v3, v4  }
0xd0: {  	v4 =	vperm.xlane v3, v0;
	_ =	sdelay $0x1  }
0xd1: {  	v3 =	vperm.xlane v3, v2;
	v4 =	vadd.s32 v1, v4;
	_ =	sdelay $0x1  }
0xd2: {  	v3 =	vadd.s32 v1, v3;
	_ =	sdelay $0x2  }
0xd3: {  	[tilespmem:s17], [sflag:$0x2] =	stream.indirect_vreg.gather [hbm4b:s3+s2], $0x80, v4, vm0, $0xb8;
	[tilespmem:$0x10100] =	vst v63  }
0xd4: {  	_ = 	snop  }
0xd5: {  	[tilespmem:s18], [sflag:$0x2] =	stream.indirect_vreg.gather [hbm4b:s3+s2], $0x80, v3, vm0, $0xb8;
	[tilespmem:$0x10100] =	vst v63  }
0xd6: {  	_ =	swait.ge [sflag:s19], $0x8000  }
0xd7: {  	[sflag:s19] =	ssyncset.done $0x0  }
0xd8: {  	[sflag:s19] =	ssyncadd.s32 $0xFFFF8000  }
0xd9: {  	_ =	swait.ge [sflag:s20], $0x8000  }
0xda: {  	[sflag:s20] =	ssyncset.done $0x0  }
0xdb: {  	[sflag:s20] =	ssyncadd.s32 $0xFFFF8000  }
0xdc: {  	[hbm4b:s23+s2] =	stream.linear.scatter [tilespmem:s12], [sflag:$0x4], $0x8000, $0x38;
	[tilespmem:$0x10100] =	vst v63  }
0xdd: {  	_ =	swait.ge [sflag:s10], $0x8000  }
0xde: {  	[sflag:s10] =	ssyncset.done $0x0  }
.Ltmp5:
0xdf: {  	[sflag:s10] =	ssyncadd.s32 $0xFFFF8000;
	(pc) =	sbr.rel .LBB2_4-.Ltmp5, $4  }
0xe0: {  	[hbm4b:s24+s2] =	stream.linear.scatter [tilespmem:s29], [sflag:$0x3], $0x8000, $0x38;
	[tilespmem:$0x10100] =	vst v63  }
0xe1: {  	_ =	swait.ge [sflag:s21], $0x8000  }
0xe2: {  	[sflag:s21] =	ssyncset.done $0x0  }
0xe3: {  	[sflag:s21] =	ssyncadd.s32 $0xFFFF8000  }
.LBB2_6:
0xe4: {  	_ =	sfence.sel $0x180000  }
0xe5: {  	[bflag:$0x0] =	sbarrier.arrive $0xFFFF  }
0xe6: {  	_ =	strace $0x90000047  }
0xe7: {  	s0 =	stileid.u32;
	[bflag:$0x2] =	sbarrier.arrive $0xFFFF  }
0xe8: {  	p0 =	sne.s32 s0, $0x0;
	s0 =	rddreg [dreg:$0x2]  }
0xe9: {  	s0 =	sadd.s32 @!p0 $0x100000, s0  }
0xea: {  	[sflag:s0] =	ssyncadd.tile.s32 @!p0 $0x1;
	_ =	shalt  }
.Lfunc_end2:
_tile_overlayer_lowered:
.L_overlay_start_2:
0xeb: {  	(tag) =	ssettag $0x2  }
0xec: {  	s0 =	rddreg [dreg:$0x0];
	s2 =	stileid.u32  }
0xed: {  	s1 =	rddreg [dreg:$0x1];
	p0 =	sne.s32 s2, $0x0  }
0xee: {  	s3 =	rddreg [dreg:$0x2];
	[bflag:$0x3] =	sbarrier.arrive $0xFFFF;
	s2 =	simm.s32 @!p0 $0x1C03  }
0xef: {  	[timem:s3], [sflag:s2] =	dma.local @!p0 [hbm:s0], s1  }
0xf0: {  	s0 =	simm.s32 @!p0 $0x3  }
0xf1: {  	_ =	swait.ge @!p0 [sflag:s0], s1  }
0xf2: {  	s1 =	ssub.s32 @!p0 $0x0, s1;
	[sflag:s0] =	ssyncset.done @!p0 $0x0  }
0xf3: {  	[sflag:s0] =	ssyncadd.s32 @!p0 s1  }
0xf4: {  	[bflag:$0x3] =	sbarrier.arrive $0xFFFF  }
0xf5: {  	_ =	shalt  }

// kernel: kernel.36.cloned.1.call-start
scs
__scs_entry_jumppad:
0x0: {  	(pc) =	sbr.rel $0x88, $3  }
0x1: {  	(tag) =	ssettag $0x0;
	lr =	simm.s32 $0x1  }
0x2: {  	[smem:$0x3F5D] =	sst lr;
	_ =	strace $0xD0000000  }
0x3: {  	_ = 	snop  }
0x4: {  	_ = 	snop  }
0x5: {  	_ = 	snop  }
0x6: {  	_ = 	snop  }
0x7: {  	_ = 	snop  }
__scs_overlays_trampoline_lowered:
0x8: {  	[smem:$0x3F6C] =	sst s0  }
0x9: {  	[smem:$0x3F6D] =	sst s1  }
0xa: {  	[smem:$0x3F6E] =	sst s2  }
0xb: {  	[smem:$0x3F6F] =	sst s3  }
0xc: {  	[smem:$0x3F70] =	sst s4  }
0xd: {  	[smem:$0x3F71] =	sst s5  }
0xe: {  	[smem:$0x3F72] =	sst s6  }
0xf: {  	[smem:$0x3F73] =	sst s7  }
0x10: {  	[smem:$0x3F74] =	sst s8  }
0x11: {  	[smem:$0x3F75] =	sst s9;
	s0 =	simm.s32 @!p0 $0x0  }
0x12: {  	s1 =	sld [smem:$0x3F5B];
	s0 =	simm.s32 @p0 $0x1  }
0x13: {  	[smem:$0x3F76] =	sst s0;
	s0 =	simm.s32 @!p1 $0x0  }
0x14: {  	s2 =	sld [smem:$0x3F5A];
	s0 =	simm.s32 @p1 $0x1  }
0x15: {  	[smem:$0x3F77] =	sst s0;
	s0 =	simm.s32 @!p2 $0x0  }
0x16: {  	s3 =	sld [smem:$0x3FDB];
	s0 =	simm.s32 @p2 $0x1  }
0x17: {  	s4 =	simm.s32 $0x1BF5;
	[smem:$0x3F79] =	sst s0  }
0x18: {  	s0 =	sld [smem:$0x3F5C];
	_ =	swait.ge [sflag:s4], $0x0  }
0x19: {  	s7 =	sld [smem:$0x3F5D]  }
0x1a: {  	s8 =	sadd.s32 $0xFFFFE003, lr  }
0x1b: {  	s9 =	sadd.s32 $0xFFFFFEF7, lr;
	s5 =	simm.s32 $0xFFFFFFFF;
	p2 =	slt.u32 s8, $0xFFFFF086  }
0x1c: {  	p1 =	slt.u32 s9, $0xF7A;
	s5 =	simm.s32 @!p2 $0x0  }
0x1d: {  	s5 =	simm.s32 @p1 $0x1;
	p0 =	seq.s32 s7, s2  }
0x1e: {  	s7 =	smul.u32 @!p0 $0xF7A, s2;
	p2 =	seq.s32 @!p0 s5, $0x0  }
0x1f: {  	s9 =	smul.u32 $0xF7A, s1;
	s8 =	simm.s32 @!p0 $0x1BF5;
	p2 =	por !p2, p0  }
0x20: {  	[sflag:s8] =	ssyncset.s32 @!p0 $0xFFFFF086;
	s6 =	sadd.s32 @!p0 s3, s7;
	s7 =	simm.s32 @!p0 $0x108  }
0x21: {  	s3 =	sadd.s32 s3, s9;
	s6 =	sadd.s32 @!p0 $0x88, s6;
	s7 =	simm.s32 @p2 $0x1082  }
0x22: {  	[simem:s7], [sflag:s8] =	dma.local @!p0 [hbm:s6], $0xF7A  }
0x23: {  	s9 =	sor.u32 $0xD0000000, s2;
	s6 =	simm.s32 $0x108;
	_ =	swait.ge @!p0 [sflag:s8], $0x0  }
0x24: {  	s3 =	sadd.s32 $0x88, s3;
	s6 =	simm.s32 @!p1 $0x1082;
	[sflag:s4] =	ssyncset.s32 $0xFFFFF086  }
0x25: {  	[simem:s6], [sflag:s4] =	dma.local [hbm:s3], $0xF7A  }
0x26: {  	[smem:$0x3F5D] =	sst s1;
	(tag) =	ssettag s2;
	_ =	strace s9  }
0x27: {  	s1 =	sld [smem:$0x3F6D]  }
0x28: {  	s2 =	sld [smem:$0x3F6E]  }
0x29: {  	s4 =	sld [smem:$0x3F70]  }
0x2a: {  	p0 =	seq.s32 s5, $0x0;
	s5 =	sld [smem:$0x3F71]  }
0x2b: {  	s6 =	sld [smem:$0x3F72]  }
0x2c: {  	s7 =	sld [smem:$0x3F73]  }
0x2d: {  	s3 =	simm.s32 $0x108;
	s8 =	sld [smem:$0x3F74]  }
0x2e: {  	s3 =	simm.s32 @!p0 $0x1082;
	s9 =	sld [smem:$0x3F75]  }
0x2f: {  	lr =	sadd.s32 s0, s3;
	s0 =	sld [smem:$0x3F6C]  }
0x30: {  	s3 =	sld [smem:$0x3F6F]  }
0x31: {  	[smem:$0x3F78] =	sst s10  }
0x32: {  	s10 =	sld [smem:$0x3F76];
	_ =	sdelay $0x3  }
0x33: {  	p0 =	seq.s32 s10, $0x1;
	s10 =	sld [smem:$0x3F78];
	_ =	sdelay $0x3  }
0x34: {  	[smem:$0x3F78] =	sst s10  }
0x35: {  	s10 =	sld [smem:$0x3F77];
	_ =	sdelay $0x3  }
0x36: {  	p1 =	seq.s32 s10, $0x1;
	s10 =	sld [smem:$0x3F78];
	_ =	sdelay $0x3  }
0x37: {  	[smem:$0x3F78] =	sst s10  }
0x38: {  	s10 =	sld [smem:$0x3F79]  }
0x39: {  	_ = 	snop;
	(pc) =	sbr.ind lr, $3  }
0x3a: {  	_ = 	snop  }
0x3b: {  	_ = 	snop  }
0x3c: {  	p2 =	seq.s32 s10, $0x1;
	s10 =	sld [smem:$0x3F78]  }
0x3d: {  	_ =	shalt  }
0x3e: {  	_ =	shalt  }
0x3f: {  	_ =	shalt  }
0x40: {  	_ =	shalt  }
0x41: {  	_ =	shalt  }
0x42: {  	_ =	shalt  }
0x43: {  	_ =	shalt  }
0x44: {  	_ =	shalt  }
0x45: {  	_ =	shalt  }
0x46: {  	_ =	shalt  }
0x47: {  	_ =	shalt  }
0x48: {  	_ =	shalt  }
0x49: {  	_ =	shalt  }
0x4a: {  	_ =	shalt  }
0x4b: {  	_ =	shalt  }
0x4c: {  	_ =	shalt  }
0x4d: {  	_ =	shalt  }
0x4e: {  	_ =	shalt  }
0x4f: {  	_ =	shalt  }
0x50: {  	_ =	shalt  }
0x51: {  	_ =	shalt  }
0x52: {  	_ =	shalt  }
0x53: {  	_ =	shalt  }
0x54: {  	_ =	shalt  }
0x55: {  	_ =	shalt  }
0x56: {  	_ =	shalt  }
0x57: {  	_ =	shalt  }
0x58: {  	_ =	shalt  }
0x59: {  	_ =	shalt  }
0x5a: {  	_ =	shalt  }
0x5b: {  	_ =	shalt  }
0x5c: {  	_ =	shalt  }
0x5d: {  	_ =	shalt  }
0x5e: {  	_ =	shalt  }
0x5f: {  	_ =	shalt  }
0x60: {  	_ =	shalt  }
0x61: {  	_ =	shalt  }
0x62: {  	_ =	shalt  }
0x63: {  	_ =	shalt  }
0x64: {  	_ =	shalt  }
0x65: {  	_ =	shalt  }
0x66: {  	_ =	shalt  }
0x67: {  	_ =	shalt  }
0x68: {  	_ =	shalt  }
0x69: {  	_ =	shalt  }
0x6a: {  	_ =	shalt  }
0x6b: {  	_ =	shalt  }
0x6c: {  	_ =	shalt  }
0x6d: {  	_ =	shalt  }
0x6e: {  	_ =	shalt  }
0x6f: {  	_ =	shalt  }
0x70: {  	_ =	shalt  }
0x71: {  	_ =	shalt  }
0x72: {  	_ =	shalt  }
0x73: {  	_ =	shalt  }
0x74: {  	_ =	shalt  }
0x75: {  	_ =	shalt  }
0x76: {  	_ =	shalt  }
0x77: {  	_ =	shalt  }
0x78: {  	_ =	shalt  }
0x79: {  	_ =	shalt  }
0x7a: {  	_ =	shalt  }
0x7b: {  	_ =	shalt  }
0x7c: {  	_ =	shalt  }
0x7d: {  	_ =	shalt  }
0x7e: {  	_ =	shalt  }
0x7f: {  	_ =	shalt  }
0x80: {  	_ =	shalt  }
0x81: {  	_ =	shalt  }
0x82: {  	_ =	shalt  }
0x83: {  	_ =	shalt  }
0x84: {  	_ =	shalt  }
0x85: {  	_ =	shalt  }
0x86: {  	_ =	shalt  }
0x87: {  	_ =	shalt  }
.Lfunc_end0:
.L_simem_size_0:
called_computation.2_lowered:
.L_overlay_start_0:
0x88: {  	s2 =	sld [smem:$0x3FD9]  }
0x89: {  	s3 =	sld [smem:$0x3FFE];
	_ =	sdelay $0x1  }
0x8a: {  	s1 =	srdreg.scid  }
0x8b: {  	s0 =	sand.u32 $0x1, s1  }
0x8c: {  	s15 =	sshll.u32 s0, $0xA;
	s2 =	sadd.s32 s3, s2  }
0x8d: {  	s2 =	sadd.s32 s2, s15  }
0x8e: {  	[smem:$0x3F84] =	sst s2  }
0x8f: {  	_ = 	snop  }
0x90: {  	s2 =	sld [smem:$0x3FD0];
	_ =	sdelay $0x2  }
0x91: {  	s4 =	simm.s32 $0xC;
	s16 =	simm.s32 $0x10  }
0x92: {  	[smem:s16], [sflag:s4] =	dma.local [hbm:s2], $0x1  }
0x93: {  	_ =	swait.eq [sflag:s4], $0x1  }
0x94: {  	[sflag:s4] =	ssyncset.done $0x0  }
0x95: {  	s17 =	sld [smem:$0x12];
	[sflag:s4] =	ssyncadd.s32 $0xFFFFFFFF  }
0x96: {  	s18 =	sld [smem:$0x13];
	(tm) =	ssettm $0x1  }
0x97: {  	s19 =	sld [smem:$0x3FFB];
	_ =	sdelay $0x3  }
0x98: {  	_ =	strace s19  }
0x99: {  	s2 =	sld [smem:$0x3FFC];
	_ =	sdelay $0x3  }
0x9a: {  	_ =	strace s2  }
0x9b: {  	s2 =	sld [smem:$0x3FFD];
	_ =	sdelay $0x3  }
0x9c: {  	_ =	strace s2  }
0x9d: {  	_ =	strace $0x8FFFFFFF  }
0x9e: {  	s20 =	sld [smem:$0x3FDB];
	_ =	sdelay $0x1  }
0x9f: {  	s5 =	simm.s32 $_scs_section_size  }
0xa0: {  	s6 =	simm.s32 $_size__tile_overlayer_lowered;
	s7 =	simm.s32 $_tile_overlayer_lowered  }
0xa1: {  	s8 =	simm.s32 $0x1BFF;
	s21 =	sshll.u32 s7, $0x1;
	s5 =	sadd.s32 s5, s20  }
0xa2: {  	s22 =	simm.s32 $0x0;
	s6 =	sshll.u32 s6, $0x1;
	s7 =	sadd.s32 s21, s5  }
0xa3: {  	[timem:s22], [sflag:s8] =	dma.local [hbm:s7], s6  }
0xa4: {  	_ =	swait.ge [sflag:s8], s6  }
0xa5: {  	s6 =	ssub.s32 $0x0, s6;
	[sflag:s8] =	ssyncset.done $0x0  }
0xa6: {  	[sflag:s8] =	ssyncadd.s32 s6;
	_ =	sdelay $0x1  }
0xa7: {  	s23 =	simm.s32 $0x1B8B  }
0xa8: {  	_ =	swait.ge [sflag:s23], $0x1  }
0xa9: {  	[sflag:s23] =	ssyncset.done $0x0  }
0xaa: {  	[sflag:s23] =	ssyncadd.s32 $0xFFFFFFFF  }
0xab: {  	s6 =	sld [smem:$0x0]  }
0xac: {  	s7 =	sand.u32 $0xFFFFFFFE, s1  }
0xad: {  	p0 =	sne.s32 s1, s7  }
0xae: {  	s7 =	sshll.u32 @p0 s7, $0xE  }
0xaf: {  	s7 =	sadd.s32 @p0 $0x11B8D, s7;
	s8 =	sshll.u32 @p0 s6, $0x11  }
0xb0: {  	s7 =	sor.u32 @p0 s8, s7  }
0xb1: {  	[sflag:s7] =	ssyncadd.remote.s32 @p0 $0x1;
	_ =	sdelay $0x1  }
0xb2: {  	s7 =	simm.s32 @p0 $0x1B8D  }
0xb3: {  	_ =	swait.eq @p0 [sflag:s7], $0x1  }
0xb4: {  	[sflag:s7] =	ssyncadd.s32 @p0 $0xFFFFFFFF  }
0xb5: {  	s8 =	sshll.u32 @!p0 s1, $0xE  }
0xb6: {  	s8 =	sor.u32 @!p0 $0x4000, s8;
	s7 =	simm.s32 @!p0 $0x1B8D  }
0xb7: {  	s6 =	sshll.u32 @!p0 s6, $0x11;
	s8 =	sadd.s32 @!p0 $0x11B8D, s8;
	_ =	swait.eq @!p0 [sflag:s7], $0x1  }
0xb8: {  	s6 =	sor.u32 @!p0 s6, s8;
	[sflag:s7] =	ssyncadd.s32 @!p0 $0xFFFFFFFF  }
0xb9: {  	s25 =	simm.s32 $0x1B8E;
	s24 =	sld [smem:$0x3FFE];
	[sflag:s6] =	ssyncadd.remote.s32 @!p0 $0x1  }
0xba: {  	s26 =	simm.s32 $execute0_lowered;
	[smem:$0x3FD2] =	sst s25  }
0xbb: {  	s7 =	sshll.u32 s26, $0x1;
	_ =	strace $0x8000004F;
	[dreg:$0x1] =	wrdreg $0xFFFFFFFF  }
0xbc: {  	s28 =	simm.s32 $_size_execute0_lowered;
	s5 =	sadd.s32 s5, s7;
	[dreg:$0x0] =	wrdreg $0x0  }
0xbd: {  	s7 =	sshll.u32 s28, $0x1;
	[dreg:$0x2] =	wrdreg s5  }
0xbe: {  	[dreg:$0x3] =	wrdreg s7  }
0xbf: {  	[dreg:$0x4] =	wrdreg $0xC0  }
0xc0: {  	_ =	task [dreg:s22], $0x5FFFF  }
0xc1: {  	[dreg:$0x1] =	wrdreg $0xFFFFFFFF  }
0xc2: {  	[dreg:$0x0] =	wrdreg $0x60  }
0xc3: {  	[dreg:$0x2] =	wrdreg s24  }
0xc4: {  	[dreg:$0x3] =	wrdreg s17  }
0xc5: {  	[dreg:$0x4] =	wrdreg s18  }
0xc6: {  	[dreg:$0x5] =	wrdreg $0x41000  }
0xc7: {  	[dreg:$0x6] =	wrdreg $0xA  }
0xc8: {  	_ =	task.clear_ibuf [dreg:s22], $0x7FFFF;
	_ =	strace $0x9000004F  }
0xc9: {  	s29 =	simm.s32 $0xA;
	_ =	strace $0x80000051  }
0xca: {  	_ =	swait.ge [sflag:s29], $0x1  }
0xcb: {  	[sflag:s29] =	ssyncadd.s32 $0xFFFFFFFF  }
0xcc: {  	_ =	strace $0x90000051  }
0xcd: {  	_ =	sfence  }
0xce: {  	s30 =	sld [smem:$0x0];
	_ =	sdelay $0x2  }
0xcf: {  	s31 =	sshll.u32 s1, $0xD;
	s1 =	sshrl.u32 s1, $0x2  }
0xd0: {  	s4 =	sand.u32 $0x4000, s31;
	s1 =	sadd.s32 s1, s30  }
0xd1: {  	s0 =	sor.u32 s4, s0;
	s1 =	sshll.u32 s1, $0x11  }
0xd2: {  	s0 =	sor.u32 s1, s0  }
0xd3: {  	s0 =	sadd.s32 $0x8F2B, s0  }
0xd4: {  	[sflag:s0] =	ssyncadd.remote.s32 $0x1  }
0xd5: {  	_ =	sfence.sel $0xFFFF  }
0xd6: {  	[dreg:$0x0] =	wrdreg $0xFFFFFFFF;
	(pc) =	sbr.abs _section_cstart, $3  }
0xd7: {  	[dreg:$0x1] =	wrdreg $0xFFFFFFFF  }
0xd8: {  	_ =	task.clear_ibuf [dreg:s22], $0x2FFFF;
	_ =	strace $0x9FFFFFFF  }
0xd9: {  	(tm) =	ssettm $0x7FFFFFFF  }
tec
execute0_lowered:
.L_overlay_start_1:
0x0: {  	(tag) =	ssettag $0x1  }
0x1: {  	s6 =	rddreg [dreg:$0x0]  }
0x2: {  	s7 =	rddreg [dreg:$0x1]  }
0x3: {  	s10 =	rddreg [dreg:$0x2];
	s0 =	srdreg.scid  }
0x4: {  	s2 =	rddreg [dreg:$0x3];
	s1 =	stileid.u32  }
0x5: {  	s3 =	simm.s32 $0x0;
	s8 =	sand.u32 $0x1, s0;
	s0 =	rddreg [dreg:$0x4]  }
0x6: {  	s9 =	smul.u32 $0x14000, s1;
	[smem:$0x7FF] =	sst s3;
	s4 =	sadd.s32 $0x68A00, s6  }
0x7: {  	s12 =	smul.u32 $0x50000, s1;
	s29 =	sshll.u32 s1, $0x6;
	s30 =	sshll.u32 s1, $0x4  }
0x8: {  	s31 =	sshll.u32 s1, $0x5;
	s5 =	smul.u32 $0x140000, s8;
	_ =	strace $0x80000050  }
0x9: {  	s11 =	ssub.s32 $0x2, s8;
	s14 =	sshll.u32 s8, $0x4;
	s7 =	sadd.s32 s30, s7  }
0xa: {  	s10 =	sadd.s32 s31, s10;
	s26 =	sshrl.u32 s11, $0x1;
	s28 =	sshrl.u32 s12, $0x2  }
0xb: {  	s10 =	sadd.s32 s14, s10;
	s12 =	simm.s32 $0x2;
	s5 =	sadd.s32 s9, s5  }
0xc: {  	s11 =	ssub.s32 s11, s26;
	s13 =	sadd.s32 s28, s2;
	s9 =	sshrl.u32 s5, $0x3  }
0xd: {  	s5 =	sadd.s32 $0x15A00, s6;
	s9 =	sadd.s32 s9, s6;
	s6 =	sor.u32 $0x1C02, s29  }
0xe: {  	s8 =	sadd.s32 $0xA2CA00, s9;
	s9 =	smax.u32 s11, $0x1;
	s11 =	sshrl.u32 s13, $0x3  }
.LBB2_1:
0xf: {  	[spmem:s11], [sflag:s6] =	dma.local [hbm:s5], $0x2800  }
0x10: {  	_ =	swait.ge [sflag:s12], $0x2800  }
0x11: {  	s13 =	sadd.s32 $0x0, s1;
	[sflag:s12] =	ssyncset.done $0x0  }
0x12: {  	p0 =	sgt.u32 s13, $0x9C3;
	[sflag:s12] =	ssyncadd.s32 $0xFFFFD800  }
0x13: {  	s13 =	simm.s32 @!p0 $0x0;
	s14 =	simm.s32 @!p0 $0x3;
	[bflag:$0x0] =	sbarrier.arrive $0xFFFF  }
0x14: {  	[tilespmem:s13], [sflag:$0x3] =	stream.linear.gather @!p0 [hbm4b:s7+s13], $0x80, $0x38;
	[tilespmem:$0x18100] =	vst v63  }
0x15: {  	_ =	swait.ge @!p0 [sflag:s14], $0x80  }
0x16: {  	[sflag:s14] =	ssyncset.done @!p0 $0x0;
	p0 =	por p0, p0  }
0x17: {  	[sflag:s14] =	ssyncadd.s32 @!p0 $0xFFFFFF80;
	s15 =	simm.s32 @!p0 $0x80  }
0x18: {  	[tilespmem:s15], [sflag:$0x3] =	stream.linear.gather @!p0 [hbm4b:s10+s13], $0x80, $0x38;
	[tilespmem:$0x18100] =	vst v63  }
0x19: {  	_ =	swait.ge @!p0 [sflag:s14], $0x80  }
0x1a: {  	[sflag:s14] =	ssyncset.done @!p0 $0x0  }
0x1b: {  	s17 =	simm.s32 @!p0 $0x100;
	s16 =	simm.s32 @!p0 $0x1;
	[sflag:s14] =	ssyncadd.s32 @!p0 $0xFFFFFF80  }
0x1c: {  	[tilespmem:s17], [sflag:$0x1] =	stream.indirect.gather @!p0 [hbm4b:s4+s15], $0x80, s15, s15, $0xb8;
	[tilespmem:$0x18100] =	vst v63  }
0x1d: {  	_ =	swait.ge @!p0 [sflag:s16], $0x4000  }
0x1e: {  	[sflag:s16] =	ssyncset.done @!p0 $0x0  }
0x1f: {  	s31 =	sadd.s32 $0x10, s1;
	[sflag:s16] =	ssyncadd.s32 @!p0 $0xFFFFC000;
	s16 =	simm.s32 @!p0 $0x2  }
0x20: {  	[spmem:s2] =	stream.indirect.scatter.add.f32 @!p0 [tilespmem:s17], [sflag:$0x2], $0x80, s13, s15, $0xb8;
	[tilespmem:$0x18100] =	vst v63  }
0x21: {  	p2 =	sgt.u32 s31, $0x9C3;
	s14 =	simm.s32 $0x20;
	_ =	swait.ge @!p0 [sflag:s16], $0x4000  }
0x22: {  	s13 =	sadd.s32 $0x200, s10;
	s15 =	sadd.s32 $0x100, s7;
	[sflag:s16] =	ssyncset.done @!p0 $0x0  }
.LBB2_2:
0x23: {  	s17 =	simm.s32 @!p2 $0x0;
	s18 =	simm.s32 @!p2 $0x3;
	[sflag:s16] =	ssyncadd.s32 @!p0 $0xFFFFC000  }
0x24: {  	[tilespmem:s17], [sflag:$0x3] =	stream.linear.gather @!p2 [hbm4b:s15+s17], $0x80, $0x38;
	[tilespmem:$0x18100] =	vst v63  }
0x25: {  	s19 =	smov.u32 s14;
	s14 =	sadd.s32 $0x10, s14;
	_ =	swait.ge @!p2 [sflag:s18], $0x80  }
0x26: {  	p0 =	por p2, p2;
	p1 =	sne.s32 s14, $0x9D0;
	[sflag:s18] =	ssyncset.done @!p2 $0x0  }
0x27: {  	s20 =	simm.s32 @!p0 $0x80;
	[sflag:s18] =	ssyncadd.s32 @!p0 $0xFFFFFF80  }
0x28: {  	[tilespmem:s20], [sflag:$0x3] =	stream.linear.gather @!p0 [hbm4b:s13+s17], $0x80, $0x38;
	[tilespmem:$0x18100] =	vst v63  }
0x29: {  	_ =	swait.ge @!p0 [sflag:s18], $0x80  }
0x2a: {  	[sflag:s18] =	ssyncset.done @!p0 $0x0  }
0x2b: {  	s16 =	simm.s32 @!p0 $0x1;
	[sflag:s18] =	ssyncadd.s32 @!p0 $0xFFFFFF80;
	s18 =	simm.s32 @!p0 $0x100  }
0x2c: {  	[tilespmem:s18], [sflag:$0x1] =	stream.indirect.gather @!p0 [hbm4b:s4+s20], $0x80, s20, s20, $0xb8;
	[tilespmem:$0x18100] =	vst v63  }
0x2d: {  	_ =	swait.ge @!p0 [sflag:s16], $0x4000  }
.Ltmp0:
0x2e: {  	[sflag:s16] =	ssyncset.done @!p0 $0x0;
	(pc) =	sbr.rel @p1 .LBB2_2-.Ltmp0, $4  }
0x2f: {  	[sflag:s16] =	ssyncadd.s32 @!p0 $0xFFFFC000;
	s16 =	simm.s32 @!p0 $0x2  }
0x30: {  	[spmem:s2] =	stream.indirect.scatter.add.f32 @!p0 [tilespmem:s18], [sflag:$0x2], $0x80, s17, s20, $0xb8;
	[tilespmem:$0x18100] =	vst v63  }
0x31: {  	s13 =	sadd.s32 $0x200, s13;
	s17 =	sadd.s32 s19, s1;
	_ =	swait.ge @!p0 [sflag:s16], $0x4000  }
0x32: {  	s15 =	sadd.s32 $0x100, s15;
	p2 =	sgt.u32 s17, $0x9C3;
	[sflag:s16] =	ssyncset.done @!p0 $0x0  }
0x33: {  	s14 =	simm.s32 @!p2 $0x0;
	s17 =	simm.s32 @!p2 $0x3;
	[sflag:s16] =	ssyncadd.s32 @!p0 $0xFFFFC000  }
0x34: {  	[tilespmem:s14], [sflag:$0x3] =	stream.linear.gather @!p2 [hbm4b:s15+s14], $0x80, $0x38;
	[tilespmem:$0x18100] =	vst v63  }
0x35: {  	_ =	swait.ge @!p2 [sflag:s17], $0x80  }
0x36: {  	p0 =	por p2, p2;
	[sflag:s17] =	ssyncset.done @!p2 $0x0  }
0x37: {  	s15 =	simm.s32 @!p0 $0x80;
	[sflag:s17] =	ssyncadd.s32 @!p0 $0xFFFFFF80  }
0x38: {  	[tilespmem:s15], [sflag:$0x3] =	stream.linear.gather @!p0 [hbm4b:s13+s14], $0x80, $0x38;
	[tilespmem:$0x18100] =	vst v63  }
0x39: {  	_ =	swait.ge @!p0 [sflag:s17], $0x80  }
0x3a: {  	[sflag:s17] =	ssyncset.done @!p0 $0x0  }
0x3b: {  	s16 =	simm.s32 @!p0 $0x1;
	s13 =	simm.s32 @!p0 $0x100;
	[sflag:s17] =	ssyncadd.s32 @!p0 $0xFFFFFF80  }
0x3c: {  	[tilespmem:s13], [sflag:$0x1] =	stream.indirect.gather @!p0 [hbm4b:s4+s15], $0x80, s15, s15, $0xb8;
	[tilespmem:$0x18100] =	vst v63  }
0x3d: {  	_ =	swait.ge @!p0 [sflag:s16], $0x4000  }
0x3e: {  	[sflag:s16] =	ssyncset.done @!p0 $0x0  }
0x3f: {  	[sflag:s16] =	ssyncadd.s32 @!p0 $0xFFFFC000;
	s16 =	simm.s32 @!p0 $0x2  }
0x40: {  	[spmem:s2] =	stream.indirect.scatter.add.f32 @!p0 [tilespmem:s13], [sflag:$0x2], $0x80, s14, s15, $0xb8;
	[tilespmem:$0x18100] =	vst v63  }
0x41: {  	_ =	swait.ge @!p0 [sflag:s16], $0x4000  }
0x42: {  	s3 =	sadd.s32 $0x1, s3;
	[sflag:s16] =	ssyncset.done @!p0 $0x0  }
0x43: {  	[sflag:s16] =	ssyncadd.s32 @!p0 $0xFFFFC000;
	p0 =	sne.s32 s3, s9  }
.Ltmp1:
0x44: {  	[bflag:$0x0] =	sbarrier.arrive $0xFFFF;
	(pc) =	sbr.rel @p0 .LBB2_1-.Ltmp1, $4  }
0x45: {  	[hbm:s8], [sflag:s6] =	dma.local [spmem:s11], $0x2800  }
0x46: {  	_ =	swait.ge [sflag:s12], $0x2800  }
0x47: {  	[sflag:s12] =	ssyncset.done $0x0  }
0x48: {  	[sflag:s12] =	ssyncadd.s32 $0xFFFFD800  }
0x49: {  	_ =	sfence.sel $0x180000  }
0x4a: {  	[bflag:$0x0] =	sbarrier.arrive $0xFFFF  }
0x4b: {  	p0 =	sne.s32 s1, $0x0;
	_ =	strace $0x90000050  }
0x4c: {  	s0 =	sadd.s32 @!p0 $0x100000, s0;
	[bflag:$0x2] =	sbarrier.arrive $0xFFFF  }
0x4d: {  	[sflag:s0] =	ssyncadd.tile.s32 @!p0 $0x1;
	_ =	shalt  }
.Lfunc_end2:
_tile_overlayer_lowered:
.L_overlay_start_2:
0x4e: {  	(tag) =	ssettag $0x2  }
0x4f: {  	s0 =	rddreg [dreg:$0x0];
	s2 =	stileid.u32  }
0x50: {  	s1 =	rddreg [dreg:$0x1];
	p0 =	sne.s32 s2, $0x0  }
0x51: {  	s3 =	rddreg [dreg:$0x2];
	[bflag:$0x3] =	sbarrier.arrive $0xFFFF;
	s2 =	simm.s32 @!p0 $0x1C02  }
0x52: {  	[timem:s3], [sflag:s2] =	dma.local @!p0 [hbm:s0], s1  }
0x53: {  	s0 =	simm.s32 @!p0 $0x2  }
0x54: {  	_ =	swait.ge @!p0 [sflag:s0], s1  }
0x55: {  	s1 =	ssub.s32 @!p0 $0x0, s1;
	[sflag:s0] =	ssyncset.done @!p0 $0x0  }
0x56: {  	[sflag:s0] =	ssyncadd.s32 @!p0 s1  }
0x57: {  	[bflag:$0x3] =	sbarrier.arrive $0xFFFF  }
0x58: {  	_ =	shalt  }

// kernel: kernel.39.cloned.1.call-start
scs
__scs_entry_jumppad:
0x0: {  	(pc) =	sbr.rel $0x88, $3  }
0x1: {  	(tag) =	ssettag $0x0;
	lr =	simm.s32 $0x1  }
0x2: {  	[smem:$0x3F5D] =	sst lr;
	_ =	strace $0xD0000000  }
0x3: {  	_ = 	snop  }
0x4: {  	_ = 	snop  }
0x5: {  	_ = 	snop  }
0x6: {  	_ = 	snop  }
0x7: {  	_ = 	snop  }
__scs_overlays_trampoline_lowered:
0x8: {  	[smem:$0x3F6C] =	sst s0  }
0x9: {  	[smem:$0x3F6D] =	sst s1  }
0xa: {  	[smem:$0x3F6E] =	sst s2  }
0xb: {  	[smem:$0x3F6F] =	sst s3  }
0xc: {  	[smem:$0x3F70] =	sst s4  }
0xd: {  	[smem:$0x3F71] =	sst s5  }
0xe: {  	[smem:$0x3F72] =	sst s6  }
0xf: {  	[smem:$0x3F73] =	sst s7  }
0x10: {  	[smem:$0x3F74] =	sst s8  }
0x11: {  	[smem:$0x3F75] =	sst s9;
	s0 =	simm.s32 @!p0 $0x0  }
0x12: {  	s1 =	sld [smem:$0x3F5B];
	s0 =	simm.s32 @p0 $0x1  }
0x13: {  	[smem:$0x3F76] =	sst s0;
	s0 =	simm.s32 @!p1 $0x0  }
0x14: {  	s2 =	sld [smem:$0x3F5A];
	s0 =	simm.s32 @p1 $0x1  }
0x15: {  	[smem:$0x3F77] =	sst s0;
	s0 =	simm.s32 @!p2 $0x0  }
0x16: {  	s3 =	sld [smem:$0x3FDB];
	s0 =	simm.s32 @p2 $0x1  }
0x17: {  	s4 =	simm.s32 $0x1BF5;
	[smem:$0x3F79] =	sst s0  }
0x18: {  	s0 =	sld [smem:$0x3F5C];
	_ =	swait.ge [sflag:s4], $0x0  }
0x19: {  	s7 =	sld [smem:$0x3F5D]  }
0x1a: {  	s8 =	sadd.s32 $0xFFFFE003, lr  }
0x1b: {  	s9 =	sadd.s32 $0xFFFFFEF7, lr;
	s5 =	simm.s32 $0xFFFFFFFF;
	p2 =	slt.u32 s8, $0xFFFFF086  }
0x1c: {  	p1 =	slt.u32 s9, $0xF7A;
	s5 =	simm.s32 @!p2 $0x0  }
0x1d: {  	s5 =	simm.s32 @p1 $0x1;
	p0 =	seq.s32 s7, s2  }
0x1e: {  	s7 =	smul.u32 @!p0 $0xF7A, s2;
	p2 =	seq.s32 @!p0 s5, $0x0  }
0x1f: {  	s9 =	smul.u32 $0xF7A, s1;
	s8 =	simm.s32 @!p0 $0x1BF5;
	p2 =	por !p2, p0  }
0x20: {  	[sflag:s8] =	ssyncset.s32 @!p0 $0xFFFFF086;
	s6 =	sadd.s32 @!p0 s3, s7;
	s7 =	simm.s32 @!p0 $0x108  }
0x21: {  	s3 =	sadd.s32 s3, s9;
	s6 =	sadd.s32 @!p0 $0x88, s6;
	s7 =	simm.s32 @p2 $0x1082  }
0x22: {  	[simem:s7], [sflag:s8] =	dma.local @!p0 [hbm:s6], $0xF7A  }
0x23: {  	s9 =	sor.u32 $0xD0000000, s2;
	s6 =	simm.s32 $0x108;
	_ =	swait.ge @!p0 [sflag:s8], $0x0  }
0x24: {  	s3 =	sadd.s32 $0x88, s3;
	s6 =	simm.s32 @!p1 $0x1082;
	[sflag:s4] =	ssyncset.s32 $0xFFFFF086  }
0x25: {  	[simem:s6], [sflag:s4] =	dma.local [hbm:s3], $0xF7A  }
0x26: {  	[smem:$0x3F5D] =	sst s1;
	(tag) =	ssettag s2;
	_ =	strace s9  }
0x27: {  	s1 =	sld [smem:$0x3F6D]  }
0x28: {  	s2 =	sld [smem:$0x3F6E]  }
0x29: {  	s4 =	sld [smem:$0x3F70]  }
0x2a: {  	p0 =	seq.s32 s5, $0x0;
	s5 =	sld [smem:$0x3F71]  }
0x2b: {  	s6 =	sld [smem:$0x3F72]  }
0x2c: {  	s7 =	sld [smem:$0x3F73]  }
0x2d: {  	s3 =	simm.s32 $0x108;
	s8 =	sld [smem:$0x3F74]  }
0x2e: {  	s3 =	simm.s32 @!p0 $0x1082;
	s9 =	sld [smem:$0x3F75]  }
0x2f: {  	lr =	sadd.s32 s0, s3;
	s0 =	sld [smem:$0x3F6C]  }
0x30: {  	s3 =	sld [smem:$0x3F6F]  }
0x31: {  	[smem:$0x3F78] =	sst s10  }
0x32: {  	s10 =	sld [smem:$0x3F76];
	_ =	sdelay $0x3  }
0x33: {  	p0 =	seq.s32 s10, $0x1;
	s10 =	sld [smem:$0x3F78];
	_ =	sdelay $0x3  }
0x34: {  	[smem:$0x3F78] =	sst s10  }
0x35: {  	s10 =	sld [smem:$0x3F77];
	_ =	sdelay $0x3  }
0x36: {  	p1 =	seq.s32 s10, $0x1;
	s10 =	sld [smem:$0x3F78];
	_ =	sdelay $0x3  }
0x37: {  	[smem:$0x3F78] =	sst s10  }
0x38: {  	s10 =	sld [smem:$0x3F79]  }
0x39: {  	_ = 	snop;
	(pc) =	sbr.ind lr, $3  }
0x3a: {  	_ = 	snop  }
0x3b: {  	_ = 	snop  }
0x3c: {  	p2 =	seq.s32 s10, $0x1;
	s10 =	sld [smem:$0x3F78]  }
0x3d: {  	_ =	shalt  }
0x3e: {  	_ =	shalt  }
0x3f: {  	_ =	shalt  }
0x40: {  	_ =	shalt  }
0x41: {  	_ =	shalt  }
0x42: {  	_ =	shalt  }
0x43: {  	_ =	shalt  }
0x44: {  	_ =	shalt  }
0x45: {  	_ =	shalt  }
0x46: {  	_ =	shalt  }
0x47: {  	_ =	shalt  }
0x48: {  	_ =	shalt  }
0x49: {  	_ =	shalt  }
0x4a: {  	_ =	shalt  }
0x4b: {  	_ =	shalt  }
0x4c: {  	_ =	shalt  }
0x4d: {  	_ =	shalt  }
0x4e: {  	_ =	shalt  }
0x4f: {  	_ =	shalt  }
0x50: {  	_ =	shalt  }
0x51: {  	_ =	shalt  }
0x52: {  	_ =	shalt  }
0x53: {  	_ =	shalt  }
0x54: {  	_ =	shalt  }
0x55: {  	_ =	shalt  }
0x56: {  	_ =	shalt  }
0x57: {  	_ =	shalt  }
0x58: {  	_ =	shalt  }
0x59: {  	_ =	shalt  }
0x5a: {  	_ =	shalt  }
0x5b: {  	_ =	shalt  }
0x5c: {  	_ =	shalt  }
0x5d: {  	_ =	shalt  }
0x5e: {  	_ =	shalt  }
0x5f: {  	_ =	shalt  }
0x60: {  	_ =	shalt  }
0x61: {  	_ =	shalt  }
0x62: {  	_ =	shalt  }
0x63: {  	_ =	shalt  }
0x64: {  	_ =	shalt  }
0x65: {  	_ =	shalt  }
0x66: {  	_ =	shalt  }
0x67: {  	_ =	shalt  }
0x68: {  	_ =	shalt  }
0x69: {  	_ =	shalt  }
0x6a: {  	_ =	shalt  }
0x6b: {  	_ =	shalt  }
0x6c: {  	_ =	shalt  }
0x6d: {  	_ =	shalt  }
0x6e: {  	_ =	shalt  }
0x6f: {  	_ =	shalt  }
0x70: {  	_ =	shalt  }
0x71: {  	_ =	shalt  }
0x72: {  	_ =	shalt  }
0x73: {  	_ =	shalt  }
0x74: {  	_ =	shalt  }
0x75: {  	_ =	shalt  }
0x76: {  	_ =	shalt  }
0x77: {  	_ =	shalt  }
0x78: {  	_ =	shalt  }
0x79: {  	_ =	shalt  }
0x7a: {  	_ =	shalt  }
0x7b: {  	_ =	shalt  }
0x7c: {  	_ =	shalt  }
0x7d: {  	_ =	shalt  }
0x7e: {  	_ =	shalt  }
0x7f: {  	_ =	shalt  }
0x80: {  	_ =	shalt  }
0x81: {  	_ =	shalt  }
0x82: {  	_ =	shalt  }
0x83: {  	_ =	shalt  }
0x84: {  	_ =	shalt  }
0x85: {  	_ =	shalt  }
0x86: {  	_ =	shalt  }
0x87: {  	_ =	shalt  }
.Lfunc_end0:
.L_simem_size_0:
called_computation.3_lowered:
.L_overlay_start_0:
0x88: {  	s2 =	sld [smem:$0x3FD9]  }
0x89: {  	s3 =	sld [smem:$0x3FFE];
	_ =	sdelay $0x1  }
0x8a: {  	s1 =	srdreg.scid  }
0x8b: {  	s0 =	sand.u32 $0x1, s1  }
0x8c: {  	s14 =	sshll.u32 s0, $0xA;
	s2 =	sadd.s32 s3, s2  }
0x8d: {  	s2 =	sadd.s32 s2, s14  }
0x8e: {  	[smem:$0x3F84] =	sst s2  }
0x8f: {  	_ = 	snop  }
0x90: {  	s2 =	sld [smem:$0x3FD0];
	_ =	sdelay $0x2  }
0x91: {  	s15 =	simm.s32 $0xC;
	s4 =	simm.s32 $0x10  }
0x92: {  	[smem:s4], [sflag:s15] =	dma.local [hbm:s2], $0x1  }
0x93: {  	_ =	swait.eq [sflag:s15], $0x1  }
0x94: {  	[sflag:s15] =	ssyncset.done $0x0  }
0x95: {  	[sflag:s15] =	ssyncadd.s32 $0xFFFFFFFF  }
0x96: {  	s16 =	sld [smem:$0x10];
	(tm) =	ssettm $0x1  }
0x97: {  	s17 =	sld [smem:$0x3FFB];
	_ =	sdelay $0x3  }
0x98: {  	_ =	strace s17  }
0x99: {  	s3 =	sld [smem:$0x3FFC];
	_ =	sdelay $0x3  }
0x9a: {  	_ =	strace s3  }
0x9b: {  	s3 =	sld [smem:$0x3FFD];
	_ =	sdelay $0x3  }
0x9c: {  	_ =	strace s3  }
0x9d: {  	_ =	strace $0x8FFFFFFF  }
0x9e: {  	s18 =	sld [smem:$0x3FDB];
	_ =	sdelay $0x1  }
0x9f: {  	s19 =	simm.s32 $_scs_section_size  }
0xa0: {  	s5 =	simm.s32 $_size__tile_overlayer_lowered;
	s6 =	simm.s32 $_tile_overlayer_lowered  }
0xa1: {  	s22 =	simm.s32 $0x1BFF;
	s21 =	sshll.u32 s6, $0x1;
	s3 =	sadd.s32 s19, s18  }
0xa2: {  	s7 =	simm.s32 $0x0;
	s20 =	sshll.u32 s5, $0x1;
	s5 =	sadd.s32 s21, s3  }
0xa3: {  	[timem:s7], [sflag:s22] =	dma.local [hbm:s5], s20  }
0xa4: {  	_ =	swait.ge [sflag:s22], s20  }
0xa5: {  	s4 =	ssub.s32 $0x0, s20;
	[sflag:s22] =	ssyncset.done $0x0  }
0xa6: {  	[sflag:s22] =	ssyncadd.s32 s4;
	_ =	sdelay $0x1  }
0xa7: {  	s23 =	simm.s32 $0x1B8B  }
0xa8: {  	_ =	swait.ge [sflag:s23], $0x1  }
0xa9: {  	[sflag:s23] =	ssyncset.done $0x0  }
0xaa: {  	s25 =	simm.s32 $0x1B8E;
	s24 =	sld [smem:$0x3FFE];
	[sflag:s23] =	ssyncadd.s32 $0xFFFFFFFF  }
0xab: {  	s26 =	simm.s32 $execute0_lowered;
	[smem:$0x3FD2] =	sst s25  }
0xac: {  	s5 =	sshll.u32 s26, $0x1;
	_ =	strace $0x80000055;
	[dreg:$0x1] =	wrdreg $0xFFFFFFFF  }
0xad: {  	s28 =	simm.s32 $_size_execute0_lowered;
	s3 =	sadd.s32 s3, s5;
	[dreg:$0x0] =	wrdreg $0x0  }
0xae: {  	s5 =	sshll.u32 s28, $0x1;
	[dreg:$0x2] =	wrdreg s3  }
0xaf: {  	[dreg:$0x3] =	wrdreg s5  }
0xb0: {  	[dreg:$0x4] =	wrdreg $0xC0  }
0xb1: {  	_ =	task [dreg:s7], $0x5FFFF  }
0xb2: {  	[dreg:$0x1] =	wrdreg $0xFFFFFFFF  }
0xb3: {  	[dreg:$0x0] =	wrdreg $0x60  }
0xb4: {  	[dreg:$0x2] =	wrdreg s24  }
0xb5: {  	[dreg:$0x3] =	wrdreg s16  }
0xb6: {  	[dreg:$0x4] =	wrdreg $0x9  }
0xb7: {  	_ =	task.clear_ibuf [dreg:s7], $0x5FFFF;
	_ =	strace $0x90000055  }
0xb8: {  	s29 =	simm.s32 $0x9;
	_ =	strace $0x80000057  }
0xb9: {  	_ =	swait.ge [sflag:s29], $0x1  }
0xba: {  	[sflag:s29] =	ssyncadd.s32 $0xFFFFFFFF  }
0xbb: {  	_ =	strace $0x90000057  }
0xbc: {  	_ =	sfence  }
0xbd: {  	s30 =	sld [smem:$0x0];
	_ =	sdelay $0x2  }
0xbe: {  	s31 =	sshll.u32 s1, $0xD;
	s1 =	sshrl.u32 s1, $0x2  }
0xbf: {  	s3 =	sand.u32 $0x4000, s31;
	s1 =	sadd.s32 s1, s30  }
0xc0: {  	s0 =	sor.u32 s3, s0;
	s1 =	sshll.u32 s1, $0x11  }
0xc1: {  	s0 =	sor.u32 s1, s0  }
0xc2: {  	s0 =	sadd.s32 $0x8F2B, s0  }
0xc3: {  	[sflag:s0] =	ssyncadd.remote.s32 $0x1  }
0xc4: {  	_ =	sfence.sel $0xFFFF  }
0xc5: {  	[dreg:$0x0] =	wrdreg $0xFFFFFFFF;
	(pc) =	sbr.abs _section_cstart, $3  }
0xc6: {  	[dreg:$0x1] =	wrdreg $0xFFFFFFFF  }
0xc7: {  	_ =	task.clear_ibuf [dreg:s7], $0x2FFFF;
	_ =	strace $0x9FFFFFFF  }
0xc8: {  	(tm) =	ssettm $0x7FFFFFFF  }
0xc9: {  	_ =	shalt  }
tec
execute0_lowered:
.L_overlay_start_1:
0x0: {  	(tag) =	ssettag $0x1  }
0x1: {  	s0 =	rddreg [dreg:$0x0]  }
0x2: {  	s1 =	rddreg [dreg:$0x1];
	s2 =	simm.s32 $0x0;
	s3 =	srdreg.scid  }
0x3: {  	s10 =	stileid.u32;
	s12 =	simm.s32 $0x100;
	s29 =	simm.s32 $0x8100  }
0x4: {  	s30 =	simm.s32 $0x8900;
	s31 =	simm.s32 $0x9100;
	s11 =	simm.s32 $0xC900  }
0x5: {  	s13 =	simm.s32 $0xD100;
	s14 =	simm.s32 $0xD900;
	s15 =	simm.s32 $0xE100  }
0x6: {  	s16 =	simm.s32 $0xE900;
	s17 =	simm.s32 $0xF100;
	s18 =	simm.s32 $0xF900  }
0x7: {  	s19 =	simm.s32 $0x1;
	s20 =	simm.s32 $0x2;
	s21 =	simm.s32 $0x3  }
0x8: {  	s28 =	simm.s32 $0x80;
	[smem:$0x7FF] =	sst s2;
	s4 =	sand.u32 $0x1, s3  }
0x9: {  	s3 =	sadd.s32 $0xB4C00, s0;
	s5 =	sshll.u32 s10, $0x5;
	s8 =	sshll.u32 s10, $0xD  }
0xa: {  	s23 =	sshll.u32 s10, $0x1;
	s10 =	simm.s32 $0x4;
	_ =	strace $0x80000056  }
0xb: {  	s6 =	ssub.s32 $0x2, s4;
	s7 =	sadd.s32 s5, s0;
	s0 =	sadd.s32 s8, s0  }
0xc: {  	[dreg:$0x3] =	wrdreg s23;
	s24 =	sshll.u32 s4, $0x4;
	s4 =	sshll.u32 s4, $0xC  }
0xd: {  	s1 =	sadd.s32 s5, s1;
	s5 =	simm.s32 $0xA900;
	s8 =	simm.s32 $0xB900  }
0xe: {  	s23 =	simm.s32 $0x0;
	s9 =	sshrl.u32 s6, $0x1;
	s25 =	sadd.s32 s24, s7  }
.Ltmp0:
0xf: {  	s0 =	sadd.s32 s4, s0;
	s7 =	sadd.s32 s24, s1;
	(pc) =	sbr.rel .LBB2_1-.Ltmp0, $4  }
0x10: {  	s1 =	simm.s32 $0xA100;
	s4 =	simm.s32 $0xB100;
	s26 =	sadd.s32 $0x633000, s0  }
0x11: {  	v2 =	vlaneseq.u32;
	s6 =	ssub.s32 s6, s9;
	s0 =	sadd.s32 $0x151000, s0;
	[dreg:$0x5] =	wrdreg s26  }
0x12: {  	vm0 =	vmmov $0xffff;
	v1 =	vshrl.u32 v2, $0x3;
	s9 =	simm.s32 $0xC100;
	s6 =	smax.u32 s6, $0x1;
	[dreg:$0x6] =	wrdreg s0  }
0x13: {  	v0 =	vand.u32 $0x7, v2;
	v2 =	vor.u32 $0x8, v2;
	v1 =	vmul.u32 $0x8, v1;
	s0 =	simm.s32 $0x9900;
	[dreg:$0x4] =	wrdreg s6;
	s6 =	sadd.s32 $0x10A00, s25  }
.LBB2_5:
0x14: {  	s23 =	rddreg [dreg:$0x7]  }
0x15: {  	s22 =	rddreg [dreg:$0x4];
	s23 =	sadd.s32 $0x1, s23  }
0x16: {  	p0 =	sne.s32 s23, s22  }
.Ltmp1:
0x17: {  	_ = 	snop;
	(pc) =	sbr.rel @!p0 .LBB2_6-.Ltmp1, $1  }
0x18: {  	_ =	sdelay $0x3  }
.LBB2_1:
.Ltmp2:
0x19: {  	(pc) =	sbr.rel .LBB2_2-.Ltmp2, $4  }
0x1a: {  	[dreg:$0x7] =	wrdreg s23  }
0x1b: {  	s22 =	rddreg [dreg:$0x3]  }
0x1c: {  	s23 =	rddreg [dreg:$0x6]  }
0x1d: {  	s24 =	rddreg [dreg:$0x5];
	s25 =	simm.s32 $0x0  }
.LBB2_4:
0x1e: {  	s25 =	sadd.s32 $0x200, s25  }
0x1f: {  	p0 =	sne.s32 s25, $0x5000  }
.Ltmp3:
0x20: {  	_ = 	snop;
	(pc) =	sbr.rel @!p0 .LBB2_5-.Ltmp3, $2  }
0x21: {  	_ =	sdelay $0x2  }
0x22: {  	s24 =	sadd.s32 $0x20000, s24;
	s23 =	sadd.s32 $0x20000, s23;
	s22 =	sadd.s32 $0x20, s22  }
.LBB2_2:
0x23: {  	p0 =	sgt.u32 s22, $0x4E1  }
.Ltmp4:
0x24: {  	_ = 	snop;
	(pc) =	sbr.rel @p0 .LBB2_4-.Ltmp4, $1  }
0x25: {  	_ =	sdelay $0x3  }
0x26: {  	s26 =	sadd.s32 s25, s7  }
0x27: {  	[tilespmem:s2], [sflag:$0x4] =	stream.linear.gather [hbm4b:s26+s2], $0x80, $0x38;
	[tilespmem:$0x10100] =	vst v63  }
0x28: {  	_ =	swait.ge [sflag:s10], $0x80  }
0x29: {  	[sflag:s10] =	ssyncset.done $0x0  }
0x2a: {  	s26 =	sadd.s32 s25, s6;
	[sflag:s10] =	ssyncadd.s32 $0xFFFFFF80  }
0x2b: {  	[tilespmem:s28], [sflag:$0x4] =	stream.linear.gather [hbm4b:s26+s2], $0x80, $0x38;
	[tilespmem:$0x10100] =	vst v63  }
0x2c: {  	_ =	swait.ge [sflag:s10], $0x80  }
0x2d: {  	[sflag:s10] =	ssyncset.done $0x0  }
0x2e: {  	[sflag:s10] =	ssyncadd.s32 $0xFFFFFF80  }
0x2f: {  	v3 =	vld [tilespmem:$0x0];
	_ =	sdelay $0x4  }
0x30: {  	v4 =	vshll.u32 v3, $0x1  }
0x31: {  	v3 =	vand.u32 $0x7, v3;
	v4 =	vand.u32 $0xFFFFFFF0, v4  }
0x32: {  	v3 =	vor.u32 v3, v4  }
0x33: {  	v4 =	vperm.xlane v3, v0;
	_ =	sdelay $0x1  }
0x34: {  	v3 =	vperm.xlane v3, v2;
	v4 =	vadd.s32 v1, v4;
	_ =	sdelay $0x1  }
0x35: {  	v3 =	vadd.s32 v1, v3;
	_ =	sdelay $0x2  }
0x36: {  	[tilespmem:s12], [sflag:$0x1] =	stream.indirect_vreg.gather [hbm4b:s3+s2], $0x80, v4, vm0, $0xb8;
	[tilespmem:$0x10100] =	vst v63  }
0x37: {  	s26 =	simm.s32 $0x900  }
0x38: {  	[tilespmem:s26], [sflag:$0x1] =	stream.indirect_vreg.gather [hbm4b:s3+s2], $0x80, v3, vm0, $0xb8;
	[tilespmem:$0x10100] =	vst v63  }
0x39: {  	v3 =	vld [tilespmem:$0x10];
	_ =	sdelay $0x4  }
0x3a: {  	v49 =	vshll.u32 v3, $0x1  }
0x3b: {  	v3 =	vand.u32 $0x7, v3;
	v4 =	vand.u32 $0xFFFFFFF0, v49  }
0x3c: {  	v3 =	vor.u32 v3, v4  }
0x3d: {  	v4 =	vperm.xlane v3, v0;
	_ =	sdelay $0x1  }
0x3e: {  	v3 =	vperm.xlane v3, v2;
	v4 =	vadd.s32 v1, v4;
	_ =	sdelay $0x1  }
0x3f: {  	v3 =	vadd.s32 v1, v3;
	_ =	sdelay $0x1  }
0x40: {  	s26 =	simm.s32 $0x1100  }
0x41: {  	[tilespmem:s26], [sflag:$0x1] =	stream.indirect_vreg.gather [hbm4b:s3+s2], $0x80, v4, vm0, $0xb8;
	[tilespmem:$0x10100] =	vst v63  }
0x42: {  	s26 =	simm.s32 $0x1900  }
0x43: {  	[tilespmem:s26], [sflag:$0x1] =	stream.indirect_vreg.gather [hbm4b:s3+s2], $0x80, v3, vm0, $0xb8;
	[tilespmem:$0x10100] =	vst v63  }
0x44: {  	v3 =	vld [tilespmem:$0x20];
	_ =	sdelay $0x4  }
0x45: {  	v50 =	vshll.u32 v3, $0x1  }
0x46: {  	v3 =	vand.u32 $0x7, v3;
	v4 =	vand.u32 $0xFFFFFFF0, v50  }
0x47: {  	v3 =	vor.u32 v3, v4  }
0x48: {  	v4 =	vperm.xlane v3, v0;
	_ =	sdelay $0x1  }
0x49: {  	v3 =	vperm.xlane v3, v2;
	v4 =	vadd.s32 v1, v4;
	_ =	sdelay $0x1  }
0x4a: {  	v3 =	vadd.s32 v1, v3;
	_ =	sdelay $0x1  }
0x4b: {  	s26 =	simm.s32 $0x2100  }
0x4c: {  	[tilespmem:s26], [sflag:$0x1] =	stream.indirect_vreg.gather [hbm4b:s3+s2], $0x80, v4, vm0, $0xb8;
	[tilespmem:$0x10100] =	vst v63  }
0x4d: {  	s26 =	simm.s32 $0x2900  }
0x4e: {  	[tilespmem:s26], [sflag:$0x1] =	stream.indirect_vreg.gather [hbm4b:s3+s2], $0x80, v3, vm0, $0xb8;
	[tilespmem:$0x10100] =	vst v63  }
0x4f: {  	v3 =	vld [tilespmem:$0x30];
	_ =	sdelay $0x4  }
0x50: {  	v51 =	vshll.u32 v3, $0x1  }
0x51: {  	v3 =	vand.u32 $0x7, v3;
	v4 =	vand.u32 $0xFFFFFFF0, v51  }
0x52: {  	v3 =	vor.u32 v3, v4  }
0x53: {  	v4 =	vperm.xlane v3, v0;
	_ =	sdelay $0x1  }
0x54: {  	v3 =	vperm.xlane v3, v2;
	v4 =	vadd.s32 v1, v4;
	_ =	sdelay $0x1  }
0x55: {  	v3 =	vadd.s32 v1, v3;
	_ =	sdelay $0x1  }
0x56: {  	s26 =	simm.s32 $0x3100  }
0x57: {  	[tilespmem:s26], [sflag:$0x1] =	stream.indirect_vreg.gather [hbm4b:s3+s2], $0x80, v4, vm0, $0xb8;
	[tilespmem:$0x10100] =	vst v63  }
0x58: {  	s26 =	simm.s32 $0x3900  }
0x59: {  	[tilespmem:s26], [sflag:$0x1] =	stream.indirect_vreg.gather [hbm4b:s3+s2], $0x80, v3, vm0, $0xb8;
	[tilespmem:$0x10100] =	vst v63  }
0x5a: {  	v3 =	vld [tilespmem:$0x40];
	_ =	sdelay $0x4  }
0x5b: {  	v52 =	vshll.u32 v3, $0x1  }
0x5c: {  	v3 =	vand.u32 $0x7, v3;
	v4 =	vand.u32 $0xFFFFFFF0, v52  }
0x5d: {  	v3 =	vor.u32 v3, v4  }
0x5e: {  	v4 =	vperm.xlane v3, v0;
	_ =	sdelay $0x1  }
0x5f: {  	v3 =	vperm.xlane v3, v2;
	v4 =	vadd.s32 v1, v4;
	_ =	sdelay $0x1  }
0x60: {  	v3 =	vadd.s32 v1, v3;
	_ =	sdelay $0x1  }
0x61: {  	s26 =	simm.s32 $0x4100  }
0x62: {  	[tilespmem:s26], [sflag:$0x1] =	stream.indirect_vreg.gather [hbm4b:s3+s2], $0x80, v4, vm0, $0xb8;
	[tilespmem:$0x10100] =	vst v63  }
0x63: {  	s26 =	simm.s32 $0x4900  }
0x64: {  	[tilespmem:s26], [sflag:$0x1] =	stream.indirect_vreg.gather [hbm4b:s3+s2], $0x80, v3, vm0, $0xb8;
	[tilespmem:$0x10100] =	vst v63  }
0x65: {  	v3 =	vld [tilespmem:$0x50];
	_ =	sdelay $0x4  }
0x66: {  	v53 =	vshll.u32 v3, $0x1  }
0x67: {  	v3 =	vand.u32 $0x7, v3;
	v4 =	vand.u32 $0xFFFFFFF0, v53  }
0x68: {  	v3 =	vor.u32 v3, v4  }
0x69: {  	v4 =	vperm.xlane v3, v0;
	_ =	sdelay $0x1  }
0x6a: {  	v3 =	vperm.xlane v3, v2;
	v4 =	vadd.s32 v1, v4;
	_ =	sdelay $0x1  }
0x6b: {  	v3 =	vadd.s32 v1, v3;
	_ =	sdelay $0x1  }
0x6c: {  	s26 =	simm.s32 $0x5100  }
0x6d: {  	[tilespmem:s26], [sflag:$0x1] =	stream.indirect_vreg.gather [hbm4b:s3+s2], $0x80, v4, vm0, $0xb8;
	[tilespmem:$0x10100] =	vst v63  }
0x6e: {  	s26 =	simm.s32 $0x5900  }
0x6f: {  	[tilespmem:s26], [sflag:$0x1] =	stream.indirect_vreg.gather [hbm4b:s3+s2], $0x80, v3, vm0, $0xb8;
	[tilespmem:$0x10100] =	vst v63  }
0x70: {  	v3 =	vld [tilespmem:$0x60];
	_ =	sdelay $0x4  }
0x71: {  	v54 =	vshll.u32 v3, $0x1  }
0x72: {  	v3 =	vand.u32 $0x7, v3;
	v4 =	vand.u32 $0xFFFFFFF0, v54  }
0x73: {  	v3 =	vor.u32 v3, v4  }
0x74: {  	v4 =	vperm.xlane v3, v0;
	_ =	sdelay $0x1  }
0x75: {  	v3 =	vperm.xlane v3, v2;
	v4 =	vadd.s32 v1, v4;
	_ =	sdelay $0x1  }
0x76: {  	v3 =	vadd.s32 v1, v3;
	_ =	sdelay $0x1  }
0x77: {  	s26 =	simm.s32 $0x6100  }
0x78: {  	[tilespmem:s26], [sflag:$0x1] =	stream.indirect_vreg.gather [hbm4b:s3+s2], $0x80, v4, vm0, $0xb8;
	[tilespmem:$0x10100] =	vst v63  }
0x79: {  	s26 =	simm.s32 $0x6900  }
0x7a: {  	[tilespmem:s26], [sflag:$0x1] =	stream.indirect_vreg.gather [hbm4b:s3+s2], $0x80, v3, vm0, $0xb8;
	[tilespmem:$0x10100] =	vst v63  }
0x7b: {  	v3 =	vld [tilespmem:$0x70];
	_ =	sdelay $0x4  }
0x7c: {  	v55 =	vshll.u32 v3, $0x1  }
0x7d: {  	v3 =	vand.u32 $0x7, v3;
	v4 =	vand.u32 $0xFFFFFFF0, v55  }
0x7e: {  	v3 =	vor.u32 v3, v4  }
0x7f: {  	v4 =	vperm.xlane v3, v0;
	_ =	sdelay $0x1  }
0x80: {  	v3 =	vperm.xlane v3, v2;
	v4 =	vadd.s32 v1, v4;
	_ =	sdelay $0x1  }
0x81: {  	v3 =	vadd.s32 v1, v3;
	_ =	sdelay $0x1  }
0x82: {  	s26 =	simm.s32 $0x7100  }
0x83: {  	[tilespmem:s26], [sflag:$0x1] =	stream.indirect_vreg.gather [hbm4b:s3+s2], $0x80, v4, vm0, $0xb8;
	[tilespmem:$0x10100] =	vst v63  }
0x84: {  	s26 =	simm.s32 $0x7900  }
0x85: {  	[tilespmem:s26], [sflag:$0x1] =	stream.indirect_vreg.gather [hbm4b:s3+s2], $0x80, v3, vm0, $0xb8;
	[tilespmem:$0x10100] =	vst v63  }
0x86: {  	v3 =	vld [tilespmem:$0x80];
	_ =	sdelay $0x4  }
0x87: {  	v56 =	vshll.u32 v3, $0x1  }
0x88: {  	v3 =	vand.u32 $0x7, v3;
	v4 =	vand.u32 $0xFFFFFFF0, v56  }
0x89: {  	v3 =	vor.u32 v3, v4  }
0x8a: {  	v4 =	vperm.xlane v3, v0;
	_ =	sdelay $0x1  }
0x8b: {  	v3 =	vperm.xlane v3, v2;
	v4 =	vadd.s32 v1, v4;
	_ =	sdelay $0x1  }
0x8c: {  	v3 =	vadd.s32 v1, v3;
	_ =	sdelay $0x2  }
0x8d: {  	[tilespmem:s29], [sflag:$0x2] =	stream.indirect_vreg.gather [hbm4b:s3+s2], $0x80, v4, vm0, $0xb8;
	[tilespmem:$0x10100] =	vst v63  }
0x8e: {  	_ = 	snop  }
0x8f: {  	[tilespmem:s30], [sflag:$0x2] =	stream.indirect_vreg.gather [hbm4b:s3+s2], $0x80, v3, vm0, $0xb8;
	[tilespmem:$0x10100] =	vst v63  }
0x90: {  	v3 =	vld [tilespmem:$0x90];
	_ =	sdelay $0x4  }
0x91: {  	v57 =	vshll.u32 v3, $0x1  }
0x92: {  	v3 =	vand.u32 $0x7, v3;
	v4 =	vand.u32 $0xFFFFFFF0, v57  }
0x93: {  	v3 =	vor.u32 v3, v4  }
0x94: {  	v4 =	vperm.xlane v3, v0;
	_ =	sdelay $0x1  }
0x95: {  	v3 =	vperm.xlane v3, v2;
	v4 =	vadd.s32 v1, v4;
	_ =	sdelay $0x1  }
0x96: {  	v3 =	vadd.s32 v1, v3;
	_ =	sdelay $0x2  }
0x97: {  	[tilespmem:s31], [sflag:$0x2] =	stream.indirect_vreg.gather [hbm4b:s3+s2], $0x80, v4, vm0, $0xb8;
	[tilespmem:$0x10100] =	vst v63  }
0x98: {  	_ = 	snop  }
0x99: {  	[tilespmem:s0], [sflag:$0x2] =	stream.indirect_vreg.gather [hbm4b:s3+s2], $0x80, v3, vm0, $0xb8;
	[tilespmem:$0x10100] =	vst v63  }
0x9a: {  	v3 =	vld [tilespmem:$0xA0];
	_ =	sdelay $0x4  }
0x9b: {  	v58 =	vshll.u32 v3, $0x1  }
0x9c: {  	v3 =	vand.u32 $0x7, v3;
	v4 =	vand.u32 $0xFFFFFFF0, v58  }
0x9d: {  	v3 =	vor.u32 v3, v4  }
0x9e: {  	v4 =	vperm.xlane v3, v0;
	_ =	sdelay $0x1  }
0x9f: {  	v3 =	vperm.xlane v3, v2;
	v4 =	vadd.s32 v1, v4;
	_ =	sdelay $0x1  }
0xa0: {  	v3 =	vadd.s32 v1, v3;
	_ =	sdelay $0x2  }
0xa1: {  	[tilespmem:s1], [sflag:$0x2] =	stream.indirect_vreg.gather [hbm4b:s3+s2], $0x80, v4, vm0, $0xb8;
	[tilespmem:$0x10100] =	vst v63  }
0xa2: {  	_ = 	snop  }
0xa3: {  	[tilespmem:s5], [sflag:$0x2] =	stream.indirect_vreg.gather [hbm4b:s3+s2], $0x80, v3, vm0, $0xb8;
	[tilespmem:$0x10100] =	vst v63  }
0xa4: {  	v3 =	vld [tilespmem:$0xB0];
	_ =	sdelay $0x4  }
0xa5: {  	v59 =	vshll.u32 v3, $0x1  }
0xa6: {  	v3 =	vand.u32 $0x7, v3;
	v4 =	vand.u32 $0xFFFFFFF0, v59  }
0xa7: {  	v3 =	vor.u32 v3, v4  }
0xa8: {  	v4 =	vperm.xlane v3, v0;
	_ =	sdelay $0x1  }
0xa9: {  	v3 =	vperm.xlane v3, v2;
	v4 =	vadd.s32 v1, v4;
	_ =	sdelay $0x1  }
0xaa: {  	v3 =	vadd.s32 v1, v3;
	_ =	sdelay $0x2  }
0xab: {  	[tilespmem:s4], [sflag:$0x2] =	stream.indirect_vreg.gather [hbm4b:s3+s2], $0x80, v4, vm0, $0xb8;
	[tilespmem:$0x10100] =	vst v63  }
0xac: {  	_ = 	snop  }
0xad: {  	[tilespmem:s8], [sflag:$0x2] =	stream.indirect_vreg.gather [hbm4b:s3+s2], $0x80, v3, vm0, $0xb8;
	[tilespmem:$0x10100] =	vst v63  }
0xae: {  	v3 =	vld [tilespmem:$0xC0];
	_ =	sdelay $0x4  }
0xaf: {  	v60 =	vshll.u32 v3, $0x1  }
0xb0: {  	v3 =	vand.u32 $0x7, v3;
	v4 =	vand.u32 $0xFFFFFFF0, v60  }
0xb1: {  	v3 =	vor.u32 v3, v4  }
0xb2: {  	v4 =	vperm.xlane v3, v0;
	_ =	sdelay $0x1  }
0xb3: {  	v3 =	vperm.xlane v3, v2;
	v4 =	vadd.s32 v1, v4;
	_ =	sdelay $0x1  }
0xb4: {  	v3 =	vadd.s32 v1, v3;
	_ =	sdelay $0x2  }
0xb5: {  	[tilespmem:s9], [sflag:$0x2] =	stream.indirect_vreg.gather [hbm4b:s3+s2], $0x80, v4, vm0, $0xb8;
	[tilespmem:$0x10100] =	vst v63  }
0xb6: {  	_ = 	snop  }
0xb7: {  	[tilespmem:s11], [sflag:$0x2] =	stream.indirect_vreg.gather [hbm4b:s3+s2], $0x80, v3, vm0, $0xb8;
	[tilespmem:$0x10100] =	vst v63  }
0xb8: {  	v3 =	vld [tilespmem:$0xD0];
	_ =	sdelay $0x4  }
0xb9: {  	v61 =	vshll.u32 v3, $0x1  }
0xba: {  	v3 =	vand.u32 $0x7, v3;
	v4 =	vand.u32 $0xFFFFFFF0, v61  }
0xbb: {  	v3 =	vor.u32 v3, v4  }
0xbc: {  	v4 =	vperm.xlane v3, v0;
	_ =	sdelay $0x1  }
0xbd: {  	v3 =	vperm.xlane v3, v2;
	v4 =	vadd.s32 v1, v4;
	_ =	sdelay $0x1  }
0xbe: {  	v3 =	vadd.s32 v1, v3;
	_ =	sdelay $0x2  }
0xbf: {  	[tilespmem:s13], [sflag:$0x2] =	stream.indirect_vreg.gather [hbm4b:s3+s2], $0x80, v4, vm0, $0xb8;
	[tilespmem:$0x10100] =	vst v63  }
0xc0: {  	_ = 	snop  }
0xc1: {  	[tilespmem:s14], [sflag:$0x2] =	stream.indirect_vreg.gather [hbm4b:s3+s2], $0x80, v3, vm0, $0xb8;
	[tilespmem:$0x10100] =	vst v63  }
0xc2: {  	v3 =	vld [tilespmem:$0xE0];
	_ =	sdelay $0x4  }
0xc3: {  	v62 =	vshll.u32 v3, $0x1  }
0xc4: {  	v3 =	vand.u32 $0x7, v3;
	v4 =	vand.u32 $0xFFFFFFF0, v62  }
0xc5: {  	v3 =	vor.u32 v3, v4  }
0xc6: {  	v4 =	vperm.xlane v3, v0;
	_ =	sdelay $0x1  }
0xc7: {  	v3 =	vperm.xlane v3, v2;
	v4 =	vadd.s32 v1, v4;
	_ =	sdelay $0x1  }
0xc8: {  	v3 =	vadd.s32 v1, v3;
	_ =	sdelay $0x2  }
0xc9: {  	[tilespmem:s15], [sflag:$0x2] =	stream.indirect_vreg.gather [hbm4b:s3+s2], $0x80, v4, vm0, $0xb8;
	[tilespmem:$0x10100] =	vst v63  }
0xca: {  	_ = 	snop  }
0xcb: {  	[tilespmem:s16], [sflag:$0x2] =	stream.indirect_vreg.gather [hbm4b:s3+s2], $0x80, v3, vm0, $0xb8;
	[tilespmem:$0x10100] =	vst v63  }
0xcc: {  	v3 =	vld [tilespmem:$0xF0];
	_ =	sdelay $0x4  }
0xcd: {  	v63 =	vshll.u32 v3, $0x1  }
0xce: {  	v3 =	vand.u32 $0x7, v3;
	v4 =	vand.u32 $0xFFFFFFF0, v63  }
0xcf: {  	v3 =	vor.u32 v3, v4  }
0xd0: {  	v4 =	vperm.xlane v3, v0;
	_ =	sdelay $0x1  }
0xd1: {  	v3 =	vperm.xlane v3, v2;
	v4 =	vadd.s32 v1, v4;
	_ =	sdelay $0x1  }
0xd2: {  	v3 =	vadd.s32 v1, v3;
	_ =	sdelay $0x2  }
0xd3: {  	[tilespmem:s17], [sflag:$0x2] =	stream.indirect_vreg.gather [hbm4b:s3+s2], $0x80, v4, vm0, $0xb8;
	[tilespmem:$0x10100] =	vst v63  }
0xd4: {  	_ = 	snop  }
0xd5: {  	[tilespmem:s18], [sflag:$0x2] =	stream.indirect_vreg.gather [hbm4b:s3+s2], $0x80, v3, vm0, $0xb8;
	[tilespmem:$0x10100] =	vst v63  }
0xd6: {  	_ =	swait.ge [sflag:s19], $0x8000  }
0xd7: {  	[sflag:s19] =	ssyncset.done $0x0  }
0xd8: {  	[sflag:s19] =	ssyncadd.s32 $0xFFFF8000  }
0xd9: {  	_ =	swait.ge [sflag:s20], $0x8000  }
0xda: {  	[sflag:s20] =	ssyncset.done $0x0  }
0xdb: {  	[sflag:s20] =	ssyncadd.s32 $0xFFFF8000  }
0xdc: {  	[hbm4b:s23+s2] =	stream.linear.scatter [tilespmem:s12], [sflag:$0x4], $0x8000, $0x38;
	[tilespmem:$0x10100] =	vst v63  }
0xdd: {  	_ =	swait.ge [sflag:s10], $0x8000  }
0xde: {  	[sflag:s10] =	ssyncset.done $0x0  }
.Ltmp5:
0xdf: {  	[sflag:s10] =	ssyncadd.s32 $0xFFFF8000;
	(pc) =	sbr.rel .LBB2_4-.Ltmp5, $4  }
0xe0: {  	[hbm4b:s24+s2] =	stream.linear.scatter [tilespmem:s29], [sflag:$0x3], $0x8000, $0x38;
	[tilespmem:$0x10100] =	vst v63  }
0xe1: {  	_ =	swait.ge [sflag:s21], $0x8000  }
0xe2: {  	[sflag:s21] =	ssyncset.done $0x0  }
0xe3: {  	[sflag:s21] =	ssyncadd.s32 $0xFFFF8000  }
.LBB2_6:
0xe4: {  	_ =	sfence.sel $0x180000  }
0xe5: {  	[bflag:$0x0] =	sbarrier.arrive $0xFFFF  }
0xe6: {  	_ =	strace $0x90000056  }
0xe7: {  	s0 =	stileid.u32;
	[bflag:$0x2] =	sbarrier.arrive $0xFFFF  }
0xe8: {  	p0 =	sne.s32 s0, $0x0;
	s0 =	rddreg [dreg:$0x2]  }
0xe9: {  	s0 =	sadd.s32 @!p0 $0x100000, s0  }
0xea: {  	[sflag:s0] =	ssyncadd.tile.s32 @!p0 $0x1;
	_ =	shalt  }
.Lfunc_end2:
_tile_overlayer_lowered:
.L_overlay_start_2:
0xeb: {  	(tag) =	ssettag $0x2  }
0xec: {  	s0 =	rddreg [dreg:$0x0];
	s2 =	stileid.u32  }
0xed: {  	s1 =	rddreg [dreg:$0x1];
	p0 =	sne.s32 s2, $0x0  }
0xee: {  	s3 =	rddreg [dreg:$0x2];
	[bflag:$0x3] =	sbarrier.arrive $0xFFFF;
	s2 =	simm.s32 @!p0 $0x1C03  }
0xef: {  	[timem:s3], [sflag:s2] =	dma.local @!p0 [hbm:s0], s1  }
0xf0: {  	s0 =	simm.s32 @!p0 $0x3  }
0xf1: {  	_ =	swait.ge @!p0 [sflag:s0], s1  }
0xf2: {  	s1 =	ssub.s32 @!p0 $0x0, s1;
	[sflag:s0] =	ssyncset.done @!p0 $0x0  }
0xf3: {  	[sflag:s0] =	ssyncadd.s32 @!p0 s1  }
0xf4: {  	[bflag:$0x3] =	sbarrier.arrive $0xFFFF  }
0xf5: {  	_ =	shalt  }

// kernel: kernel.42.cloned.1.call-start
scs
__scs_entry_jumppad:
0x0: {  	(pc) =	sbr.rel $0x88, $3  }
0x1: {  	(tag) =	ssettag $0x0;
	lr =	simm.s32 $0x1  }
0x2: {  	[smem:$0x3F5D] =	sst lr;
	_ =	strace $0xD0000000  }
0x3: {  	_ = 	snop  }
0x4: {  	_ = 	snop  }
0x5: {  	_ = 	snop  }
0x6: {  	_ = 	snop  }
0x7: {  	_ = 	snop  }
__scs_overlays_trampoline_lowered:
0x8: {  	[smem:$0x3F6C] =	sst s0  }
0x9: {  	[smem:$0x3F6D] =	sst s1  }
0xa: {  	[smem:$0x3F6E] =	sst s2  }
0xb: {  	[smem:$0x3F6F] =	sst s3  }
0xc: {  	[smem:$0x3F70] =	sst s4  }
0xd: {  	[smem:$0x3F71] =	sst s5  }
0xe: {  	[smem:$0x3F72] =	sst s6  }
0xf: {  	[smem:$0x3F73] =	sst s7  }
0x10: {  	[smem:$0x3F74] =	sst s8  }
0x11: {  	[smem:$0x3F75] =	sst s9;
	s0 =	simm.s32 @!p0 $0x0  }
0x12: {  	s1 =	sld [smem:$0x3F5B];
	s0 =	simm.s32 @p0 $0x1  }
0x13: {  	[smem:$0x3F76] =	sst s0;
	s0 =	simm.s32 @!p1 $0x0  }
0x14: {  	s2 =	sld [smem:$0x3F5A];
	s0 =	simm.s32 @p1 $0x1  }
0x15: {  	[smem:$0x3F77] =	sst s0;
	s0 =	simm.s32 @!p2 $0x0  }
0x16: {  	s3 =	sld [smem:$0x3FDB];
	s0 =	simm.s32 @p2 $0x1  }
0x17: {  	s4 =	simm.s32 $0x1BF5;
	[smem:$0x3F79] =	sst s0  }
0x18: {  	s0 =	sld [smem:$0x3F5C];
	_ =	swait.ge [sflag:s4], $0x0  }
0x19: {  	s7 =	sld [smem:$0x3F5D]  }
0x1a: {  	s8 =	sadd.s32 $0xFFFFE003, lr  }
0x1b: {  	s9 =	sadd.s32 $0xFFFFFEF7, lr;
	s5 =	simm.s32 $0xFFFFFFFF;
	p2 =	slt.u32 s8, $0xFFFFF086  }
0x1c: {  	p1 =	slt.u32 s9, $0xF7A;
	s5 =	simm.s32 @!p2 $0x0  }
0x1d: {  	s5 =	simm.s32 @p1 $0x1;
	p0 =	seq.s32 s7, s2  }
0x1e: {  	s7 =	smul.u32 @!p0 $0xF7A, s2;
	p2 =	seq.s32 @!p0 s5, $0x0  }
0x1f: {  	s9 =	smul.u32 $0xF7A, s1;
	s8 =	simm.s32 @!p0 $0x1BF5;
	p2 =	por !p2, p0  }
0x20: {  	[sflag:s8] =	ssyncset.s32 @!p0 $0xFFFFF086;
	s6 =	sadd.s32 @!p0 s3, s7;
	s7 =	simm.s32 @!p0 $0x108  }
0x21: {  	s3 =	sadd.s32 s3, s9;
	s6 =	sadd.s32 @!p0 $0x88, s6;
	s7 =	simm.s32 @p2 $0x1082  }
0x22: {  	[simem:s7], [sflag:s8] =	dma.local @!p0 [hbm:s6], $0xF7A  }
0x23: {  	s9 =	sor.u32 $0xD0000000, s2;
	s6 =	simm.s32 $0x108;
	_ =	swait.ge @!p0 [sflag:s8], $0x0  }
0x24: {  	s3 =	sadd.s32 $0x88, s3;
	s6 =	simm.s32 @!p1 $0x1082;
	[sflag:s4] =	ssyncset.s32 $0xFFFFF086  }
0x25: {  	[simem:s6], [sflag:s4] =	dma.local [hbm:s3], $0xF7A  }
0x26: {  	[smem:$0x3F5D] =	sst s1;
	(tag) =	ssettag s2;
	_ =	strace s9  }
0x27: {  	s1 =	sld [smem:$0x3F6D]  }
0x28: {  	s2 =	sld [smem:$0x3F6E]  }
0x29: {  	s4 =	sld [smem:$0x3F70]  }
0x2a: {  	p0 =	seq.s32 s5, $0x0;
	s5 =	sld [smem:$0x3F71]  }
0x2b: {  	s6 =	sld [smem:$0x3F72]  }
0x2c: {  	s7 =	sld [smem:$0x3F73]  }
0x2d: {  	s3 =	simm.s32 $0x108;
	s8 =	sld [smem:$0x3F74]  }
0x2e: {  	s3 =	simm.s32 @!p0 $0x1082;
	s9 =	sld [smem:$0x3F75]  }
0x2f: {  	lr =	sadd.s32 s0, s3;
	s0 =	sld [smem:$0x3F6C]  }
0x30: {  	s3 =	sld [smem:$0x3F6F]  }
0x31: {  	[smem:$0x3F78] =	sst s10  }
0x32: {  	s10 =	sld [smem:$0x3F76];
	_ =	sdelay $0x3  }
0x33: {  	p0 =	seq.s32 s10, $0x1;
	s10 =	sld [smem:$0x3F78];
	_ =	sdelay $0x3  }
0x34: {  	[smem:$0x3F78] =	sst s10  }
0x35: {  	s10 =	sld [smem:$0x3F77];
	_ =	sdelay $0x3  }
0x36: {  	p1 =	seq.s32 s10, $0x1;
	s10 =	sld [smem:$0x3F78];
	_ =	sdelay $0x3  }
0x37: {  	[smem:$0x3F78] =	sst s10  }
0x38: {  	s10 =	sld [smem:$0x3F79]  }
0x39: {  	_ = 	snop;
	(pc) =	sbr.ind lr, $3  }
0x3a: {  	_ = 	snop  }
0x3b: {  	_ = 	snop  }
0x3c: {  	p2 =	seq.s32 s10, $0x1;
	s10 =	sld [smem:$0x3F78]  }
0x3d: {  	_ =	shalt  }
0x3e: {  	_ =	shalt  }
0x3f: {  	_ =	shalt  }
0x40: {  	_ =	shalt  }
0x41: {  	_ =	shalt  }
0x42: {  	_ =	shalt  }
0x43: {  	_ =	shalt  }
0x44: {  	_ =	shalt  }
0x45: {  	_ =	shalt  }
0x46: {  	_ =	shalt  }
0x47: {  	_ =	shalt  }
0x48: {  	_ =	shalt  }
0x49: {  	_ =	shalt  }
0x4a: {  	_ =	shalt  }
0x4b: {  	_ =	shalt  }
0x4c: {  	_ =	shalt  }
0x4d: {  	_ =	shalt  }
0x4e: {  	_ =	shalt  }
0x4f: {  	_ =	shalt  }
0x50: {  	_ =	shalt  }
0x51: {  	_ =	shalt  }
0x52: {  	_ =	shalt  }
0x53: {  	_ =	shalt  }
0x54: {  	_ =	shalt  }
0x55: {  	_ =	shalt  }
0x56: {  	_ =	shalt  }
0x57: {  	_ =	shalt  }
0x58: {  	_ =	shalt  }
0x59: {  	_ =	shalt  }
0x5a: {  	_ =	shalt  }
0x5b: {  	_ =	shalt  }
0x5c: {  	_ =	shalt  }
0x5d: {  	_ =	shalt  }
0x5e: {  	_ =	shalt  }
0x5f: {  	_ =	shalt  }
0x60: {  	_ =	shalt  }
0x61: {  	_ =	shalt  }
0x62: {  	_ =	shalt  }
0x63: {  	_ =	shalt  }
0x64: {  	_ =	shalt  }
0x65: {  	_ =	shalt  }
0x66: {  	_ =	shalt  }
0x67: {  	_ =	shalt  }
0x68: {  	_ =	shalt  }
0x69: {  	_ =	shalt  }
0x6a: {  	_ =	shalt  }
0x6b: {  	_ =	shalt  }
0x6c: {  	_ =	shalt  }
0x6d: {  	_ =	shalt  }
0x6e: {  	_ =	shalt  }
0x6f: {  	_ =	shalt  }
0x70: {  	_ =	shalt  }
0x71: {  	_ =	shalt  }
0x72: {  	_ =	shalt  }
0x73: {  	_ =	shalt  }
0x74: {  	_ =	shalt  }
0x75: {  	_ =	shalt  }
0x76: {  	_ =	shalt  }
0x77: {  	_ =	shalt  }
0x78: {  	_ =	shalt  }
0x79: {  	_ =	shalt  }
0x7a: {  	_ =	shalt  }
0x7b: {  	_ =	shalt  }
0x7c: {  	_ =	shalt  }
0x7d: {  	_ =	shalt  }
0x7e: {  	_ =	shalt  }
0x7f: {  	_ =	shalt  }
0x80: {  	_ =	shalt  }
0x81: {  	_ =	shalt  }
0x82: {  	_ =	shalt  }
0x83: {  	_ =	shalt  }
0x84: {  	_ =	shalt  }
0x85: {  	_ =	shalt  }
0x86: {  	_ =	shalt  }
0x87: {  	_ =	shalt  }
.Lfunc_end0:
.L_simem_size_0:
called_computation.4_lowered:
.L_overlay_start_0:
0x88: {  	s2 =	sld [smem:$0x3FD9]  }
0x89: {  	s3 =	sld [smem:$0x3FFE];
	_ =	sdelay $0x1  }
0x8a: {  	s1 =	srdreg.scid  }
0x8b: {  	s0 =	sand.u32 $0x1, s1  }
0x8c: {  	s15 =	sshll.u32 s0, $0xA;
	s2 =	sadd.s32 s3, s2  }
0x8d: {  	s2 =	sadd.s32 s2, s15  }
0x8e: {  	[smem:$0x3F84] =	sst s2  }
0x8f: {  	_ = 	snop  }
0x90: {  	s2 =	sld [smem:$0x3FD0];
	_ =	sdelay $0x2  }
0x91: {  	s4 =	simm.s32 $0xC;
	s16 =	simm.s32 $0x10  }
0x92: {  	[smem:s16], [sflag:s4] =	dma.local [hbm:s2], $0x1  }
0x93: {  	_ =	swait.eq [sflag:s4], $0x1  }
0x94: {  	[sflag:s4] =	ssyncset.done $0x0  }
0x95: {  	s17 =	sld [smem:$0x12];
	[sflag:s4] =	ssyncadd.s32 $0xFFFFFFFF  }
0x96: {  	s18 =	sld [smem:$0x13];
	(tm) =	ssettm $0x1  }
0x97: {  	s19 =	sld [smem:$0x3FFB];
	_ =	sdelay $0x3  }
0x98: {  	_ =	strace s19  }
0x99: {  	s2 =	sld [smem:$0x3FFC];
	_ =	sdelay $0x3  }
0x9a: {  	_ =	strace s2  }
0x9b: {  	s2 =	sld [smem:$0x3FFD];
	_ =	sdelay $0x3  }
0x9c: {  	_ =	strace s2  }
0x9d: {  	_ =	strace $0x8FFFFFFF  }
0x9e: {  	s20 =	sld [smem:$0x3FDB];
	_ =	sdelay $0x1  }
0x9f: {  	s5 =	simm.s32 $_scs_section_size  }
0xa0: {  	s6 =	simm.s32 $_size__tile_overlayer_lowered;
	s7 =	simm.s32 $_tile_overlayer_lowered  }
0xa1: {  	s8 =	simm.s32 $0x1BFF;
	s21 =	sshll.u32 s7, $0x1;
	s5 =	sadd.s32 s5, s20  }
0xa2: {  	s22 =	simm.s32 $0x0;
	s6 =	sshll.u32 s6, $0x1;
	s7 =	sadd.s32 s21, s5  }
0xa3: {  	[timem:s22], [sflag:s8] =	dma.local [hbm:s7], s6  }
0xa4: {  	_ =	swait.ge [sflag:s8], s6  }
0xa5: {  	s6 =	ssub.s32 $0x0, s6;
	[sflag:s8] =	ssyncset.done $0x0  }
0xa6: {  	[sflag:s8] =	ssyncadd.s32 s6;
	_ =	sdelay $0x1  }
0xa7: {  	s23 =	simm.s32 $0x1B8B  }
0xa8: {  	_ =	swait.ge [sflag:s23], $0x1  }
0xa9: {  	[sflag:s23] =	ssyncset.done $0x0  }
0xaa: {  	[sflag:s23] =	ssyncadd.s32 $0xFFFFFFFF  }
0xab: {  	s6 =	sld [smem:$0x0]  }
0xac: {  	s7 =	sand.u32 $0xFFFFFFFE, s1  }
0xad: {  	p0 =	sne.s32 s1, s7  }
0xae: {  	s7 =	sshll.u32 @p0 s7, $0xE  }
0xaf: {  	s7 =	sadd.s32 @p0 $0x11B8D, s7;
	s8 =	sshll.u32 @p0 s6, $0x11  }
0xb0: {  	s7 =	sor.u32 @p0 s8, s7  }
0xb1: {  	[sflag:s7] =	ssyncadd.remote.s32 @p0 $0x1;
	_ =	sdelay $0x1  }
0xb2: {  	s7 =	simm.s32 @p0 $0x1B8D  }
0xb3: {  	_ =	swait.eq @p0 [sflag:s7], $0x1  }
0xb4: {  	[sflag:s7] =	ssyncadd.s32 @p0 $0xFFFFFFFF  }
0xb5: {  	s8 =	sshll.u32 @!p0 s1, $0xE  }
0xb6: {  	s8 =	sor.u32 @!p0 $0x4000, s8;
	s7 =	simm.s32 @!p0 $0x1B8D  }
0xb7: {  	s6 =	sshll.u32 @!p0 s6, $0x11;
	s8 =	sadd.s32 @!p0 $0x11B8D, s8;
	_ =	swait.eq @!p0 [sflag:s7], $0x1  }
0xb8: {  	s6 =	sor.u32 @!p0 s6, s8;
	[sflag:s7] =	ssyncadd.s32 @!p0 $0xFFFFFFFF  }
0xb9: {  	s25 =	simm.s32 $0x1B8E;
	s24 =	sld [smem:$0x3FFE];
	[sflag:s6] =	ssyncadd.remote.s32 @!p0 $0x1  }
0xba: {  	s26 =	simm.s32 $execute0_lowered;
	[smem:$0x3FD2] =	sst s25  }
0xbb: {  	s7 =	sshll.u32 s26, $0x1;
	_ =	strace $0x8000005B;
	[dreg:$0x1] =	wrdreg $0xFFFFFFFF  }
0xbc: {  	s28 =	simm.s32 $_size_execute0_lowered;
	s5 =	sadd.s32 s5, s7;
	[dreg:$0x0] =	wrdreg $0x0  }
0xbd: {  	s7 =	sshll.u32 s28, $0x1;
	[dreg:$0x2] =	wrdreg s5  }
0xbe: {  	[dreg:$0x3] =	wrdreg s7  }
0xbf: {  	[dreg:$0x4] =	wrdreg $0xC0  }
0xc0: {  	_ =	task [dreg:s22], $0x5FFFF  }
0xc1: {  	[dreg:$0x1] =	wrdreg $0xFFFFFFFF  }
0xc2: {  	[dreg:$0x0] =	wrdreg $0x60  }
0xc3: {  	[dreg:$0x2] =	wrdreg s24  }
0xc4: {  	[dreg:$0x3] =	wrdreg s17  }
0xc5: {  	[dreg:$0x4] =	wrdreg s18  }
0xc6: {  	[dreg:$0x5] =	wrdreg $0x41000  }
0xc7: {  	[dreg:$0x6] =	wrdreg $0x9  }
0xc8: {  	_ =	task.clear_ibuf [dreg:s22], $0x7FFFF;
	_ =	strace $0x9000005B  }
0xc9: {  	s29 =	simm.s32 $0x9;
	_ =	strace $0x8000005D  }
0xca: {  	_ =	swait.ge [sflag:s29], $0x1  }
0xcb: {  	[sflag:s29] =	ssyncadd.s32 $0xFFFFFFFF  }
0xcc: {  	_ =	strace $0x9000005D  }
0xcd: {  	_ =	sfence  }
0xce: {  	s30 =	sld [smem:$0x0];
	_ =	sdelay $0x2  }
0xcf: {  	s31 =	sshll.u32 s1, $0xD;
	s1 =	sshrl.u32 s1, $0x2  }
0xd0: {  	s4 =	sand.u32 $0x4000, s31;
	s1 =	sadd.s32 s1, s30  }
0xd1: {  	s0 =	sor.u32 s4, s0;
	s1 =	sshll.u32 s1, $0x11  }
0xd2: {  	s0 =	sor.u32 s1, s0  }
0xd3: {  	s0 =	sadd.s32 $0x8F2B, s0  }
0xd4: {  	[sflag:s0] =	ssyncadd.remote.s32 $0x1  }
0xd5: {  	_ =	sfence.sel $0xFFFF  }
0xd6: {  	[dreg:$0x0] =	wrdreg $0xFFFFFFFF;
	(pc) =	sbr.abs _section_cstart, $3  }
0xd7: {  	[dreg:$0x1] =	wrdreg $0xFFFFFFFF  }
0xd8: {  	_ =	task.clear_ibuf [dreg:s22], $0x2FFFF;
	_ =	strace $0x9FFFFFFF  }
0xd9: {  	(tm) =	ssettm $0x7FFFFFFF  }
tec
execute0_lowered:
.L_overlay_start_1:
0x0: {  	(tag) =	ssettag $0x1  }
0x1: {  	s6 =	rddreg [dreg:$0x0]  }
0x2: {  	s7 =	rddreg [dreg:$0x1]  }
0x3: {  	s10 =	rddreg [dreg:$0x2];
	s0 =	srdreg.scid  }
0x4: {  	s2 =	rddreg [dreg:$0x3];
	s1 =	stileid.u32  }
0x5: {  	s3 =	simm.s32 $0x0;
	s8 =	sand.u32 $0x1, s0;
	s0 =	rddreg [dreg:$0x4]  }
0x6: {  	s9 =	smul.u32 $0x14000, s1;
	[smem:$0x7FF] =	sst s3;
	s4 =	sadd.s32 $0x18800, s6  }
0x7: {  	s12 =	smul.u32 $0x50000, s1;
	s29 =	sshll.u32 s1, $0x6;
	s30 =	sshll.u32 s1, $0x4  }
0x8: {  	s31 =	sshll.u32 s1, $0x5;
	s5 =	smul.u32 $0x140000, s8;
	_ =	strace $0x8000005C  }
0x9: {  	s11 =	ssub.s32 $0x2, s8;
	s14 =	sshll.u32 s8, $0x4;
	s7 =	sadd.s32 s30, s7  }
0xa: {  	s10 =	sadd.s32 s31, s10;
	s26 =	sshrl.u32 s11, $0x1;
	s28 =	sshrl.u32 s12, $0x2  }
0xb: {  	s10 =	sadd.s32 s14, s10;
	s12 =	simm.s32 $0x2;
	s5 =	sadd.s32 s9, s5  }
0xc: {  	s11 =	ssub.s32 s11, s26;
	s13 =	sadd.s32 s28, s2;
	s9 =	sshrl.u32 s5, $0x3  }
0xd: {  	s5 =	sadd.s32 $0x15A00, s6;
	s9 =	sadd.s32 s9, s6;
	s6 =	sor.u32 $0x1C02, s29  }
0xe: {  	s8 =	sadd.s32 $0x9DC800, s9;
	s9 =	smax.u32 s11, $0x1;
	s11 =	sshrl.u32 s13, $0x3  }
.LBB2_1:
0xf: {  	[spmem:s11], [sflag:s6] =	dma.local [hbm:s5], $0x2800  }
0x10: {  	_ =	swait.ge [sflag:s12], $0x2800  }
0x11: {  	s13 =	sadd.s32 $0x0, s1;
	[sflag:s12] =	ssyncset.done $0x0  }
0x12: {  	p0 =	sgt.u32 s13, $0x9C3;
	[sflag:s12] =	ssyncadd.s32 $0xFFFFD800  }
0x13: {  	s13 =	simm.s32 @!p0 $0x0;
	s14 =	simm.s32 @!p0 $0x3;
	[bflag:$0x0] =	sbarrier.arrive $0xFFFF  }
0x14: {  	[tilespmem:s13], [sflag:$0x3] =	stream.linear.gather @!p0 [hbm4b:s7+s13], $0x80, $0x38;
	[tilespmem:$0x18100] =	vst v63  }
0x15: {  	_ =	swait.ge @!p0 [sflag:s14], $0x80  }
0x16: {  	[sflag:s14] =	ssyncset.done @!p0 $0x0;
	p0 =	por p0, p0  }
0x17: {  	[sflag:s14] =	ssyncadd.s32 @!p0 $0xFFFFFF80;
	s15 =	simm.s32 @!p0 $0x80  }
0x18: {  	[tilespmem:s15], [sflag:$0x3] =	stream.linear.gather @!p0 [hbm4b:s10+s13], $0x80, $0x38;
	[tilespmem:$0x18100] =	vst v63  }
0x19: {  	_ =	swait.ge @!p0 [sflag:s14], $0x80  }
0x1a: {  	[sflag:s14] =	ssyncset.done @!p0 $0x0  }
0x1b: {  	s17 =	simm.s32 @!p0 $0x100;
	s16 =	simm.s32 @!p0 $0x1;
	[sflag:s14] =	ssyncadd.s32 @!p0 $0xFFFFFF80  }
0x1c: {  	[tilespmem:s17], [sflag:$0x1] =	stream.indirect.gather @!p0 [hbm4b:s4+s15], $0x80, s15, s15, $0xb8;
	[tilespmem:$0x18100] =	vst v63  }
0x1d: {  	_ =	swait.ge @!p0 [sflag:s16], $0x4000  }
0x1e: {  	[sflag:s16] =	ssyncset.done @!p0 $0x0  }
0x1f: {  	s31 =	sadd.s32 $0x10, s1;
	[sflag:s16] =	ssyncadd.s32 @!p0 $0xFFFFC000;
	s16 =	simm.s32 @!p0 $0x2  }
0x20: {  	[spmem:s2] =	stream.indirect.scatter.add.f32 @!p0 [tilespmem:s17], [sflag:$0x2], $0x80, s13, s15, $0xb8;
	[tilespmem:$0x18100] =	vst v63  }
0x21: {  	p2 =	sgt.u32 s31, $0x9C3;
	s14 =	simm.s32 $0x20;
	_ =	swait.ge @!p0 [sflag:s16], $0x4000  }
0x22: {  	s13 =	sadd.s32 $0x200, s10;
	s15 =	sadd.s32 $0x100, s7;
	[sflag:s16] =	ssyncset.done @!p0 $0x0  }
.LBB2_2:
0x23: {  	s17 =	simm.s32 @!p2 $0x0;
	s18 =	simm.s32 @!p2 $0x3;
	[sflag:s16] =	ssyncadd.s32 @!p0 $0xFFFFC000  }
0x24: {  	[tilespmem:s17], [sflag:$0x3] =	stream.linear.gather @!p2 [hbm4b:s15+s17], $0x80, $0x38;
	[tilespmem:$0x18100] =	vst v63  }
0x25: {  	s19 =	smov.u32 s14;
	s14 =	sadd.s32 $0x10, s14;
	_ =	swait.ge @!p2 [sflag:s18], $0x80  }
0x26: {  	p0 =	por p2, p2;
	p1 =	sne.s32 s14, $0x9D0;
	[sflag:s18] =	ssyncset.done @!p2 $0x0  }
0x27: {  	s20 =	simm.s32 @!p0 $0x80;
	[sflag:s18] =	ssyncadd.s32 @!p0 $0xFFFFFF80  }
0x28: {  	[tilespmem:s20], [sflag:$0x3] =	stream.linear.gather @!p0 [hbm4b:s13+s17], $0x80, $0x38;
	[tilespmem:$0x18100] =	vst v63  }
0x29: {  	_ =	swait.ge @!p0 [sflag:s18], $0x80  }
0x2a: {  	[sflag:s18] =	ssyncset.done @!p0 $0x0  }
0x2b: {  	s16 =	simm.s32 @!p0 $0x1;
	[sflag:s18] =	ssyncadd.s32 @!p0 $0xFFFFFF80;
	s18 =	simm.s32 @!p0 $0x100  }
0x2c: {  	[tilespmem:s18], [sflag:$0x1] =	stream.indirect.gather @!p0 [hbm4b:s4+s20], $0x80, s20, s20, $0xb8;
	[tilespmem:$0x18100] =	vst v63  }
0x2d: {  	_ =	swait.ge @!p0 [sflag:s16], $0x4000  }
.Ltmp0:
0x2e: {  	[sflag:s16] =	ssyncset.done @!p0 $0x0;
	(pc) =	sbr.rel @p1 .LBB2_2-.Ltmp0, $4  }
0x2f: {  	[sflag:s16] =	ssyncadd.s32 @!p0 $0xFFFFC000;
	s16 =	simm.s32 @!p0 $0x2  }
0x30: {  	[spmem:s2] =	stream.indirect.scatter.add.f32 @!p0 [tilespmem:s18], [sflag:$0x2], $0x80, s17, s20, $0xb8;
	[tilespmem:$0x18100] =	vst v63  }
0x31: {  	s13 =	sadd.s32 $0x200, s13;
	s17 =	sadd.s32 s19, s1;
	_ =	swait.ge @!p0 [sflag:s16], $0x4000  }
0x32: {  	s15 =	sadd.s32 $0x100, s15;
	p2 =	sgt.u32 s17, $0x9C3;
	[sflag:s16] =	ssyncset.done @!p0 $0x0  }
0x33: {  	s14 =	simm.s32 @!p2 $0x0;
	s17 =	simm.s32 @!p2 $0x3;
	[sflag:s16] =	ssyncadd.s32 @!p0 $0xFFFFC000  }
0x34: {  	[tilespmem:s14], [sflag:$0x3] =	stream.linear.gather @!p2 [hbm4b:s15+s14], $0x80, $0x38;
	[tilespmem:$0x18100] =	vst v63  }
0x35: {  	_ =	swait.ge @!p2 [sflag:s17], $0x80  }
0x36: {  	p0 =	por p2, p2;
	[sflag:s17] =	ssyncset.done @!p2 $0x0  }
0x37: {  	s15 =	simm.s32 @!p0 $0x80;
	[sflag:s17] =	ssyncadd.s32 @!p0 $0xFFFFFF80  }
0x38: {  	[tilespmem:s15], [sflag:$0x3] =	stream.linear.gather @!p0 [hbm4b:s13+s14], $0x80, $0x38;
	[tilespmem:$0x18100] =	vst v63  }
0x39: {  	_ =	swait.ge @!p0 [sflag:s17], $0x80  }
0x3a: {  	[sflag:s17] =	ssyncset.done @!p0 $0x0  }
0x3b: {  	s16 =	simm.s32 @!p0 $0x1;
	s13 =	simm.s32 @!p0 $0x100;
	[sflag:s17] =	ssyncadd.s32 @!p0 $0xFFFFFF80  }
0x3c: {  	[tilespmem:s13], [sflag:$0x1] =	stream.indirect.gather @!p0 [hbm4b:s4+s15], $0x80, s15, s15, $0xb8;
	[tilespmem:$0x18100] =	vst v63  }
0x3d: {  	_ =	swait.ge @!p0 [sflag:s16], $0x4000  }
0x3e: {  	[sflag:s16] =	ssyncset.done @!p0 $0x0  }
0x3f: {  	[sflag:s16] =	ssyncadd.s32 @!p0 $0xFFFFC000;
	s16 =	simm.s32 @!p0 $0x2  }
0x40: {  	[spmem:s2] =	stream.indirect.scatter.add.f32 @!p0 [tilespmem:s13], [sflag:$0x2], $0x80, s14, s15, $0xb8;
	[tilespmem:$0x18100] =	vst v63  }
0x41: {  	_ =	swait.ge @!p0 [sflag:s16], $0x4000  }
0x42: {  	s3 =	sadd.s32 $0x1, s3;
	[sflag:s16] =	ssyncset.done @!p0 $0x0  }
0x43: {  	[sflag:s16] =	ssyncadd.s32 @!p0 $0xFFFFC000;
	p0 =	sne.s32 s3, s9  }
.Ltmp1:
0x44: {  	[bflag:$0x0] =	sbarrier.arrive $0xFFFF;
	(pc) =	sbr.rel @p0 .LBB2_1-.Ltmp1, $4  }
0x45: {  	[hbm:s8], [sflag:s6] =	dma.local [spmem:s11], $0x2800  }
0x46: {  	_ =	swait.ge [sflag:s12], $0x2800  }
0x47: {  	[sflag:s12] =	ssyncset.done $0x0  }
0x48: {  	[sflag:s12] =	ssyncadd.s32 $0xFFFFD800  }
0x49: {  	_ =	sfence.sel $0x180000  }
0x4a: {  	[bflag:$0x0] =	sbarrier.arrive $0xFFFF  }
0x4b: {  	p0 =	sne.s32 s1, $0x0;
	_ =	strace $0x9000005C  }
0x4c: {  	s0 =	sadd.s32 @!p0 $0x100000, s0;
	[bflag:$0x2] =	sbarrier.arrive $0xFFFF  }
0x4d: {  	[sflag:s0] =	ssyncadd.tile.s32 @!p0 $0x1;
	_ =	shalt  }
.Lfunc_end2:
_tile_overlayer_lowered:
.L_overlay_start_2:
0x4e: {  	(tag) =	ssettag $0x2  }
0x4f: {  	s0 =	rddreg [dreg:$0x0];
	s2 =	stileid.u32  }
0x50: {  	s1 =	rddreg [dreg:$0x1];
	p0 =	sne.s32 s2, $0x0  }
0x51: {  	s3 =	rddreg [dreg:$0x2];
	[bflag:$0x3] =	sbarrier.arrive $0xFFFF;
	s2 =	simm.s32 @!p0 $0x1C02  }
0x52: {  	[timem:s3], [sflag:s2] =	dma.local @!p0 [hbm:s0], s1  }
0x53: {  	s0 =	simm.s32 @!p0 $0x2  }
0x54: {  	_ =	swait.ge @!p0 [sflag:s0], s1  }
0x55: {  	s1 =	ssub.s32 @!p0 $0x0, s1;
	[sflag:s0] =	ssyncset.done @!p0 $0x0  }
0x56: {  	[sflag:s0] =	ssyncadd.s32 @!p0 s1  }
0x57: {  	[bflag:$0x3] =	sbarrier.arrive $0xFFFF  }
0x58: {  	_ =	shalt  }

// kernel: kernel.45.cloned.1.call-start
scs
__scs_entry_jumppad:
0x0: {  	(pc) =	sbr.rel $0x88, $3  }
0x1: {  	(tag) =	ssettag $0x0;
	lr =	simm.s32 $0x1  }
0x2: {  	[smem:$0x3F5D] =	sst lr;
	_ =	strace $0xD0000000  }
0x3: {  	_ = 	snop  }
0x4: {  	_ = 	snop  }
0x5: {  	_ = 	snop  }
0x6: {  	_ = 	snop  }
0x7: {  	_ = 	snop  }
__scs_overlays_trampoline_lowered:
0x8: {  	[smem:$0x3F6C] =	sst s0  }
0x9: {  	[smem:$0x3F6D] =	sst s1  }
0xa: {  	[smem:$0x3F6E] =	sst s2  }
0xb: {  	[smem:$0x3F6F] =	sst s3  }
0xc: {  	[smem:$0x3F70] =	sst s4  }
0xd: {  	[smem:$0x3F71] =	sst s5  }
0xe: {  	[smem:$0x3F72] =	sst s6  }
0xf: {  	[smem:$0x3F73] =	sst s7  }
0x10: {  	[smem:$0x3F74] =	sst s8  }
0x11: {  	[smem:$0x3F75] =	sst s9;
	s0 =	simm.s32 @!p0 $0x0  }
0x12: {  	s1 =	sld [smem:$0x3F5B];
	s0 =	simm.s32 @p0 $0x1  }
0x13: {  	[smem:$0x3F76] =	sst s0;
	s0 =	simm.s32 @!p1 $0x0  }
0x14: {  	s2 =	sld [smem:$0x3F5A];
	s0 =	simm.s32 @p1 $0x1  }
0x15: {  	[smem:$0x3F77] =	sst s0;
	s0 =	simm.s32 @!p2 $0x0  }
0x16: {  	s3 =	sld [smem:$0x3FDB];
	s0 =	simm.s32 @p2 $0x1  }
0x17: {  	s4 =	simm.s32 $0x1BF5;
	[smem:$0x3F79] =	sst s0  }
0x18: {  	s0 =	sld [smem:$0x3F5C];
	_ =	swait.ge [sflag:s4], $0x0  }
0x19: {  	s7 =	sld [smem:$0x3F5D]  }
0x1a: {  	s8 =	sadd.s32 $0xFFFFE003, lr  }
0x1b: {  	s9 =	sadd.s32 $0xFFFFFEF7, lr;
	s5 =	simm.s32 $0xFFFFFFFF;
	p2 =	slt.u32 s8, $0xFFFFF086  }
0x1c: {  	p1 =	slt.u32 s9, $0xF7A;
	s5 =	simm.s32 @!p2 $0x0  }
0x1d: {  	s5 =	simm.s32 @p1 $0x1;
	p0 =	seq.s32 s7, s2  }
0x1e: {  	s7 =	smul.u32 @!p0 $0xF7A, s2;
	p2 =	seq.s32 @!p0 s5, $0x0  }
0x1f: {  	s9 =	smul.u32 $0xF7A, s1;
	s8 =	simm.s32 @!p0 $0x1BF5;
	p2 =	por !p2, p0  }
0x20: {  	[sflag:s8] =	ssyncset.s32 @!p0 $0xFFFFF086;
	s6 =	sadd.s32 @!p0 s3, s7;
	s7 =	simm.s32 @!p0 $0x108  }
0x21: {  	s3 =	sadd.s32 s3, s9;
	s6 =	sadd.s32 @!p0 $0x88, s6;
	s7 =	simm.s32 @p2 $0x1082  }
0x22: {  	[simem:s7], [sflag:s8] =	dma.local @!p0 [hbm:s6], $0xF7A  }
0x23: {  	s9 =	sor.u32 $0xD0000000, s2;
	s6 =	simm.s32 $0x108;
	_ =	swait.ge @!p0 [sflag:s8], $0x0  }
0x24: {  	s3 =	sadd.s32 $0x88, s3;
	s6 =	simm.s32 @!p1 $0x1082;
	[sflag:s4] =	ssyncset.s32 $0xFFFFF086  }
0x25: {  	[simem:s6], [sflag:s4] =	dma.local [hbm:s3], $0xF7A  }
0x26: {  	[smem:$0x3F5D] =	sst s1;
	(tag) =	ssettag s2;
	_ =	strace s9  }
0x27: {  	s1 =	sld [smem:$0x3F6D]  }
0x28: {  	s2 =	sld [smem:$0x3F6E]  }
0x29: {  	s4 =	sld [smem:$0x3F70]  }
0x2a: {  	p0 =	seq.s32 s5, $0x0;
	s5 =	sld [smem:$0x3F71]  }
0x2b: {  	s6 =	sld [smem:$0x3F72]  }
0x2c: {  	s7 =	sld [smem:$0x3F73]  }
0x2d: {  	s3 =	simm.s32 $0x108;
	s8 =	sld [smem:$0x3F74]  }
0x2e: {  	s3 =	simm.s32 @!p0 $0x1082;
	s9 =	sld [smem:$0x3F75]  }
0x2f: {  	lr =	sadd.s32 s0, s3;
	s0 =	sld [smem:$0x3F6C]  }
0x30: {  	s3 =	sld [smem:$0x3F6F]  }
0x31: {  	[smem:$0x3F78] =	sst s10  }
0x32: {  	s10 =	sld [smem:$0x3F76];
	_ =	sdelay $0x3  }
0x33: {  	p0 =	seq.s32 s10, $0x1;
	s10 =	sld [smem:$0x3F78];
	_ =	sdelay $0x3  }
0x34: {  	[smem:$0x3F78] =	sst s10  }
0x35: {  	s10 =	sld [smem:$0x3F77];
	_ =	sdelay $0x3  }
0x36: {  	p1 =	seq.s32 s10, $0x1;
	s10 =	sld [smem:$0x3F78];
	_ =	sdelay $0x3  }
0x37: {  	[smem:$0x3F78] =	sst s10  }
0x38: {  	s10 =	sld [smem:$0x3F79]  }
0x39: {  	_ = 	snop;
	(pc) =	sbr.ind lr, $3  }
0x3a: {  	_ = 	snop  }
0x3b: {  	_ = 	snop  }
0x3c: {  	p2 =	seq.s32 s10, $0x1;
	s10 =	sld [smem:$0x3F78]  }
0x3d: {  	_ =	shalt  }
0x3e: {  	_ =	shalt  }
0x3f: {  	_ =	shalt  }
0x40: {  	_ =	shalt  }
0x41: {  	_ =	shalt  }
0x42: {  	_ =	shalt  }
0x43: {  	_ =	shalt  }
0x44: {  	_ =	shalt  }
0x45: {  	_ =	shalt  }
0x46: {  	_ =	shalt  }
0x47: {  	_ =	shalt  }
0x48: {  	_ =	shalt  }
0x49: {  	_ =	shalt  }
0x4a: {  	_ =	shalt  }
0x4b: {  	_ =	shalt  }
0x4c: {  	_ =	shalt  }
0x4d: {  	_ =	shalt  }
0x4e: {  	_ =	shalt  }
0x4f: {  	_ =	shalt  }
0x50: {  	_ =	shalt  }
0x51: {  	_ =	shalt  }
0x52: {  	_ =	shalt  }
0x53: {  	_ =	shalt  }
0x54: {  	_ =	shalt  }
0x55: {  	_ =	shalt  }
0x56: {  	_ =	shalt  }
0x57: {  	_ =	shalt  }
0x58: {  	_ =	shalt  }
0x59: {  	_ =	shalt  }
0x5a: {  	_ =	shalt  }
0x5b: {  	_ =	shalt  }
0x5c: {  	_ =	shalt  }
0x5d: {  	_ =	shalt  }
0x5e: {  	_ =	shalt  }
0x5f: {  	_ =	shalt  }
0x60: {  	_ =	shalt  }
0x61: {  	_ =	shalt  }
0x62: {  	_ =	shalt  }
0x63: {  	_ =	shalt  }
0x64: {  	_ =	shalt  }
0x65: {  	_ =	shalt  }
0x66: {  	_ =	shalt  }
0x67: {  	_ =	shalt  }
0x68: {  	_ =	shalt  }
0x69: {  	_ =	shalt  }
0x6a: {  	_ =	shalt  }
0x6b: {  	_ =	shalt  }
0x6c: {  	_ =	shalt  }
0x6d: {  	_ =	shalt  }
0x6e: {  	_ =	shalt  }
0x6f: {  	_ =	shalt  }
0x70: {  	_ =	shalt  }
0x71: {  	_ =	shalt  }
0x72: {  	_ =	shalt  }
0x73: {  	_ =	shalt  }
0x74: {  	_ =	shalt  }
0x75: {  	_ =	shalt  }
0x76: {  	_ =	shalt  }
0x77: {  	_ =	shalt  }
0x78: {  	_ =	shalt  }
0x79: {  	_ =	shalt  }
0x7a: {  	_ =	shalt  }
0x7b: {  	_ =	shalt  }
0x7c: {  	_ =	shalt  }
0x7d: {  	_ =	shalt  }
0x7e: {  	_ =	shalt  }
0x7f: {  	_ =	shalt  }
0x80: {  	_ =	shalt  }
0x81: {  	_ =	shalt  }
0x82: {  	_ =	shalt  }
0x83: {  	_ =	shalt  }
0x84: {  	_ =	shalt  }
0x85: {  	_ =	shalt  }
0x86: {  	_ =	shalt  }
0x87: {  	_ =	shalt  }
.Lfunc_end0:
.L_simem_size_0:
called_computation.5_lowered:
.L_overlay_start_0:
0x88: {  	s2 =	sld [smem:$0x3FD9]  }
0x89: {  	s3 =	sld [smem:$0x3FFE];
	_ =	sdelay $0x1  }
0x8a: {  	s1 =	srdreg.scid  }
0x8b: {  	s0 =	sand.u32 $0x1, s1  }
0x8c: {  	s15 =	sshll.u32 s0, $0xA;
	s2 =	sadd.s32 s3, s2  }
0x8d: {  	s2 =	sadd.s32 s2, s15  }
0x8e: {  	[smem:$0x3F84] =	sst s2  }
0x8f: {  	_ = 	snop  }
0x90: {  	s2 =	sld [smem:$0x3FD0];
	_ =	sdelay $0x2  }
0x91: {  	s16 =	simm.s32 $0xC;
	s4 =	simm.s32 $0x10  }
0x92: {  	[smem:s4], [sflag:s16] =	dma.local [hbm:s2], $0x1  }
0x93: {  	_ =	swait.eq [sflag:s16], $0x1  }
0x94: {  	[sflag:s16] =	ssyncset.done $0x0  }
0x95: {  	[sflag:s16] =	ssyncadd.s32 $0xFFFFFFFF  }
0x96: {  	s17 =	sld [smem:$0x10];
	(tm) =	ssettm $0x1  }
0x97: {  	s18 =	sld [smem:$0x3FFB];
	_ =	sdelay $0x3  }
0x98: {  	_ =	strace s18  }
0x99: {  	s2 =	sld [smem:$0x3FFC];
	_ =	sdelay $0x3  }
0x9a: {  	_ =	strace s2  }
0x9b: {  	s2 =	sld [smem:$0x3FFD];
	_ =	sdelay $0x3  }
0x9c: {  	_ =	strace s2  }
0x9d: {  	_ =	strace $0x8FFFFFFF  }
0x9e: {  	s19 =	sld [smem:$0x3FDB];
	_ =	sdelay $0x1  }
0x9f: {  	s20 =	simm.s32 $_scs_section_size  }
0xa0: {  	s5 =	simm.s32 $_size__tile_overlayer_lowered;
	s6 =	simm.s32 $_tile_overlayer_lowered  }
0xa1: {  	s7 =	simm.s32 $0x1BFF;
	s21 =	sshll.u32 s6, $0x1;
	s4 =	sadd.s32 s20, s19  }
0xa2: {  	s22 =	simm.s32 $0x0;
	s5 =	sshll.u32 s5, $0x1;
	s6 =	sadd.s32 s21, s4  }
0xa3: {  	[timem:s22], [sflag:s7] =	dma.local [hbm:s6], s5  }
0xa4: {  	_ =	swait.ge [sflag:s7], s5  }
0xa5: {  	s5 =	ssub.s32 $0x0, s5;
	[sflag:s7] =	ssyncset.done $0x0  }
0xa6: {  	[sflag:s7] =	ssyncadd.s32 s5;
	_ =	sdelay $0x1  }
0xa7: {  	s23 =	simm.s32 $0x1B8B  }
0xa8: {  	_ =	swait.ge [sflag:s23], $0x1  }
0xa9: {  	[sflag:s23] =	ssyncset.done $0x0  }
0xaa: {  	[sflag:s23] =	ssyncadd.s32 $0xFFFFFFFF  }
0xab: {  	s5 =	sld [smem:$0x0]  }
0xac: {  	s6 =	sand.u32 $0xFFFFFFFE, s1  }
0xad: {  	p0 =	sne.s32 s1, s6  }
0xae: {  	s6 =	sshll.u32 @p0 s6, $0xE  }
0xaf: {  	s6 =	sadd.s32 @p0 $0x11B8D, s6;
	s7 =	sshll.u32 @p0 s5, $0x11  }
0xb0: {  	s6 =	sor.u32 @p0 s7, s6  }
0xb1: {  	[sflag:s6] =	ssyncadd.remote.s32 @p0 $0x1;
	_ =	sdelay $0x1  }
0xb2: {  	s6 =	simm.s32 @p0 $0x1B8D  }
0xb3: {  	_ =	swait.eq @p0 [sflag:s6], $0x1  }
0xb4: {  	[sflag:s6] =	ssyncadd.s32 @p0 $0xFFFFFFFF  }
0xb5: {  	s7 =	sshll.u32 @!p0 s1, $0xE  }
0xb6: {  	s7 =	sor.u32 @!p0 $0x4000, s7;
	s6 =	simm.s32 @!p0 $0x1B8D  }
0xb7: {  	s5 =	sshll.u32 @!p0 s5, $0x11;
	s7 =	sadd.s32 @!p0 $0x11B8D, s7;
	_ =	swait.eq @!p0 [sflag:s6], $0x1  }
0xb8: {  	s5 =	sor.u32 @!p0 s5, s7;
	[sflag:s6] =	ssyncadd.s32 @!p0 $0xFFFFFFFF  }
0xb9: {  	s25 =	simm.s32 $0x1B8E;
	s24 =	sld [smem:$0x3FFE];
	[sflag:s5] =	ssyncadd.remote.s32 @!p0 $0x1  }
0xba: {  	s26 =	simm.s32 $execute0_lowered;
	[smem:$0x3FD2] =	sst s25  }
0xbb: {  	s6 =	sshll.u32 s26, $0x1;
	_ =	strace $0x80000049;
	[dreg:$0x1] =	wrdreg $0xFFFFFFFF  }
0xbc: {  	s28 =	simm.s32 $_size_execute0_lowered;
	s4 =	sadd.s32 s4, s6;
	[dreg:$0x0] =	wrdreg $0x0  }
0xbd: {  	s6 =	sshll.u32 s28, $0x1;
	[dreg:$0x2] =	wrdreg s4  }
0xbe: {  	[dreg:$0x3] =	wrdreg s6  }
0xbf: {  	[dreg:$0x4] =	wrdreg $0xC0  }
0xc0: {  	_ =	task [dreg:s22], $0x5FFFF  }
0xc1: {  	[dreg:$0x1] =	wrdreg $0xFFFFFFFF  }
0xc2: {  	[dreg:$0x0] =	wrdreg $0x60  }
0xc3: {  	[dreg:$0x2] =	wrdreg s24  }
0xc4: {  	[dreg:$0x3] =	wrdreg s17  }
0xc5: {  	[dreg:$0x4] =	wrdreg $0xB  }
0xc6: {  	_ =	task.clear_ibuf [dreg:s22], $0x5FFFF;
	_ =	strace $0x90000049  }
0xc7: {  	s29 =	simm.s32 $0xB;
	_ =	strace $0x8000004B  }
0xc8: {  	_ =	swait.ge [sflag:s29], $0x1  }
0xc9: {  	[sflag:s29] =	ssyncadd.s32 $0xFFFFFFFF  }
0xca: {  	_ =	strace $0x9000004B  }
0xcb: {  	_ =	sfence  }
0xcc: {  	s30 =	sld [smem:$0x0];
	_ =	sdelay $0x2  }
0xcd: {  	s31 =	sshll.u32 s1, $0xD;
	s1 =	sshrl.u32 s1, $0x2  }
0xce: {  	s4 =	sand.u32 $0x4000, s31;
	s1 =	sadd.s32 s1, s30  }
0xcf: {  	s0 =	sor.u32 s4, s0;
	s1 =	sshll.u32 s1, $0x11  }
0xd0: {  	s0 =	sor.u32 s1, s0  }
0xd1: {  	s0 =	sadd.s32 $0x8F2B, s0  }
0xd2: {  	[sflag:s0] =	ssyncadd.remote.s32 $0x1  }
0xd3: {  	_ =	sfence.sel $0xFFFF  }
0xd4: {  	[dreg:$0x0] =	wrdreg $0xFFFFFFFF;
	(pc) =	sbr.abs _section_cstart, $3  }
0xd5: {  	[dreg:$0x1] =	wrdreg $0xFFFFFFFF  }
0xd6: {  	_ =	task.clear_ibuf [dreg:s22], $0x2FFFF;
	_ =	strace $0x9FFFFFFF  }
0xd7: {  	(tm) =	ssettm $0x7FFFFFFF  }
tec
execute0_lowered:
.L_overlay_start_1:
0x0: {  	(tag) =	ssettag $0x1  }
0x1: {  	s0 =	rddreg [dreg:$0x0]  }
0x2: {  	s1 =	rddreg [dreg:$0x1];
	s2 =	simm.s32 $0x0;
	s3 =	srdreg.scid  }
0x3: {  	s10 =	stileid.u32;
	s12 =	simm.s32 $0x100;
	s29 =	simm.s32 $0x8100  }
0x4: {  	s30 =	simm.s32 $0x8900;
	s31 =	simm.s32 $0x9100;
	s11 =	simm.s32 $0xC900  }
0x5: {  	s13 =	simm.s32 $0xD100;
	s14 =	simm.s32 $0xD900;
	s15 =	simm.s32 $0xE100  }
0x6: {  	s16 =	simm.s32 $0xE900;
	s17 =	simm.s32 $0xF100;
	s18 =	simm.s32 $0xF900  }
0x7: {  	s19 =	simm.s32 $0x1;
	s20 =	simm.s32 $0x2;
	s21 =	simm.s32 $0x3  }
0x8: {  	s28 =	simm.s32 $0x80;
	[smem:$0x7FF] =	sst s2;
	s4 =	sand.u32 $0x1, s3  }
0x9: {  	s3 =	sadd.s32 $0xBA9600, s0;
	s5 =	sshll.u32 s10, $0x5;
	s8 =	sshll.u32 s10, $0xD  }
0xa: {  	s23 =	sshll.u32 s10, $0x1;
	s10 =	simm.s32 $0x4;
	_ =	strace $0x8000004A  }
0xb: {  	s6 =	ssub.s32 $0x2, s4;
	s7 =	sadd.s32 s5, s0;
	s0 =	sadd.s32 s8, s0  }
0xc: {  	[dreg:$0x3] =	wrdreg s23;
	s24 =	sshll.u32 s4, $0x4;
	s4 =	sshll.u32 s4, $0xC  }
0xd: {  	s1 =	sadd.s32 s5, s1;
	s5 =	simm.s32 $0xA900;
	s8 =	simm.s32 $0xB900  }
0xe: {  	s23 =	simm.s32 $0x0;
	s9 =	sshrl.u32 s6, $0x1;
	s25 =	sadd.s32 s24, s7  }
.Ltmp0:
0xf: {  	s0 =	sadd.s32 s4, s0;
	s7 =	sadd.s32 s24, s1;
	(pc) =	sbr.rel .LBB2_1-.Ltmp0, $4  }
0x10: {  	s1 =	simm.s32 $0xA100;
	s4 =	simm.s32 $0xB100;
	s26 =	sadd.s32 $0x1127A00, s0  }
0x11: {  	v2 =	vlaneseq.u32;
	s6 =	ssub.s32 s6, s9;
	s0 =	sadd.s32 $0xC45A00, s0;
	[dreg:$0x5] =	wrdreg s26  }
0x12: {  	vm0 =	vmmov $0xffff;
	v1 =	vshrl.u32 v2, $0x3;
	s9 =	simm.s32 $0xC100;
	s6 =	smax.u32 s6, $0x1;
	[dreg:$0x6] =	wrdreg s0  }
0x13: {  	v0 =	vand.u32 $0x7, v2;
	v2 =	vor.u32 $0x8, v2;
	v1 =	vmul.u32 $0x8, v1;
	s0 =	simm.s32 $0x9900;
	[dreg:$0x4] =	wrdreg s6;
	s6 =	sadd.s32 $0x10A00, s25  }
.LBB2_5:
0x14: {  	s23 =	rddreg [dreg:$0x7]  }
0x15: {  	s22 =	rddreg [dreg:$0x4];
	s23 =	sadd.s32 $0x1, s23  }
0x16: {  	p0 =	sne.s32 s23, s22  }
.Ltmp1:
0x17: {  	_ = 	snop;
	(pc) =	sbr.rel @!p0 .LBB2_6-.Ltmp1, $1  }
0x18: {  	_ =	sdelay $0x3  }
.LBB2_1:
.Ltmp2:
0x19: {  	(pc) =	sbr.rel .LBB2_2-.Ltmp2, $4  }
0x1a: {  	[dreg:$0x7] =	wrdreg s23  }
0x1b: {  	s22 =	rddreg [dreg:$0x3]  }
0x1c: {  	s23 =	rddreg [dreg:$0x6]  }
0x1d: {  	s24 =	rddreg [dreg:$0x5];
	s25 =	simm.s32 $0x0  }
.LBB2_4:
0x1e: {  	s25 =	sadd.s32 $0x200, s25  }
0x1f: {  	p0 =	sne.s32 s25, $0x5000  }
.Ltmp3:
0x20: {  	_ = 	snop;
	(pc) =	sbr.rel @!p0 .LBB2_5-.Ltmp3, $2  }
0x21: {  	_ =	sdelay $0x2  }
0x22: {  	s24 =	sadd.s32 $0x20000, s24;
	s23 =	sadd.s32 $0x20000, s23;
	s22 =	sadd.s32 $0x20, s22  }
.LBB2_2:
0x23: {  	p0 =	sgt.u32 s22, $0x4E1  }
.Ltmp4:
0x24: {  	_ = 	snop;
	(pc) =	sbr.rel @p0 .LBB2_4-.Ltmp4, $1  }
0x25: {  	_ =	sdelay $0x3  }
0x26: {  	s26 =	sadd.s32 s25, s7  }
0x27: {  	[tilespmem:s2], [sflag:$0x4] =	stream.linear.gather [hbm4b:s26+s2], $0x80, $0x38;
	[tilespmem:$0x10100] =	vst v63  }
0x28: {  	_ =	swait.ge [sflag:s10], $0x80  }
0x29: {  	[sflag:s10] =	ssyncset.done $0x0  }
0x2a: {  	s26 =	sadd.s32 s25, s6;
	[sflag:s10] =	ssyncadd.s32 $0xFFFFFF80  }
0x2b: {  	[tilespmem:s28], [sflag:$0x4] =	stream.linear.gather [hbm4b:s26+s2], $0x80, $0x38;
	[tilespmem:$0x10100] =	vst v63  }
0x2c: {  	_ =	swait.ge [sflag:s10], $0x80  }
0x2d: {  	[sflag:s10] =	ssyncset.done $0x0  }
0x2e: {  	[sflag:s10] =	ssyncadd.s32 $0xFFFFFF80  }
0x2f: {  	v3 =	vld [tilespmem:$0x0];
	_ =	sdelay $0x4  }
0x30: {  	v4 =	vshll.u32 v3, $0x1  }
0x31: {  	v3 =	vand.u32 $0x7, v3;
	v4 =	vand.u32 $0xFFFFFFF0, v4  }
0x32: {  	v3 =	vor.u32 v3, v4  }
0x33: {  	v4 =	vperm.xlane v3, v0;
	_ =	sdelay $0x1  }
0x34: {  	v3 =	vperm.xlane v3, v2;
	v4 =	vadd.s32 v1, v4;
	_ =	sdelay $0x1  }
0x35: {  	v3 =	vadd.s32 v1, v3;
	_ =	sdelay $0x2  }
0x36: {  	[tilespmem:s12], [sflag:$0x1] =	stream.indirect_vreg.gather [hbm4b:s3+s2], $0x80, v4, vm0, $0xb8;
	[tilespmem:$0x10100] =	vst v63  }
0x37: {  	s26 =	simm.s32 $0x900  }
0x38: {  	[tilespmem:s26], [sflag:$0x1] =	stream.indirect_vreg.gather [hbm4b:s3+s2], $0x80, v3, vm0, $0xb8;
	[tilespmem:$0x10100] =	vst v63  }
0x39: {  	v3 =	vld [tilespmem:$0x10];
	_ =	sdelay $0x4  }
0x3a: {  	v49 =	vshll.u32 v3, $0x1  }
0x3b: {  	v3 =	vand.u32 $0x7, v3;
	v4 =	vand.u32 $0xFFFFFFF0, v49  }
0x3c: {  	v3 =	vor.u32 v3, v4  }
0x3d: {  	v4 =	vperm.xlane v3, v0;
	_ =	sdelay $0x1  }
0x3e: {  	v3 =	vperm.xlane v3, v2;
	v4 =	vadd.s32 v1, v4;
	_ =	sdelay $0x1  }
0x3f: {  	v3 =	vadd.s32 v1, v3;
	_ =	sdelay $0x1  }
0x40: {  	s26 =	simm.s32 $0x1100  }
0x41: {  	[tilespmem:s26], [sflag:$0x1] =	stream.indirect_vreg.gather [hbm4b:s3+s2], $0x80, v4, vm0, $0xb8;
	[tilespmem:$0x10100] =	vst v63  }
0x42: {  	s26 =	simm.s32 $0x1900  }
0x43: {  	[tilespmem:s26], [sflag:$0x1] =	stream.indirect_vreg.gather [hbm4b:s3+s2], $0x80, v3, vm0, $0xb8;
	[tilespmem:$0x10100] =	vst v63  }
0x44: {  	v3 =	vld [tilespmem:$0x20];
	_ =	sdelay $0x4  }
0x45: {  	v50 =	vshll.u32 v3, $0x1  }
0x46: {  	v3 =	vand.u32 $0x7, v3;
	v4 =	vand.u32 $0xFFFFFFF0, v50  }
0x47: {  	v3 =	vor.u32 v3, v4  }
0x48: {  	v4 =	vperm.xlane v3, v0;
	_ =	sdelay $0x1  }
0x49: {  	v3 =	vperm.xlane v3, v2;
	v4 =	vadd.s32 v1, v4;
	_ =	sdelay $0x1  }
0x4a: {  	v3 =	vadd.s32 v1, v3;
	_ =	sdelay $0x1  }
0x4b: {  	s26 =	simm.s32 $0x2100  }
0x4c: {  	[tilespmem:s26], [sflag:$0x1] =	stream.indirect_vreg.gather [hbm4b:s3+s2], $0x80, v4, vm0, $0xb8;
	[tilespmem:$0x10100] =	vst v63  }
0x4d: {  	s26 =	simm.s32 $0x2900  }
0x4e: {  	[tilespmem:s26], [sflag:$0x1] =	stream.indirect_vreg.gather [hbm4b:s3+s2], $0x80, v3, vm0, $0xb8;
	[tilespmem:$0x10100] =	vst v63  }
0x4f: {  	v3 =	vld [tilespmem:$0x30];
	_ =	sdelay $0x4  }
0x50: {  	v51 =	vshll.u32 v3, $0x1  }
0x51: {  	v3 =	vand.u32 $0x7, v3;
	v4 =	vand.u32 $0xFFFFFFF0, v51  }
0x52: {  	v3 =	vor.u32 v3, v4  }
0x53: {  	v4 =	vperm.xlane v3, v0;
	_ =	sdelay $0x1  }
0x54: {  	v3 =	vperm.xlane v3, v2;
	v4 =	vadd.s32 v1, v4;
	_ =	sdelay $0x1  }
0x55: {  	v3 =	vadd.s32 v1, v3;
	_ =	sdelay $0x1  }
0x56: {  	s26 =	simm.s32 $0x3100  }
0x57: {  	[tilespmem:s26], [sflag:$0x1] =	stream.indirect_vreg.gather [hbm4b:s3+s2], $0x80, v4, vm0, $0xb8;
	[tilespmem:$0x10100] =	vst v63  }
0x58: {  	s26 =	simm.s32 $0x3900  }
0x59: {  	[tilespmem:s26], [sflag:$0x1] =	stream.indirect_vreg.gather [hbm4b:s3+s2], $0x80, v3, vm0, $0xb8;
	[tilespmem:$0x10100] =	vst v63  }
0x5a: {  	v3 =	vld [tilespmem:$0x40];
	_ =	sdelay $0x4  }
0x5b: {  	v52 =	vshll.u32 v3, $0x1  }
0x5c: {  	v3 =	vand.u32 $0x7, v3;
	v4 =	vand.u32 $0xFFFFFFF0, v52  }
0x5d: {  	v3 =	vor.u32 v3, v4  }
0x5e: {  	v4 =	vperm.xlane v3, v0;
	_ =	sdelay $0x1  }
0x5f: {  	v3 =	vperm.xlane v3, v2;
	v4 =	vadd.s32 v1, v4;
	_ =	sdelay $0x1  }
0x60: {  	v3 =	vadd.s32 v1, v3;
	_ =	sdelay $0x1  }
0x61: {  	s26 =	simm.s32 $0x4100  }
0x62: {  	[tilespmem:s26], [sflag:$0x1] =	stream.indirect_vreg.gather [hbm4b:s3+s2], $0x80, v4, vm0, $0xb8;
	[tilespmem:$0x10100] =	vst v63  }
0x63: {  	s26 =	simm.s32 $0x4900  }
0x64: {  	[tilespmem:s26], [sflag:$0x1] =	stream.indirect_vreg.gather [hbm4b:s3+s2], $0x80, v3, vm0, $0xb8;
	[tilespmem:$0x10100] =	vst v63  }
0x65: {  	v3 =	vld [tilespmem:$0x50];
	_ =	sdelay $0x4  }
0x66: {  	v53 =	vshll.u32 v3, $0x1  }
0x67: {  	v3 =	vand.u32 $0x7, v3;
	v4 =	vand.u32 $0xFFFFFFF0, v53  }
0x68: {  	v3 =	vor.u32 v3, v4  }
0x69: {  	v4 =	vperm.xlane v3, v0;
	_ =	sdelay $0x1  }
0x6a: {  	v3 =	vperm.xlane v3, v2;
	v4 =	vadd.s32 v1, v4;
	_ =	sdelay $0x1  }
0x6b: {  	v3 =	vadd.s32 v1, v3;
	_ =	sdelay $0x1  }
0x6c: {  	s26 =	simm.s32 $0x5100  }
0x6d: {  	[tilespmem:s26], [sflag:$0x1] =	stream.indirect_vreg.gather [hbm4b:s3+s2], $0x80, v4, vm0, $0xb8;
	[tilespmem:$0x10100] =	vst v63  }
0x6e: {  	s26 =	simm.s32 $0x5900  }
0x6f: {  	[tilespmem:s26], [sflag:$0x1] =	stream.indirect_vreg.gather [hbm4b:s3+s2], $0x80, v3, vm0, $0xb8;
	[tilespmem:$0x10100] =	vst v63  }
0x70: {  	v3 =	vld [tilespmem:$0x60];
	_ =	sdelay $0x4  }
0x71: {  	v54 =	vshll.u32 v3, $0x1  }
0x72: {  	v3 =	vand.u32 $0x7, v3;
	v4 =	vand.u32 $0xFFFFFFF0, v54  }
0x73: {  	v3 =	vor.u32 v3, v4  }
0x74: {  	v4 =	vperm.xlane v3, v0;
	_ =	sdelay $0x1  }
0x75: {  	v3 =	vperm.xlane v3, v2;
	v4 =	vadd.s32 v1, v4;
	_ =	sdelay $0x1  }
0x76: {  	v3 =	vadd.s32 v1, v3;
	_ =	sdelay $0x1  }
0x77: {  	s26 =	simm.s32 $0x6100  }
0x78: {  	[tilespmem:s26], [sflag:$0x1] =	stream.indirect_vreg.gather [hbm4b:s3+s2], $0x80, v4, vm0, $0xb8;
	[tilespmem:$0x10100] =	vst v63  }
0x79: {  	s26 =	simm.s32 $0x6900  }
0x7a: {  	[tilespmem:s26], [sflag:$0x1] =	stream.indirect_vreg.gather [hbm4b:s3+s2], $0x80, v3, vm0, $0xb8;
	[tilespmem:$0x10100] =	vst v63  }
0x7b: {  	v3 =	vld [tilespmem:$0x70];
	_ =	sdelay $0x4  }
0x7c: {  	v55 =	vshll.u32 v3, $0x1  }
0x7d: {  	v3 =	vand.u32 $0x7, v3;
	v4 =	vand.u32 $0xFFFFFFF0, v55  }
0x7e: {  	v3 =	vor.u32 v3, v4  }
0x7f: {  	v4 =	vperm.xlane v3, v0;
	_ =	sdelay $0x1  }
0x80: {  	v3 =	vperm.xlane v3, v2;
	v4 =	vadd.s32 v1, v4;
	_ =	sdelay $0x1  }
0x81: {  	v3 =	vadd.s32 v1, v3;
	_ =	sdelay $0x1  }
0x82: {  	s26 =	simm.s32 $0x7100  }
0x83: {  	[tilespmem:s26], [sflag:$0x1] =	stream.indirect_vreg.gather [hbm4b:s3+s2], $0x80, v4, vm0, $0xb8;
	[tilespmem:$0x10100] =	vst v63  }
0x84: {  	s26 =	simm.s32 $0x7900  }
0x85: {  	[tilespmem:s26], [sflag:$0x1] =	stream.indirect_vreg.gather [hbm4b:s3+s2], $0x80, v3, vm0, $0xb8;
	[tilespmem:$0x10100] =	vst v63  }
0x86: {  	v3 =	vld [tilespmem:$0x80];
	_ =	sdelay $0x4  }
0x87: {  	v56 =	vshll.u32 v3, $0x1  }
0x88: {  	v3 =	vand.u32 $0x7, v3;
	v4 =	vand.u32 $0xFFFFFFF0, v56  }
0x89: {  	v3 =	vor.u32 v3, v4  }
0x8a: {  	v4 =	vperm.xlane v3, v0;
	_ =	sdelay $0x1  }
0x8b: {  	v3 =	vperm.xlane v3, v2;
	v4 =	vadd.s32 v1, v4;
	_ =	sdelay $0x1  }
0x8c: {  	v3 =	vadd.s32 v1, v3;
	_ =	sdelay $0x2  }
0x8d: {  	[tilespmem:s29], [sflag:$0x2] =	stream.indirect_vreg.gather [hbm4b:s3+s2], $0x80, v4, vm0, $0xb8;
	[tilespmem:$0x10100] =	vst v63  }
0x8e: {  	_ = 	snop  }
0x8f: {  	[tilespmem:s30], [sflag:$0x2] =	stream.indirect_vreg.gather [hbm4b:s3+s2], $0x80, v3, vm0, $0xb8;
	[tilespmem:$0x10100] =	vst v63  }
0x90: {  	v3 =	vld [tilespmem:$0x90];
	_ =	sdelay $0x4  }
0x91: {  	v57 =	vshll.u32 v3, $0x1  }
0x92: {  	v3 =	vand.u32 $0x7, v3;
	v4 =	vand.u32 $0xFFFFFFF0, v57  }
0x93: {  	v3 =	vor.u32 v3, v4  }
0x94: {  	v4 =	vperm.xlane v3, v0;
	_ =	sdelay $0x1  }
0x95: {  	v3 =	vperm.xlane v3, v2;
	v4 =	vadd.s32 v1, v4;
	_ =	sdelay $0x1  }
0x96: {  	v3 =	vadd.s32 v1, v3;
	_ =	sdelay $0x2  }
0x97: {  	[tilespmem:s31], [sflag:$0x2] =	stream.indirect_vreg.gather [hbm4b:s3+s2], $0x80, v4, vm0, $0xb8;
	[tilespmem:$0x10100] =	vst v63  }
0x98: {  	_ = 	snop  }
0x99: {  	[tilespmem:s0], [sflag:$0x2] =	stream.indirect_vreg.gather [hbm4b:s3+s2], $0x80, v3, vm0, $0xb8;
	[tilespmem:$0x10100] =	vst v63  }
0x9a: {  	v3 =	vld [tilespmem:$0xA0];
	_ =	sdelay $0x4  }
0x9b: {  	v58 =	vshll.u32 v3, $0x1  }
0x9c: {  	v3 =	vand.u32 $0x7, v3;
	v4 =	vand.u32 $0xFFFFFFF0, v58  }
0x9d: {  	v3 =	vor.u32 v3, v4  }
0x9e: {  	v4 =	vperm.xlane v3, v0;
	_ =	sdelay $0x1  }
0x9f: {  	v3 =	vperm.xlane v3, v2;
	v4 =	vadd.s32 v1, v4;
	_ =	sdelay $0x1  }
0xa0: {  	v3 =	vadd.s32 v1, v3;
	_ =	sdelay $0x2  }
0xa1: {  	[tilespmem:s1], [sflag:$0x2] =	stream.indirect_vreg.gather [hbm4b:s3+s2], $0x80, v4, vm0, $0xb8;
	[tilespmem:$0x10100] =	vst v63  }
0xa2: {  	_ = 	snop  }
0xa3: {  	[tilespmem:s5], [sflag:$0x2] =	stream.indirect_vreg.gather [hbm4b:s3+s2], $0x80, v3, vm0, $0xb8;
	[tilespmem:$0x10100] =	vst v63  }
0xa4: {  	v3 =	vld [tilespmem:$0xB0];
	_ =	sdelay $0x4  }
0xa5: {  	v59 =	vshll.u32 v3, $0x1  }
0xa6: {  	v3 =	vand.u32 $0x7, v3;
	v4 =	vand.u32 $0xFFFFFFF0, v59  }
0xa7: {  	v3 =	vor.u32 v3, v4  }
0xa8: {  	v4 =	vperm.xlane v3, v0;
	_ =	sdelay $0x1  }
0xa9: {  	v3 =	vperm.xlane v3, v2;
	v4 =	vadd.s32 v1, v4;
	_ =	sdelay $0x1  }
0xaa: {  	v3 =	vadd.s32 v1, v3;
	_ =	sdelay $0x2  }
0xab: {  	[tilespmem:s4], [sflag:$0x2] =	stream.indirect_vreg.gather [hbm4b:s3+s2], $0x80, v4, vm0, $0xb8;
	[tilespmem:$0x10100] =	vst v63  }
0xac: {  	_ = 	snop  }
0xad: {  	[tilespmem:s8], [sflag:$0x2] =	stream.indirect_vreg.gather [hbm4b:s3+s2], $0x80, v3, vm0, $0xb8;
	[tilespmem:$0x10100] =	vst v63  }
0xae: {  	v3 =	vld [tilespmem:$0xC0];
	_ =	sdelay $0x4  }
0xaf: {  	v60 =	vshll.u32 v3, $0x1  }
0xb0: {  	v3 =	vand.u32 $0x7, v3;
	v4 =	vand.u32 $0xFFFFFFF0, v60  }
0xb1: {  	v3 =	vor.u32 v3, v4  }
0xb2: {  	v4 =	vperm.xlane v3, v0;
	_ =	sdelay $0x1  }
0xb3: {  	v3 =	vperm.xlane v3, v2;
	v4 =	vadd.s32 v1, v4;
	_ =	sdelay $0x1  }
0xb4: {  	v3 =	vadd.s32 v1, v3;
	_ =	sdelay $0x2  }
0xb5: {  	[tilespmem:s9], [sflag:$0x2] =	stream.indirect_vreg.gather [hbm4b:s3+s2], $0x80, v4, vm0, $0xb8;
	[tilespmem:$0x10100] =	vst v63  }
0xb6: {  	_ = 	snop  }
0xb7: {  	[tilespmem:s11], [sflag:$0x2] =	stream.indirect_vreg.gather [hbm4b:s3+s2], $0x80, v3, vm0, $0xb8;
	[tilespmem:$0x10100] =	vst v63  }
0xb8: {  	v3 =	vld [tilespmem:$0xD0];
	_ =	sdelay $0x4  }
0xb9: {  	v61 =	vshll.u32 v3, $0x1  }
0xba: {  	v3 =	vand.u32 $0x7, v3;
	v4 =	vand.u32 $0xFFFFFFF0, v61  }
0xbb: {  	v3 =	vor.u32 v3, v4  }
0xbc: {  	v4 =	vperm.xlane v3, v0;
	_ =	sdelay $0x1  }
0xbd: {  	v3 =	vperm.xlane v3, v2;
	v4 =	vadd.s32 v1, v4;
	_ =	sdelay $0x1  }
0xbe: {  	v3 =	vadd.s32 v1, v3;
	_ =	sdelay $0x2  }
0xbf: {  	[tilespmem:s13], [sflag:$0x2] =	stream.indirect_vreg.gather [hbm4b:s3+s2], $0x80, v4, vm0, $0xb8;
	[tilespmem:$0x10100] =	vst v63  }
0xc0: {  	_ = 	snop  }
0xc1: {  	[tilespmem:s14], [sflag:$0x2] =	stream.indirect_vreg.gather [hbm4b:s3+s2], $0x80, v3, vm0, $0xb8;
	[tilespmem:$0x10100] =	vst v63  }
0xc2: {  	v3 =	vld [tilespmem:$0xE0];
	_ =	sdelay $0x4  }
0xc3: {  	v62 =	vshll.u32 v3, $0x1  }
0xc4: {  	v3 =	vand.u32 $0x7, v3;
	v4 =	vand.u32 $0xFFFFFFF0, v62  }
0xc5: {  	v3 =	vor.u32 v3, v4  }
0xc6: {  	v4 =	vperm.xlane v3, v0;
	_ =	sdelay $0x1  }
0xc7: {  	v3 =	vperm.xlane v3, v2;
	v4 =	vadd.s32 v1, v4;
	_ =	sdelay $0x1  }
0xc8: {  	v3 =	vadd.s32 v1, v3;
	_ =	sdelay $0x2  }
0xc9: {  	[tilespmem:s15], [sflag:$0x2] =	stream.indirect_vreg.gather [hbm4b:s3+s2], $0x80, v4, vm0, $0xb8;
	[tilespmem:$0x10100] =	vst v63  }
0xca: {  	_ = 	snop  }
0xcb: {  	[tilespmem:s16], [sflag:$0x2] =	stream.indirect_vreg.gather [hbm4b:s3+s2], $0x80, v3, vm0, $0xb8;
	[tilespmem:$0x10100] =	vst v63  }
0xcc: {  	v3 =	vld [tilespmem:$0xF0];
	_ =	sdelay $0x4  }
0xcd: {  	v63 =	vshll.u32 v3, $0x1  }
0xce: {  	v3 =	vand.u32 $0x7, v3;
	v4 =	vand.u32 $0xFFFFFFF0, v63  }
0xcf: {  	v3 =	vor.u32 v3, v4  }
0xd0: {  	v4 =	vperm.xlane v3, v0;
	_ =	sdelay $0x1  }
0xd1: {  	v3 =	vperm.xlane v3, v2;
	v4 =	vadd.s32 v1, v4;
	_ =	sdelay $0x1  }
0xd2: {  	v3 =	vadd.s32 v1, v3;
	_ =	sdelay $0x2  }
0xd3: {  	[tilespmem:s17], [sflag:$0x2] =	stream.indirect_vreg.gather [hbm4b:s3+s2], $0x80, v4, vm0, $0xb8;
	[tilespmem:$0x10100] =	vst v63  }
0xd4: {  	_ = 	snop  }
0xd5: {  	[tilespmem:s18], [sflag:$0x2] =	stream.indirect_vreg.gather [hbm4b:s3+s2], $0x80, v3, vm0, $0xb8;
	[tilespmem:$0x10100] =	vst v63  }
0xd6: {  	_ =	swait.ge [sflag:s19], $0x8000  }
0xd7: {  	[sflag:s19] =	ssyncset.done $0x0  }
0xd8: {  	[sflag:s19] =	ssyncadd.s32 $0xFFFF8000  }
0xd9: {  	_ =	swait.ge [sflag:s20], $0x8000  }
0xda: {  	[sflag:s20] =	ssyncset.done $0x0  }
0xdb: {  	[sflag:s20] =	ssyncadd.s32 $0xFFFF8000  }
0xdc: {  	[hbm4b:s23+s2] =	stream.linear.scatter [tilespmem:s12], [sflag:$0x4], $0x8000, $0x38;
	[tilespmem:$0x10100] =	vst v63  }
0xdd: {  	_ =	swait.ge [sflag:s10], $0x8000  }
0xde: {  	[sflag:s10] =	ssyncset.done $0x0  }
.Ltmp5:
0xdf: {  	[sflag:s10] =	ssyncadd.s32 $0xFFFF8000;
	(pc) =	sbr.rel .LBB2_4-.Ltmp5, $4  }
0xe0: {  	[hbm4b:s24+s2] =	stream.linear.scatter [tilespmem:s29], [sflag:$0x3], $0x8000, $0x38;
	[tilespmem:$0x10100] =	vst v63  }
0xe1: {  	_ =	swait.ge [sflag:s21], $0x8000  }
0xe2: {  	[sflag:s21] =	ssyncset.done $0x0  }
0xe3: {  	[sflag:s21] =	ssyncadd.s32 $0xFFFF8000  }
.LBB2_6:
0xe4: {  	_ =	sfence.sel $0x180000  }
0xe5: {  	[bflag:$0x0] =	sbarrier.arrive $0xFFFF  }
0xe6: {  	_ =	strace $0x9000004A  }
0xe7: {  	s0 =	stileid.u32;
	[bflag:$0x2] =	sbarrier.arrive $0xFFFF  }
0xe8: {  	p0 =	sne.s32 s0, $0x0;
	s0 =	rddreg [dreg:$0x2]  }
0xe9: {  	s0 =	sadd.s32 @!p0 $0x100000, s0  }
0xea: {  	[sflag:s0] =	ssyncadd.tile.s32 @!p0 $0x1;
	_ =	shalt  }
.Lfunc_end2:
_tile_overlayer_lowered:
.L_overlay_start_2:
0xeb: {  	(tag) =	ssettag $0x2  }
0xec: {  	s0 =	rddreg [dreg:$0x0];
	s2 =	stileid.u32  }
0xed: {  	s1 =	rddreg [dreg:$0x1];
	p0 =	sne.s32 s2, $0x0  }
0xee: {  	s3 =	rddreg [dreg:$0x2];
	[bflag:$0x3] =	sbarrier.arrive $0xFFFF;
	s2 =	simm.s32 @!p0 $0x1C03  }
0xef: {  	[timem:s3], [sflag:s2] =	dma.local @!p0 [hbm:s0], s1  }
0xf0: {  	s0 =	simm.s32 @!p0 $0x3  }
0xf1: {  	_ =	swait.ge @!p0 [sflag:s0], s1  }
0xf2: {  	s1 =	ssub.s32 @!p0 $0x0, s1;
	[sflag:s0] =	ssyncset.done @!p0 $0x0  }
0xf3: {  	[sflag:s0] =	ssyncadd.s32 @!p0 s1  }
0xf4: {  	[bflag:$0x3] =	sbarrier.arrive $0xFFFF  }
0xf5: {  	_ =	shalt  }

// kernel: kernel.48.cloned.1.call-start
scs
__scs_entry_jumppad:
0x0: {  	(pc) =	sbr.rel $0x88, $3  }
0x1: {  	(tag) =	ssettag $0x0;
	lr =	simm.s32 $0x1  }
0x2: {  	[smem:$0x3F5D] =	sst lr;
	_ =	strace $0xD0000000  }
0x3: {  	_ = 	snop  }
0x4: {  	_ = 	snop  }
0x5: {  	_ = 	snop  }
0x6: {  	_ = 	snop  }
0x7: {  	_ = 	snop  }
__scs_overlays_trampoline_lowered:
0x8: {  	[smem:$0x3F6C] =	sst s0  }
0x9: {  	[smem:$0x3F6D] =	sst s1  }
0xa: {  	[smem:$0x3F6E] =	sst s2  }
0xb: {  	[smem:$0x3F6F] =	sst s3  }
0xc: {  	[smem:$0x3F70] =	sst s4  }
0xd: {  	[smem:$0x3F71] =	sst s5  }
0xe: {  	[smem:$0x3F72] =	sst s6  }
0xf: {  	[smem:$0x3F73] =	sst s7  }
0x10: {  	[smem:$0x3F74] =	sst s8  }
0x11: {  	[smem:$0x3F75] =	sst s9;
	s0 =	simm.s32 @!p0 $0x0  }
0x12: {  	s1 =	sld [smem:$0x3F5B];
	s0 =	simm.s32 @p0 $0x1  }
0x13: {  	[smem:$0x3F76] =	sst s0;
	s0 =	simm.s32 @!p1 $0x0  }
0x14: {  	s2 =	sld [smem:$0x3F5A];
	s0 =	simm.s32 @p1 $0x1  }
0x15: {  	[smem:$0x3F77] =	sst s0;
	s0 =	simm.s32 @!p2 $0x0  }
0x16: {  	s3 =	sld [smem:$0x3FDB];
	s0 =	simm.s32 @p2 $0x1  }
0x17: {  	s4 =	simm.s32 $0x1BF5;
	[smem:$0x3F79] =	sst s0  }
0x18: {  	s0 =	sld [smem:$0x3F5C];
	_ =	swait.ge [sflag:s4], $0x0  }
0x19: {  	s7 =	sld [smem:$0x3F5D]  }
0x1a: {  	s8 =	sadd.s32 $0xFFFFE003, lr  }
0x1b: {  	s9 =	sadd.s32 $0xFFFFFEF7, lr;
	s5 =	simm.s32 $0xFFFFFFFF;
	p2 =	slt.u32 s8, $0xFFFFF086  }
0x1c: {  	p1 =	slt.u32 s9, $0xF7A;
	s5 =	simm.s32 @!p2 $0x0  }
0x1d: {  	s5 =	simm.s32 @p1 $0x1;
	p0 =	seq.s32 s7, s2  }
0x1e: {  	s7 =	smul.u32 @!p0 $0xF7A, s2;
	p2 =	seq.s32 @!p0 s5, $0x0  }
0x1f: {  	s9 =	smul.u32 $0xF7A, s1;
	s8 =	simm.s32 @!p0 $0x1BF5;
	p2 =	por !p2, p0  }
0x20: {  	[sflag:s8] =	ssyncset.s32 @!p0 $0xFFFFF086;
	s6 =	sadd.s32 @!p0 s3, s7;
	s7 =	simm.s32 @!p0 $0x108  }
0x21: {  	s3 =	sadd.s32 s3, s9;
	s6 =	sadd.s32 @!p0 $0x88, s6;
	s7 =	simm.s32 @p2 $0x1082  }
0x22: {  	[simem:s7], [sflag:s8] =	dma.local @!p0 [hbm:s6], $0xF7A  }
0x23: {  	s9 =	sor.u32 $0xD0000000, s2;
	s6 =	simm.s32 $0x108;
	_ =	swait.ge @!p0 [sflag:s8], $0x0  }
0x24: {  	s3 =	sadd.s32 $0x88, s3;
	s6 =	simm.s32 @!p1 $0x1082;
	[sflag:s4] =	ssyncset.s32 $0xFFFFF086  }
0x25: {  	[simem:s6], [sflag:s4] =	dma.local [hbm:s3], $0xF7A  }
0x26: {  	[smem:$0x3F5D] =	sst s1;
	(tag) =	ssettag s2;
	_ =	strace s9  }
0x27: {  	s1 =	sld [smem:$0x3F6D]  }
0x28: {  	s2 =	sld [smem:$0x3F6E]  }
0x29: {  	s4 =	sld [smem:$0x3F70]  }
0x2a: {  	p0 =	seq.s32 s5, $0x0;
	s5 =	sld [smem:$0x3F71]  }
0x2b: {  	s6 =	sld [smem:$0x3F72]  }
0x2c: {  	s7 =	sld [smem:$0x3F73]  }
0x2d: {  	s3 =	simm.s32 $0x108;
	s8 =	sld [smem:$0x3F74]  }
0x2e: {  	s3 =	simm.s32 @!p0 $0x1082;
	s9 =	sld [smem:$0x3F75]  }
0x2f: {  	lr =	sadd.s32 s0, s3;
	s0 =	sld [smem:$0x3F6C]  }
0x30: {  	s3 =	sld [smem:$0x3F6F]  }
0x31: {  	[smem:$0x3F78] =	sst s10  }
0x32: {  	s10 =	sld [smem:$0x3F76];
	_ =	sdelay $0x3  }
0x33: {  	p0 =	seq.s32 s10, $0x1;
	s10 =	sld [smem:$0x3F78];
	_ =	sdelay $0x3  }
0x34: {  	[smem:$0x3F78] =	sst s10  }
0x35: {  	s10 =	sld [smem:$0x3F77];
	_ =	sdelay $0x3  }
0x36: {  	p1 =	seq.s32 s10, $0x1;
	s10 =	sld [smem:$0x3F78];
	_ =	sdelay $0x3  }
0x37: {  	[smem:$0x3F78] =	sst s10  }
0x38: {  	s10 =	sld [smem:$0x3F79]  }
0x39: {  	_ = 	snop;
	(pc) =	sbr.ind lr, $3  }
0x3a: {  	_ = 	snop  }
0x3b: {  	_ = 	snop  }
0x3c: {  	p2 =	seq.s32 s10, $0x1;
	s10 =	sld [smem:$0x3F78]  }
0x3d: {  	_ =	shalt  }
0x3e: {  	_ =	shalt  }
0x3f: {  	_ =	shalt  }
0x40: {  	_ =	shalt  }
0x41: {  	_ =	shalt  }
0x42: {  	_ =	shalt  }
0x43: {  	_ =	shalt  }
0x44: {  	_ =	shalt  }
0x45: {  	_ =	shalt  }
0x46: {  	_ =	shalt  }
0x47: {  	_ =	shalt  }
0x48: {  	_ =	shalt  }
0x49: {  	_ =	shalt  }
0x4a: {  	_ =	shalt  }
0x4b: {  	_ =	shalt  }
0x4c: {  	_ =	shalt  }
0x4d: {  	_ =	shalt  }
0x4e: {  	_ =	shalt  }
0x4f: {  	_ =	shalt  }
0x50: {  	_ =	shalt  }
0x51: {  	_ =	shalt  }
0x52: {  	_ =	shalt  }
0x53: {  	_ =	shalt  }
0x54: {  	_ =	shalt  }
0x55: {  	_ =	shalt  }
0x56: {  	_ =	shalt  }
0x57: {  	_ =	shalt  }
0x58: {  	_ =	shalt  }
0x59: {  	_ =	shalt  }
0x5a: {  	_ =	shalt  }
0x5b: {  	_ =	shalt  }
0x5c: {  	_ =	shalt  }
0x5d: {  	_ =	shalt  }
0x5e: {  	_ =	shalt  }
0x5f: {  	_ =	shalt  }
0x60: {  	_ =	shalt  }
0x61: {  	_ =	shalt  }
0x62: {  	_ =	shalt  }
0x63: {  	_ =	shalt  }
0x64: {  	_ =	shalt  }
0x65: {  	_ =	shalt  }
0x66: {  	_ =	shalt  }
0x67: {  	_ =	shalt  }
0x68: {  	_ =	shalt  }
0x69: {  	_ =	shalt  }
0x6a: {  	_ =	shalt  }
0x6b: {  	_ =	shalt  }
0x6c: {  	_ =	shalt  }
0x6d: {  	_ =	shalt  }
0x6e: {  	_ =	shalt  }
0x6f: {  	_ =	shalt  }
0x70: {  	_ =	shalt  }
0x71: {  	_ =	shalt  }
0x72: {  	_ =	shalt  }
0x73: {  	_ =	shalt  }
0x74: {  	_ =	shalt  }
0x75: {  	_ =	shalt  }
0x76: {  	_ =	shalt  }
0x77: {  	_ =	shalt  }
0x78: {  	_ =	shalt  }
0x79: {  	_ =	shalt  }
0x7a: {  	_ =	shalt  }
0x7b: {  	_ =	shalt  }
0x7c: {  	_ =	shalt  }
0x7d: {  	_ =	shalt  }
0x7e: {  	_ =	shalt  }
0x7f: {  	_ =	shalt  }
0x80: {  	_ =	shalt  }
0x81: {  	_ =	shalt  }
0x82: {  	_ =	shalt  }
0x83: {  	_ =	shalt  }
0x84: {  	_ =	shalt  }
0x85: {  	_ =	shalt  }
0x86: {  	_ =	shalt  }
0x87: {  	_ =	shalt  }
.Lfunc_end0:
.L_simem_size_0:
called_computation.6_lowered:
.L_overlay_start_0:
0x88: {  	s2 =	sld [smem:$0x3FD9]  }
0x89: {  	s3 =	sld [smem:$0x3FFE];
	_ =	sdelay $0x1  }
0x8a: {  	s1 =	srdreg.scid  }
0x8b: {  	s0 =	sand.u32 $0x1, s1  }
0x8c: {  	s15 =	sshll.u32 s0, $0xA;
	s2 =	sadd.s32 s3, s2  }
0x8d: {  	s2 =	sadd.s32 s2, s15  }
0x8e: {  	[smem:$0x3F84] =	sst s2  }
0x8f: {  	_ = 	snop  }
0x90: {  	s2 =	sld [smem:$0x3FD0];
	_ =	sdelay $0x2  }
0x91: {  	s4 =	simm.s32 $0xC;
	s16 =	simm.s32 $0x10  }
0x92: {  	[smem:s16], [sflag:s4] =	dma.local [hbm:s2], $0x1  }
0x93: {  	_ =	swait.eq [sflag:s4], $0x1  }
0x94: {  	[sflag:s4] =	ssyncset.done $0x0  }
0x95: {  	s17 =	sld [smem:$0x12];
	[sflag:s4] =	ssyncadd.s32 $0xFFFFFFFF  }
0x96: {  	s18 =	sld [smem:$0x13];
	(tm) =	ssettm $0x1  }
0x97: {  	s19 =	sld [smem:$0x3FFB];
	_ =	sdelay $0x3  }
0x98: {  	_ =	strace s19  }
0x99: {  	s2 =	sld [smem:$0x3FFC];
	_ =	sdelay $0x3  }
0x9a: {  	_ =	strace s2  }
0x9b: {  	s2 =	sld [smem:$0x3FFD];
	_ =	sdelay $0x3  }
0x9c: {  	_ =	strace s2  }
0x9d: {  	_ =	strace $0x8FFFFFFF  }
0x9e: {  	s20 =	sld [smem:$0x3FDB];
	_ =	sdelay $0x1  }
0x9f: {  	s5 =	simm.s32 $_scs_section_size  }
0xa0: {  	s6 =	simm.s32 $_size__tile_overlayer_lowered;
	s7 =	simm.s32 $_tile_overlayer_lowered  }
0xa1: {  	s8 =	simm.s32 $0x1BFF;
	s21 =	sshll.u32 s7, $0x1;
	s5 =	sadd.s32 s5, s20  }
0xa2: {  	s22 =	simm.s32 $0x0;
	s6 =	sshll.u32 s6, $0x1;
	s7 =	sadd.s32 s21, s5  }
0xa3: {  	[timem:s22], [sflag:s8] =	dma.local [hbm:s7], s6  }
0xa4: {  	_ =	swait.ge [sflag:s8], s6  }
0xa5: {  	s6 =	ssub.s32 $0x0, s6;
	[sflag:s8] =	ssyncset.done $0x0  }
0xa6: {  	[sflag:s8] =	ssyncadd.s32 s6;
	_ =	sdelay $0x1  }
0xa7: {  	s23 =	simm.s32 $0x1B8B  }
0xa8: {  	_ =	swait.ge [sflag:s23], $0x1  }
0xa9: {  	[sflag:s23] =	ssyncset.done $0x0  }
0xaa: {  	[sflag:s23] =	ssyncadd.s32 $0xFFFFFFFF  }
0xab: {  	s6 =	sld [smem:$0x0]  }
0xac: {  	s7 =	sand.u32 $0xFFFFFFFE, s1  }
0xad: {  	p0 =	sne.s32 s1, s7  }
0xae: {  	s7 =	sshll.u32 @p0 s7, $0xE  }
0xaf: {  	s7 =	sadd.s32 @p0 $0x11B8D, s7;
	s8 =	sshll.u32 @p0 s6, $0x11  }
0xb0: {  	s7 =	sor.u32 @p0 s8, s7  }
0xb1: {  	[sflag:s7] =	ssyncadd.remote.s32 @p0 $0x1;
	_ =	sdelay $0x1  }
0xb2: {  	s7 =	simm.s32 @p0 $0x1B8D  }
0xb3: {  	_ =	swait.eq @p0 [sflag:s7], $0x1  }
0xb4: {  	[sflag:s7] =	ssyncadd.s32 @p0 $0xFFFFFFFF  }
0xb5: {  	s8 =	sshll.u32 @!p0 s1, $0xE  }
0xb6: {  	s8 =	sor.u32 @!p0 $0x4000, s8;
	s7 =	simm.s32 @!p0 $0x1B8D  }
0xb7: {  	s6 =	sshll.u32 @!p0 s6, $0x11;
	s8 =	sadd.s32 @!p0 $0x11B8D, s8;
	_ =	swait.eq @!p0 [sflag:s7], $0x1  }
0xb8: {  	s6 =	sor.u32 @!p0 s6, s8;
	[sflag:s7] =	ssyncadd.s32 @!p0 $0xFFFFFFFF  }
0xb9: {  	s25 =	simm.s32 $0x1B8E;
	s24 =	sld [smem:$0x3FFE];
	[sflag:s6] =	ssyncadd.remote.s32 @!p0 $0x1  }
0xba: {  	s26 =	simm.s32 $execute0_lowered;
	[smem:$0x3FD2] =	sst s25  }
0xbb: {  	s7 =	sshll.u32 s26, $0x1;
	_ =	strace $0x80000052;
	[dreg:$0x1] =	wrdreg $0xFFFFFFFF  }
0xbc: {  	s28 =	simm.s32 $_size_execute0_lowered;
	s5 =	sadd.s32 s5, s7;
	[dreg:$0x0] =	wrdreg $0x0  }
0xbd: {  	s7 =	sshll.u32 s28, $0x1;
	[dreg:$0x2] =	wrdreg s5  }
0xbe: {  	[dreg:$0x3] =	wrdreg s7  }
0xbf: {  	[dreg:$0x4] =	wrdreg $0xC0  }
0xc0: {  	_ =	task [dreg:s22], $0x5FFFF  }
0xc1: {  	[dreg:$0x1] =	wrdreg $0xFFFFFFFF  }
0xc2: {  	[dreg:$0x0] =	wrdreg $0x60  }
0xc3: {  	[dreg:$0x2] =	wrdreg s24  }
0xc4: {  	[dreg:$0x3] =	wrdreg s17  }
0xc5: {  	[dreg:$0x4] =	wrdreg s18  }
0xc6: {  	[dreg:$0x5] =	wrdreg $0x41000  }
0xc7: {  	[dreg:$0x6] =	wrdreg $0xB  }
0xc8: {  	_ =	task.clear_ibuf [dreg:s22], $0x7FFFF;
	_ =	strace $0x90000052  }
0xc9: {  	s29 =	simm.s32 $0xB;
	_ =	strace $0x80000054  }
0xca: {  	_ =	swait.ge [sflag:s29], $0x1  }
0xcb: {  	[sflag:s29] =	ssyncadd.s32 $0xFFFFFFFF  }
0xcc: {  	_ =	strace $0x90000054  }
0xcd: {  	_ =	sfence  }
0xce: {  	s30 =	sld [smem:$0x0];
	_ =	sdelay $0x2  }
0xcf: {  	s31 =	sshll.u32 s1, $0xD;
	s1 =	sshrl.u32 s1, $0x2  }
0xd0: {  	s4 =	sand.u32 $0x4000, s31;
	s1 =	sadd.s32 s1, s30  }
0xd1: {  	s0 =	sor.u32 s4, s0;
	s1 =	sshll.u32 s1, $0x11  }
0xd2: {  	s0 =	sor.u32 s1, s0  }
0xd3: {  	s0 =	sadd.s32 $0x8F2B, s0  }
0xd4: {  	[sflag:s0] =	ssyncadd.remote.s32 $0x1  }
0xd5: {  	_ =	sfence.sel $0xFFFF  }
0xd6: {  	[dreg:$0x0] =	wrdreg $0xFFFFFFFF;
	(pc) =	sbr.abs _section_cstart, $3  }
0xd7: {  	[dreg:$0x1] =	wrdreg $0xFFFFFFFF  }
0xd8: {  	_ =	task.clear_ibuf [dreg:s22], $0x2FFFF;
	_ =	strace $0x9FFFFFFF  }
0xd9: {  	(tm) =	ssettm $0x7FFFFFFF  }
tec
execute0_lowered:
.L_overlay_start_1:
0x0: {  	(tag) =	ssettag $0x1  }
0x1: {  	s6 =	rddreg [dreg:$0x0]  }
0x2: {  	s7 =	rddreg [dreg:$0x1]  }
0x3: {  	s10 =	rddreg [dreg:$0x2];
	s0 =	srdreg.scid  }
0x4: {  	s2 =	rddreg [dreg:$0x3];
	s1 =	stileid.u32  }
0x5: {  	s3 =	simm.s32 $0x0;
	s8 =	sand.u32 $0x1, s0;
	s0 =	rddreg [dreg:$0x4]  }
0x6: {  	s9 =	smul.u32 $0x14000, s1;
	[smem:$0x7FF] =	sst s3;
	s4 =	sadd.s32 $0xA7CA00, s6  }
0x7: {  	s12 =	smul.u32 $0x50000, s1;
	s29 =	sshll.u32 s1, $0x6;
	s30 =	sshll.u32 s1, $0x4  }
0x8: {  	s31 =	sshll.u32 s1, $0x5;
	s5 =	smul.u32 $0x140000, s8;
	_ =	strace $0x80000053  }
0x9: {  	s11 =	ssub.s32 $0x2, s8;
	s14 =	sshll.u32 s8, $0x4;
	s7 =	sadd.s32 s30, s7  }
0xa: {  	s10 =	sadd.s32 s31, s10;
	s26 =	sshrl.u32 s11, $0x1;
	s28 =	sshrl.u32 s12, $0x2  }
0xb: {  	s10 =	sadd.s32 s14, s10;
	s12 =	simm.s32 $0x2;
	s5 =	sadd.s32 s9, s5  }
0xc: {  	s11 =	ssub.s32 s11, s26;
	s13 =	sadd.s32 s28, s2;
	s9 =	sshrl.u32 s5, $0x3  }
0xd: {  	s5 =	sadd.s32 $0x15A00, s6;
	s9 =	sadd.s32 s9, s6;
	s6 =	sor.u32 $0x1C02, s29  }
0xe: {  	s8 =	sadd.s32 $0x1440A00, s9;
	s9 =	smax.u32 s11, $0x1;
	s11 =	sshrl.u32 s13, $0x3  }
.LBB2_1:
0xf: {  	[spmem:s11], [sflag:s6] =	dma.local [hbm:s5], $0x2800  }
0x10: {  	_ =	swait.ge [sflag:s12], $0x2800  }
0x11: {  	s13 =	sadd.s32 $0x0, s1;
	[sflag:s12] =	ssyncset.done $0x0  }
0x12: {  	p0 =	sgt.u32 s13, $0x9C3;
	[sflag:s12] =	ssyncadd.s32 $0xFFFFD800  }
0x13: {  	s13 =	simm.s32 @!p0 $0x0;
	s14 =	simm.s32 @!p0 $0x3;
	[bflag:$0x0] =	sbarrier.arrive $0xFFFF  }
0x14: {  	[tilespmem:s13], [sflag:$0x3] =	stream.linear.gather @!p0 [hbm4b:s7+s13], $0x80, $0x38;
	[tilespmem:$0x18100] =	vst v63  }
0x15: {  	_ =	swait.ge @!p0 [sflag:s14], $0x80  }
0x16: {  	[sflag:s14] =	ssyncset.done @!p0 $0x0;
	p0 =	por p0, p0  }
0x17: {  	[sflag:s14] =	ssyncadd.s32 @!p0 $0xFFFFFF80;
	s15 =	simm.s32 @!p0 $0x80  }
0x18: {  	[tilespmem:s15], [sflag:$0x3] =	stream.linear.gather @!p0 [hbm4b:s10+s13], $0x80, $0x38;
	[tilespmem:$0x18100] =	vst v63  }
0x19: {  	_ =	swait.ge @!p0 [sflag:s14], $0x80  }
0x1a: {  	[sflag:s14] =	ssyncset.done @!p0 $0x0  }
0x1b: {  	s17 =	simm.s32 @!p0 $0x100;
	s16 =	simm.s32 @!p0 $0x1;
	[sflag:s14] =	ssyncadd.s32 @!p0 $0xFFFFFF80  }
0x1c: {  	[tilespmem:s17], [sflag:$0x1] =	stream.indirect.gather @!p0 [hbm4b:s4+s15], $0x80, s15, s15, $0xb8;
	[tilespmem:$0x18100] =	vst v63  }
0x1d: {  	_ =	swait.ge @!p0 [sflag:s16], $0x4000  }
0x1e: {  	[sflag:s16] =	ssyncset.done @!p0 $0x0  }
0x1f: {  	s31 =	sadd.s32 $0x10, s1;
	[sflag:s16] =	ssyncadd.s32 @!p0 $0xFFFFC000;
	s16 =	simm.s32 @!p0 $0x2  }
0x20: {  	[spmem:s2] =	stream.indirect.scatter.add.f32 @!p0 [tilespmem:s17], [sflag:$0x2], $0x80, s13, s15, $0xb8;
	[tilespmem:$0x18100] =	vst v63  }
0x21: {  	p2 =	sgt.u32 s31, $0x9C3;
	s14 =	simm.s32 $0x20;
	_ =	swait.ge @!p0 [sflag:s16], $0x4000  }
0x22: {  	s13 =	sadd.s32 $0x200, s10;
	s15 =	sadd.s32 $0x100, s7;
	[sflag:s16] =	ssyncset.done @!p0 $0x0  }
.LBB2_2:
0x23: {  	s17 =	simm.s32 @!p2 $0x0;
	s18 =	simm.s32 @!p2 $0x3;
	[sflag:s16] =	ssyncadd.s32 @!p0 $0xFFFFC000  }
0x24: {  	[tilespmem:s17], [sflag:$0x3] =	stream.linear.gather @!p2 [hbm4b:s15+s17], $0x80, $0x38;
	[tilespmem:$0x18100] =	vst v63  }
0x25: {  	s19 =	smov.u32 s14;
	s14 =	sadd.s32 $0x10, s14;
	_ =	swait.ge @!p2 [sflag:s18], $0x80  }
0x26: {  	p0 =	por p2, p2;
	p1 =	sne.s32 s14, $0x9D0;
	[sflag:s18] =	ssyncset.done @!p2 $0x0  }
0x27: {  	s20 =	simm.s32 @!p0 $0x80;
	[sflag:s18] =	ssyncadd.s32 @!p0 $0xFFFFFF80  }
0x28: {  	[tilespmem:s20], [sflag:$0x3] =	stream.linear.gather @!p0 [hbm4b:s13+s17], $0x80, $0x38;
	[tilespmem:$0x18100] =	vst v63  }
0x29: {  	_ =	swait.ge @!p0 [sflag:s18], $0x80  }
0x2a: {  	[sflag:s18] =	ssyncset.done @!p0 $0x0  }
0x2b: {  	s16 =	simm.s32 @!p0 $0x1;
	[sflag:s18] =	ssyncadd.s32 @!p0 $0xFFFFFF80;
	s18 =	simm.s32 @!p0 $0x100  }
0x2c: {  	[tilespmem:s18], [sflag:$0x1] =	stream.indirect.gather @!p0 [hbm4b:s4+s20], $0x80, s20, s20, $0xb8;
	[tilespmem:$0x18100] =	vst v63  }
0x2d: {  	_ =	swait.ge @!p0 [sflag:s16], $0x4000  }
.Ltmp0:
0x2e: {  	[sflag:s16] =	ssyncset.done @!p0 $0x0;
	(pc) =	sbr.rel @p1 .LBB2_2-.Ltmp0, $4  }
0x2f: {  	[sflag:s16] =	ssyncadd.s32 @!p0 $0xFFFFC000;
	s16 =	simm.s32 @!p0 $0x2  }
0x30: {  	[spmem:s2] =	stream.indirect.scatter.add.f32 @!p0 [tilespmem:s18], [sflag:$0x2], $0x80, s17, s20, $0xb8;
	[tilespmem:$0x18100] =	vst v63  }
0x31: {  	s13 =	sadd.s32 $0x200, s13;
	s17 =	sadd.s32 s19, s1;
	_ =	swait.ge @!p0 [sflag:s16], $0x4000  }
0x32: {  	s15 =	sadd.s32 $0x100, s15;
	p2 =	sgt.u32 s17, $0x9C3;
	[sflag:s16] =	ssyncset.done @!p0 $0x0  }
0x33: {  	s14 =	simm.s32 @!p2 $0x0;
	s17 =	simm.s32 @!p2 $0x3;
	[sflag:s16] =	ssyncadd.s32 @!p0 $0xFFFFC000  }
0x34: {  	[tilespmem:s14], [sflag:$0x3] =	stream.linear.gather @!p2 [hbm4b:s15+s14], $0x80, $0x38;
	[tilespmem:$0x18100] =	vst v63  }
0x35: {  	_ =	swait.ge @!p2 [sflag:s17], $0x80  }
0x36: {  	p0 =	por p2, p2;
	[sflag:s17] =	ssyncset.done @!p2 $0x0  }
0x37: {  	s15 =	simm.s32 @!p0 $0x80;
	[sflag:s17] =	ssyncadd.s32 @!p0 $0xFFFFFF80  }
0x38: {  	[tilespmem:s15], [sflag:$0x3] =	stream.linear.gather @!p0 [hbm4b:s13+s14], $0x80, $0x38;
	[tilespmem:$0x18100] =	vst v63  }
0x39: {  	_ =	swait.ge @!p0 [sflag:s17], $0x80  }
0x3a: {  	[sflag:s17] =	ssyncset.done @!p0 $0x0  }
0x3b: {  	s16 =	simm.s32 @!p0 $0x1;
	s13 =	simm.s32 @!p0 $0x100;
	[sflag:s17] =	ssyncadd.s32 @!p0 $0xFFFFFF80  }
0x3c: {  	[tilespmem:s13], [sflag:$0x1] =	stream.indirect.gather @!p0 [hbm4b:s4+s15], $0x80, s15, s15, $0xb8;
	[tilespmem:$0x18100] =	vst v63  }
0x3d: {  	_ =	swait.ge @!p0 [sflag:s16], $0x4000  }
0x3e: {  	[sflag:s16] =	ssyncset.done @!p0 $0x0  }
0x3f: {  	[sflag:s16] =	ssyncadd.s32 @!p0 $0xFFFFC000;
	s16 =	simm.s32 @!p0 $0x2  }
0x40: {  	[spmem:s2] =	stream.indirect.scatter.add.f32 @!p0 [tilespmem:s13], [sflag:$0x2], $0x80, s14, s15, $0xb8;
	[tilespmem:$0x18100] =	vst v63  }
0x41: {  	_ =	swait.ge @!p0 [sflag:s16], $0x4000  }
0x42: {  	s3 =	sadd.s32 $0x1, s3;
	[sflag:s16] =	ssyncset.done @!p0 $0x0  }
0x43: {  	[sflag:s16] =	ssyncadd.s32 @!p0 $0xFFFFC000;
	p0 =	sne.s32 s3, s9  }
.Ltmp1:
0x44: {  	[bflag:$0x0] =	sbarrier.arrive $0xFFFF;
	(pc) =	sbr.rel @p0 .LBB2_1-.Ltmp1, $4  }
0x45: {  	[hbm:s8], [sflag:s6] =	dma.local [spmem:s11], $0x2800  }
0x46: {  	_ =	swait.ge [sflag:s12], $0x2800  }
0x47: {  	[sflag:s12] =	ssyncset.done $0x0  }
0x48: {  	[sflag:s12] =	ssyncadd.s32 $0xFFFFD800  }
0x49: {  	_ =	sfence.sel $0x180000  }
0x4a: {  	[bflag:$0x0] =	sbarrier.arrive $0xFFFF  }
0x4b: {  	p0 =	sne.s32 s1, $0x0;
	_ =	strace $0x90000053  }
0x4c: {  	s0 =	sadd.s32 @!p0 $0x100000, s0;
	[bflag:$0x2] =	sbarrier.arrive $0xFFFF  }
0x4d: {  	[sflag:s0] =	ssyncadd.tile.s32 @!p0 $0x1;
	_ =	shalt  }
.Lfunc_end2:
_tile_overlayer_lowered:
.L_overlay_start_2:
0x4e: {  	(tag) =	ssettag $0x2  }
0x4f: {  	s0 =	rddreg [dreg:$0x0];
	s2 =	stileid.u32  }
0x50: {  	s1 =	rddreg [dreg:$0x1];
	p0 =	sne.s32 s2, $0x0  }
0x51: {  	s3 =	rddreg [dreg:$0x2];
	[bflag:$0x3] =	sbarrier.arrive $0xFFFF;
	s2 =	simm.s32 @!p0 $0x1C02  }
0x52: {  	[timem:s3], [sflag:s2] =	dma.local @!p0 [hbm:s0], s1  }
0x53: {  	s0 =	simm.s32 @!p0 $0x2  }
0x54: {  	_ =	swait.ge @!p0 [sflag:s0], s1  }
0x55: {  	s1 =	ssub.s32 @!p0 $0x0, s1;
	[sflag:s0] =	ssyncset.done @!p0 $0x0  }
0x56: {  	[sflag:s0] =	ssyncadd.s32 @!p0 s1  }
0x57: {  	[bflag:$0x3] =	sbarrier.arrive $0xFFFF  }
0x58: {  	_ =	shalt  }

// kernel: kernel.51.cloned.1.call-start
scs
__scs_entry_jumppad:
0x0: {  	(pc) =	sbr.rel $0x88, $3  }
0x1: {  	(tag) =	ssettag $0x0;
	lr =	simm.s32 $0x1  }
0x2: {  	[smem:$0x3F5D] =	sst lr;
	_ =	strace $0xD0000000  }
0x3: {  	_ = 	snop  }
0x4: {  	_ = 	snop  }
0x5: {  	_ = 	snop  }
0x6: {  	_ = 	snop  }
0x7: {  	_ = 	snop  }
__scs_overlays_trampoline_lowered:
0x8: {  	[smem:$0x3F6C] =	sst s0  }
0x9: {  	[smem:$0x3F6D] =	sst s1  }
0xa: {  	[smem:$0x3F6E] =	sst s2  }
0xb: {  	[smem:$0x3F6F] =	sst s3  }
0xc: {  	[smem:$0x3F70] =	sst s4  }
0xd: {  	[smem:$0x3F71] =	sst s5  }
0xe: {  	[smem:$0x3F72] =	sst s6  }
0xf: {  	[smem:$0x3F73] =	sst s7  }
0x10: {  	[smem:$0x3F74] =	sst s8  }
0x11: {  	[smem:$0x3F75] =	sst s9;
	s0 =	simm.s32 @!p0 $0x0  }
0x12: {  	s1 =	sld [smem:$0x3F5B];
	s0 =	simm.s32 @p0 $0x1  }
0x13: {  	[smem:$0x3F76] =	sst s0;
	s0 =	simm.s32 @!p1 $0x0  }
0x14: {  	s2 =	sld [smem:$0x3F5A];
	s0 =	simm.s32 @p1 $0x1  }
0x15: {  	[smem:$0x3F77] =	sst s0;
	s0 =	simm.s32 @!p2 $0x0  }
0x16: {  	s3 =	sld [smem:$0x3FDB];
	s0 =	simm.s32 @p2 $0x1  }
0x17: {  	s4 =	simm.s32 $0x1BF5;
	[smem:$0x3F79] =	sst s0  }
0x18: {  	s0 =	sld [smem:$0x3F5C];
	_ =	swait.ge [sflag:s4], $0x0  }
0x19: {  	s7 =	sld [smem:$0x3F5D]  }
0x1a: {  	s8 =	sadd.s32 $0xFFFFE003, lr  }
0x1b: {  	s9 =	sadd.s32 $0xFFFFFEF7, lr;
	s5 =	simm.s32 $0xFFFFFFFF;
	p2 =	slt.u32 s8, $0xFFFFF086  }
0x1c: {  	p1 =	slt.u32 s9, $0xF7A;
	s5 =	simm.s32 @!p2 $0x0  }
0x1d: {  	s5 =	simm.s32 @p1 $0x1;
	p0 =	seq.s32 s7, s2  }
0x1e: {  	s7 =	smul.u32 @!p0 $0xF7A, s2;
	p2 =	seq.s32 @!p0 s5, $0x0  }
0x1f: {  	s9 =	smul.u32 $0xF7A, s1;
	s8 =	simm.s32 @!p0 $0x1BF5;
	p2 =	por !p2, p0  }
0x20: {  	[sflag:s8] =	ssyncset.s32 @!p0 $0xFFFFF086;
	s6 =	sadd.s32 @!p0 s3, s7;
	s7 =	simm.s32 @!p0 $0x108  }
0x21: {  	s3 =	sadd.s32 s3, s9;
	s6 =	sadd.s32 @!p0 $0x88, s6;
	s7 =	simm.s32 @p2 $0x1082  }
0x22: {  	[simem:s7], [sflag:s8] =	dma.local @!p0 [hbm:s6], $0xF7A  }
0x23: {  	s9 =	sor.u32 $0xD0000000, s2;
	s6 =	simm.s32 $0x108;
	_ =	swait.ge @!p0 [sflag:s8], $0x0  }
0x24: {  	s3 =	sadd.s32 $0x88, s3;
	s6 =	simm.s32 @!p1 $0x1082;
	[sflag:s4] =	ssyncset.s32 $0xFFFFF086  }
0x25: {  	[simem:s6], [sflag:s4] =	dma.local [hbm:s3], $0xF7A  }
0x26: {  	[smem:$0x3F5D] =	sst s1;
	(tag) =	ssettag s2;
	_ =	strace s9  }
0x27: {  	s1 =	sld [smem:$0x3F6D]  }
0x28: {  	s2 =	sld [smem:$0x3F6E]  }
0x29: {  	s4 =	sld [smem:$0x3F70]  }
0x2a: {  	p0 =	seq.s32 s5, $0x0;
	s5 =	sld [smem:$0x3F71]  }
0x2b: {  	s6 =	sld [smem:$0x3F72]  }
0x2c: {  	s7 =	sld [smem:$0x3F73]  }
0x2d: {  	s3 =	simm.s32 $0x108;
	s8 =	sld [smem:$0x3F74]  }
0x2e: {  	s3 =	simm.s32 @!p0 $0x1082;
	s9 =	sld [smem:$0x3F75]  }
0x2f: {  	lr =	sadd.s32 s0, s3;
	s0 =	sld [smem:$0x3F6C]  }
0x30: {  	s3 =	sld [smem:$0x3F6F]  }
0x31: {  	[smem:$0x3F78] =	sst s10  }
0x32: {  	s10 =	sld [smem:$0x3F76];
	_ =	sdelay $0x3  }
0x33: {  	p0 =	seq.s32 s10, $0x1;
	s10 =	sld [smem:$0x3F78];
	_ =	sdelay $0x3  }
0x34: {  	[smem:$0x3F78] =	sst s10  }
0x35: {  	s10 =	sld [smem:$0x3F77];
	_ =	sdelay $0x3  }
0x36: {  	p1 =	seq.s32 s10, $0x1;
	s10 =	sld [smem:$0x3F78];
	_ =	sdelay $0x3  }
0x37: {  	[smem:$0x3F78] =	sst s10  }
0x38: {  	s10 =	sld [smem:$0x3F79]  }
0x39: {  	_ = 	snop;
	(pc) =	sbr.ind lr, $3  }
0x3a: {  	_ = 	snop  }
0x3b: {  	_ = 	snop  }
0x3c: {  	p2 =	seq.s32 s10, $0x1;
	s10 =	sld [smem:$0x3F78]  }
0x3d: {  	_ =	shalt  }
0x3e: {  	_ =	shalt  }
0x3f: {  	_ =	shalt  }
0x40: {  	_ =	shalt  }
0x41: {  	_ =	shalt  }
0x42: {  	_ =	shalt  }
0x43: {  	_ =	shalt  }
0x44: {  	_ =	shalt  }
0x45: {  	_ =	shalt  }
0x46: {  	_ =	shalt  }
0x47: {  	_ =	shalt  }
0x48: {  	_ =	shalt  }
0x49: {  	_ =	shalt  }
0x4a: {  	_ =	shalt  }
0x4b: {  	_ =	shalt  }
0x4c: {  	_ =	shalt  }
0x4d: {  	_ =	shalt  }
0x4e: {  	_ =	shalt  }
0x4f: {  	_ =	shalt  }
0x50: {  	_ =	shalt  }
0x51: {  	_ =	shalt  }
0x52: {  	_ =	shalt  }
0x53: {  	_ =	shalt  }
0x54: {  	_ =	shalt  }
0x55: {  	_ =	shalt  }
0x56: {  	_ =	shalt  }
0x57: {  	_ =	shalt  }
0x58: {  	_ =	shalt  }
0x59: {  	_ =	shalt  }
0x5a: {  	_ =	shalt  }
0x5b: {  	_ =	shalt  }
0x5c: {  	_ =	shalt  }
0x5d: {  	_ =	shalt  }
0x5e: {  	_ =	shalt  }
0x5f: {  	_ =	shalt  }
0x60: {  	_ =	shalt  }
0x61: {  	_ =	shalt  }
0x62: {  	_ =	shalt  }
0x63: {  	_ =	shalt  }
0x64: {  	_ =	shalt  }
0x65: {  	_ =	shalt  }
0x66: {  	_ =	shalt  }
0x67: {  	_ =	shalt  }
0x68: {  	_ =	shalt  }
0x69: {  	_ =	shalt  }
0x6a: {  	_ =	shalt  }
0x6b: {  	_ =	shalt  }
0x6c: {  	_ =	shalt  }
0x6d: {  	_ =	shalt  }
0x6e: {  	_ =	shalt  }
0x6f: {  	_ =	shalt  }
0x70: {  	_ =	shalt  }
0x71: {  	_ =	shalt  }
0x72: {  	_ =	shalt  }
0x73: {  	_ =	shalt  }
0x74: {  	_ =	shalt  }
0x75: {  	_ =	shalt  }
0x76: {  	_ =	shalt  }
0x77: {  	_ =	shalt  }
0x78: {  	_ =	shalt  }
0x79: {  	_ =	shalt  }
0x7a: {  	_ =	shalt  }
0x7b: {  	_ =	shalt  }
0x7c: {  	_ =	shalt  }
0x7d: {  	_ =	shalt  }
0x7e: {  	_ =	shalt  }
0x7f: {  	_ =	shalt  }
0x80: {  	_ =	shalt  }
0x81: {  	_ =	shalt  }
0x82: {  	_ =	shalt  }
0x83: {  	_ =	shalt  }
0x84: {  	_ =	shalt  }
0x85: {  	_ =	shalt  }
0x86: {  	_ =	shalt  }
0x87: {  	_ =	shalt  }
.Lfunc_end0:
.L_simem_size_0:
called_computation.7_lowered:
.L_overlay_start_0:
0x88: {  	s2 =	sld [smem:$0x3FD9]  }
0x89: {  	s3 =	sld [smem:$0x3FFE];
	_ =	sdelay $0x1  }
0x8a: {  	s1 =	srdreg.scid  }
0x8b: {  	s0 =	sand.u32 $0x1, s1  }
0x8c: {  	s15 =	sshll.u32 s0, $0xA;
	s2 =	sadd.s32 s3, s2  }
0x8d: {  	s2 =	sadd.s32 s2, s15  }
0x8e: {  	[smem:$0x3F84] =	sst s2  }
0x8f: {  	_ = 	snop  }
0x90: {  	s2 =	sld [smem:$0x3FD0];
	_ =	sdelay $0x2  }
0x91: {  	s16 =	simm.s32 $0xC;
	s4 =	simm.s32 $0x10  }
0x92: {  	[smem:s4], [sflag:s16] =	dma.local [hbm:s2], $0x1  }
0x93: {  	_ =	swait.eq [sflag:s16], $0x1  }
0x94: {  	[sflag:s16] =	ssyncset.done $0x0  }
0x95: {  	[sflag:s16] =	ssyncadd.s32 $0xFFFFFFFF  }
0x96: {  	s17 =	sld [smem:$0x10];
	(tm) =	ssettm $0x1  }
0x97: {  	s18 =	sld [smem:$0x3FFB];
	_ =	sdelay $0x3  }
0x98: {  	_ =	strace s18  }
0x99: {  	s2 =	sld [smem:$0x3FFC];
	_ =	sdelay $0x3  }
0x9a: {  	_ =	strace s2  }
0x9b: {  	s2 =	sld [smem:$0x3FFD];
	_ =	sdelay $0x3  }
0x9c: {  	_ =	strace s2  }
0x9d: {  	_ =	strace $0x8FFFFFFF  }
0x9e: {  	s19 =	sld [smem:$0x3FDB];
	_ =	sdelay $0x1  }
0x9f: {  	s20 =	simm.s32 $_scs_section_size  }
0xa0: {  	s5 =	simm.s32 $_size__tile_overlayer_lowered;
	s6 =	simm.s32 $_tile_overlayer_lowered  }
0xa1: {  	s7 =	simm.s32 $0x1BFF;
	s21 =	sshll.u32 s6, $0x1;
	s4 =	sadd.s32 s20, s19  }
0xa2: {  	s22 =	simm.s32 $0x0;
	s5 =	sshll.u32 s5, $0x1;
	s6 =	sadd.s32 s21, s4  }
0xa3: {  	[timem:s22], [sflag:s7] =	dma.local [hbm:s6], s5  }
0xa4: {  	_ =	swait.ge [sflag:s7], s5  }
0xa5: {  	s5 =	ssub.s32 $0x0, s5;
	[sflag:s7] =	ssyncset.done $0x0  }
0xa6: {  	[sflag:s7] =	ssyncadd.s32 s5;
	_ =	sdelay $0x1  }
0xa7: {  	s23 =	simm.s32 $0x1B8B  }
0xa8: {  	_ =	swait.ge [sflag:s23], $0x1  }
0xa9: {  	[sflag:s23] =	ssyncset.done $0x0  }
0xaa: {  	[sflag:s23] =	ssyncadd.s32 $0xFFFFFFFF  }
0xab: {  	s5 =	sld [smem:$0x0]  }
0xac: {  	s6 =	sand.u32 $0xFFFFFFFE, s1  }
0xad: {  	p0 =	sne.s32 s1, s6  }
0xae: {  	s6 =	sshll.u32 @p0 s6, $0xE  }
0xaf: {  	s6 =	sadd.s32 @p0 $0x11B8D, s6;
	s7 =	sshll.u32 @p0 s5, $0x11  }
0xb0: {  	s6 =	sor.u32 @p0 s7, s6  }
0xb1: {  	[sflag:s6] =	ssyncadd.remote.s32 @p0 $0x1;
	_ =	sdelay $0x1  }
0xb2: {  	s6 =	simm.s32 @p0 $0x1B8D  }
0xb3: {  	_ =	swait.eq @p0 [sflag:s6], $0x1  }
0xb4: {  	[sflag:s6] =	ssyncadd.s32 @p0 $0xFFFFFFFF  }
0xb5: {  	s7 =	sshll.u32 @!p0 s1, $0xE  }
0xb6: {  	s7 =	sor.u32 @!p0 $0x4000, s7;
	s6 =	simm.s32 @!p0 $0x1B8D  }
0xb7: {  	s5 =	sshll.u32 @!p0 s5, $0x11;
	s7 =	sadd.s32 @!p0 $0x11B8D, s7;
	_ =	swait.eq @!p0 [sflag:s6], $0x1  }
0xb8: {  	s5 =	sor.u32 @!p0 s5, s7;
	[sflag:s6] =	ssyncadd.s32 @!p0 $0xFFFFFFFF  }
0xb9: {  	s25 =	simm.s32 $0x1B8E;
	s24 =	sld [smem:$0x3FFE];
	[sflag:s5] =	ssyncadd.remote.s32 @!p0 $0x1  }
0xba: {  	s26 =	simm.s32 $execute0_lowered;
	[smem:$0x3FD2] =	sst s25  }
0xbb: {  	s6 =	sshll.u32 s26, $0x1;
	_ =	strace $0x80000058;
	[dreg:$0x1] =	wrdreg $0xFFFFFFFF  }
0xbc: {  	s28 =	simm.s32 $_size_execute0_lowered;
	s4 =	sadd.s32 s4, s6;
	[dreg:$0x0] =	wrdreg $0x0  }
0xbd: {  	s6 =	sshll.u32 s28, $0x1;
	[dreg:$0x2] =	wrdreg s4  }
0xbe: {  	[dreg:$0x3] =	wrdreg s6  }
0xbf: {  	[dreg:$0x4] =	wrdreg $0xC0  }
0xc0: {  	_ =	task [dreg:s22], $0x5FFFF  }
0xc1: {  	[dreg:$0x1] =	wrdreg $0xFFFFFFFF  }
0xc2: {  	[dreg:$0x0] =	wrdreg $0x60  }
0xc3: {  	[dreg:$0x2] =	wrdreg s24  }
0xc4: {  	[dreg:$0x3] =	wrdreg s17  }
0xc5: {  	[dreg:$0x4] =	wrdreg $0xA  }
0xc6: {  	_ =	task.clear_ibuf [dreg:s22], $0x5FFFF;
	_ =	strace $0x90000058  }
0xc7: {  	s29 =	simm.s32 $0xA;
	_ =	strace $0x8000005A  }
0xc8: {  	_ =	swait.ge [sflag:s29], $0x1  }
0xc9: {  	[sflag:s29] =	ssyncadd.s32 $0xFFFFFFFF  }
0xca: {  	_ =	strace $0x9000005A  }
0xcb: {  	_ =	sfence  }
0xcc: {  	s30 =	sld [smem:$0x0];
	_ =	sdelay $0x2  }
0xcd: {  	s31 =	sshll.u32 s1, $0xD;
	s1 =	sshrl.u32 s1, $0x2  }
0xce: {  	s4 =	sand.u32 $0x4000, s31;
	s1 =	sadd.s32 s1, s30  }
0xcf: {  	s0 =	sor.u32 s4, s0;
	s1 =	sshll.u32 s1, $0x11  }
0xd0: {  	s0 =	sor.u32 s1, s0  }
0xd1: {  	s0 =	sadd.s32 $0x8F2B, s0  }
0xd2: {  	[sflag:s0] =	ssyncadd.remote.s32 $0x1  }
0xd3: {  	_ =	sfence.sel $0xFFFF  }
0xd4: {  	[dreg:$0x0] =	wrdreg $0xFFFFFFFF;
	(pc) =	sbr.abs _section_cstart, $3  }
0xd5: {  	[dreg:$0x1] =	wrdreg $0xFFFFFFFF  }
0xd6: {  	_ =	task.clear_ibuf [dreg:s22], $0x2FFFF;
	_ =	strace $0x9FFFFFFF  }
0xd7: {  	(tm) =	ssettm $0x7FFFFFFF  }
tec
execute0_lowered:
.L_overlay_start_1:
0x0: {  	(tag) =	ssettag $0x1  }
0x1: {  	s0 =	rddreg [dreg:$0x0]  }
0x2: {  	s1 =	rddreg [dreg:$0x1];
	s2 =	simm.s32 $0x0;
	s3 =	srdreg.scid  }
0x3: {  	s10 =	stileid.u32;
	s12 =	simm.s32 $0x100;
	s29 =	simm.s32 $0x8100  }
0x4: {  	s30 =	simm.s32 $0x8900;
	s31 =	simm.s32 $0x9100;
	s11 =	simm.s32 $0xC900  }
0x5: {  	s13 =	simm.s32 $0xD100;
	s14 =	simm.s32 $0xD900;
	s15 =	simm.s32 $0xE100  }
0x6: {  	s16 =	simm.s32 $0xE900;
	s17 =	simm.s32 $0xF100;
	s18 =	simm.s32 $0xF900  }
0x7: {  	s19 =	simm.s32 $0x1;
	s20 =	simm.s32 $0x2;
	s21 =	simm.s32 $0x3  }
0x8: {  	s28 =	simm.s32 $0x80;
	[smem:$0x7FF] =	sst s2;
	s4 =	sand.u32 $0x1, s3  }
0x9: {  	s3 =	sadd.s32 $0xB15000, s0;
	s5 =	sshll.u32 s10, $0x5;
	s8 =	sshll.u32 s10, $0xD  }
0xa: {  	s23 =	sshll.u32 s10, $0x1;
	s10 =	simm.s32 $0x4;
	_ =	strace $0x80000059  }
0xb: {  	s6 =	ssub.s32 $0x2, s4;
	s7 =	sadd.s32 s5, s0;
	s0 =	sadd.s32 s8, s0  }
0xc: {  	[dreg:$0x3] =	wrdreg s23;
	s24 =	sshll.u32 s4, $0x4;
	s4 =	sshll.u32 s4, $0xC  }
0xd: {  	s1 =	sadd.s32 s5, s1;
	s5 =	simm.s32 $0xA900;
	s8 =	simm.s32 $0xB900  }
0xe: {  	s23 =	simm.s32 $0x0;
	s9 =	sshrl.u32 s6, $0x1;
	s25 =	sadd.s32 s24, s7  }
.Ltmp0:
0xf: {  	s0 =	sadd.s32 s4, s0;
	s7 =	sadd.s32 s24, s1;
	(pc) =	sbr.rel .LBB2_1-.Ltmp0, $4  }
0x10: {  	s1 =	simm.s32 $0xA100;
	s4 =	simm.s32 $0xB100;
	s26 =	sadd.s32 $0x1093400, s0  }
0x11: {  	v2 =	vlaneseq.u32;
	s6 =	ssub.s32 s6, s9;
	s0 =	sadd.s32 $0xBB1400, s0;
	[dreg:$0x5] =	wrdreg s26  }
0x12: {  	vm0 =	vmmov $0xffff;
	v1 =	vshrl.u32 v2, $0x3;
	s9 =	simm.s32 $0xC100;
	s6 =	smax.u32 s6, $0x1;
	[dreg:$0x6] =	wrdreg s0  }
0x13: {  	v0 =	vand.u32 $0x7, v2;
	v2 =	vor.u32 $0x8, v2;
	v1 =	vmul.u32 $0x8, v1;
	s0 =	simm.s32 $0x9900;
	[dreg:$0x4] =	wrdreg s6;
	s6 =	sadd.s32 $0x10A00, s25  }
.LBB2_5:
0x14: {  	s23 =	rddreg [dreg:$0x7]  }
0x15: {  	s22 =	rddreg [dreg:$0x4];
	s23 =	sadd.s32 $0x1, s23  }
0x16: {  	p0 =	sne.s32 s23, s22  }
.Ltmp1:
0x17: {  	_ = 	snop;
	(pc) =	sbr.rel @!p0 .LBB2_6-.Ltmp1, $1  }
0x18: {  	_ =	sdelay $0x3  }
.LBB2_1:
.Ltmp2:
0x19: {  	(pc) =	sbr.rel .LBB2_2-.Ltmp2, $4  }
0x1a: {  	[dreg:$0x7] =	wrdreg s23  }
0x1b: {  	s22 =	rddreg [dreg:$0x3]  }
0x1c: {  	s23 =	rddreg [dreg:$0x6]  }
0x1d: {  	s24 =	rddreg [dreg:$0x5];
	s25 =	simm.s32 $0x0  }
.LBB2_4:
0x1e: {  	s25 =	sadd.s32 $0x200, s25  }
0x1f: {  	p0 =	sne.s32 s25, $0x5000  }
.Ltmp3:
0x20: {  	_ = 	snop;
	(pc) =	sbr.rel @!p0 .LBB2_5-.Ltmp3, $2  }
0x21: {  	_ =	sdelay $0x2  }
0x22: {  	s24 =	sadd.s32 $0x20000, s24;
	s23 =	sadd.s32 $0x20000, s23;
	s22 =	sadd.s32 $0x20, s22  }
.LBB2_2:
0x23: {  	p0 =	sgt.u32 s22, $0x4E1  }
.Ltmp4:
0x24: {  	_ = 	snop;
	(pc) =	sbr.rel @p0 .LBB2_4-.Ltmp4, $1  }
0x25: {  	_ =	sdelay $0x3  }
0x26: {  	s26 =	sadd.s32 s25, s7  }
0x27: {  	[tilespmem:s2], [sflag:$0x4] =	stream.linear.gather [hbm4b:s26+s2], $0x80, $0x38;
	[tilespmem:$0x10100] =	vst v63  }
0x28: {  	_ =	swait.ge [sflag:s10], $0x80  }
0x29: {  	[sflag:s10] =	ssyncset.done $0x0  }
0x2a: {  	s26 =	sadd.s32 s25, s6;
	[sflag:s10] =	ssyncadd.s32 $0xFFFFFF80  }
0x2b: {  	[tilespmem:s28], [sflag:$0x4] =	stream.linear.gather [hbm4b:s26+s2], $0x80, $0x38;
	[tilespmem:$0x10100] =	vst v63  }
0x2c: {  	_ =	swait.ge [sflag:s10], $0x80  }
0x2d: {  	[sflag:s10] =	ssyncset.done $0x0  }
0x2e: {  	[sflag:s10] =	ssyncadd.s32 $0xFFFFFF80  }
0x2f: {  	v3 =	vld [tilespmem:$0x0];
	_ =	sdelay $0x4  }
0x30: {  	v4 =	vshll.u32 v3, $0x1  }
0x31: {  	v3 =	vand.u32 $0x7, v3;
	v4 =	vand.u32 $0xFFFFFFF0, v4  }
0x32: {  	v3 =	vor.u32 v3, v4  }
0x33: {  	v4 =	vperm.xlane v3, v0;
	_ =	sdelay $0x1  }
0x34: {  	v3 =	vperm.xlane v3, v2;
	v4 =	vadd.s32 v1, v4;
	_ =	sdelay $0x1  }
0x35: {  	v3 =	vadd.s32 v1, v3;
	_ =	sdelay $0x2  }
0x36: {  	[tilespmem:s12], [sflag:$0x1] =	stream.indirect_vreg.gather [hbm4b:s3+s2], $0x80, v4, vm0, $0xb8;
	[tilespmem:$0x10100] =	vst v63  }
0x37: {  	s26 =	simm.s32 $0x900  }
0x38: {  	[tilespmem:s26], [sflag:$0x1] =	stream.indirect_vreg.gather [hbm4b:s3+s2], $0x80, v3, vm0, $0xb8;
	[tilespmem:$0x10100] =	vst v63  }
0x39: {  	v3 =	vld [tilespmem:$0x10];
	_ =	sdelay $0x4  }
0x3a: {  	v49 =	vshll.u32 v3, $0x1  }
0x3b: {  	v3 =	vand.u32 $0x7, v3;
	v4 =	vand.u32 $0xFFFFFFF0, v49  }
0x3c: {  	v3 =	vor.u32 v3, v4  }
0x3d: {  	v4 =	vperm.xlane v3, v0;
	_ =	sdelay $0x1  }
0x3e: {  	v3 =	vperm.xlane v3, v2;
	v4 =	vadd.s32 v1, v4;
	_ =	sdelay $0x1  }
0x3f: {  	v3 =	vadd.s32 v1, v3;
	_ =	sdelay $0x1  }
0x40: {  	s26 =	simm.s32 $0x1100  }
0x41: {  	[tilespmem:s26], [sflag:$0x1] =	stream.indirect_vreg.gather [hbm4b:s3+s2], $0x80, v4, vm0, $0xb8;
	[tilespmem:$0x10100] =	vst v63  }
0x42: {  	s26 =	simm.s32 $0x1900  }
0x43: {  	[tilespmem:s26], [sflag:$0x1] =	stream.indirect_vreg.gather [hbm4b:s3+s2], $0x80, v3, vm0, $0xb8;
	[tilespmem:$0x10100] =	vst v63  }
0x44: {  	v3 =	vld [tilespmem:$0x20];
	_ =	sdelay $0x4  }
0x45: {  	v50 =	vshll.u32 v3, $0x1  }
0x46: {  	v3 =	vand.u32 $0x7, v3;
	v4 =	vand.u32 $0xFFFFFFF0, v50  }
0x47: {  	v3 =	vor.u32 v3, v4  }
0x48: {  	v4 =	vperm.xlane v3, v0;
	_ =	sdelay $0x1  }
0x49: {  	v3 =	vperm.xlane v3, v2;
	v4 =	vadd.s32 v1, v4;
	_ =	sdelay $0x1  }
0x4a: {  	v3 =	vadd.s32 v1, v3;
	_ =	sdelay $0x1  }
0x4b: {  	s26 =	simm.s32 $0x2100  }
0x4c: {  	[tilespmem:s26], [sflag:$0x1] =	stream.indirect_vreg.gather [hbm4b:s3+s2], $0x80, v4, vm0, $0xb8;
	[tilespmem:$0x10100] =	vst v63  }
0x4d: {  	s26 =	simm.s32 $0x2900  }
0x4e: {  	[tilespmem:s26], [sflag:$0x1] =	stream.indirect_vreg.gather [hbm4b:s3+s2], $0x80, v3, vm0, $0xb8;
	[tilespmem:$0x10100] =	vst v63  }
0x4f: {  	v3 =	vld [tilespmem:$0x30];
	_ =	sdelay $0x4  }
0x50: {  	v51 =	vshll.u32 v3, $0x1  }
0x51: {  	v3 =	vand.u32 $0x7, v3;
	v4 =	vand.u32 $0xFFFFFFF0, v51  }
0x52: {  	v3 =	vor.u32 v3, v4  }
0x53: {  	v4 =	vperm.xlane v3, v0;
	_ =	sdelay $0x1  }
0x54: {  	v3 =	vperm.xlane v3, v2;
	v4 =	vadd.s32 v1, v4;
	_ =	sdelay $0x1  }
0x55: {  	v3 =	vadd.s32 v1, v3;
	_ =	sdelay $0x1  }
0x56: {  	s26 =	simm.s32 $0x3100  }
0x57: {  	[tilespmem:s26], [sflag:$0x1] =	stream.indirect_vreg.gather [hbm4b:s3+s2], $0x80, v4, vm0, $0xb8;
	[tilespmem:$0x10100] =	vst v63  }
0x58: {  	s26 =	simm.s32 $0x3900  }
0x59: {  	[tilespmem:s26], [sflag:$0x1] =	stream.indirect_vreg.gather [hbm4b:s3+s2], $0x80, v3, vm0, $0xb8;
	[tilespmem:$0x10100] =	vst v63  }
0x5a: {  	v3 =	vld [tilespmem:$0x40];
	_ =	sdelay $0x4  }
0x5b: {  	v52 =	vshll.u32 v3, $0x1  }
0x5c: {  	v3 =	vand.u32 $0x7, v3;
	v4 =	vand.u32 $0xFFFFFFF0, v52  }
0x5d: {  	v3 =	vor.u32 v3, v4  }
0x5e: {  	v4 =	vperm.xlane v3, v0;
	_ =	sdelay $0x1  }
0x5f: {  	v3 =	vperm.xlane v3, v2;
	v4 =	vadd.s32 v1, v4;
	_ =	sdelay $0x1  }
0x60: {  	v3 =	vadd.s32 v1, v3;
	_ =	sdelay $0x1  }
0x61: {  	s26 =	simm.s32 $0x4100  }
0x62: {  	[tilespmem:s26], [sflag:$0x1] =	stream.indirect_vreg.gather [hbm4b:s3+s2], $0x80, v4, vm0, $0xb8;
	[tilespmem:$0x10100] =	vst v63  }
0x63: {  	s26 =	simm.s32 $0x4900  }
0x64: {  	[tilespmem:s26], [sflag:$0x1] =	stream.indirect_vreg.gather [hbm4b:s3+s2], $0x80, v3, vm0, $0xb8;
	[tilespmem:$0x10100] =	vst v63  }
0x65: {  	v3 =	vld [tilespmem:$0x50];
	_ =	sdelay $0x4  }
0x66: {  	v53 =	vshll.u32 v3, $0x1  }
0x67: {  	v3 =	vand.u32 $0x7, v3;
	v4 =	vand.u32 $0xFFFFFFF0, v53  }
0x68: {  	v3 =	vor.u32 v3, v4  }
0x69: {  	v4 =	vperm.xlane v3, v0;
	_ =	sdelay $0x1  }
0x6a: {  	v3 =	vperm.xlane v3, v2;
	v4 =	vadd.s32 v1, v4;
	_ =	sdelay $0x1  }
0x6b: {  	v3 =	vadd.s32 v1, v3;
	_ =	sdelay $0x1  }
0x6c: {  	s26 =	simm.s32 $0x5100  }
0x6d: {  	[tilespmem:s26], [sflag:$0x1] =	stream.indirect_vreg.gather [hbm4b:s3+s2], $0x80, v4, vm0, $0xb8;
	[tilespmem:$0x10100] =	vst v63  }
0x6e: {  	s26 =	simm.s32 $0x5900  }
0x6f: {  	[tilespmem:s26], [sflag:$0x1] =	stream.indirect_vreg.gather [hbm4b:s3+s2], $0x80, v3, vm0, $0xb8;
	[tilespmem:$0x10100] =	vst v63  }
0x70: {  	v3 =	vld [tilespmem:$0x60];
	_ =	sdelay $0x4  }
0x71: {  	v54 =	vshll.u32 v3, $0x1  }
0x72: {  	v3 =	vand.u32 $0x7, v3;
	v4 =	vand.u32 $0xFFFFFFF0, v54  }
0x73: {  	v3 =	vor.u32 v3, v4  }
0x74: {  	v4 =	vperm.xlane v3, v0;
	_ =	sdelay $0x1  }
0x75: {  	v3 =	vperm.xlane v3, v2;
	v4 =	vadd.s32 v1, v4;
	_ =	sdelay $0x1  }
0x76: {  	v3 =	vadd.s32 v1, v3;
	_ =	sdelay $0x1  }
0x77: {  	s26 =	simm.s32 $0x6100  }
0x78: {  	[tilespmem:s26], [sflag:$0x1] =	stream.indirect_vreg.gather [hbm4b:s3+s2], $0x80, v4, vm0, $0xb8;
	[tilespmem:$0x10100] =	vst v63  }
0x79: {  	s26 =	simm.s32 $0x6900  }
0x7a: {  	[tilespmem:s26], [sflag:$0x1] =	stream.indirect_vreg.gather [hbm4b:s3+s2], $0x80, v3, vm0, $0xb8;
	[tilespmem:$0x10100] =	vst v63  }
0x7b: {  	v3 =	vld [tilespmem:$0x70];
	_ =	sdelay $0x4  }
0x7c: {  	v55 =	vshll.u32 v3, $0x1  }
0x7d: {  	v3 =	vand.u32 $0x7, v3;
	v4 =	vand.u32 $0xFFFFFFF0, v55  }
0x7e: {  	v3 =	vor.u32 v3, v4  }
0x7f: {  	v4 =	vperm.xlane v3, v0;
	_ =	sdelay $0x1  }
0x80: {  	v3 =	vperm.xlane v3, v2;
	v4 =	vadd.s32 v1, v4;
	_ =	sdelay $0x1  }
0x81: {  	v3 =	vadd.s32 v1, v3;
	_ =	sdelay $0x1  }
0x82: {  	s26 =	simm.s32 $0x7100  }
0x83: {  	[tilespmem:s26], [sflag:$0x1] =	stream.indirect_vreg.gather [hbm4b:s3+s2], $0x80, v4, vm0, $0xb8;
	[tilespmem:$0x10100] =	vst v63  }
0x84: {  	s26 =	simm.s32 $0x7900  }
0x85: {  	[tilespmem:s26], [sflag:$0x1] =	stream.indirect_vreg.gather [hbm4b:s3+s2], $0x80, v3, vm0, $0xb8;
	[tilespmem:$0x10100] =	vst v63  }
0x86: {  	v3 =	vld [tilespmem:$0x80];
	_ =	sdelay $0x4  }
0x87: {  	v56 =	vshll.u32 v3, $0x1  }
0x88: {  	v3 =	vand.u32 $0x7, v3;
	v4 =	vand.u32 $0xFFFFFFF0, v56  }
0x89: {  	v3 =	vor.u32 v3, v4  }
0x8a: {  	v4 =	vperm.xlane v3, v0;
	_ =	sdelay $0x1  }
0x8b: {  	v3 =	vperm.xlane v3, v2;
	v4 =	vadd.s32 v1, v4;
	_ =	sdelay $0x1  }
0x8c: {  	v3 =	vadd.s32 v1, v3;
	_ =	sdelay $0x2  }
0x8d: {  	[tilespmem:s29], [sflag:$0x2] =	stream.indirect_vreg.gather [hbm4b:s3+s2], $0x80, v4, vm0, $0xb8;
	[tilespmem:$0x10100] =	vst v63  }
0x8e: {  	_ = 	snop  }
0x8f: {  	[tilespmem:s30], [sflag:$0x2] =	stream.indirect_vreg.gather [hbm4b:s3+s2], $0x80, v3, vm0, $0xb8;
	[tilespmem:$0x10100] =	vst v63  }
0x90: {  	v3 =	vld [tilespmem:$0x90];
	_ =	sdelay $0x4  }
0x91: {  	v57 =	vshll.u32 v3, $0x1  }
0x92: {  	v3 =	vand.u32 $0x7, v3;
	v4 =	vand.u32 $0xFFFFFFF0, v57  }
0x93: {  	v3 =	vor.u32 v3, v4  }
0x94: {  	v4 =	vperm.xlane v3, v0;
	_ =	sdelay $0x1  }
0x95: {  	v3 =	vperm.xlane v3, v2;
	v4 =	vadd.s32 v1, v4;
	_ =	sdelay $0x1  }
0x96: {  	v3 =	vadd.s32 v1, v3;
	_ =	sdelay $0x2  }
0x97: {  	[tilespmem:s31], [sflag:$0x2] =	stream.indirect_vreg.gather [hbm4b:s3+s2], $0x80, v4, vm0, $0xb8;
	[tilespmem:$0x10100] =	vst v63  }
0x98: {  	_ = 	snop  }
0x99: {  	[tilespmem:s0], [sflag:$0x2] =	stream.indirect_vreg.gather [hbm4b:s3+s2], $0x80, v3, vm0, $0xb8;
	[tilespmem:$0x10100] =	vst v63  }
0x9a: {  	v3 =	vld [tilespmem:$0xA0];
	_ =	sdelay $0x4  }
0x9b: {  	v58 =	vshll.u32 v3, $0x1  }
0x9c: {  	v3 =	vand.u32 $0x7, v3;
	v4 =	vand.u32 $0xFFFFFFF0, v58  }
0x9d: {  	v3 =	vor.u32 v3, v4  }
0x9e: {  	v4 =	vperm.xlane v3, v0;
	_ =	sdelay $0x1  }
0x9f: {  	v3 =	vperm.xlane v3, v2;
	v4 =	vadd.s32 v1, v4;
	_ =	sdelay $0x1  }
0xa0: {  	v3 =	vadd.s32 v1, v3;
	_ =	sdelay $0x2  }
0xa1: {  	[tilespmem:s1], [sflag:$0x2] =	stream.indirect_vreg.gather [hbm4b:s3+s2], $0x80, v4, vm0, $0xb8;
	[tilespmem:$0x10100] =	vst v63  }
0xa2: {  	_ = 	snop  }
0xa3: {  	[tilespmem:s5], [sflag:$0x2] =	stream.indirect_vreg.gather [hbm4b:s3+s2], $0x80, v3, vm0, $0xb8;
	[tilespmem:$0x10100] =	vst v63  }
0xa4: {  	v3 =	vld [tilespmem:$0xB0];
	_ =	sdelay $0x4  }
0xa5: {  	v59 =	vshll.u32 v3, $0x1  }
0xa6: {  	v3 =	vand.u32 $0x7, v3;
	v4 =	vand.u32 $0xFFFFFFF0, v59  }
0xa7: {  	v3 =	vor.u32 v3, v4  }
0xa8: {  	v4 =	vperm.xlane v3, v0;
	_ =	sdelay $0x1  }
0xa9: {  	v3 =	vperm.xlane v3, v2;
	v4 =	vadd.s32 v1, v4;
	_ =	sdelay $0x1  }
0xaa: {  	v3 =	vadd.s32 v1, v3;
	_ =	sdelay $0x2  }
0xab: {  	[tilespmem:s4], [sflag:$0x2] =	stream.indirect_vreg.gather [hbm4b:s3+s2], $0x80, v4, vm0, $0xb8;
	[tilespmem:$0x10100] =	vst v63  }
0xac: {  	_ = 	snop  }
0xad: {  	[tilespmem:s8], [sflag:$0x2] =	stream.indirect_vreg.gather [hbm4b:s3+s2], $0x80, v3, vm0, $0xb8;
	[tilespmem:$0x10100] =	vst v63  }
0xae: {  	v3 =	vld [tilespmem:$0xC0];
	_ =	sdelay $0x4  }
0xaf: {  	v60 =	vshll.u32 v3, $0x1  }
0xb0: {  	v3 =	vand.u32 $0x7, v3;
	v4 =	vand.u32 $0xFFFFFFF0, v60  }
0xb1: {  	v3 =	vor.u32 v3, v4  }
0xb2: {  	v4 =	vperm.xlane v3, v0;
	_ =	sdelay $0x1  }
0xb3: {  	v3 =	vperm.xlane v3, v2;
	v4 =	vadd.s32 v1, v4;
	_ =	sdelay $0x1  }
0xb4: {  	v3 =	vadd.s32 v1, v3;
	_ =	sdelay $0x2  }
0xb5: {  	[tilespmem:s9], [sflag:$0x2] =	stream.indirect_vreg.gather [hbm4b:s3+s2], $0x80, v4, vm0, $0xb8;
	[tilespmem:$0x10100] =	vst v63  }
0xb6: {  	_ = 	snop  }
0xb7: {  	[tilespmem:s11], [sflag:$0x2] =	stream.indirect_vreg.gather [hbm4b:s3+s2], $0x80, v3, vm0, $0xb8;
	[tilespmem:$0x10100] =	vst v63  }
0xb8: {  	v3 =	vld [tilespmem:$0xD0];
	_ =	sdelay $0x4  }
0xb9: {  	v61 =	vshll.u32 v3, $0x1  }
0xba: {  	v3 =	vand.u32 $0x7, v3;
	v4 =	vand.u32 $0xFFFFFFF0, v61  }
0xbb: {  	v3 =	vor.u32 v3, v4  }
0xbc: {  	v4 =	vperm.xlane v3, v0;
	_ =	sdelay $0x1  }
0xbd: {  	v3 =	vperm.xlane v3, v2;
	v4 =	vadd.s32 v1, v4;
	_ =	sdelay $0x1  }
0xbe: {  	v3 =	vadd.s32 v1, v3;
	_ =	sdelay $0x2  }
0xbf: {  	[tilespmem:s13], [sflag:$0x2] =	stream.indirect_vreg.gather [hbm4b:s3+s2], $0x80, v4, vm0, $0xb8;
	[tilespmem:$0x10100] =	vst v63  }
0xc0: {  	_ = 	snop  }
0xc1: {  	[tilespmem:s14], [sflag:$0x2] =	stream.indirect_vreg.gather [hbm4b:s3+s2], $0x80, v3, vm0, $0xb8;
	[tilespmem:$0x10100] =	vst v63  }
0xc2: {  	v3 =	vld [tilespmem:$0xE0];
	_ =	sdelay $0x4  }
0xc3: {  	v62 =	vshll.u32 v3, $0x1  }
0xc4: {  	v3 =	vand.u32 $0x7, v3;
	v4 =	vand.u32 $0xFFFFFFF0, v62  }
0xc5: {  	v3 =	vor.u32 v3, v4  }
0xc6: {  	v4 =	vperm.xlane v3, v0;
	_ =	sdelay $0x1  }
0xc7: {  	v3 =	vperm.xlane v3, v2;
	v4 =	vadd.s32 v1, v4;
	_ =	sdelay $0x1  }
0xc8: {  	v3 =	vadd.s32 v1, v3;
	_ =	sdelay $0x2  }
0xc9: {  	[tilespmem:s15], [sflag:$0x2] =	stream.indirect_vreg.gather [hbm4b:s3+s2], $0x80, v4, vm0, $0xb8;
	[tilespmem:$0x10100] =	vst v63  }
0xca: {  	_ = 	snop  }
0xcb: {  	[tilespmem:s16], [sflag:$0x2] =	stream.indirect_vreg.gather [hbm4b:s3+s2], $0x80, v3, vm0, $0xb8;
	[tilespmem:$0x10100] =	vst v63  }
0xcc: {  	v3 =	vld [tilespmem:$0xF0];
	_ =	sdelay $0x4  }
0xcd: {  	v63 =	vshll.u32 v3, $0x1  }
0xce: {  	v3 =	vand.u32 $0x7, v3;
	v4 =	vand.u32 $0xFFFFFFF0, v63  }
0xcf: {  	v3 =	vor.u32 v3, v4  }
0xd0: {  	v4 =	vperm.xlane v3, v0;
	_ =	sdelay $0x1  }
0xd1: {  	v3 =	vperm.xlane v3, v2;
	v4 =	vadd.s32 v1, v4;
	_ =	sdelay $0x1  }
0xd2: {  	v3 =	vadd.s32 v1, v3;
	_ =	sdelay $0x2  }
0xd3: {  	[tilespmem:s17], [sflag:$0x2] =	stream.indirect_vreg.gather [hbm4b:s3+s2], $0x80, v4, vm0, $0xb8;
	[tilespmem:$0x10100] =	vst v63  }
0xd4: {  	_ = 	snop  }
0xd5: {  	[tilespmem:s18], [sflag:$0x2] =	stream.indirect_vreg.gather [hbm4b:s3+s2], $0x80, v3, vm0, $0xb8;
	[tilespmem:$0x10100] =	vst v63  }
0xd6: {  	_ =	swait.ge [sflag:s19], $0x8000  }
0xd7: {  	[sflag:s19] =	ssyncset.done $0x0  }
0xd8: {  	[sflag:s19] =	ssyncadd.s32 $0xFFFF8000  }
0xd9: {  	_ =	swait.ge [sflag:s20], $0x8000  }
0xda: {  	[sflag:s20] =	ssyncset.done $0x0  }
0xdb: {  	[sflag:s20] =	ssyncadd.s32 $0xFFFF8000  }
0xdc: {  	[hbm4b:s23+s2] =	stream.linear.scatter [tilespmem:s12], [sflag:$0x4], $0x8000, $0x38;
	[tilespmem:$0x10100] =	vst v63  }
0xdd: {  	_ =	swait.ge [sflag:s10], $0x8000  }
0xde: {  	[sflag:s10] =	ssyncset.done $0x0  }
.Ltmp5:
0xdf: {  	[sflag:s10] =	ssyncadd.s32 $0xFFFF8000;
	(pc) =	sbr.rel .LBB2_4-.Ltmp5, $4  }
0xe0: {  	[hbm4b:s24+s2] =	stream.linear.scatter [tilespmem:s29], [sflag:$0x3], $0x8000, $0x38;
	[tilespmem:$0x10100] =	vst v63  }
0xe1: {  	_ =	swait.ge [sflag:s21], $0x8000  }
0xe2: {  	[sflag:s21] =	ssyncset.done $0x0  }
0xe3: {  	[sflag:s21] =	ssyncadd.s32 $0xFFFF8000  }
.LBB2_6:
0xe4: {  	_ =	sfence.sel $0x180000  }
0xe5: {  	[bflag:$0x0] =	sbarrier.arrive $0xFFFF  }
0xe6: {  	_ =	strace $0x90000059  }
0xe7: {  	s0 =	stileid.u32;
	[bflag:$0x2] =	sbarrier.arrive $0xFFFF  }
0xe8: {  	p0 =	sne.s32 s0, $0x0;
	s0 =	rddreg [dreg:$0x2]  }
0xe9: {  	s0 =	sadd.s32 @!p0 $0x100000, s0  }
0xea: {  	[sflag:s0] =	ssyncadd.tile.s32 @!p0 $0x1;
	_ =	shalt  }
.Lfunc_end2:
_tile_overlayer_lowered:
.L_overlay_start_2:
0xeb: {  	(tag) =	ssettag $0x2  }
0xec: {  	s0 =	rddreg [dreg:$0x0];
	s2 =	stileid.u32  }
0xed: {  	s1 =	rddreg [dreg:$0x1];
	p0 =	sne.s32 s2, $0x0  }
0xee: {  	s3 =	rddreg [dreg:$0x2];
	[bflag:$0x3] =	sbarrier.arrive $0xFFFF;
	s2 =	simm.s32 @!p0 $0x1C03  }
0xef: {  	[timem:s3], [sflag:s2] =	dma.local @!p0 [hbm:s0], s1  }
0xf0: {  	s0 =	simm.s32 @!p0 $0x3  }
0xf1: {  	_ =	swait.ge @!p0 [sflag:s0], s1  }
0xf2: {  	s1 =	ssub.s32 @!p0 $0x0, s1;
	[sflag:s0] =	ssyncset.done @!p0 $0x0  }
0xf3: {  	[sflag:s0] =	ssyncadd.s32 @!p0 s1  }
0xf4: {  	[bflag:$0x3] =	sbarrier.arrive $0xFFFF  }
0xf5: {  	_ =	shalt  }

// kernel: kernel.54.cloned.1.call-start
scs
__scs_entry_jumppad:
0x0: {  	(pc) =	sbr.rel $0x88, $3  }
0x1: {  	(tag) =	ssettag $0x0;
	lr =	simm.s32 $0x1  }
0x2: {  	[smem:$0x3F5D] =	sst lr;
	_ =	strace $0xD0000000  }
0x3: {  	_ = 	snop  }
0x4: {  	_ = 	snop  }
0x5: {  	_ = 	snop  }
0x6: {  	_ = 	snop  }
0x7: {  	_ = 	snop  }
__scs_overlays_trampoline_lowered:
0x8: {  	[smem:$0x3F6C] =	sst s0  }
0x9: {  	[smem:$0x3F6D] =	sst s1  }
0xa: {  	[smem:$0x3F6E] =	sst s2  }
0xb: {  	[smem:$0x3F6F] =	sst s3  }
0xc: {  	[smem:$0x3F70] =	sst s4  }
0xd: {  	[smem:$0x3F71] =	sst s5  }
0xe: {  	[smem:$0x3F72] =	sst s6  }
0xf: {  	[smem:$0x3F73] =	sst s7  }
0x10: {  	[smem:$0x3F74] =	sst s8  }
0x11: {  	[smem:$0x3F75] =	sst s9;
	s0 =	simm.s32 @!p0 $0x0  }
0x12: {  	s1 =	sld [smem:$0x3F5B];
	s0 =	simm.s32 @p0 $0x1  }
0x13: {  	[smem:$0x3F76] =	sst s0;
	s0 =	simm.s32 @!p1 $0x0  }
0x14: {  	s2 =	sld [smem:$0x3F5A];
	s0 =	simm.s32 @p1 $0x1  }
0x15: {  	[smem:$0x3F77] =	sst s0;
	s0 =	simm.s32 @!p2 $0x0  }
0x16: {  	s3 =	sld [smem:$0x3FDB];
	s0 =	simm.s32 @p2 $0x1  }
0x17: {  	s4 =	simm.s32 $0x1BF5;
	[smem:$0x3F79] =	sst s0  }
0x18: {  	s0 =	sld [smem:$0x3F5C];
	_ =	swait.ge [sflag:s4], $0x0  }
0x19: {  	s7 =	sld [smem:$0x3F5D]  }
0x1a: {  	s8 =	sadd.s32 $0xFFFFE003, lr  }
0x1b: {  	s9 =	sadd.s32 $0xFFFFFEF7, lr;
	s5 =	simm.s32 $0xFFFFFFFF;
	p2 =	slt.u32 s8, $0xFFFFF086  }
0x1c: {  	p1 =	slt.u32 s9, $0xF7A;
	s5 =	simm.s32 @!p2 $0x0  }
0x1d: {  	s5 =	simm.s32 @p1 $0x1;
	p0 =	seq.s32 s7, s2  }
0x1e: {  	s7 =	smul.u32 @!p0 $0xF7A, s2;
	p2 =	seq.s32 @!p0 s5, $0x0  }
0x1f: {  	s9 =	smul.u32 $0xF7A, s1;
	s8 =	simm.s32 @!p0 $0x1BF5;
	p2 =	por !p2, p0  }
0x20: {  	[sflag:s8] =	ssyncset.s32 @!p0 $0xFFFFF086;
	s6 =	sadd.s32 @!p0 s3, s7;
	s7 =	simm.s32 @!p0 $0x108  }
0x21: {  	s3 =	sadd.s32 s3, s9;
	s6 =	sadd.s32 @!p0 $0x88, s6;
	s7 =	simm.s32 @p2 $0x1082  }
0x22: {  	[simem:s7], [sflag:s8] =	dma.local @!p0 [hbm:s6], $0xF7A  }
0x23: {  	s9 =	sor.u32 $0xD0000000, s2;
	s6 =	simm.s32 $0x108;
	_ =	swait.ge @!p0 [sflag:s8], $0x0  }
0x24: {  	s3 =	sadd.s32 $0x88, s3;
	s6 =	simm.s32 @!p1 $0x1082;
	[sflag:s4] =	ssyncset.s32 $0xFFFFF086  }
0x25: {  	[simem:s6], [sflag:s4] =	dma.local [hbm:s3], $0xF7A  }
0x26: {  	[smem:$0x3F5D] =	sst s1;
	(tag) =	ssettag s2;
	_ =	strace s9  }
0x27: {  	s1 =	sld [smem:$0x3F6D]  }
0x28: {  	s2 =	sld [smem:$0x3F6E]  }
0x29: {  	s4 =	sld [smem:$0x3F70]  }
0x2a: {  	p0 =	seq.s32 s5, $0x0;
	s5 =	sld [smem:$0x3F71]  }
0x2b: {  	s6 =	sld [smem:$0x3F72]  }
0x2c: {  	s7 =	sld [smem:$0x3F73]  }
0x2d: {  	s3 =	simm.s32 $0x108;
	s8 =	sld [smem:$0x3F74]  }
0x2e: {  	s3 =	simm.s32 @!p0 $0x1082;
	s9 =	sld [smem:$0x3F75]  }
0x2f: {  	lr =	sadd.s32 s0, s3;
	s0 =	sld [smem:$0x3F6C]  }
0x30: {  	s3 =	sld [smem:$0x3F6F]  }
0x31: {  	[smem:$0x3F78] =	sst s10  }
0x32: {  	s10 =	sld [smem:$0x3F76];
	_ =	sdelay $0x3  }
0x33: {  	p0 =	seq.s32 s10, $0x1;
	s10 =	sld [smem:$0x3F78];
	_ =	sdelay $0x3  }
0x34: {  	[smem:$0x3F78] =	sst s10  }
0x35: {  	s10 =	sld [smem:$0x3F77];
	_ =	sdelay $0x3  }
0x36: {  	p1 =	seq.s32 s10, $0x1;
	s10 =	sld [smem:$0x3F78];
	_ =	sdelay $0x3  }
0x37: {  	[smem:$0x3F78] =	sst s10  }
0x38: {  	s10 =	sld [smem:$0x3F79]  }
0x39: {  	_ = 	snop;
	(pc) =	sbr.ind lr, $3  }
0x3a: {  	_ = 	snop  }
0x3b: {  	_ = 	snop  }
0x3c: {  	p2 =	seq.s32 s10, $0x1;
	s10 =	sld [smem:$0x3F78]  }
0x3d: {  	_ =	shalt  }
0x3e: {  	_ =	shalt  }
0x3f: {  	_ =	shalt  }
0x40: {  	_ =	shalt  }
0x41: {  	_ =	shalt  }
0x42: {  	_ =	shalt  }
0x43: {  	_ =	shalt  }
0x44: {  	_ =	shalt  }
0x45: {  	_ =	shalt  }
0x46: {  	_ =	shalt  }
0x47: {  	_ =	shalt  }
0x48: {  	_ =	shalt  }
0x49: {  	_ =	shalt  }
0x4a: {  	_ =	shalt  }
0x4b: {  	_ =	shalt  }
0x4c: {  	_ =	shalt  }
0x4d: {  	_ =	shalt  }
0x4e: {  	_ =	shalt  }
0x4f: {  	_ =	shalt  }
0x50: {  	_ =	shalt  }
0x51: {  	_ =	shalt  }
0x52: {  	_ =	shalt  }
0x53: {  	_ =	shalt  }
0x54: {  	_ =	shalt  }
0x55: {  	_ =	shalt  }
0x56: {  	_ =	shalt  }
0x57: {  	_ =	shalt  }
0x58: {  	_ =	shalt  }
0x59: {  	_ =	shalt  }
0x5a: {  	_ =	shalt  }
0x5b: {  	_ =	shalt  }
0x5c: {  	_ =	shalt  }
0x5d: {  	_ =	shalt  }
0x5e: {  	_ =	shalt  }
0x5f: {  	_ =	shalt  }
0x60: {  	_ =	shalt  }
0x61: {  	_ =	shalt  }
0x62: {  	_ =	shalt  }
0x63: {  	_ =	shalt  }
0x64: {  	_ =	shalt  }
0x65: {  	_ =	shalt  }
0x66: {  	_ =	shalt  }
0x67: {  	_ =	shalt  }
0x68: {  	_ =	shalt  }
0x69: {  	_ =	shalt  }
0x6a: {  	_ =	shalt  }
0x6b: {  	_ =	shalt  }
0x6c: {  	_ =	shalt  }
0x6d: {  	_ =	shalt  }
0x6e: {  	_ =	shalt  }
0x6f: {  	_ =	shalt  }
0x70: {  	_ =	shalt  }
0x71: {  	_ =	shalt  }
0x72: {  	_ =	shalt  }
0x73: {  	_ =	shalt  }
0x74: {  	_ =	shalt  }
0x75: {  	_ =	shalt  }
0x76: {  	_ =	shalt  }
0x77: {  	_ =	shalt  }
0x78: {  	_ =	shalt  }
0x79: {  	_ =	shalt  }
0x7a: {  	_ =	shalt  }
0x7b: {  	_ =	shalt  }
0x7c: {  	_ =	shalt  }
0x7d: {  	_ =	shalt  }
0x7e: {  	_ =	shalt  }
0x7f: {  	_ =	shalt  }
0x80: {  	_ =	shalt  }
0x81: {  	_ =	shalt  }
0x82: {  	_ =	shalt  }
0x83: {  	_ =	shalt  }
0x84: {  	_ =	shalt  }
0x85: {  	_ =	shalt  }
0x86: {  	_ =	shalt  }
0x87: {  	_ =	shalt  }
.Lfunc_end0:
.L_simem_size_0:
called_computation.8_lowered:
.L_overlay_start_0:
0x88: {  	s2 =	sld [smem:$0x3FD9]  }
0x89: {  	s3 =	sld [smem:$0x3FFE];
	_ =	sdelay $0x1  }
0x8a: {  	s1 =	srdreg.scid  }
0x8b: {  	s0 =	sand.u32 $0x1, s1  }
0x8c: {  	s15 =	sshll.u32 s0, $0xA;
	s2 =	sadd.s32 s3, s2  }
0x8d: {  	s2 =	sadd.s32 s2, s15  }
0x8e: {  	[smem:$0x3F84] =	sst s2  }
0x8f: {  	_ = 	snop  }
0x90: {  	s2 =	sld [smem:$0x3FD0];
	_ =	sdelay $0x2  }
0x91: {  	s4 =	simm.s32 $0xC;
	s16 =	simm.s32 $0x10  }
0x92: {  	[smem:s16], [sflag:s4] =	dma.local [hbm:s2], $0x1  }
0x93: {  	_ =	swait.eq [sflag:s4], $0x1  }
0x94: {  	[sflag:s4] =	ssyncset.done $0x0  }
0x95: {  	s17 =	sld [smem:$0x12];
	[sflag:s4] =	ssyncadd.s32 $0xFFFFFFFF  }
0x96: {  	s18 =	sld [smem:$0x13];
	(tm) =	ssettm $0x1  }
0x97: {  	s19 =	sld [smem:$0x3FFB];
	_ =	sdelay $0x3  }
0x98: {  	_ =	strace s19  }
0x99: {  	s2 =	sld [smem:$0x3FFC];
	_ =	sdelay $0x3  }
0x9a: {  	_ =	strace s2  }
0x9b: {  	s2 =	sld [smem:$0x3FFD];
	_ =	sdelay $0x3  }
0x9c: {  	_ =	strace s2  }
0x9d: {  	_ =	strace $0x8FFFFFFF  }
0x9e: {  	s20 =	sld [smem:$0x3FDB];
	_ =	sdelay $0x1  }
0x9f: {  	s5 =	simm.s32 $_scs_section_size  }
0xa0: {  	s6 =	simm.s32 $_size__tile_overlayer_lowered;
	s7 =	simm.s32 $_tile_overlayer_lowered  }
0xa1: {  	s8 =	simm.s32 $0x1BFF;
	s21 =	sshll.u32 s7, $0x1;
	s5 =	sadd.s32 s5, s20  }
0xa2: {  	s22 =	simm.s32 $0x0;
	s6 =	sshll.u32 s6, $0x1;
	s7 =	sadd.s32 s21, s5  }
0xa3: {  	[timem:s22], [sflag:s8] =	dma.local [hbm:s7], s6  }
0xa4: {  	_ =	swait.ge [sflag:s8], s6  }
0xa5: {  	s6 =	ssub.s32 $0x0, s6;
	[sflag:s8] =	ssyncset.done $0x0  }
0xa6: {  	[sflag:s8] =	ssyncadd.s32 s6;
	_ =	sdelay $0x1  }
0xa7: {  	s23 =	simm.s32 $0x1B8B  }
0xa8: {  	_ =	swait.ge [sflag:s23], $0x1  }
0xa9: {  	[sflag:s23] =	ssyncset.done $0x0  }
0xaa: {  	[sflag:s23] =	ssyncadd.s32 $0xFFFFFFFF  }
0xab: {  	s6 =	sld [smem:$0x0]  }
0xac: {  	s7 =	sand.u32 $0xFFFFFFFE, s1  }
0xad: {  	p0 =	sne.s32 s1, s7  }
0xae: {  	s7 =	sshll.u32 @p0 s7, $0xE  }
0xaf: {  	s7 =	sadd.s32 @p0 $0x11B8D, s7;
	s8 =	sshll.u32 @p0 s6, $0x11  }
0xb0: {  	s7 =	sor.u32 @p0 s8, s7  }
0xb1: {  	[sflag:s7] =	ssyncadd.remote.s32 @p0 $0x1;
	_ =	sdelay $0x1  }
0xb2: {  	s7 =	simm.s32 @p0 $0x1B8D  }
0xb3: {  	_ =	swait.eq @p0 [sflag:s7], $0x1  }
0xb4: {  	[sflag:s7] =	ssyncadd.s32 @p0 $0xFFFFFFFF  }
0xb5: {  	s8 =	sshll.u32 @!p0 s1, $0xE  }
0xb6: {  	s8 =	sor.u32 @!p0 $0x4000, s8;
	s7 =	simm.s32 @!p0 $0x1B8D  }
0xb7: {  	s6 =	sshll.u32 @!p0 s6, $0x11;
	s8 =	sadd.s32 @!p0 $0x11B8D, s8;
	_ =	swait.eq @!p0 [sflag:s7], $0x1  }
0xb8: {  	s6 =	sor.u32 @!p0 s6, s8;
	[sflag:s7] =	ssyncadd.s32 @!p0 $0xFFFFFFFF  }
0xb9: {  	s25 =	simm.s32 $0x1B8E;
	s24 =	sld [smem:$0x3FFE];
	[sflag:s6] =	ssyncadd.remote.s32 @!p0 $0x1  }
0xba: {  	s26 =	simm.s32 $execute0_lowered;
	[smem:$0x3FD2] =	sst s25  }
0xbb: {  	s7 =	sshll.u32 s26, $0x1;
	_ =	strace $0x8000005E;
	[dreg:$0x1] =	wrdreg $0xFFFFFFFF  }
0xbc: {  	s28 =	simm.s32 $_size_execute0_lowered;
	s5 =	sadd.s32 s5, s7;
	[dreg:$0x0] =	wrdreg $0x0  }
0xbd: {  	s7 =	sshll.u32 s28, $0x1;
	[dreg:$0x2] =	wrdreg s5  }
0xbe: {  	[dreg:$0x3] =	wrdreg s7  }
0xbf: {  	[dreg:$0x4] =	wrdreg $0xC0  }
0xc0: {  	_ =	task [dreg:s22], $0x5FFFF  }
0xc1: {  	[dreg:$0x1] =	wrdreg $0xFFFFFFFF  }
0xc2: {  	[dreg:$0x0] =	wrdreg $0x60  }
0xc3: {  	[dreg:$0x2] =	wrdreg s24  }
0xc4: {  	[dreg:$0x3] =	wrdreg s17  }
0xc5: {  	[dreg:$0x4] =	wrdreg s18  }
0xc6: {  	[dreg:$0x5] =	wrdreg $0x41000  }
0xc7: {  	[dreg:$0x6] =	wrdreg $0xA  }
0xc8: {  	_ =	task.clear_ibuf [dreg:s22], $0x7FFFF;
	_ =	strace $0x9000005E  }
0xc9: {  	s29 =	simm.s32 $0xA;
	_ =	strace $0x80000060  }
0xca: {  	_ =	swait.ge [sflag:s29], $0x1  }
0xcb: {  	[sflag:s29] =	ssyncadd.s32 $0xFFFFFFFF  }
0xcc: {  	_ =	strace $0x90000060  }
0xcd: {  	_ =	sfence  }
0xce: {  	s30 =	sld [smem:$0x0];
	_ =	sdelay $0x2  }
0xcf: {  	s31 =	sshll.u32 s1, $0xD;
	s1 =	sshrl.u32 s1, $0x2  }
0xd0: {  	s4 =	sand.u32 $0x4000, s31;
	s1 =	sadd.s32 s1, s30  }
0xd1: {  	s0 =	sor.u32 s4, s0;
	s1 =	sshll.u32 s1, $0x11  }
0xd2: {  	s0 =	sor.u32 s1, s0  }
0xd3: {  	s0 =	sadd.s32 $0x8F2B, s0  }
0xd4: {  	[sflag:s0] =	ssyncadd.remote.s32 $0x1  }
0xd5: {  	_ =	sfence.sel $0xFFFF  }
0xd6: {  	[dreg:$0x0] =	wrdreg $0xFFFFFFFF;
	(pc) =	sbr.abs _section_cstart, $3  }
0xd7: {  	[dreg:$0x1] =	wrdreg $0xFFFFFFFF  }
0xd8: {  	_ =	task.clear_ibuf [dreg:s22], $0x2FFFF;
	_ =	strace $0x9FFFFFFF  }
0xd9: {  	(tm) =	ssettm $0x7FFFFFFF  }
tec
execute0_lowered:
.L_overlay_start_1:
0x0: {  	(tag) =	ssettag $0x1  }
0x1: {  	s6 =	rddreg [dreg:$0x0]  }
0x2: {  	s7 =	rddreg [dreg:$0x1]  }
0x3: {  	s10 =	rddreg [dreg:$0x2];
	s0 =	srdreg.scid  }
0x4: {  	s2 =	rddreg [dreg:$0x3];
	s1 =	stileid.u32  }
0x5: {  	s3 =	simm.s32 $0x0;
	s8 =	sand.u32 $0x1, s0;
	s0 =	rddreg [dreg:$0x4]  }
0x6: {  	s9 =	smul.u32 $0x14000, s1;
	[smem:$0x7FF] =	sst s3;
	s4 =	sadd.s32 $0xA2C800, s6  }
0x7: {  	s12 =	smul.u32 $0x50000, s1;
	s29 =	sshll.u32 s1, $0x6;
	s30 =	sshll.u32 s1, $0x4  }
0x8: {  	s31 =	sshll.u32 s1, $0x5;
	s5 =	smul.u32 $0x140000, s8;
	_ =	strace $0x8000005F  }
0x9: {  	s11 =	ssub.s32 $0x2, s8;
	s14 =	sshll.u32 s8, $0x4;
	s7 =	sadd.s32 s30, s7  }
0xa: {  	s10 =	sadd.s32 s31, s10;
	s26 =	sshrl.u32 s11, $0x1;
	s28 =	sshrl.u32 s12, $0x2  }
0xb: {  	s10 =	sadd.s32 s14, s10;
	s12 =	simm.s32 $0x2;
	s5 =	sadd.s32 s9, s5  }
0xc: {  	s11 =	ssub.s32 s11, s26;
	s13 =	sadd.s32 s28, s2;
	s9 =	sshrl.u32 s5, $0x3  }
0xd: {  	s5 =	sadd.s32 $0x15A00, s6;
	s9 =	sadd.s32 s9, s6;
	s6 =	sor.u32 $0x1C02, s29  }
0xe: {  	s8 =	sadd.s32 $0x13F0800, s9;
	s9 =	smax.u32 s11, $0x1;
	s11 =	sshrl.u32 s13, $0x3  }
.LBB2_1:
0xf: {  	[spmem:s11], [sflag:s6] =	dma.local [hbm:s5], $0x2800  }
0x10: {  	_ =	swait.ge [sflag:s12], $0x2800  }
0x11: {  	s13 =	sadd.s32 $0x0, s1;
	[sflag:s12] =	ssyncset.done $0x0  }
0x12: {  	p0 =	sgt.u32 s13, $0x9C3;
	[sflag:s12] =	ssyncadd.s32 $0xFFFFD800  }
0x13: {  	s13 =	simm.s32 @!p0 $0x0;
	s14 =	simm.s32 @!p0 $0x3;
	[bflag:$0x0] =	sbarrier.arrive $0xFFFF  }
0x14: {  	[tilespmem:s13], [sflag:$0x3] =	stream.linear.gather @!p0 [hbm4b:s7+s13], $0x80, $0x38;
	[tilespmem:$0x18100] =	vst v63  }
0x15: {  	_ =	swait.ge @!p0 [sflag:s14], $0x80  }
0x16: {  	[sflag:s14] =	ssyncset.done @!p0 $0x0;
	p0 =	por p0, p0  }
0x17: {  	[sflag:s14] =	ssyncadd.s32 @!p0 $0xFFFFFF80;
	s15 =	simm.s32 @!p0 $0x80  }
0x18: {  	[tilespmem:s15], [sflag:$0x3] =	stream.linear.gather @!p0 [hbm4b:s10+s13], $0x80, $0x38;
	[tilespmem:$0x18100] =	vst v63  }
0x19: {  	_ =	swait.ge @!p0 [sflag:s14], $0x80  }
0x1a: {  	[sflag:s14] =	ssyncset.done @!p0 $0x0  }
0x1b: {  	s17 =	simm.s32 @!p0 $0x100;
	s16 =	simm.s32 @!p0 $0x1;
	[sflag:s14] =	ssyncadd.s32 @!p0 $0xFFFFFF80  }
0x1c: {  	[tilespmem:s17], [sflag:$0x1] =	stream.indirect.gather @!p0 [hbm4b:s4+s15], $0x80, s15, s15, $0xb8;
	[tilespmem:$0x18100] =	vst v63  }
0x1d: {  	_ =	swait.ge @!p0 [sflag:s16], $0x4000  }
0x1e: {  	[sflag:s16] =	ssyncset.done @!p0 $0x0  }
0x1f: {  	s31 =	sadd.s32 $0x10, s1;
	[sflag:s16] =	ssyncadd.s32 @!p0 $0xFFFFC000;
	s16 =	simm.s32 @!p0 $0x2  }
0x20: {  	[spmem:s2] =	stream.indirect.scatter.add.f32 @!p0 [tilespmem:s17], [sflag:$0x2], $0x80, s13, s15, $0xb8;
	[tilespmem:$0x18100] =	vst v63  }
0x21: {  	p2 =	sgt.u32 s31, $0x9C3;
	s14 =	simm.s32 $0x20;
	_ =	swait.ge @!p0 [sflag:s16], $0x4000  }
0x22: {  	s13 =	sadd.s32 $0x200, s10;
	s15 =	sadd.s32 $0x100, s7;
	[sflag:s16] =	ssyncset.done @!p0 $0x0  }
.LBB2_2:
0x23: {  	s17 =	simm.s32 @!p2 $0x0;
	s18 =	simm.s32 @!p2 $0x3;
	[sflag:s16] =	ssyncadd.s32 @!p0 $0xFFFFC000  }
0x24: {  	[tilespmem:s17], [sflag:$0x3] =	stream.linear.gather @!p2 [hbm4b:s15+s17], $0x80, $0x38;
	[tilespmem:$0x18100] =	vst v63  }
0x25: {  	s19 =	smov.u32 s14;
	s14 =	sadd.s32 $0x10, s14;
	_ =	swait.ge @!p2 [sflag:s18], $0x80  }
0x26: {  	p0 =	por p2, p2;
	p1 =	sne.s32 s14, $0x9D0;
	[sflag:s18] =	ssyncset.done @!p2 $0x0  }
0x27: {  	s20 =	simm.s32 @!p0 $0x80;
	[sflag:s18] =	ssyncadd.s32 @!p0 $0xFFFFFF80  }
0x28: {  	[tilespmem:s20], [sflag:$0x3] =	stream.linear.gather @!p0 [hbm4b:s13+s17], $0x80, $0x38;
	[tilespmem:$0x18100] =	vst v63  }
0x29: {  	_ =	swait.ge @!p0 [sflag:s18], $0x80  }
0x2a: {  	[sflag:s18] =	ssyncset.done @!p0 $0x0  }
0x2b: {  	s16 =	simm.s32 @!p0 $0x1;
	[sflag:s18] =	ssyncadd.s32 @!p0 $0xFFFFFF80;
	s18 =	simm.s32 @!p0 $0x100  }
0x2c: {  	[tilespmem:s18], [sflag:$0x1] =	stream.indirect.gather @!p0 [hbm4b:s4+s20], $0x80, s20, s20, $0xb8;
	[tilespmem:$0x18100] =	vst v63  }
0x2d: {  	_ =	swait.ge @!p0 [sflag:s16], $0x4000  }
.Ltmp0:
0x2e: {  	[sflag:s16] =	ssyncset.done @!p0 $0x0;
	(pc) =	sbr.rel @p1 .LBB2_2-.Ltmp0, $4  }
0x2f: {  	[sflag:s16] =	ssyncadd.s32 @!p0 $0xFFFFC000;
	s16 =	simm.s32 @!p0 $0x2  }
0x30: {  	[spmem:s2] =	stream.indirect.scatter.add.f32 @!p0 [tilespmem:s18], [sflag:$0x2], $0x80, s17, s20, $0xb8;
	[tilespmem:$0x18100] =	vst v63  }
0x31: {  	s13 =	sadd.s32 $0x200, s13;
	s17 =	sadd.s32 s19, s1;
	_ =	swait.ge @!p0 [sflag:s16], $0x4000  }
0x32: {  	s15 =	sadd.s32 $0x100, s15;
	p2 =	sgt.u32 s17, $0x9C3;
	[sflag:s16] =	ssyncset.done @!p0 $0x0  }
0x33: {  	s14 =	simm.s32 @!p2 $0x0;
	s17 =	simm.s32 @!p2 $0x3;
	[sflag:s16] =	ssyncadd.s32 @!p0 $0xFFFFC000  }
0x34: {  	[tilespmem:s14], [sflag:$0x3] =	stream.linear.gather @!p2 [hbm4b:s15+s14], $0x80, $0x38;
	[tilespmem:$0x18100] =	vst v63  }
0x35: {  	_ =	swait.ge @!p2 [sflag:s17], $0x80  }
0x36: {  	p0 =	por p2, p2;
	[sflag:s17] =	ssyncset.done @!p2 $0x0  }
0x37: {  	s15 =	simm.s32 @!p0 $0x80;
	[sflag:s17] =	ssyncadd.s32 @!p0 $0xFFFFFF80  }
0x38: {  	[tilespmem:s15], [sflag:$0x3] =	stream.linear.gather @!p0 [hbm4b:s13+s14], $0x80, $0x38;
	[tilespmem:$0x18100] =	vst v63  }
0x39: {  	_ =	swait.ge @!p0 [sflag:s17], $0x80  }
0x3a: {  	[sflag:s17] =	ssyncset.done @!p0 $0x0  }
0x3b: {  	s16 =	simm.s32 @!p0 $0x1;
	s13 =	simm.s32 @!p0 $0x100;
	[sflag:s17] =	ssyncadd.s32 @!p0 $0xFFFFFF80  }
0x3c: {  	[tilespmem:s13], [sflag:$0x1] =	stream.indirect.gather @!p0 [hbm4b:s4+s15], $0x80, s15, s15, $0xb8;
	[tilespmem:$0x18100] =	vst v63  }
0x3d: {  	_ =	swait.ge @!p0 [sflag:s16], $0x4000  }
0x3e: {  	[sflag:s16] =	ssyncset.done @!p0 $0x0  }
0x3f: {  	[sflag:s16] =	ssyncadd.s32 @!p0 $0xFFFFC000;
	s16 =	simm.s32 @!p0 $0x2  }
0x40: {  	[spmem:s2] =	stream.indirect.scatter.add.f32 @!p0 [tilespmem:s13], [sflag:$0x2], $0x80, s14, s15, $0xb8;
	[tilespmem:$0x18100] =	vst v63  }
0x41: {  	_ =	swait.ge @!p0 [sflag:s16], $0x4000  }
0x42: {  	s3 =	sadd.s32 $0x1, s3;
	[sflag:s16] =	ssyncset.done @!p0 $0x0  }
0x43: {  	[sflag:s16] =	ssyncadd.s32 @!p0 $0xFFFFC000;
	p0 =	sne.s32 s3, s9  }
.Ltmp1:
0x44: {  	[bflag:$0x0] =	sbarrier.arrive $0xFFFF;
	(pc) =	sbr.rel @p0 .LBB2_1-.Ltmp1, $4  }
0x45: {  	[hbm:s8], [sflag:s6] =	dma.local [spmem:s11], $0x2800  }
0x46: {  	_ =	swait.ge [sflag:s12], $0x2800  }
0x47: {  	[sflag:s12] =	ssyncset.done $0x0  }
0x48: {  	[sflag:s12] =	ssyncadd.s32 $0xFFFFD800  }
0x49: {  	_ =	sfence.sel $0x180000  }
0x4a: {  	[bflag:$0x0] =	sbarrier.arrive $0xFFFF  }
0x4b: {  	p0 =	sne.s32 s1, $0x0;
	_ =	strace $0x9000005F  }
0x4c: {  	s0 =	sadd.s32 @!p0 $0x100000, s0;
	[bflag:$0x2] =	sbarrier.arrive $0xFFFF  }
0x4d: {  	[sflag:s0] =	ssyncadd.tile.s32 @!p0 $0x1;
	_ =	shalt  }
.Lfunc_end2:
_tile_overlayer_lowered:
.L_overlay_start_2:
0x4e: {  	(tag) =	ssettag $0x2  }
0x4f: {  	s0 =	rddreg [dreg:$0x0];
	s2 =	stileid.u32  }
0x50: {  	s1 =	rddreg [dreg:$0x1];
	p0 =	sne.s32 s2, $0x0  }
0x51: {  	s3 =	rddreg [dreg:$0x2];
	[bflag:$0x3] =	sbarrier.arrive $0xFFFF;
	s2 =	simm.s32 @!p0 $0x1C02  }
0x52: {  	[timem:s3], [sflag:s2] =	dma.local @!p0 [hbm:s0], s1  }
0x53: {  	s0 =	simm.s32 @!p0 $0x2  }
0x54: {  	_ =	swait.ge @!p0 [sflag:s0], s1  }
0x55: {  	s1 =	ssub.s32 @!p0 $0x0, s1;
	[sflag:s0] =	ssyncset.done @!p0 $0x0  }
0x56: {  	[sflag:s0] =	ssyncadd.s32 @!p0 s1  }
0x57: {  	[bflag:$0x3] =	sbarrier.arrive $0xFFFF  }
0x58: {  	_ =	shalt  }

// kernel: kernel.57.cloned.1.call-start
scs
__scs_entry_jumppad:
0x0: {  	(pc) =	sbr.rel $0x88, $3  }
0x1: {  	(tag) =	ssettag $0x0;
	lr =	simm.s32 $0x1  }
0x2: {  	[smem:$0x3F5D] =	sst lr;
	_ =	strace $0xD0000000  }
0x3: {  	_ = 	snop  }
0x4: {  	_ = 	snop  }
0x5: {  	_ = 	snop  }
0x6: {  	_ = 	snop  }
0x7: {  	_ = 	snop  }
__scs_overlays_trampoline_lowered:
0x8: {  	[smem:$0x3F6C] =	sst s0  }
0x9: {  	[smem:$0x3F6D] =	sst s1  }
0xa: {  	[smem:$0x3F6E] =	sst s2  }
0xb: {  	[smem:$0x3F6F] =	sst s3  }
0xc: {  	[smem:$0x3F70] =	sst s4  }
0xd: {  	[smem:$0x3F71] =	sst s5  }
0xe: {  	[smem:$0x3F72] =	sst s6  }
0xf: {  	[smem:$0x3F73] =	sst s7  }
0x10: {  	[smem:$0x3F74] =	sst s8  }
0x11: {  	[smem:$0x3F75] =	sst s9;
	s0 =	simm.s32 @!p0 $0x0  }
0x12: {  	s1 =	sld [smem:$0x3F5B];
	s0 =	simm.s32 @p0 $0x1  }
0x13: {  	[smem:$0x3F76] =	sst s0;
	s0 =	simm.s32 @!p1 $0x0  }
0x14: {  	s2 =	sld [smem:$0x3F5A];
	s0 =	simm.s32 @p1 $0x1  }
0x15: {  	[smem:$0x3F77] =	sst s0;
	s0 =	simm.s32 @!p2 $0x0  }
0x16: {  	s3 =	sld [smem:$0x3FDB];
	s0 =	simm.s32 @p2 $0x1  }
0x17: {  	s4 =	simm.s32 $0x1BF5;
	[smem:$0x3F79] =	sst s0  }
0x18: {  	s0 =	sld [smem:$0x3F5C];
	_ =	swait.ge [sflag:s4], $0x0  }
0x19: {  	s7 =	sld [smem:$0x3F5D]  }
0x1a: {  	s8 =	sadd.s32 $0xFFFFE003, lr  }
0x1b: {  	s9 =	sadd.s32 $0xFFFFFEF7, lr;
	s5 =	simm.s32 $0xFFFFFFFF;
	p2 =	slt.u32 s8, $0xFFFFF086  }
0x1c: {  	p1 =	slt.u32 s9, $0xF7A;
	s5 =	simm.s32 @!p2 $0x0  }
0x1d: {  	s5 =	simm.s32 @p1 $0x1;
	p0 =	seq.s32 s7, s2  }
0x1e: {  	s7 =	smul.u32 @!p0 $0xF7A, s2;
	p2 =	seq.s32 @!p0 s5, $0x0  }
0x1f: {  	s9 =	smul.u32 $0xF7A, s1;
	s8 =	simm.s32 @!p0 $0x1BF5;
	p2 =	por !p2, p0  }
0x20: {  	[sflag:s8] =	ssyncset.s32 @!p0 $0xFFFFF086;
	s6 =	sadd.s32 @!p0 s3, s7;
	s7 =	simm.s32 @!p0 $0x108  }
0x21: {  	s3 =	sadd.s32 s3, s9;
	s6 =	sadd.s32 @!p0 $0x88, s6;
	s7 =	simm.s32 @p2 $0x1082  }
0x22: {  	[simem:s7], [sflag:s8] =	dma.local @!p0 [hbm:s6], $0xF7A  }
0x23: {  	s9 =	sor.u32 $0xD0000000, s2;
	s6 =	simm.s32 $0x108;
	_ =	swait.ge @!p0 [sflag:s8], $0x0  }
0x24: {  	s3 =	sadd.s32 $0x88, s3;
	s6 =	simm.s32 @!p1 $0x1082;
	[sflag:s4] =	ssyncset.s32 $0xFFFFF086  }
0x25: {  	[simem:s6], [sflag:s4] =	dma.local [hbm:s3], $0xF7A  }
0x26: {  	[smem:$0x3F5D] =	sst s1;
	(tag) =	ssettag s2;
	_ =	strace s9  }
0x27: {  	s1 =	sld [smem:$0x3F6D]  }
0x28: {  	s2 =	sld [smem:$0x3F6E]  }
0x29: {  	s4 =	sld [smem:$0x3F70]  }
0x2a: {  	p0 =	seq.s32 s5, $0x0;
	s5 =	sld [smem:$0x3F71]  }
0x2b: {  	s6 =	sld [smem:$0x3F72]  }
0x2c: {  	s7 =	sld [smem:$0x3F73]  }
0x2d: {  	s3 =	simm.s32 $0x108;
	s8 =	sld [smem:$0x3F74]  }
0x2e: {  	s3 =	simm.s32 @!p0 $0x1082;
	s9 =	sld [smem:$0x3F75]  }
0x2f: {  	lr =	sadd.s32 s0, s3;
	s0 =	sld [smem:$0x3F6C]  }
0x30: {  	s3 =	sld [smem:$0x3F6F]  }
0x31: {  	[smem:$0x3F78] =	sst s10  }
0x32: {  	s10 =	sld [smem:$0x3F76];
	_ =	sdelay $0x3  }
0x33: {  	p0 =	seq.s32 s10, $0x1;
	s10 =	sld [smem:$0x3F78];
	_ =	sdelay $0x3  }
0x34: {  	[smem:$0x3F78] =	sst s10  }
0x35: {  	s10 =	sld [smem:$0x3F77];
	_ =	sdelay $0x3  }
0x36: {  	p1 =	seq.s32 s10, $0x1;
	s10 =	sld [smem:$0x3F78];
	_ =	sdelay $0x3  }
0x37: {  	[smem:$0x3F78] =	sst s10  }
0x38: {  	s10 =	sld [smem:$0x3F79]  }
0x39: {  	_ = 	snop;
	(pc) =	sbr.ind lr, $3  }
0x3a: {  	_ = 	snop  }
0x3b: {  	_ = 	snop  }
0x3c: {  	p2 =	seq.s32 s10, $0x1;
	s10 =	sld [smem:$0x3F78]  }
0x3d: {  	_ =	shalt  }
0x3e: {  	_ =	shalt  }
0x3f: {  	_ =	shalt  }
0x40: {  	_ =	shalt  }
0x41: {  	_ =	shalt  }
0x42: {  	_ =	shalt  }
0x43: {  	_ =	shalt  }
0x44: {  	_ =	shalt  }
0x45: {  	_ =	shalt  }
0x46: {  	_ =	shalt  }
0x47: {  	_ =	shalt  }
0x48: {  	_ =	shalt  }
0x49: {  	_ =	shalt  }
0x4a: {  	_ =	shalt  }
0x4b: {  	_ =	shalt  }
0x4c: {  	_ =	shalt  }
0x4d: {  	_ =	shalt  }
0x4e: {  	_ =	shalt  }
0x4f: {  	_ =	shalt  }
0x50: {  	_ =	shalt  }
0x51: {  	_ =	shalt  }
0x52: {  	_ =	shalt  }
0x53: {  	_ =	shalt  }
0x54: {  	_ =	shalt  }
0x55: {  	_ =	shalt  }
0x56: {  	_ =	shalt  }
0x57: {  	_ =	shalt  }
0x58: {  	_ =	shalt  }
0x59: {  	_ =	shalt  }
0x5a: {  	_ =	shalt  }
0x5b: {  	_ =	shalt  }
0x5c: {  	_ =	shalt  }
0x5d: {  	_ =	shalt  }
0x5e: {  	_ =	shalt  }
0x5f: {  	_ =	shalt  }
0x60: {  	_ =	shalt  }
0x61: {  	_ =	shalt  }
0x62: {  	_ =	shalt  }
0x63: {  	_ =	shalt  }
0x64: {  	_ =	shalt  }
0x65: {  	_ =	shalt  }
0x66: {  	_ =	shalt  }
0x67: {  	_ =	shalt  }
0x68: {  	_ =	shalt  }
0x69: {  	_ =	shalt  }
0x6a: {  	_ =	shalt  }
0x6b: {  	_ =	shalt  }
0x6c: {  	_ =	shalt  }
0x6d: {  	_ =	shalt  }
0x6e: {  	_ =	shalt  }
0x6f: {  	_ =	shalt  }
0x70: {  	_ =	shalt  }
0x71: {  	_ =	shalt  }
0x72: {  	_ =	shalt  }
0x73: {  	_ =	shalt  }
0x74: {  	_ =	shalt  }
0x75: {  	_ =	shalt  }
0x76: {  	_ =	shalt  }
0x77: {  	_ =	shalt  }
0x78: {  	_ =	shalt  }
0x79: {  	_ =	shalt  }
0x7a: {  	_ =	shalt  }
0x7b: {  	_ =	shalt  }
0x7c: {  	_ =	shalt  }
0x7d: {  	_ =	shalt  }
0x7e: {  	_ =	shalt  }
0x7f: {  	_ =	shalt  }
0x80: {  	_ =	shalt  }
0x81: {  	_ =	shalt  }
0x82: {  	_ =	shalt  }
0x83: {  	_ =	shalt  }
0x84: {  	_ =	shalt  }
0x85: {  	_ =	shalt  }
0x86: {  	_ =	shalt  }
0x87: {  	_ =	shalt  }
.Lfunc_end0:
.L_simem_size_0:
called_computation.9_lowered:
.L_overlay_start_0:
0x88: {  	s2 =	sld [smem:$0x3FD9]  }
0x89: {  	s3 =	sld [smem:$0x3FFE];
	_ =	sdelay $0x1  }
0x8a: {  	s1 =	srdreg.scid  }
0x8b: {  	s0 =	sand.u32 $0x1, s1  }
0x8c: {  	s14 =	sshll.u32 s0, $0xA;
	s2 =	sadd.s32 s3, s2  }
0x8d: {  	s2 =	sadd.s32 s2, s14  }
0x8e: {  	[smem:$0x3F84] =	sst s2  }
0x8f: {  	_ = 	snop  }
0x90: {  	s2 =	sld [smem:$0x3FD0];
	_ =	sdelay $0x2  }
0x91: {  	s15 =	simm.s32 $0xC;
	s4 =	simm.s32 $0x10  }
0x92: {  	[smem:s4], [sflag:s15] =	dma.local [hbm:s2], $0x1  }
0x93: {  	_ =	swait.eq [sflag:s15], $0x1  }
0x94: {  	[sflag:s15] =	ssyncset.done $0x0  }
0x95: {  	[sflag:s15] =	ssyncadd.s32 $0xFFFFFFFF  }
0x96: {  	s16 =	sld [smem:$0x10];
	(tm) =	ssettm $0x1  }
0x97: {  	s17 =	sld [smem:$0x3FFB];
	_ =	sdelay $0x3  }
0x98: {  	_ =	strace s17  }
0x99: {  	s3 =	sld [smem:$0x3FFC];
	_ =	sdelay $0x3  }
0x9a: {  	_ =	strace s3  }
0x9b: {  	s3 =	sld [smem:$0x3FFD];
	_ =	sdelay $0x3  }
0x9c: {  	_ =	strace s3  }
0x9d: {  	_ =	strace $0x8FFFFFFF  }
0x9e: {  	s18 =	sld [smem:$0x3FDB];
	_ =	sdelay $0x1  }
0x9f: {  	s19 =	simm.s32 $_scs_section_size  }
0xa0: {  	s5 =	simm.s32 $_size__tile_overlayer_lowered;
	s6 =	simm.s32 $_tile_overlayer_lowered  }
0xa1: {  	s22 =	simm.s32 $0x1BFF;
	s21 =	sshll.u32 s6, $0x1;
	s3 =	sadd.s32 s19, s18  }
0xa2: {  	s7 =	simm.s32 $0x0;
	s20 =	sshll.u32 s5, $0x1;
	s5 =	sadd.s32 s21, s3  }
0xa3: {  	[timem:s7], [sflag:s22] =	dma.local [hbm:s5], s20  }
0xa4: {  	_ =	swait.ge [sflag:s22], s20  }
0xa5: {  	s4 =	ssub.s32 $0x0, s20;
	[sflag:s22] =	ssyncset.done $0x0  }
0xa6: {  	[sflag:s22] =	ssyncadd.s32 s4;
	_ =	sdelay $0x1  }
0xa7: {  	s23 =	simm.s32 $0x1B8B  }
0xa8: {  	_ =	swait.ge [sflag:s23], $0x1  }
0xa9: {  	[sflag:s23] =	ssyncset.done $0x0  }
0xaa: {  	s25 =	simm.s32 $0x1B8E;
	s24 =	sld [smem:$0x3FFE];
	[sflag:s23] =	ssyncadd.s32 $0xFFFFFFFF  }
0xab: {  	s26 =	simm.s32 $execute0_lowered;
	[smem:$0x3FD2] =	sst s25  }
0xac: {  	s5 =	sshll.u32 s26, $0x1;
	_ =	strace $0x80000061;
	[dreg:$0x1] =	wrdreg $0xFFFFFFFF  }
0xad: {  	s28 =	simm.s32 $_size_execute0_lowered;
	s3 =	sadd.s32 s3, s5;
	[dreg:$0x0] =	wrdreg $0x0  }
0xae: {  	s5 =	sshll.u32 s28, $0x1;
	[dreg:$0x2] =	wrdreg s3  }
0xaf: {  	[dreg:$0x3] =	wrdreg s5  }
0xb0: {  	[dreg:$0x4] =	wrdreg $0xC0  }
0xb1: {  	_ =	task [dreg:s7], $0x5FFFF  }
0xb2: {  	[dreg:$0x1] =	wrdreg $0xFFFFFFFF  }
0xb3: {  	[dreg:$0x0] =	wrdreg $0x60  }
0xb4: {  	[dreg:$0x2] =	wrdreg s24  }
0xb5: {  	[dreg:$0x3] =	wrdreg s16  }
0xb6: {  	[dreg:$0x4] =	wrdreg $0x9  }
0xb7: {  	_ =	task.clear_ibuf [dreg:s7], $0x5FFFF;
	_ =	strace $0x90000061  }
0xb8: {  	s29 =	simm.s32 $0x9;
	_ =	strace $0x80000063  }
0xb9: {  	_ =	swait.ge [sflag:s29], $0x1  }
0xba: {  	[sflag:s29] =	ssyncadd.s32 $0xFFFFFFFF  }
0xbb: {  	_ =	strace $0x90000063  }
0xbc: {  	_ =	sfence  }
0xbd: {  	s30 =	sld [smem:$0x0];
	_ =	sdelay $0x2  }
0xbe: {  	s31 =	sshll.u32 s1, $0xD;
	s1 =	sshrl.u32 s1, $0x2  }
0xbf: {  	s3 =	sand.u32 $0x4000, s31;
	s1 =	sadd.s32 s1, s30  }
0xc0: {  	s0 =	sor.u32 s3, s0;
	s1 =	sshll.u32 s1, $0x11  }
0xc1: {  	s0 =	sor.u32 s1, s0  }
0xc2: {  	s0 =	sadd.s32 $0x8F2B, s0  }
0xc3: {  	[sflag:s0] =	ssyncadd.remote.s32 $0x1  }
0xc4: {  	_ =	sfence.sel $0xFFFF  }
0xc5: {  	[dreg:$0x0] =	wrdreg $0xFFFFFFFF;
	(pc) =	sbr.abs _section_cstart, $3  }
0xc6: {  	[dreg:$0x1] =	wrdreg $0xFFFFFFFF  }
0xc7: {  	_ =	task.clear_ibuf [dreg:s7], $0x2FFFF;
	_ =	strace $0x9FFFFFFF  }
0xc8: {  	(tm) =	ssettm $0x7FFFFFFF  }
0xc9: {  	_ =	shalt  }
tec
execute0_lowered:
.L_overlay_start_1:
0x0: {  	(tag) =	ssettag $0x1  }
0x1: {  	s0 =	rddreg [dreg:$0x0]  }
0x2: {  	s1 =	rddreg [dreg:$0x1];
	s2 =	simm.s32 $0x0;
	s3 =	srdreg.scid  }
0x3: {  	s10 =	stileid.u32;
	s12 =	simm.s32 $0x100;
	s29 =	simm.s32 $0x8100  }
0x4: {  	s30 =	simm.s32 $0x8900;
	s31 =	simm.s32 $0x9100;
	s11 =	simm.s32 $0xC900  }
0x5: {  	s13 =	simm.s32 $0xD100;
	s14 =	simm.s32 $0xD900;
	s15 =	simm.s32 $0xE100  }
0x6: {  	s16 =	simm.s32 $0xE900;
	s17 =	simm.s32 $0xF100;
	s18 =	simm.s32 $0xF900  }
0x7: {  	s19 =	simm.s32 $0x1;
	s20 =	simm.s32 $0x2;
	s21 =	simm.s32 $0x3  }
0x8: {  	s28 =	simm.s32 $0x80;
	[smem:$0x7FF] =	sst s2;
	s4 =	sand.u32 $0x1, s3  }
0x9: {  	s3 =	sadd.s32 $0xB4C00, s0;
	s5 =	sshll.u32 s10, $0x5;
	s8 =	sshll.u32 s10, $0xD  }
0xa: {  	s23 =	sshll.u32 s10, $0x1;
	s10 =	simm.s32 $0x4;
	_ =	strace $0x80000062  }
0xb: {  	s6 =	ssub.s32 $0x2, s4;
	s7 =	sadd.s32 s5, s0;
	s0 =	sadd.s32 s8, s0  }
0xc: {  	[dreg:$0x3] =	wrdreg s23;
	s24 =	sshll.u32 s4, $0x4;
	s4 =	sshll.u32 s4, $0xC  }
0xd: {  	s1 =	sadd.s32 s5, s1;
	s5 =	simm.s32 $0xA900;
	s8 =	simm.s32 $0xB900  }
0xe: {  	s23 =	simm.s32 $0x0;
	s9 =	sshrl.u32 s6, $0x1;
	s25 =	sadd.s32 s24, s7  }
.Ltmp0:
0xf: {  	s0 =	sadd.s32 s4, s0;
	s7 =	sadd.s32 s24, s1;
	(pc) =	sbr.rel .LBB2_1-.Ltmp0, $4  }
0x10: {  	s1 =	simm.s32 $0xA100;
	s4 =	simm.s32 $0xB100;
	s26 =	sadd.s32 $0x633000, s0  }
0x11: {  	v2 =	vlaneseq.u32;
	s6 =	ssub.s32 s6, s9;
	s0 =	sadd.s32 $0x151000, s0;
	[dreg:$0x5] =	wrdreg s26  }
0x12: {  	vm0 =	vmmov $0xffff;
	v1 =	vshrl.u32 v2, $0x3;
	s9 =	simm.s32 $0xC100;
	s6 =	smax.u32 s6, $0x1;
	[dreg:$0x6] =	wrdreg s0  }
0x13: {  	v0 =	vand.u32 $0x7, v2;
	v2 =	vor.u32 $0x8, v2;
	v1 =	vmul.u32 $0x8, v1;
	s0 =	simm.s32 $0x9900;
	[dreg:$0x4] =	wrdreg s6;
	s6 =	sadd.s32 $0x10A00, s25  }
.LBB2_5:
0x14: {  	s23 =	rddreg [dreg:$0x7]  }
0x15: {  	s22 =	rddreg [dreg:$0x4];
	s23 =	sadd.s32 $0x1, s23  }
0x16: {  	p0 =	sne.s32 s23, s22  }
.Ltmp1:
0x17: {  	_ = 	snop;
	(pc) =	sbr.rel @!p0 .LBB2_6-.Ltmp1, $1  }
0x18: {  	_ =	sdelay $0x3  }
.LBB2_1:
.Ltmp2:
0x19: {  	(pc) =	sbr.rel .LBB2_2-.Ltmp2, $4  }
0x1a: {  	[dreg:$0x7] =	wrdreg s23  }
0x1b: {  	s22 =	rddreg [dreg:$0x3]  }
0x1c: {  	s23 =	rddreg [dreg:$0x6]  }
0x1d: {  	s24 =	rddreg [dreg:$0x5];
	s25 =	simm.s32 $0x0  }
.LBB2_4:
0x1e: {  	s25 =	sadd.s32 $0x200, s25  }
0x1f: {  	p0 =	sne.s32 s25, $0x5000  }
.Ltmp3:
0x20: {  	_ = 	snop;
	(pc) =	sbr.rel @!p0 .LBB2_5-.Ltmp3, $2  }
0x21: {  	_ =	sdelay $0x2  }
0x22: {  	s24 =	sadd.s32 $0x20000, s24;
	s23 =	sadd.s32 $0x20000, s23;
	s22 =	sadd.s32 $0x20, s22  }
.LBB2_2:
0x23: {  	p0 =	sgt.u32 s22, $0x4E1  }
.Ltmp4:
0x24: {  	_ = 	snop;
	(pc) =	sbr.rel @p0 .LBB2_4-.Ltmp4, $1  }
0x25: {  	_ =	sdelay $0x3  }
0x26: {  	s26 =	sadd.s32 s25, s7  }
0x27: {  	[tilespmem:s2], [sflag:$0x4] =	stream.linear.gather [hbm4b:s26+s2], $0x80, $0x38;
	[tilespmem:$0x10100] =	vst v63  }
0x28: {  	_ =	swait.ge [sflag:s10], $0x80  }
0x29: {  	[sflag:s10] =	ssyncset.done $0x0  }
0x2a: {  	s26 =	sadd.s32 s25, s6;
	[sflag:s10] =	ssyncadd.s32 $0xFFFFFF80  }
0x2b: {  	[tilespmem:s28], [sflag:$0x4] =	stream.linear.gather [hbm4b:s26+s2], $0x80, $0x38;
	[tilespmem:$0x10100] =	vst v63  }
0x2c: {  	_ =	swait.ge [sflag:s10], $0x80  }
0x2d: {  	[sflag:s10] =	ssyncset.done $0x0  }
0x2e: {  	[sflag:s10] =	ssyncadd.s32 $0xFFFFFF80  }
0x2f: {  	v3 =	vld [tilespmem:$0x0];
	_ =	sdelay $0x4  }
0x30: {  	v4 =	vshll.u32 v3, $0x1  }
0x31: {  	v3 =	vand.u32 $0x7, v3;
	v4 =	vand.u32 $0xFFFFFFF0, v4  }
0x32: {  	v3 =	vor.u32 v3, v4  }
0x33: {  	v4 =	vperm.xlane v3, v0;
	_ =	sdelay $0x1  }
0x34: {  	v3 =	vperm.xlane v3, v2;
	v4 =	vadd.s32 v1, v4;
	_ =	sdelay $0x1  }
0x35: {  	v3 =	vadd.s32 v1, v3;
	_ =	sdelay $0x2  }
0x36: {  	[tilespmem:s12], [sflag:$0x1] =	stream.indirect_vreg.gather [hbm4b:s3+s2], $0x80, v4, vm0, $0xb8;
	[tilespmem:$0x10100] =	vst v63  }
0x37: {  	s26 =	simm.s32 $0x900  }
0x38: {  	[tilespmem:s26], [sflag:$0x1] =	stream.indirect_vreg.gather [hbm4b:s3+s2], $0x80, v3, vm0, $0xb8;
	[tilespmem:$0x10100] =	vst v63  }
0x39: {  	v3 =	vld [tilespmem:$0x10];
	_ =	sdelay $0x4  }
0x3a: {  	v49 =	vshll.u32 v3, $0x1  }
0x3b: {  	v3 =	vand.u32 $0x7, v3;
	v4 =	vand.u32 $0xFFFFFFF0, v49  }
0x3c: {  	v3 =	vor.u32 v3, v4  }
0x3d: {  	v4 =	vperm.xlane v3, v0;
	_ =	sdelay $0x1  }
0x3e: {  	v3 =	vperm.xlane v3, v2;
	v4 =	vadd.s32 v1, v4;
	_ =	sdelay $0x1  }
0x3f: {  	v3 =	vadd.s32 v1, v3;
	_ =	sdelay $0x1  }
0x40: {  	s26 =	simm.s32 $0x1100  }
0x41: {  	[tilespmem:s26], [sflag:$0x1] =	stream.indirect_vreg.gather [hbm4b:s3+s2], $0x80, v4, vm0, $0xb8;
	[tilespmem:$0x10100] =	vst v63  }
0x42: {  	s26 =	simm.s32 $0x1900  }
0x43: {  	[tilespmem:s26], [sflag:$0x1] =	stream.indirect_vreg.gather [hbm4b:s3+s2], $0x80, v3, vm0, $0xb8;
	[tilespmem:$0x10100] =	vst v63  }
0x44: {  	v3 =	vld [tilespmem:$0x20];
	_ =	sdelay $0x4  }
0x45: {  	v50 =	vshll.u32 v3, $0x1  }
0x46: {  	v3 =	vand.u32 $0x7, v3;
	v4 =	vand.u32 $0xFFFFFFF0, v50  }
0x47: {  	v3 =	vor.u32 v3, v4  }
0x48: {  	v4 =	vperm.xlane v3, v0;
	_ =	sdelay $0x1  }
0x49: {  	v3 =	vperm.xlane v3, v2;
	v4 =	vadd.s32 v1, v4;
	_ =	sdelay $0x1  }
0x4a: {  	v3 =	vadd.s32 v1, v3;
	_ =	sdelay $0x1  }
0x4b: {  	s26 =	simm.s32 $0x2100  }
0x4c: {  	[tilespmem:s26], [sflag:$0x1] =	stream.indirect_vreg.gather [hbm4b:s3+s2], $0x80, v4, vm0, $0xb8;
	[tilespmem:$0x10100] =	vst v63  }
0x4d: {  	s26 =	simm.s32 $0x2900  }
0x4e: {  	[tilespmem:s26], [sflag:$0x1] =	stream.indirect_vreg.gather [hbm4b:s3+s2], $0x80, v3, vm0, $0xb8;
	[tilespmem:$0x10100] =	vst v63  }
0x4f: {  	v3 =	vld [tilespmem:$0x30];
	_ =	sdelay $0x4  }
0x50: {  	v51 =	vshll.u32 v3, $0x1  }
0x51: {  	v3 =	vand.u32 $0x7, v3;
	v4 =	vand.u32 $0xFFFFFFF0, v51  }
0x52: {  	v3 =	vor.u32 v3, v4  }
0x53: {  	v4 =	vperm.xlane v3, v0;
	_ =	sdelay $0x1  }
0x54: {  	v3 =	vperm.xlane v3, v2;
	v4 =	vadd.s32 v1, v4;
	_ =	sdelay $0x1  }
0x55: {  	v3 =	vadd.s32 v1, v3;
	_ =	sdelay $0x1  }
0x56: {  	s26 =	simm.s32 $0x3100  }
0x57: {  	[tilespmem:s26], [sflag:$0x1] =	stream.indirect_vreg.gather [hbm4b:s3+s2], $0x80, v4, vm0, $0xb8;
	[tilespmem:$0x10100] =	vst v63  }
0x58: {  	s26 =	simm.s32 $0x3900  }
0x59: {  	[tilespmem:s26], [sflag:$0x1] =	stream.indirect_vreg.gather [hbm4b:s3+s2], $0x80, v3, vm0, $0xb8;
	[tilespmem:$0x10100] =	vst v63  }
0x5a: {  	v3 =	vld [tilespmem:$0x40];
	_ =	sdelay $0x4  }
0x5b: {  	v52 =	vshll.u32 v3, $0x1  }
0x5c: {  	v3 =	vand.u32 $0x7, v3;
	v4 =	vand.u32 $0xFFFFFFF0, v52  }
0x5d: {  	v3 =	vor.u32 v3, v4  }
0x5e: {  	v4 =	vperm.xlane v3, v0;
	_ =	sdelay $0x1  }
0x5f: {  	v3 =	vperm.xlane v3, v2;
	v4 =	vadd.s32 v1, v4;
	_ =	sdelay $0x1  }
0x60: {  	v3 =	vadd.s32 v1, v3;
	_ =	sdelay $0x1  }
0x61: {  	s26 =	simm.s32 $0x4100  }
0x62: {  	[tilespmem:s26], [sflag:$0x1] =	stream.indirect_vreg.gather [hbm4b:s3+s2], $0x80, v4, vm0, $0xb8;
	[tilespmem:$0x10100] =	vst v63  }
0x63: {  	s26 =	simm.s32 $0x4900  }
0x64: {  	[tilespmem:s26], [sflag:$0x1] =	stream.indirect_vreg.gather [hbm4b:s3+s2], $0x80, v3, vm0, $0xb8;
	[tilespmem:$0x10100] =	vst v63  }
0x65: {  	v3 =	vld [tilespmem:$0x50];
	_ =	sdelay $0x4  }
0x66: {  	v53 =	vshll.u32 v3, $0x1  }
0x67: {  	v3 =	vand.u32 $0x7, v3;
	v4 =	vand.u32 $0xFFFFFFF0, v53  }
0x68: {  	v3 =	vor.u32 v3, v4  }
0x69: {  	v4 =	vperm.xlane v3, v0;
	_ =	sdelay $0x1  }
0x6a: {  	v3 =	vperm.xlane v3, v2;
	v4 =	vadd.s32 v1, v4;
	_ =	sdelay $0x1  }
0x6b: {  	v3 =	vadd.s32 v1, v3;
	_ =	sdelay $0x1  }
0x6c: {  	s26 =	simm.s32 $0x5100  }
0x6d: {  	[tilespmem:s26], [sflag:$0x1] =	stream.indirect_vreg.gather [hbm4b:s3+s2], $0x80, v4, vm0, $0xb8;
	[tilespmem:$0x10100] =	vst v63  }
0x6e: {  	s26 =	simm.s32 $0x5900  }
0x6f: {  	[tilespmem:s26], [sflag:$0x1] =	stream.indirect_vreg.gather [hbm4b:s3+s2], $0x80, v3, vm0, $0xb8;
	[tilespmem:$0x10100] =	vst v63  }
0x70: {  	v3 =	vld [tilespmem:$0x60];
	_ =	sdelay $0x4  }
0x71: {  	v54 =	vshll.u32 v3, $0x1  }
0x72: {  	v3 =	vand.u32 $0x7, v3;
	v4 =	vand.u32 $0xFFFFFFF0, v54  }
0x73: {  	v3 =	vor.u32 v3, v4  }
0x74: {  	v4 =	vperm.xlane v3, v0;
	_ =	sdelay $0x1  }
0x75: {  	v3 =	vperm.xlane v3, v2;
	v4 =	vadd.s32 v1, v4;
	_ =	sdelay $0x1  }
0x76: {  	v3 =	vadd.s32 v1, v3;
	_ =	sdelay $0x1  }
0x77: {  	s26 =	simm.s32 $0x6100  }
0x78: {  	[tilespmem:s26], [sflag:$0x1] =	stream.indirect_vreg.gather [hbm4b:s3+s2], $0x80, v4, vm0, $0xb8;
	[tilespmem:$0x10100] =	vst v63  }
0x79: {  	s26 =	simm.s32 $0x6900  }
0x7a: {  	[tilespmem:s26], [sflag:$0x1] =	stream.indirect_vreg.gather [hbm4b:s3+s2], $0x80, v3, vm0, $0xb8;
	[tilespmem:$0x10100] =	vst v63  }
0x7b: {  	v3 =	vld [tilespmem:$0x70];
	_ =	sdelay $0x4  }
0x7c: {  	v55 =	vshll.u32 v3, $0x1  }
0x7d: {  	v3 =	vand.u32 $0x7, v3;
	v4 =	vand.u32 $0xFFFFFFF0, v55  }
0x7e: {  	v3 =	vor.u32 v3, v4  }
0x7f: {  	v4 =	vperm.xlane v3, v0;
	_ =	sdelay $0x1  }
0x80: {  	v3 =	vperm.xlane v3, v2;
	v4 =	vadd.s32 v1, v4;
	_ =	sdelay $0x1  }
0x81: {  	v3 =	vadd.s32 v1, v3;
	_ =	sdelay $0x1  }
0x82: {  	s26 =	simm.s32 $0x7100  }
0x83: {  	[tilespmem:s26], [sflag:$0x1] =	stream.indirect_vreg.gather [hbm4b:s3+s2], $0x80, v4, vm0, $0xb8;
	[tilespmem:$0x10100] =	vst v63  }
0x84: {  	s26 =	simm.s32 $0x7900  }
0x85: {  	[tilespmem:s26], [sflag:$0x1] =	stream.indirect_vreg.gather [hbm4b:s3+s2], $0x80, v3, vm0, $0xb8;
	[tilespmem:$0x10100] =	vst v63  }
0x86: {  	v3 =	vld [tilespmem:$0x80];
	_ =	sdelay $0x4  }
0x87: {  	v56 =	vshll.u32 v3, $0x1  }
0x88: {  	v3 =	vand.u32 $0x7, v3;
	v4 =	vand.u32 $0xFFFFFFF0, v56  }
0x89: {  	v3 =	vor.u32 v3, v4  }
0x8a: {  	v4 =	vperm.xlane v3, v0;
	_ =	sdelay $0x1  }
0x8b: {  	v3 =	vperm.xlane v3, v2;
	v4 =	vadd.s32 v1, v4;
	_ =	sdelay $0x1  }
0x8c: {  	v3 =	vadd.s32 v1, v3;
	_ =	sdelay $0x2  }
0x8d: {  	[tilespmem:s29], [sflag:$0x2] =	stream.indirect_vreg.gather [hbm4b:s3+s2], $0x80, v4, vm0, $0xb8;
	[tilespmem:$0x10100] =	vst v63  }
0x8e: {  	_ = 	snop  }
0x8f: {  	[tilespmem:s30], [sflag:$0x2] =	stream.indirect_vreg.gather [hbm4b:s3+s2], $0x80, v3, vm0, $0xb8;
	[tilespmem:$0x10100] =	vst v63  }
0x90: {  	v3 =	vld [tilespmem:$0x90];
	_ =	sdelay $0x4  }
0x91: {  	v57 =	vshll.u32 v3, $0x1  }
0x92: {  	v3 =	vand.u32 $0x7, v3;
	v4 =	vand.u32 $0xFFFFFFF0, v57  }
0x93: {  	v3 =	vor.u32 v3, v4  }
0x94: {  	v4 =	vperm.xlane v3, v0;
	_ =	sdelay $0x1  }
0x95: {  	v3 =	vperm.xlane v3, v2;
	v4 =	vadd.s32 v1, v4;
	_ =	sdelay $0x1  }
0x96: {  	v3 =	vadd.s32 v1, v3;
	_ =	sdelay $0x2  }
0x97: {  	[tilespmem:s31], [sflag:$0x2] =	stream.indirect_vreg.gather [hbm4b:s3+s2], $0x80, v4, vm0, $0xb8;
	[tilespmem:$0x10100] =	vst v63  }
0x98: {  	_ = 	snop  }
0x99: {  	[tilespmem:s0], [sflag:$0x2] =	stream.indirect_vreg.gather [hbm4b:s3+s2], $0x80, v3, vm0, $0xb8;
	[tilespmem:$0x10100] =	vst v63  }
0x9a: {  	v3 =	vld [tilespmem:$0xA0];
	_ =	sdelay $0x4  }
0x9b: {  	v58 =	vshll.u32 v3, $0x1  }
0x9c: {  	v3 =	vand.u32 $0x7, v3;
	v4 =	vand.u32 $0xFFFFFFF0, v58  }
0x9d: {  	v3 =	vor.u32 v3, v4  }
0x9e: {  	v4 =	vperm.xlane v3, v0;
	_ =	sdelay $0x1  }
0x9f: {  	v3 =	vperm.xlane v3, v2;
	v4 =	vadd.s32 v1, v4;
	_ =	sdelay $0x1  }
0xa0: {  	v3 =	vadd.s32 v1, v3;
	_ =	sdelay $0x2  }
0xa1: {  	[tilespmem:s1], [sflag:$0x2] =	stream.indirect_vreg.gather [hbm4b:s3+s2], $0x80, v4, vm0, $0xb8;
	[tilespmem:$0x10100] =	vst v63  }
0xa2: {  	_ = 	snop  }
0xa3: {  	[tilespmem:s5], [sflag:$0x2] =	stream.indirect_vreg.gather [hbm4b:s3+s2], $0x80, v3, vm0, $0xb8;
	[tilespmem:$0x10100] =	vst v63  }
0xa4: {  	v3 =	vld [tilespmem:$0xB0];
	_ =	sdelay $0x4  }
0xa5: {  	v59 =	vshll.u32 v3, $0x1  }
0xa6: {  	v3 =	vand.u32 $0x7, v3;
	v4 =	vand.u32 $0xFFFFFFF0, v59  }
0xa7: {  	v3 =	vor.u32 v3, v4  }
0xa8: {  	v4 =	vperm.xlane v3, v0;
	_ =	sdelay $0x1  }
0xa9: {  	v3 =	vperm.xlane v3, v2;
	v4 =	vadd.s32 v1, v4;
	_ =	sdelay $0x1  }
0xaa: {  	v3 =	vadd.s32 v1, v3;
	_ =	sdelay $0x2  }
0xab: {  	[tilespmem:s4], [sflag:$0x2] =	stream.indirect_vreg.gather [hbm4b:s3+s2], $0x80, v4, vm0, $0xb8;
	[tilespmem:$0x10100] =	vst v63  }
0xac: {  	_ = 	snop  }
0xad: {  	[tilespmem:s8], [sflag:$0x2] =	stream.indirect_vreg.gather [hbm4b:s3+s2], $0x80, v3, vm0, $0xb8;
	[tilespmem:$0x10100] =	vst v63  }
0xae: {  	v3 =	vld [tilespmem:$0xC0];
	_ =	sdelay $0x4  }
0xaf: {  	v60 =	vshll.u32 v3, $0x1  }
0xb0: {  	v3 =	vand.u32 $0x7, v3;
	v4 =	vand.u32 $0xFFFFFFF0, v60  }
0xb1: {  	v3 =	vor.u32 v3, v4  }
0xb2: {  	v4 =	vperm.xlane v3, v0;
	_ =	sdelay $0x1  }
0xb3: {  	v3 =	vperm.xlane v3, v2;
	v4 =	vadd.s32 v1, v4;
	_ =	sdelay $0x1  }
0xb4: {  	v3 =	vadd.s32 v1, v3;
	_ =	sdelay $0x2  }
0xb5: {  	[tilespmem:s9], [sflag:$0x2] =	stream.indirect_vreg.gather [hbm4b:s3+s2], $0x80, v4, vm0, $0xb8;
	[tilespmem:$0x10100] =	vst v63  }
0xb6: {  	_ = 	snop  }
0xb7: {  	[tilespmem:s11], [sflag:$0x2] =	stream.indirect_vreg.gather [hbm4b:s3+s2], $0x80, v3, vm0, $0xb8;
	[tilespmem:$0x10100] =	vst v63  }
0xb8: {  	v3 =	vld [tilespmem:$0xD0];
	_ =	sdelay $0x4  }
0xb9: {  	v61 =	vshll.u32 v3, $0x1  }
0xba: {  	v3 =	vand.u32 $0x7, v3;
	v4 =	vand.u32 $0xFFFFFFF0, v61  }
0xbb: {  	v3 =	vor.u32 v3, v4  }
0xbc: {  	v4 =	vperm.xlane v3, v0;
	_ =	sdelay $0x1  }
0xbd: {  	v3 =	vperm.xlane v3, v2;
	v4 =	vadd.s32 v1, v4;
	_ =	sdelay $0x1  }
0xbe: {  	v3 =	vadd.s32 v1, v3;
	_ =	sdelay $0x2  }
0xbf: {  	[tilespmem:s13], [sflag:$0x2] =	stream.indirect_vreg.gather [hbm4b:s3+s2], $0x80, v4, vm0, $0xb8;
	[tilespmem:$0x10100] =	vst v63  }
0xc0: {  	_ = 	snop  }
0xc1: {  	[tilespmem:s14], [sflag:$0x2] =	stream.indirect_vreg.gather [hbm4b:s3+s2], $0x80, v3, vm0, $0xb8;
	[tilespmem:$0x10100] =	vst v63  }
0xc2: {  	v3 =	vld [tilespmem:$0xE0];
	_ =	sdelay $0x4  }
0xc3: {  	v62 =	vshll.u32 v3, $0x1  }
0xc4: {  	v3 =	vand.u32 $0x7, v3;
	v4 =	vand.u32 $0xFFFFFFF0, v62  }
0xc5: {  	v3 =	vor.u32 v3, v4  }
0xc6: {  	v4 =	vperm.xlane v3, v0;
	_ =	sdelay $0x1  }
0xc7: {  	v3 =	vperm.xlane v3, v2;
	v4 =	vadd.s32 v1, v4;
	_ =	sdelay $0x1  }
0xc8: {  	v3 =	vadd.s32 v1, v3;
	_ =	sdelay $0x2  }
0xc9: {  	[tilespmem:s15], [sflag:$0x2] =	stream.indirect_vreg.gather [hbm4b:s3+s2], $0x80, v4, vm0, $0xb8;
	[tilespmem:$0x10100] =	vst v63  }
0xca: {  	_ = 	snop  }
0xcb: {  	[tilespmem:s16], [sflag:$0x2] =	stream.indirect_vreg.gather [hbm4b:s3+s2], $0x80, v3, vm0, $0xb8;
	[tilespmem:$0x10100] =	vst v63  }
0xcc: {  	v3 =	vld [tilespmem:$0xF0];
	_ =	sdelay $0x4  }
0xcd: {  	v63 =	vshll.u32 v3, $0x1  }
0xce: {  	v3 =	vand.u32 $0x7, v3;
	v4 =	vand.u32 $0xFFFFFFF0, v63  }
0xcf: {  	v3 =	vor.u32 v3, v4  }
0xd0: {  	v4 =	vperm.xlane v3, v0;
	_ =	sdelay $0x1  }
0xd1: {  	v3 =	vperm.xlane v3, v2;
	v4 =	vadd.s32 v1, v4;
	_ =	sdelay $0x1  }
0xd2: {  	v3 =	vadd.s32 v1, v3;
	_ =	sdelay $0x2  }
0xd3: {  	[tilespmem:s17], [sflag:$0x2] =	stream.indirect_vreg.gather [hbm4b:s3+s2], $0x80, v4, vm0, $0xb8;
	[tilespmem:$0x10100] =	vst v63  }
0xd4: {  	_ = 	snop  }
0xd5: {  	[tilespmem:s18], [sflag:$0x2] =	stream.indirect_vreg.gather [hbm4b:s3+s2], $0x80, v3, vm0, $0xb8;
	[tilespmem:$0x10100] =	vst v63  }
0xd6: {  	_ =	swait.ge [sflag:s19], $0x8000  }
0xd7: {  	[sflag:s19] =	ssyncset.done $0x0  }
0xd8: {  	[sflag:s19] =	ssyncadd.s32 $0xFFFF8000  }
0xd9: {  	_ =	swait.ge [sflag:s20], $0x8000  }
0xda: {  	[sflag:s20] =	ssyncset.done $0x0  }
0xdb: {  	[sflag:s20] =	ssyncadd.s32 $0xFFFF8000  }
0xdc: {  	[hbm4b:s23+s2] =	stream.linear.scatter [tilespmem:s12], [sflag:$0x4], $0x8000, $0x38;
	[tilespmem:$0x10100] =	vst v63  }
0xdd: {  	_ =	swait.ge [sflag:s10], $0x8000  }
0xde: {  	[sflag:s10] =	ssyncset.done $0x0  }
.Ltmp5:
0xdf: {  	[sflag:s10] =	ssyncadd.s32 $0xFFFF8000;
	(pc) =	sbr.rel .LBB2_4-.Ltmp5, $4  }
0xe0: {  	[hbm4b:s24+s2] =	stream.linear.scatter [tilespmem:s29], [sflag:$0x3], $0x8000, $0x38;
	[tilespmem:$0x10100] =	vst v63  }
0xe1: {  	_ =	swait.ge [sflag:s21], $0x8000  }
0xe2: {  	[sflag:s21] =	ssyncset.done $0x0  }
0xe3: {  	[sflag:s21] =	ssyncadd.s32 $0xFFFF8000  }
.LBB2_6:
0xe4: {  	_ =	sfence.sel $0x180000  }
0xe5: {  	[bflag:$0x0] =	sbarrier.arrive $0xFFFF  }
0xe6: {  	_ =	strace $0x90000062  }
0xe7: {  	s0 =	stileid.u32;
	[bflag:$0x2] =	sbarrier.arrive $0xFFFF  }
0xe8: {  	p0 =	sne.s32 s0, $0x0;
	s0 =	rddreg [dreg:$0x2]  }
0xe9: {  	s0 =	sadd.s32 @!p0 $0x100000, s0  }
0xea: {  	[sflag:s0] =	ssyncadd.tile.s32 @!p0 $0x1;
	_ =	shalt  }
.Lfunc_end2:
_tile_overlayer_lowered:
.L_overlay_start_2:
0xeb: {  	(tag) =	ssettag $0x2  }
0xec: {  	s0 =	rddreg [dreg:$0x0];
	s2 =	stileid.u32  }
0xed: {  	s1 =	rddreg [dreg:$0x1];
	p0 =	sne.s32 s2, $0x0  }
0xee: {  	s3 =	rddreg [dreg:$0x2];
	[bflag:$0x3] =	sbarrier.arrive $0xFFFF;
	s2 =	simm.s32 @!p0 $0x1C03  }
0xef: {  	[timem:s3], [sflag:s2] =	dma.local @!p0 [hbm:s0], s1  }
0xf0: {  	s0 =	simm.s32 @!p0 $0x3  }
0xf1: {  	_ =	swait.ge @!p0 [sflag:s0], s1  }
0xf2: {  	s1 =	ssub.s32 @!p0 $0x0, s1;
	[sflag:s0] =	ssyncset.done @!p0 $0x0  }
0xf3: {  	[sflag:s0] =	ssyncadd.s32 @!p0 s1  }
0xf4: {  	[bflag:$0x3] =	sbarrier.arrive $0xFFFF  }
0xf5: {  	_ =	shalt  }

// kernel: kernel.60.cloned.1.call-start
scs
__scs_entry_jumppad:
0x0: {  	(pc) =	sbr.rel $0x88, $3  }
0x1: {  	(tag) =	ssettag $0x0;
	lr =	simm.s32 $0x1  }
0x2: {  	[smem:$0x3F5D] =	sst lr;
	_ =	strace $0xD0000000  }
0x3: {  	_ = 	snop  }
0x4: {  	_ = 	snop  }
0x5: {  	_ = 	snop  }
0x6: {  	_ = 	snop  }
0x7: {  	_ = 	snop  }
__scs_overlays_trampoline_lowered:
0x8: {  	[smem:$0x3F6C] =	sst s0  }
0x9: {  	[smem:$0x3F6D] =	sst s1  }
0xa: {  	[smem:$0x3F6E] =	sst s2  }
0xb: {  	[smem:$0x3F6F] =	sst s3  }
0xc: {  	[smem:$0x3F70] =	sst s4  }
0xd: {  	[smem:$0x3F71] =	sst s5  }
0xe: {  	[smem:$0x3F72] =	sst s6  }
0xf: {  	[smem:$0x3F73] =	sst s7  }
0x10: {  	[smem:$0x3F74] =	sst s8  }
0x11: {  	[smem:$0x3F75] =	sst s9;
	s0 =	simm.s32 @!p0 $0x0  }
0x12: {  	s1 =	sld [smem:$0x3F5B];
	s0 =	simm.s32 @p0 $0x1  }
0x13: {  	[smem:$0x3F76] =	sst s0;
	s0 =	simm.s32 @!p1 $0x0  }
0x14: {  	s2 =	sld [smem:$0x3F5A];
	s0 =	simm.s32 @p1 $0x1  }
0x15: {  	[smem:$0x3F77] =	sst s0;
	s0 =	simm.s32 @!p2 $0x0  }
0x16: {  	s3 =	sld [smem:$0x3FDB];
	s0 =	simm.s32 @p2 $0x1  }
0x17: {  	s4 =	simm.s32 $0x1BF5;
	[smem:$0x3F79] =	sst s0  }
0x18: {  	s0 =	sld [smem:$0x3F5C];
	_ =	swait.ge [sflag:s4], $0x0  }
0x19: {  	s7 =	sld [smem:$0x3F5D]  }
0x1a: {  	s8 =	sadd.s32 $0xFFFFE003, lr  }
0x1b: {  	s9 =	sadd.s32 $0xFFFFFEF7, lr;
	s5 =	simm.s32 $0xFFFFFFFF;
	p2 =	slt.u32 s8, $0xFFFFF086  }
0x1c: {  	p1 =	slt.u32 s9, $0xF7A;
	s5 =	simm.s32 @!p2 $0x0  }
0x1d: {  	s5 =	simm.s32 @p1 $0x1;
	p0 =	seq.s32 s7, s2  }
0x1e: {  	s7 =	smul.u32 @!p0 $0xF7A, s2;
	p2 =	seq.s32 @!p0 s5, $0x0  }
0x1f: {  	s9 =	smul.u32 $0xF7A, s1;
	s8 =	simm.s32 @!p0 $0x1BF5;
	p2 =	por !p2, p0  }
0x20: {  	[sflag:s8] =	ssyncset.s32 @!p0 $0xFFFFF086;
	s6 =	sadd.s32 @!p0 s3, s7;
	s7 =	simm.s32 @!p0 $0x108  }
0x21: {  	s3 =	sadd.s32 s3, s9;
	s6 =	sadd.s32 @!p0 $0x88, s6;
	s7 =	simm.s32 @p2 $0x1082  }
0x22: {  	[simem:s7], [sflag:s8] =	dma.local @!p0 [hbm:s6], $0xF7A  }
0x23: {  	s9 =	sor.u32 $0xD0000000, s2;
	s6 =	simm.s32 $0x108;
	_ =	swait.ge @!p0 [sflag:s8], $0x0  }
0x24: {  	s3 =	sadd.s32 $0x88, s3;
	s6 =	simm.s32 @!p1 $0x1082;
	[sflag:s4] =	ssyncset.s32 $0xFFFFF086  }
0x25: {  	[simem:s6], [sflag:s4] =	dma.local [hbm:s3], $0xF7A  }
0x26: {  	[smem:$0x3F5D] =	sst s1;
	(tag) =	ssettag s2;
	_ =	strace s9  }
0x27: {  	s1 =	sld [smem:$0x3F6D]  }
0x28: {  	s2 =	sld [smem:$0x3F6E]  }
0x29: {  	s4 =	sld [smem:$0x3F70]  }
0x2a: {  	p0 =	seq.s32 s5, $0x0;
	s5 =	sld [smem:$0x3F71]  }
0x2b: {  	s6 =	sld [smem:$0x3F72]  }
0x2c: {  	s7 =	sld [smem:$0x3F73]  }
0x2d: {  	s3 =	simm.s32 $0x108;
	s8 =	sld [smem:$0x3F74]  }
0x2e: {  	s3 =	simm.s32 @!p0 $0x1082;
	s9 =	sld [smem:$0x3F75]  }
0x2f: {  	lr =	sadd.s32 s0, s3;
	s0 =	sld [smem:$0x3F6C]  }
0x30: {  	s3 =	sld [smem:$0x3F6F]  }
0x31: {  	[smem:$0x3F78] =	sst s10  }
0x32: {  	s10 =	sld [smem:$0x3F76];
	_ =	sdelay $0x3  }
0x33: {  	p0 =	seq.s32 s10, $0x1;
	s10 =	sld [smem:$0x3F78];
	_ =	sdelay $0x3  }
0x34: {  	[smem:$0x3F78] =	sst s10  }
0x35: {  	s10 =	sld [smem:$0x3F77];
	_ =	sdelay $0x3  }
0x36: {  	p1 =	seq.s32 s10, $0x1;
	s10 =	sld [smem:$0x3F78];
	_ =	sdelay $0x3  }
0x37: {  	[smem:$0x3F78] =	sst s10  }
0x38: {  	s10 =	sld [smem:$0x3F79]  }
0x39: {  	_ = 	snop;
	(pc) =	sbr.ind lr, $3  }
0x3a: {  	_ = 	snop  }
0x3b: {  	_ = 	snop  }
0x3c: {  	p2 =	seq.s32 s10, $0x1;
	s10 =	sld [smem:$0x3F78]  }
0x3d: {  	_ =	shalt  }
0x3e: {  	_ =	shalt  }
0x3f: {  	_ =	shalt  }
0x40: {  	_ =	shalt  }
0x41: {  	_ =	shalt  }
0x42: {  	_ =	shalt  }
0x43: {  	_ =	shalt  }
0x44: {  	_ =	shalt  }
0x45: {  	_ =	shalt  }
0x46: {  	_ =	shalt  }
0x47: {  	_ =	shalt  }
0x48: {  	_ =	shalt  }
0x49: {  	_ =	shalt  }
0x4a: {  	_ =	shalt  }
0x4b: {  	_ =	shalt  }
0x4c: {  	_ =	shalt  }
0x4d: {  	_ =	shalt  }
0x4e: {  	_ =	shalt  }
0x4f: {  	_ =	shalt  }
0x50: {  	_ =	shalt  }
0x51: {  	_ =	shalt  }
0x52: {  	_ =	shalt  }
0x53: {  	_ =	shalt  }
0x54: {  	_ =	shalt  }
0x55: {  	_ =	shalt  }
0x56: {  	_ =	shalt  }
0x57: {  	_ =	shalt  }
0x58: {  	_ =	shalt  }
0x59: {  	_ =	shalt  }
0x5a: {  	_ =	shalt  }
0x5b: {  	_ =	shalt  }
0x5c: {  	_ =	shalt  }
0x5d: {  	_ =	shalt  }
0x5e: {  	_ =	shalt  }
0x5f: {  	_ =	shalt  }
0x60: {  	_ =	shalt  }
0x61: {  	_ =	shalt  }
0x62: {  	_ =	shalt  }
0x63: {  	_ =	shalt  }
0x64: {  	_ =	shalt  }
0x65: {  	_ =	shalt  }
0x66: {  	_ =	shalt  }
0x67: {  	_ =	shalt  }
0x68: {  	_ =	shalt  }
0x69: {  	_ =	shalt  }
0x6a: {  	_ =	shalt  }
0x6b: {  	_ =	shalt  }
0x6c: {  	_ =	shalt  }
0x6d: {  	_ =	shalt  }
0x6e: {  	_ =	shalt  }
0x6f: {  	_ =	shalt  }
0x70: {  	_ =	shalt  }
0x71: {  	_ =	shalt  }
0x72: {  	_ =	shalt  }
0x73: {  	_ =	shalt  }
0x74: {  	_ =	shalt  }
0x75: {  	_ =	shalt  }
0x76: {  	_ =	shalt  }
0x77: {  	_ =	shalt  }
0x78: {  	_ =	shalt  }
0x79: {  	_ =	shalt  }
0x7a: {  	_ =	shalt  }
0x7b: {  	_ =	shalt  }
0x7c: {  	_ =	shalt  }
0x7d: {  	_ =	shalt  }
0x7e: {  	_ =	shalt  }
0x7f: {  	_ =	shalt  }
0x80: {  	_ =	shalt  }
0x81: {  	_ =	shalt  }
0x82: {  	_ =	shalt  }
0x83: {  	_ =	shalt  }
0x84: {  	_ =	shalt  }
0x85: {  	_ =	shalt  }
0x86: {  	_ =	shalt  }
0x87: {  	_ =	shalt  }
.Lfunc_end0:
.L_simem_size_0:
called_computation.10_lowered:
.L_overlay_start_0:
0x88: {  	s2 =	sld [smem:$0x3FD9]  }
0x89: {  	s3 =	sld [smem:$0x3FFE];
	_ =	sdelay $0x1  }
0x8a: {  	s1 =	srdreg.scid  }
0x8b: {  	s0 =	sand.u32 $0x1, s1  }
0x8c: {  	s14 =	sshll.u32 s0, $0xA;
	s2 =	sadd.s32 s3, s2  }
0x8d: {  	s2 =	sadd.s32 s2, s14  }
0x8e: {  	[smem:$0x3F84] =	sst s2  }
0x8f: {  	_ = 	snop  }
0x90: {  	s2 =	sld [smem:$0x3FD0];
	_ =	sdelay $0x2  }
0x91: {  	s15 =	simm.s32 $0xC;
	s4 =	simm.s32 $0x10  }
0x92: {  	[smem:s4], [sflag:s15] =	dma.local [hbm:s2], $0x1  }
0x93: {  	_ =	swait.eq [sflag:s15], $0x1  }
0x94: {  	[sflag:s15] =	ssyncset.done $0x0  }
0x95: {  	s16 =	sld [smem:$0x12];
	[sflag:s15] =	ssyncadd.s32 $0xFFFFFFFF  }
0x96: {  	s17 =	sld [smem:$0x13];
	(tm) =	ssettm $0x1  }
0x97: {  	s18 =	sld [smem:$0x3FFB];
	_ =	sdelay $0x3  }
0x98: {  	_ =	strace s18  }
0x99: {  	s4 =	sld [smem:$0x3FFC];
	_ =	sdelay $0x3  }
0x9a: {  	_ =	strace s4  }
0x9b: {  	s4 =	sld [smem:$0x3FFD];
	_ =	sdelay $0x3  }
0x9c: {  	_ =	strace s4  }
0x9d: {  	_ =	strace $0x8FFFFFFF  }
0x9e: {  	s19 =	sld [smem:$0x3FDB];
	_ =	sdelay $0x1  }
0x9f: {  	s5 =	simm.s32 $_scs_section_size  }
0xa0: {  	s6 =	simm.s32 $_size__tile_overlayer_lowered;
	s7 =	simm.s32 $_tile_overlayer_lowered  }
0xa1: {  	s22 =	simm.s32 $0x1BFF;
	s21 =	sshll.u32 s7, $0x1;
	s4 =	sadd.s32 s5, s19  }
0xa2: {  	s8 =	simm.s32 $0x0;
	s20 =	sshll.u32 s6, $0x1;
	s6 =	sadd.s32 s21, s4  }
0xa3: {  	[timem:s8], [sflag:s22] =	dma.local [hbm:s6], s20  }
0xa4: {  	_ =	swait.ge [sflag:s22], s20  }
0xa5: {  	s5 =	ssub.s32 $0x0, s20;
	[sflag:s22] =	ssyncset.done $0x0  }
0xa6: {  	[sflag:s22] =	ssyncadd.s32 s5;
	_ =	sdelay $0x1  }
0xa7: {  	s23 =	simm.s32 $0x1B8B  }
0xa8: {  	_ =	swait.ge [sflag:s23], $0x1  }
0xa9: {  	[sflag:s23] =	ssyncset.done $0x0  }
0xaa: {  	s25 =	simm.s32 $0x1B8E;
	s24 =	sld [smem:$0x3FFE];
	[sflag:s23] =	ssyncadd.s32 $0xFFFFFFFF  }
0xab: {  	s26 =	simm.s32 $execute0_lowered;
	[smem:$0x3FD2] =	sst s25  }
0xac: {  	s6 =	sshll.u32 s26, $0x1;
	_ =	strace $0x80000064;
	[dreg:$0x1] =	wrdreg $0xFFFFFFFF  }
0xad: {  	s28 =	simm.s32 $_size_execute0_lowered;
	s4 =	sadd.s32 s4, s6;
	[dreg:$0x0] =	wrdreg $0x0  }
0xae: {  	s6 =	sshll.u32 s28, $0x1;
	[dreg:$0x2] =	wrdreg s4  }
0xaf: {  	[dreg:$0x3] =	wrdreg s6  }
0xb0: {  	[dreg:$0x4] =	wrdreg $0xC0  }
0xb1: {  	_ =	task [dreg:s8], $0x5FFFF  }
0xb2: {  	[dreg:$0x1] =	wrdreg $0xFFFFFFFF  }
0xb3: {  	[dreg:$0x0] =	wrdreg $0x60  }
0xb4: {  	[dreg:$0x2] =	wrdreg s24  }
0xb5: {  	[dreg:$0x3] =	wrdreg s16  }
0xb6: {  	[dreg:$0x4] =	wrdreg s17  }
0xb7: {  	[dreg:$0x5] =	wrdreg $0x41000  }
0xb8: {  	[dreg:$0x6] =	wrdreg $0x9  }
0xb9: {  	_ =	task.clear_ibuf [dreg:s8], $0x7FFFF;
	_ =	strace $0x90000064  }
0xba: {  	s29 =	simm.s32 $0x9;
	_ =	strace $0x80000066  }
0xbb: {  	_ =	swait.ge [sflag:s29], $0x1  }
0xbc: {  	[sflag:s29] =	ssyncadd.s32 $0xFFFFFFFF  }
0xbd: {  	_ =	strace $0x90000066  }
0xbe: {  	_ =	sfence  }
0xbf: {  	s30 =	sld [smem:$0x0];
	_ =	sdelay $0x2  }
0xc0: {  	s31 =	sshll.u32 s1, $0xD;
	s1 =	sshrl.u32 s1, $0x2  }
0xc1: {  	s3 =	sand.u32 $0x4000, s31;
	s1 =	sadd.s32 s1, s30  }
0xc2: {  	s0 =	sor.u32 s3, s0;
	s1 =	sshll.u32 s1, $0x11  }
0xc3: {  	s0 =	sor.u32 s1, s0  }
0xc4: {  	s0 =	sadd.s32 $0x8F2B, s0  }
0xc5: {  	[sflag:s0] =	ssyncadd.remote.s32 $0x1  }
0xc6: {  	_ =	sfence.sel $0xFFFF  }
0xc7: {  	[dreg:$0x0] =	wrdreg $0xFFFFFFFF;
	(pc) =	sbr.abs _section_cstart, $3  }
0xc8: {  	[dreg:$0x1] =	wrdreg $0xFFFFFFFF  }
0xc9: {  	_ =	task.clear_ibuf [dreg:s8], $0x2FFFF;
	_ =	strace $0x9FFFFFFF  }
0xca: {  	(tm) =	ssettm $0x7FFFFFFF  }
0xcb: {  	_ =	shalt  }
tec
execute0_lowered:
.L_overlay_start_1:
0x0: {  	(tag) =	ssettag $0x1  }
0x1: {  	s6 =	rddreg [dreg:$0x0]  }
0x2: {  	s7 =	rddreg [dreg:$0x1]  }
0x3: {  	s10 =	rddreg [dreg:$0x2];
	s0 =	srdreg.scid  }
0x4: {  	s2 =	rddreg [dreg:$0x3];
	s1 =	stileid.u32  }
0x5: {  	s3 =	simm.s32 $0x0;
	s8 =	sand.u32 $0x1, s0;
	s0 =	rddreg [dreg:$0x4]  }
0x6: {  	s9 =	smul.u32 $0x14000, s1;
	[smem:$0x7FF] =	sst s3;
	s4 =	sadd.s32 $0x18800, s6  }
0x7: {  	s12 =	smul.u32 $0x50000, s1;
	s29 =	sshll.u32 s1, $0x6;
	s30 =	sshll.u32 s1, $0x4  }
0x8: {  	s31 =	sshll.u32 s1, $0x5;
	s5 =	smul.u32 $0x140000, s8;
	_ =	strace $0x80000065  }
0x9: {  	s11 =	ssub.s32 $0x2, s8;
	s14 =	sshll.u32 s8, $0x4;
	s7 =	sadd.s32 s30, s7  }
0xa: {  	s10 =	sadd.s32 s31, s10;
	s26 =	sshrl.u32 s11, $0x1;
	s28 =	sshrl.u32 s12, $0x2  }
0xb: {  	s10 =	sadd.s32 s14, s10;
	s12 =	simm.s32 $0x2;
	s5 =	sadd.s32 s9, s5  }
0xc: {  	s11 =	ssub.s32 s11, s26;
	s13 =	sadd.s32 s28, s2;
	s9 =	sshrl.u32 s5, $0x3  }
0xd: {  	s5 =	sadd.s32 $0x15A00, s6;
	s9 =	sadd.s32 s9, s6;
	s6 =	sor.u32 $0x1C02, s29  }
0xe: {  	s8 =	sadd.s32 $0x9DC800, s9;
	s9 =	smax.u32 s11, $0x1;
	s11 =	sshrl.u32 s13, $0x3  }
.LBB2_1:
0xf: {  	[spmem:s11], [sflag:s6] =	dma.local [hbm:s5], $0x2800  }
0x10: {  	_ =	swait.ge [sflag:s12], $0x2800  }
0x11: {  	s13 =	sadd.s32 $0x0, s1;
	[sflag:s12] =	ssyncset.done $0x0  }
0x12: {  	p0 =	sgt.u32 s13, $0x9C3;
	[sflag:s12] =	ssyncadd.s32 $0xFFFFD800  }
0x13: {  	s13 =	simm.s32 @!p0 $0x0;
	s14 =	simm.s32 @!p0 $0x3;
	[bflag:$0x0] =	sbarrier.arrive $0xFFFF  }
0x14: {  	[tilespmem:s13], [sflag:$0x3] =	stream.linear.gather @!p0 [hbm4b:s7+s13], $0x80, $0x38;
	[tilespmem:$0x18100] =	vst v63  }
0x15: {  	_ =	swait.ge @!p0 [sflag:s14], $0x80  }
0x16: {  	[sflag:s14] =	ssyncset.done @!p0 $0x0;
	p0 =	por p0, p0  }
0x17: {  	[sflag:s14] =	ssyncadd.s32 @!p0 $0xFFFFFF80;
	s15 =	simm.s32 @!p0 $0x80  }
0x18: {  	[tilespmem:s15], [sflag:$0x3] =	stream.linear.gather @!p0 [hbm4b:s10+s13], $0x80, $0x38;
	[tilespmem:$0x18100] =	vst v63  }
0x19: {  	_ =	swait.ge @!p0 [sflag:s14], $0x80  }
0x1a: {  	[sflag:s14] =	ssyncset.done @!p0 $0x0  }
0x1b: {  	s17 =	simm.s32 @!p0 $0x100;
	s16 =	simm.s32 @!p0 $0x1;
	[sflag:s14] =	ssyncadd.s32 @!p0 $0xFFFFFF80  }
0x1c: {  	[tilespmem:s17], [sflag:$0x1] =	stream.indirect.gather @!p0 [hbm4b:s4+s15], $0x80, s15, s15, $0xb8;
	[tilespmem:$0x18100] =	vst v63  }
0x1d: {  	_ =	swait.ge @!p0 [sflag:s16], $0x4000  }
0x1e: {  	[sflag:s16] =	ssyncset.done @!p0 $0x0  }
0x1f: {  	s31 =	sadd.s32 $0x10, s1;
	[sflag:s16] =	ssyncadd.s32 @!p0 $0xFFFFC000;
	s16 =	simm.s32 @!p0 $0x2  }
0x20: {  	[spmem:s2] =	stream.indirect.scatter.add.f32 @!p0 [tilespmem:s17], [sflag:$0x2], $0x80, s13, s15, $0xb8;
	[tilespmem:$0x18100] =	vst v63  }
0x21: {  	p2 =	sgt.u32 s31, $0x9C3;
	s14 =	simm.s32 $0x20;
	_ =	swait.ge @!p0 [sflag:s16], $0x4000  }
0x22: {  	s13 =	sadd.s32 $0x200, s10;
	s15 =	sadd.s32 $0x100, s7;
	[sflag:s16] =	ssyncset.done @!p0 $0x0  }
.LBB2_2:
0x23: {  	s17 =	simm.s32 @!p2 $0x0;
	s18 =	simm.s32 @!p2 $0x3;
	[sflag:s16] =	ssyncadd.s32 @!p0 $0xFFFFC000  }
0x24: {  	[tilespmem:s17], [sflag:$0x3] =	stream.linear.gather @!p2 [hbm4b:s15+s17], $0x80, $0x38;
	[tilespmem:$0x18100] =	vst v63  }
0x25: {  	s19 =	smov.u32 s14;
	s14 =	sadd.s32 $0x10, s14;
	_ =	swait.ge @!p2 [sflag:s18], $0x80  }
0x26: {  	p0 =	por p2, p2;
	p1 =	sne.s32 s14, $0x9D0;
	[sflag:s18] =	ssyncset.done @!p2 $0x0  }
0x27: {  	s20 =	simm.s32 @!p0 $0x80;
	[sflag:s18] =	ssyncadd.s32 @!p0 $0xFFFFFF80  }
0x28: {  	[tilespmem:s20], [sflag:$0x3] =	stream.linear.gather @!p0 [hbm4b:s13+s17], $0x80, $0x38;
	[tilespmem:$0x18100] =	vst v63  }
0x29: {  	_ =	swait.ge @!p0 [sflag:s18], $0x80  }
0x2a: {  	[sflag:s18] =	ssyncset.done @!p0 $0x0  }
0x2b: {  	s16 =	simm.s32 @!p0 $0x1;
	[sflag:s18] =	ssyncadd.s32 @!p0 $0xFFFFFF80;
	s18 =	simm.s32 @!p0 $0x100  }
0x2c: {  	[tilespmem:s18], [sflag:$0x1] =	stream.indirect.gather @!p0 [hbm4b:s4+s20], $0x80, s20, s20, $0xb8;
	[tilespmem:$0x18100] =	vst v63  }
0x2d: {  	_ =	swait.ge @!p0 [sflag:s16], $0x4000  }
.Ltmp0:
0x2e: {  	[sflag:s16] =	ssyncset.done @!p0 $0x0;
	(pc) =	sbr.rel @p1 .LBB2_2-.Ltmp0, $4  }
0x2f: {  	[sflag:s16] =	ssyncadd.s32 @!p0 $0xFFFFC000;
	s16 =	simm.s32 @!p0 $0x2  }
0x30: {  	[spmem:s2] =	stream.indirect.scatter.add.f32 @!p0 [tilespmem:s18], [sflag:$0x2], $0x80, s17, s20, $0xb8;
	[tilespmem:$0x18100] =	vst v63  }
0x31: {  	s13 =	sadd.s32 $0x200, s13;
	s17 =	sadd.s32 s19, s1;
	_ =	swait.ge @!p0 [sflag:s16], $0x4000  }
0x32: {  	s15 =	sadd.s32 $0x100, s15;
	p2 =	sgt.u32 s17, $0x9C3;
	[sflag:s16] =	ssyncset.done @!p0 $0x0  }
0x33: {  	s14 =	simm.s32 @!p2 $0x0;
	s17 =	simm.s32 @!p2 $0x3;
	[sflag:s16] =	ssyncadd.s32 @!p0 $0xFFFFC000  }
0x34: {  	[tilespmem:s14], [sflag:$0x3] =	stream.linear.gather @!p2 [hbm4b:s15+s14], $0x80, $0x38;
	[tilespmem:$0x18100] =	vst v63  }
0x35: {  	_ =	swait.ge @!p2 [sflag:s17], $0x80  }
0x36: {  	p0 =	por p2, p2;
	[sflag:s17] =	ssyncset.done @!p2 $0x0  }
0x37: {  	s15 =	simm.s32 @!p0 $0x80;
	[sflag:s17] =	ssyncadd.s32 @!p0 $0xFFFFFF80  }
0x38: {  	[tilespmem:s15], [sflag:$0x3] =	stream.linear.gather @!p0 [hbm4b:s13+s14], $0x80, $0x38;
	[tilespmem:$0x18100] =	vst v63  }
0x39: {  	_ =	swait.ge @!p0 [sflag:s17], $0x80  }
0x3a: {  	[sflag:s17] =	ssyncset.done @!p0 $0x0  }
0x3b: {  	s16 =	simm.s32 @!p0 $0x1;
	s13 =	simm.s32 @!p0 $0x100;
	[sflag:s17] =	ssyncadd.s32 @!p0 $0xFFFFFF80  }
0x3c: {  	[tilespmem:s13], [sflag:$0x1] =	stream.indirect.gather @!p0 [hbm4b:s4+s15], $0x80, s15, s15, $0xb8;
	[tilespmem:$0x18100] =	vst v63  }
0x3d: {  	_ =	swait.ge @!p0 [sflag:s16], $0x4000  }
0x3e: {  	[sflag:s16] =	ssyncset.done @!p0 $0x0  }
0x3f: {  	[sflag:s16] =	ssyncadd.s32 @!p0 $0xFFFFC000;
	s16 =	simm.s32 @!p0 $0x2  }
0x40: {  	[spmem:s2] =	stream.indirect.scatter.add.f32 @!p0 [tilespmem:s13], [sflag:$0x2], $0x80, s14, s15, $0xb8;
	[tilespmem:$0x18100] =	vst v63  }
0x41: {  	_ =	swait.ge @!p0 [sflag:s16], $0x4000  }
0x42: {  	s3 =	sadd.s32 $0x1, s3;
	[sflag:s16] =	ssyncset.done @!p0 $0x0  }
0x43: {  	[sflag:s16] =	ssyncadd.s32 @!p0 $0xFFFFC000;
	p0 =	sne.s32 s3, s9  }
.Ltmp1:
0x44: {  	[bflag:$0x0] =	sbarrier.arrive $0xFFFF;
	(pc) =	sbr.rel @p0 .LBB2_1-.Ltmp1, $4  }
0x45: {  	[hbm:s8], [sflag:s6] =	dma.local [spmem:s11], $0x2800  }
0x46: {  	_ =	swait.ge [sflag:s12], $0x2800  }
0x47: {  	[sflag:s12] =	ssyncset.done $0x0  }
0x48: {  	[sflag:s12] =	ssyncadd.s32 $0xFFFFD800  }
0x49: {  	_ =	sfence.sel $0x180000  }
0x4a: {  	[bflag:$0x0] =	sbarrier.arrive $0xFFFF  }
0x4b: {  	p0 =	sne.s32 s1, $0x0;
	_ =	strace $0x90000065  }
0x4c: {  	s0 =	sadd.s32 @!p0 $0x100000, s0;
	[bflag:$0x2] =	sbarrier.arrive $0xFFFF  }
0x4d: {  	[sflag:s0] =	ssyncadd.tile.s32 @!p0 $0x1;
	_ =	shalt  }
.Lfunc_end2:
_tile_overlayer_lowered:
.L_overlay_start_2:
0x4e: {  	(tag) =	ssettag $0x2  }
0x4f: {  	s0 =	rddreg [dreg:$0x0];
	s2 =	stileid.u32  }
0x50: {  	s1 =	rddreg [dreg:$0x1];
	p0 =	sne.s32 s2, $0x0  }
0x51: {  	s3 =	rddreg [dreg:$0x2];
	[bflag:$0x3] =	sbarrier.arrive $0xFFFF;
	s2 =	simm.s32 @!p0 $0x1C02  }
0x52: {  	[timem:s3], [sflag:s2] =	dma.local @!p0 [hbm:s0], s1  }
0x53: {  	s0 =	simm.s32 @!p0 $0x2  }
0x54: {  	_ =	swait.ge @!p0 [sflag:s0], s1  }
0x55: {  	s1 =	ssub.s32 @!p0 $0x0, s1;
	[sflag:s0] =	ssyncset.done @!p0 $0x0  }
0x56: {  	[sflag:s0] =	ssyncadd.s32 @!p0 s1  }
0x57: {  	[bflag:$0x3] =	sbarrier.arrive $0xFFFF  }
0x58: {  	_ =	shalt  }

</sc_bundles>
